<compile_context>
chip_gen: v7x
topology: tpu7x:2x2x1
jax: 0.10.2.dev20260603
libtpu: 0.0.44.dev20260713+nightly
codegen_flags: <defaults>
</compile_context>

<pallas_src>
import functools

import jax
import jax.numpy as jnp
from jax import lax
from jax.experimental import pallas as pl
from jax.experimental.pallas import tpu as pltpu
from jax.experimental.pallas import tpu_sc as plsc

_BATCH = 16384
_EMB = 32
_LANE = 128
_USERS = 1000000
_MOVIES = 100000
_NC = 2
_NS = 16
_NW = _NC * _NS
_BPW = _BATCH // _NW
_G = 4
_NGRP = _BPW // _G
_SROWS = 128

_UCMAX = ((_USERS - 1) // _LANE) * _LANE
_MCMAX = ((_MOVIES - 1) // _LANE) * _LANE

_mesh = plsc.VectorSubcoreMesh(core_axis_name="c", subcore_axis_name="s")


@functools.partial(
    pl.kernel,
    mesh=_mesh,
    compiler_params=pltpu.CompilerParams(needs_layout_passes=False),
    out_type=jax.ShapeDtypeStruct((_BATCH, _LANE), jnp.float32),
    scratch_types=[
        pltpu.VMEM((_BPW + 16,), jnp.int32),
        pltpu.VMEM((_BPW + 16,), jnp.int32),
        pltpu.VMEM((3, _G, _EMB, _LANE), jnp.float32),
        pltpu.VMEM((3, _G, _EMB, _LANE), jnp.float32),
        pltpu.VMEM((_SROWS, _LANE), jnp.float32),
        pltpu.SemaphoreType.DMA,
        pltpu.SemaphoreType.DMA,
        pltpu.SemaphoreType.DMA,
        pltpu.SemaphoreType.DMA,
        pltpu.SemaphoreType.DMA,
        pltpu.SemaphoreType.DMA,
    ],
)
def _sc_gather(uid_hbm, mid_hbm, ut_hbm, mt_hbm, out_hbm,
               uidx, midx, ublk, mblk, stage, su0, su1, su2, sm0, sm1, sm2):
    wid = lax.axis_index("s") * _NC + lax.axis_index("c")
    base = wid * _BPW
    pltpu.sync_copy(uid_hbm.at[pl.ds(base, _BPW)], uidx.at[pl.ds(0, _BPW)])
    pltpu.sync_copy(mid_hbm.at[pl.ds(base, _BPW)], midx.at[pl.ds(0, _BPW)])
    sems_u = (su0, su1, su2)
    sems_m = (sm0, sm1, sm2)
    iota = lax.iota(jnp.int32, 16)

    def blk_start(v, cmax):
        return jnp.minimum(v - (v & (_LANE - 1)), cmax)

    def fire(g, slot):
        uv = uidx[pl.ds(g * _G, 16)]
        mv = midx[pl.ds(g * _G, 16)]
        for j in range(_G):
            u = uv[j]
            cs = pl.multiple_of(blk_start(u, _UCMAX), _LANE)
            pltpu.async_copy(ut_hbm.at[:, pl.ds(cs, _LANE)],
                             ublk.at[slot, j], sems_u[slot])
            m = mv[j]
            ms = pl.multiple_of(blk_start(m, _MCMAX), _LANE)
            pltpu.async_copy(mt_hbm.at[:, pl.ds(ms, _LANE)],
                             mblk.at[slot, j], sems_m[slot])

    def drain(slot):
        for j in range(_G):
            pltpu.make_async_copy(ut_hbm.at[:, pl.ds(0, _LANE)],
                                  ublk.at[slot, j], sems_u[slot]).wait()
            pltpu.make_async_copy(mt_hbm.at[:, pl.ds(0, _LANE)],
                                  mblk.at[slot, j], sems_m[slot]).wait()

    def extract(blk_ref, col, row, colbase):
        cvec = jnp.full((16,), col, dtype=jnp.int32)
        rvec = jnp.full((16,), row, dtype=jnp.int32)
        lo = plsc.load_gather(blk_ref, [iota, cvec])
        hi = plsc.load_gather(blk_ref, [iota + 16, cvec])
        plsc.store_scatter(stage, [rvec, iota + colbase], lo)
        plsc.store_scatter(stage, [rvec, iota + (colbase + 16)], hi)

    def process(g, slot):
        uv = uidx[pl.ds(g * _G, 16)]
        mv = midx[pl.ds(g * _G, 16)]
        for j in range(_G):
            p = g * _G + j
            row = p & (_SROWS - 1)
            u = uv[j]
            ucol = u - blk_start(u, _UCMAX)
            extract(ublk.at[slot, j], ucol, row, 0)
            m = mv[j]
            mcol = m - blk_start(m, _MCMAX)
            extract(mblk.at[slot, j], mcol, row, 32)

    def flush(g):
        @pl.when((g & 31) == 31)
        def _():
            off = pl.multiple_of(base + (g // 32) * _SROWS, _SROWS)
            pltpu.sync_copy(stage, out_hbm.at[pl.ds(off, _SROWS)])

    fire(0, 0)
    fire(1, 1)
    fire(2, 2)

    def body(i, carry):
        g0 = 3 * i
        g1 = 3 * i + 1
        g2 = 3 * i + 2

        drain(0)
        process(g0, 0)
        flush(g0)

        @pl.when(g0 + 3 < _NGRP)
        def _():
            fire(g0 + 3, 0)

        drain(1)
        process(g1, 1)
        flush(g1)

        @pl.when(g1 + 3 < _NGRP)
        def _():
            fire(g1 + 3, 1)

        @pl.when(g2 < _NGRP)
        def _():
            drain(2)
            process(g2, 2)
            flush(g2)

        @pl.when(g2 + 3 < _NGRP)
        def _():
            fire(g2 + 3, 2)

        return carry

    lax.fori_loop(0, (_NGRP + 2) // 3, body, 0)


_BLK = 2048


def _mlp_body(gath, w1, b1, w2, b2, w3, b3, w4, b4, out):
    uf = gath[:, 0:_EMB]
    mf = gath[:, _EMB:2 * _EMB]
    w1u = w1[0:_EMB, :]
    w1m = w1[_EMB:2 * _EMB, :]
    x = jnp.dot(uf, w1u, preferred_element_type=jnp.float32)
    x = x + jnp.dot(mf, w1m, preferred_element_type=jnp.float32)
    x = jnp.maximum(x + b1[...][None, :], 0.0)
    x = jnp.maximum(
        jnp.dot(x, w2[...], preferred_element_type=jnp.float32)
        + b2[...][None, :], 0.0)
    x = jnp.maximum(
        jnp.dot(x, w3[...], preferred_element_type=jnp.float32)
        + b3[...][None, :], 0.0)
    y = jnp.dot(x, w4[...], preferred_element_type=jnp.float32)
    out[...] = y[:, 0] + b4[...]


_mlp_call = pl.pallas_call(
    _mlp_body,
    grid=(_BATCH // _BLK,),
    in_specs=[
        pl.BlockSpec((_BLK, _LANE), lambda i: (i, 0)),
        pl.BlockSpec((2 * _EMB, 32), lambda i: (0, 0)),
        pl.BlockSpec((32,), lambda i: (0,)),
        pl.BlockSpec((32, 16), lambda i: (0, 0)),
        pl.BlockSpec((16,), lambda i: (0,)),
        pl.BlockSpec((16, 8), lambda i: (0, 0)),
        pl.BlockSpec((8,), lambda i: (0,)),
        pl.BlockSpec((8, 1), lambda i: (0, 0)),
        pl.BlockSpec((1,), lambda i: (0,)),
    ],
    out_specs=pl.BlockSpec((_BLK,), lambda i: (i,)),
    out_shape=jax.ShapeDtypeStruct((_BATCH,), jnp.float32),
)


def kernel(user_id, movie_id, user_emb, movie_emb, W1, b1, W2, b2, W3, b3, W4, b4):
    uid = user_id.astype(jnp.int32)
    mid = movie_id.astype(jnp.int32)
    gath = _sc_gather(uid, mid, user_emb.T, movie_emb.T)
    return _mlp_call(gath, W1, b1, W2, b2, W3, b3, W4, b4)

# --- scband reference (transcript-rebuilt; emitter-appended) ---
"""Pipeline reference for scband-ncf-18339510354638 (READ-ONLY COPY).

The authoritative reference and input builder live on the scoring server;
editing this copy changes nothing except your own understanding.
"""

import jax, jax.numpy as jnp
import numpy as np

USER_COUNT = 1000000
MOVIE_COUNT = 100000
EMB = 32
BATCH = 16384


def setup_inputs(seed: int = 0) -> dict:
    key = jax.random.key(seed)
    ks = jax.random.split(key, 12)
    user_id = jax.random.randint(ks[0], (BATCH,), 0, USER_COUNT, dtype=jnp.int64) if jax.config.jax_enable_x64 else jax.random.randint(ks[0], (BATCH,), 0, USER_COUNT, dtype=jnp.int32)
    movie_id = jax.random.randint(ks[1], (BATCH,), 0, MOVIE_COUNT, dtype=jnp.int32)
    user_emb = jax.random.uniform(ks[2], (USER_COUNT, EMB), dtype=jnp.float32, minval=-0.05, maxval=0.05)
    movie_emb = jax.random.uniform(ks[3], (MOVIE_COUNT, EMB), dtype=jnp.float32, minval=-0.05, maxval=0.05)
    def xavier(k, fan_in, fan_out):
        limit = float(np.sqrt(6.0 / (fan_in + fan_out)))
        return jax.random.uniform(k, (fan_in, fan_out), dtype=jnp.float32, minval=-limit, maxval=limit)
    W1 = xavier(ks[4], 64, 32)
    b1 = jnp.full((32,), 0.01, dtype=jnp.float32)
    W2 = xavier(ks[5], 32, 16)
    b2 = jnp.full((16,), 0.01, dtype=jnp.float32)
    W3 = xavier(ks[6], 16, 8)
    b3 = jnp.full((8,), 0.01, dtype=jnp.float32)
    W4 = xavier(ks[7], 8, 1)
    b4 = jnp.full((1,), 0.01, dtype=jnp.float32)
    return {"user_id": user_id, "movie_id": movie_id, "user_emb": user_emb, "movie_emb": movie_emb,
            "W1": W1, "b1": b1, "W2": W2, "b2": b2, "W3": W3, "b3": b3, "W4": W4, "b4": b4}


def reference(user_id, movie_id, user_emb, movie_emb, W1, b1, W2, b2, W3, b3, W4, b4):
    uf = jnp.take(user_emb, user_id % USER_COUNT, axis=0)
    mf = jnp.take(movie_emb, movie_id % MOVIE_COUNT, axis=0)
    x = jnp.concatenate([uf, mf], axis=1)
    x = jax.nn.relu(x @ W1 + b1)
    x = jax.nn.relu(x @ W2 + b2)
    x = jax.nn.relu(x @ W3 + b3)
    x = x @ W4 + b4
    return x.reshape(-1)

if __name__ == "__main__":
    import jax
    _d = setup_inputs()
    print(jax.jit(kernel)(*tuple(_d.values())))

</pallas_src>

<mosaic_0001>
#map = affine_map<(d0, d1) -> (0)>
#map1 = affine_map<(d0, d1) -> (0, 0)>
module attributes {stable_mosaic.version = 14 : i64} {
  func.func @_sc_gather(%arg0: i32, %arg1: i32, %arg2: memref<16384xi32, #tpu.memory_space<hbm>>, %arg3: memref<16384xi32, #tpu.memory_space<hbm>>, %arg4: memref<32x1000000xf32, #tpu.memory_space<hbm>>, %arg5: memref<32x100000xf32, #tpu.memory_space<hbm>>, %arg6: memref<16384x128xf32, #tpu.memory_space<hbm>>, %arg7: memref<528xi32, #tpu.memory_space<vmem>>, %arg8: memref<528xi32, #tpu.memory_space<vmem>>, %arg9: memref<3x4x32x128xf32, #tpu.memory_space<vmem>>, %arg10: memref<3x4x32x128xf32, #tpu.memory_space<vmem>>, %arg11: memref<128x128xf32, #tpu.memory_space<vmem>>, %arg12: memref<!tpu.dma_semaphore, #tpu.memory_space<semaphore_mem>>, %arg13: memref<!tpu.dma_semaphore, #tpu.memory_space<semaphore_mem>>, %arg14: memref<!tpu.dma_semaphore, #tpu.memory_space<semaphore_mem>>, %arg15: memref<!tpu.dma_semaphore, #tpu.memory_space<semaphore_mem>>, %arg16: memref<!tpu.dma_semaphore, #tpu.memory_space<semaphore_mem>>, %arg17: memref<!tpu.dma_semaphore, #tpu.memory_space<semaphore_mem>>) attributes {dimension_semantics = [#tpu.dimension_semantics<core_parallel>, #tpu.dimension_semantics<subcore_parallel>], iteration_bounds = array<i64: 2, 16>, scalar_prefetch = 0 : i64, scratch_operands = 11 : i64, tpu.core_type = #tpu.core_type<sc_vector_subcore>, window_params = [{transform_indices = #map}, {transform_indices = #map}, {transform_indices = #map1}, {transform_indices = #map1}, {transform_indices = #map1}]} {
    %mul3A = arith.constant 2 : i32
    %mul3A_0 = arith.muli %arg1, %mul3A : i32
    %add3A = arith.addi %mul3A_0, %arg0 : i32
    %mul3A_1 = arith.constant 512 : i32
    %mul3A_2 = arith.muli %add3A, %mul3A_1 : i32
    "tpu.region"() ({
      %run_scoped3A = tpu.sem_alloc : memref<!tpu.dma_semaphore, #tpu.memory_space<semaphore_mem>>
      %dma_start3A_540 = arith.constant 0 : i32
      %dma_start3A_541 = tpu.memref_slice %arg7[%dma_start3A_540] : memref<528xi32, #tpu.memory_space<vmem>> -> memref<512xi32, #tpu.memory_space<vmem>>
      %dma_start3A_542 = tpu.memref_slice %arg2[%mul3A_2] : memref<16384xi32, #tpu.memory_space<hbm>> -> memref<512xi32, #tpu.memory_space<hbm>>
      %dma_start3A_543 = arith.constant 0 : i32
      %dma_start3A_544 = tpu.memref_slice %arg7[%dma_start3A_543] : memref<528xi32, #tpu.memory_space<vmem>> -> memref<512xi32, #tpu.memory_space<vmem>>
      %dma_start3A_545 = tpu.memref_slice %arg2[%mul3A_2] : memref<16384xi32, #tpu.memory_space<hbm>> -> memref<512xi32, #tpu.memory_space<hbm>>
      tpu.enqueue_dma source(%dma_start3A_545 : memref<512xi32, #tpu.memory_space<hbm>>) target(%dma_start3A_544 : memref<512xi32, #tpu.memory_space<vmem>>) target_semaphore(%run_scoped3A : memref<!tpu.dma_semaphore, #tpu.memory_space<semaphore_mem>>)
      %dma_wait3A = arith.constant 0 : i32
      %dma_wait3A_546 = tpu.memref_slice %arg7[%dma_wait3A] : memref<528xi32, #tpu.memory_space<vmem>> -> memref<512xi32, #tpu.memory_space<vmem>>
      %dma_wait3A_547 = tpu.memref_slice %arg2[%mul3A_2] : memref<16384xi32, #tpu.memory_space<hbm>> -> memref<512xi32, #tpu.memory_space<hbm>>
      %dma_wait3A_548 = arith.constant 0 : i32
      %dma_wait3A_549 = tpu.memref_slice %arg7[%dma_wait3A_548] : memref<528xi32, #tpu.memory_space<vmem>> -> memref<512xi32, #tpu.memory_space<vmem>>
      %dma_wait3A_550 = tpu.memref_slice %arg2[%mul3A_2] : memref<16384xi32, #tpu.memory_space<hbm>> -> memref<512xi32, #tpu.memory_space<hbm>>
      tpu.wait_dma2 semaphore(%run_scoped3A : memref<!tpu.dma_semaphore, #tpu.memory_space<semaphore_mem>>) src(%dma_wait3A_550 : memref<512xi32, #tpu.memory_space<hbm>>) dst(%dma_wait3A_549 : memref<512xi32, #tpu.memory_space<vmem>>)
      tpu.yield
    }) : () -> ()
    "tpu.region"() ({
      %run_scoped3A = tpu.sem_alloc : memref<!tpu.dma_semaphore, #tpu.memory_space<semaphore_mem>>
      %dma_start3A_540 = arith.constant 0 : i32
      %dma_start3A_541 = tpu.memref_slice %arg8[%dma_start3A_540] : memref<528xi32, #tpu.memory_space<vmem>> -> memref<512xi32, #tpu.memory_space<vmem>>
      %dma_start3A_542 = tpu.memref_slice %arg3[%mul3A_2] : memref<16384xi32, #tpu.memory_space<hbm>> -> memref<512xi32, #tpu.memory_space<hbm>>
      %dma_start3A_543 = arith.constant 0 : i32
      %dma_start3A_544 = tpu.memref_slice %arg8[%dma_start3A_543] : memref<528xi32, #tpu.memory_space<vmem>> -> memref<512xi32, #tpu.memory_space<vmem>>
      %dma_start3A_545 = tpu.memref_slice %arg3[%mul3A_2] : memref<16384xi32, #tpu.memory_space<hbm>> -> memref<512xi32, #tpu.memory_space<hbm>>
      tpu.enqueue_dma source(%dma_start3A_545 : memref<512xi32, #tpu.memory_space<hbm>>) target(%dma_start3A_544 : memref<512xi32, #tpu.memory_space<vmem>>) target_semaphore(%run_scoped3A : memref<!tpu.dma_semaphore, #tpu.memory_space<semaphore_mem>>)
      %dma_wait3A = arith.constant 0 : i32
      %dma_wait3A_546 = tpu.memref_slice %arg8[%dma_wait3A] : memref<528xi32, #tpu.memory_space<vmem>> -> memref<512xi32, #tpu.memory_space<vmem>>
      %dma_wait3A_547 = tpu.memref_slice %arg3[%mul3A_2] : memref<16384xi32, #tpu.memory_space<hbm>> -> memref<512xi32, #tpu.memory_space<hbm>>
      %dma_wait3A_548 = arith.constant 0 : i32
      %dma_wait3A_549 = tpu.memref_slice %arg8[%dma_wait3A_548] : memref<528xi32, #tpu.memory_space<vmem>> -> memref<512xi32, #tpu.memory_space<vmem>>
      %dma_wait3A_550 = tpu.memref_slice %arg3[%mul3A_2] : memref<16384xi32, #tpu.memory_space<hbm>> -> memref<512xi32, #tpu.memory_space<hbm>>
      tpu.wait_dma2 semaphore(%run_scoped3A : memref<!tpu.dma_semaphore, #tpu.memory_space<semaphore_mem>>) src(%dma_wait3A_550 : memref<512xi32, #tpu.memory_space<hbm>>) dst(%dma_wait3A_549 : memref<512xi32, #tpu.memory_space<vmem>>)
      tpu.yield
    }) : () -> ()
    %iota3A = tpu.iota {dimensions = array<i32: 0>} : vector<16xi32>
    %get3A = arith.constant 0 : index
    %get3A_3 = tpu.vector_load %arg7[%get3A] {strides = array<i32>} : memref<528xi32, #tpu.memory_space<vmem>>, vector<16xi32>,
    %get3A_4 = arith.constant 0 : index
    %get3A_5 = tpu.vector_load %arg8[%get3A_4] {strides = array<i32>} : memref<528xi32, #tpu.memory_space<vmem>>, vector<16xi32>,
    %slice3A = vector.extract_strided_slice %get3A_3 {offsets = [0], sizes = [1], strides = [1]} : vector<16xi32> to vector<1xi32>
    %squeeze3A = vector.extract %slice3A[0] : i32 from vector<1xi32>
    %and3A = arith.constant 127 : i32
    %and3A_6 = arith.andi %squeeze3A, %and3A : i32
    %sub3A = arith.subi %squeeze3A, %and3A_6 : i32
    %min3A = arith.constant 999936 : i32
    %min3A_7 = arith.minsi %sub3A, %min3A : i32
    %multiple_of3A = tpu.assume_multiple %min3A_7, 128 : i32
    %dma_start3A = arith.constant 0 : i32
    %dma_start3A_8 = arith.constant 0 : i32
    %dma_start3A_9 = arith.constant 0 : i32
    %dma_start3A_10 = arith.constant 0 : i32
    %dma_start3A_11 = tpu.memref_slice %arg9[%dma_start3A, %dma_start3A_8, %dma_start3A_9, %dma_start3A_10] : memref<3x4x32x128xf32, #tpu.memory_space<vmem>> -> memref<1x1x32x128xf32, #tpu.memory_space<vmem>>
    %dma_start3A_12 = tpu.memref_squeeze %dma_start3A_11 : memref<1x1x32x128xf32, #tpu.memory_space<vmem>> -> memref<32x128xf32, #tpu.memory_space<vmem>>
    %dma_start3A_13 = arith.constant 0 : i32
    %dma_start3A_14 = tpu.memref_slice %arg4[%dma_start3A_13, %multiple_of3A] : memref<32x1000000xf32, #tpu.memory_space<hbm>> -> memref<32x128xf32, #tpu.memory_space<hbm>>
    %dma_start3A_15 = arith.constant 0 : i32
    %dma_start3A_16 = arith.constant 0 : i32
    %dma_start3A_17 = tpu.memref_slice %arg9[%dma_start3A, %dma_start3A_8, %dma_start3A_15, %dma_start3A_16] : memref<3x4x32x128xf32, #tpu.memory_space<vmem>> -> memref<1x1x32x128xf32, #tpu.memory_space<vmem>>
    %dma_start3A_18 = tpu.memref_squeeze %dma_start3A_17 : memref<1x1x32x128xf32, #tpu.memory_space<vmem>> -> memref<32x128xf32, #tpu.memory_space<vmem>>
    %dma_start3A_19 = arith.constant 0 : i32
    %dma_start3A_20 = tpu.memref_slice %arg4[%dma_start3A_19, %multiple_of3A] : memref<32x1000000xf32, #tpu.memory_space<hbm>> -> memref<32x128xf32, #tpu.memory_space<hbm>>
    tpu.enqueue_dma source(%dma_start3A_20 : memref<32x128xf32, #tpu.memory_space<hbm>>) target(%dma_start3A_18 : memref<32x128xf32, #tpu.memory_space<vmem>>) target_semaphore(%arg12 : memref<!tpu.dma_semaphore, #tpu.memory_space<semaphore_mem>>)
    %slice3A_21 = vector.extract_strided_slice %get3A_5 {offsets = [0], sizes = [1], strides = [1]} : vector<16xi32> to vector<1xi32>
    %squeeze3A_22 = vector.extract %slice3A_21[0] : i32 from vector<1xi32>
    %and3A_23 = arith.constant 127 : i32
    %and3A_24 = arith.andi %squeeze3A_22, %and3A_23 : i32
    %sub3A_25 = arith.subi %squeeze3A_22, %and3A_24 : i32
    %min3A_26 = arith.constant 99968 : i32
    %min3A_27 = arith.minsi %sub3A_25, %min3A_26 : i32
    %multiple_of3A_28 = tpu.assume_multiple %min3A_27, 128 : i32
    %dma_start3A_29 = arith.constant 0 : i32
    %dma_start3A_30 = arith.constant 0 : i32
    %dma_start3A_31 = arith.constant 0 : i32
    %dma_start3A_32 = arith.constant 0 : i32
    %dma_start3A_33 = tpu.memref_slice %arg10[%dma_start3A_29, %dma_start3A_30, %dma_start3A_31, %dma_start3A_32] : memref<3x4x32x128xf32, #tpu.memory_space<vmem>> -> memref<1x1x32x128xf32, #tpu.memory_space<vmem>>
    %dma_start3A_34 = tpu.memref_squeeze %dma_start3A_33 : memref<1x1x32x128xf32, #tpu.memory_space<vmem>> -> memref<32x128xf32, #tpu.memory_space<vmem>>
    %dma_start3A_35 = arith.constant 0 : i32
    %dma_start3A_36 = tpu.memref_slice %arg5[%dma_start3A_35, %multiple_of3A_28] : memref<32x100000xf32, #tpu.memory_space<hbm>> -> memref<32x128xf32, #tpu.memory_space<hbm>>
    %dma_start3A_37 = arith.constant 0 : i32
    %dma_start3A_38 = arith.constant 0 : i32
    %dma_start3A_39 = tpu.memref_slice %arg10[%dma_start3A_29, %dma_start3A_30, %dma_start3A_37, %dma_start3A_38] : memref<3x4x32x128xf32, #tpu.memory_space<vmem>> -> memref<1x1x32x128xf32, #tpu.memory_space<vmem>>
    %dma_start3A_40 = tpu.memref_squeeze %dma_start3A_39 : memref<1x1x32x128xf32, #tpu.memory_space<vmem>> -> memref<32x128xf32, #tpu.memory_space<vmem>>
    %dma_start3A_41 = arith.constant 0 : i32
    %dma_start3A_42 = tpu.memref_slice %arg5[%dma_start3A_41, %multiple_of3A_28] : memref<32x100000xf32, #tpu.memory_space<hbm>> -> memref<32x128xf32, #tpu.memory_space<hbm>>
    tpu.enqueue_dma source(%dma_start3A_42 : memref<32x128xf32, #tpu.memory_space<hbm>>) target(%dma_start3A_40 : memref<32x128xf32, #tpu.memory_space<vmem>>) target_semaphore(%arg15 : memref<!tpu.dma_semaphore, #tpu.memory_space<semaphore_mem>>)
    %slice3A_43 = vector.extract_strided_slice %get3A_3 {offsets = [1], sizes = [1], strides = [1]} : vector<16xi32> to vector<1xi32>
    %squeeze3A_44 = vector.extract %slice3A_43[0] : i32 from vector<1xi32>
    %and3A_45 = arith.constant 127 : i32
    %and3A_46 = arith.andi %squeeze3A_44, %and3A_45 : i32
    %sub3A_47 = arith.subi %squeeze3A_44, %and3A_46 : i32
    %min3A_48 = arith.constant 999936 : i32
    %min3A_49 = arith.minsi %sub3A_47, %min3A_48 : i32
    %multiple_of3A_50 = tpu.assume_multiple %min3A_49, 128 : i32
    %dma_start3A_51 = arith.constant 0 : i32
    %dma_start3A_52 = arith.constant 1 : i32
    %dma_start3A_53 = arith.constant 0 : i32
    %dma_start3A_54 = arith.constant 0 : i32
    %dma_start3A_55 = tpu.memref_slice %arg9[%dma_start3A_51, %dma_start3A_52, %dma_start3A_53, %dma_start3A_54] : memref<3x4x32x128xf32, #tpu.memory_space<vmem>> -> memref<1x1x32x128xf32, #tpu.memory_space<vmem>>
    %dma_start3A_56 = tpu.memref_squeeze %dma_start3A_55 : memref<1x1x32x128xf32, #tpu.memory_space<vmem>> -> memref<32x128xf32, #tpu.memory_space<vmem>>
    %dma_start3A_57 = arith.constant 0 : i32
    %dma_start3A_58 = tpu.memref_slice %arg4[%dma_start3A_57, %multiple_of3A_50] : memref<32x1000000xf32, #tpu.memory_space<hbm>> -> memref<32x128xf32, #tpu.memory_space<hbm>>
    %dma_start3A_59 = arith.constant 0 : i32
    %dma_start3A_60 = arith.constant 0 : i32
    %dma_start3A_61 = tpu.memref_slice %arg9[%dma_start3A_51, %dma_start3A_52, %dma_start3A_59, %dma_start3A_60] : memref<3x4x32x128xf32, #tpu.memory_space<vmem>> -> memref<1x1x32x128xf32, #tpu.memory_space<vmem>>
    %dma_start3A_62 = tpu.memref_squeeze %dma_start3A_61 : memref<1x1x32x128xf32, #tpu.memory_space<vmem>> -> memref<32x128xf32, #tpu.memory_space<vmem>>
    %dma_start3A_63 = arith.constant 0 : i32
    %dma_start3A_64 = tpu.memref_slice %arg4[%dma_start3A_63, %multiple_of3A_50] : memref<32x1000000xf32, #tpu.memory_space<hbm>> -> memref<32x128xf32, #tpu.memory_space<hbm>>
    tpu.enqueue_dma source(%dma_start3A_64 : memref<32x128xf32, #tpu.memory_space<hbm>>) target(%dma_start3A_62 : memref<32x128xf32, #tpu.memory_space<vmem>>) target_semaphore(%arg12 : memref<!tpu.dma_semaphore, #tpu.memory_space<semaphore_mem>>)
    %slice3A_65 = vector.extract_strided_slice %get3A_5 {offsets = [1], sizes = [1], strides = [1]} : vector<16xi32> to vector<1xi32>
    %squeeze3A_66 = vector.extract %slice3A_65[0] : i32 from vector<1xi32>
    %and3A_67 = arith.constant 127 : i32
    %and3A_68 = arith.andi %squeeze3A_66, %and3A_67 : i32
    %sub3A_69 = arith.subi %squeeze3A_66, %and3A_68 : i32
    %min3A_70 = arith.constant 99968 : i32
    %min3A_71 = arith.minsi %sub3A_69, %min3A_70 : i32
    %multiple_of3A_72 = tpu.assume_multiple %min3A_71, 128 : i32
    %dma_start3A_73 = arith.constant 0 : i32
    %dma_start3A_74 = arith.constant 1 : i32
    %dma_start3A_75 = arith.constant 0 : i32
    %dma_start3A_76 = arith.constant 0 : i32
    %dma_start3A_77 = tpu.memref_slice %arg10[%dma_start3A_73, %dma_start3A_74, %dma_start3A_75, %dma_start3A_76] : memref<3x4x32x128xf32, #tpu.memory_space<vmem>> -> memref<1x1x32x128xf32, #tpu.memory_space<vmem>>
    %dma_start3A_78 = tpu.memref_squeeze %dma_start3A_77 : memref<1x1x32x128xf32, #tpu.memory_space<vmem>> -> memref<32x128xf32, #tpu.memory_space<vmem>>
    %dma_start3A_79 = arith.constant 0 : i32
    %dma_start3A_80 = tpu.memref_slice %arg5[%dma_start3A_79, %multiple_of3A_72] : memref<32x100000xf32, #tpu.memory_space<hbm>> -> memref<32x128xf32, #tpu.memory_space<hbm>>
    %dma_start3A_81 = arith.constant 0 : i32
    %dma_start3A_82 = arith.constant 0 : i32
    %dma_start3A_83 = tpu.memref_slice %arg10[%dma_start3A_73, %dma_start3A_74, %dma_start3A_81, %dma_start3A_82] : memref<3x4x32x128xf32, #tpu.memory_space<vmem>> -> memref<1x1x32x128xf32, #tpu.memory_space<vmem>>
    %dma_start3A_84 = tpu.memref_squeeze %dma_start3A_83 : memref<1x1x32x128xf32, #tpu.memory_space<vmem>> -> memref<32x128xf32, #tpu.memory_space<vmem>>
    %dma_start3A_85 = arith.constant 0 : i32
    %dma_start3A_86 = tpu.memref_slice %arg5[%dma_start3A_85, %multiple_of3A_72] : memref<32x100000xf32, #tpu.memory_space<hbm>> -> memref<32x128xf32, #tpu.memory_space<hbm>>
    tpu.enqueue_dma source(%dma_start3A_86 : memref<32x128xf32, #tpu.memory_space<hbm>>) target(%dma_start3A_84 : memref<32x128xf32, #tpu.memory_space<vmem>>) target_semaphore(%arg15 : memref<!tpu.dma_semaphore, #tpu.memory_space<semaphore_mem>>)
    %slice3A_87 = vector.extract_strided_slice %get3A_3 {offsets = [2], sizes = [1], strides = [1]} : vector<16xi32> to vector<1xi32>
    %squeeze3A_88 = vector.extract %slice3A_87[0] : i32 from vector<1xi32>
    %and3A_89 = arith.constant 127 : i32
    %and3A_90 = arith.andi %squeeze3A_88, %and3A_89 : i32
    %sub3A_91 = arith.subi %squeeze3A_88, %and3A_90 : i32
    %min3A_92 = arith.constant 999936 : i32
    %min3A_93 = arith.minsi %sub3A_91, %min3A_92 : i32
    %multiple_of3A_94 = tpu.assume_multiple %min3A_93, 128 : i32
    %dma_start3A_95 = arith.constant 0 : i32
    %dma_start3A_96 = arith.constant 2 : i32
    %dma_start3A_97 = arith.constant 0 : i32
    %dma_start3A_98 = arith.constant 0 : i32
    %dma_start3A_99 = tpu.memref_slice %arg9[%dma_start3A_95, %dma_start3A_96, %dma_start3A_97, %dma_start3A_98] : memref<3x4x32x128xf32, #tpu.memory_space<vmem>> -> memref<1x1x32x128xf32, #tpu.memory_space<vmem>>
    %dma_start3A_100 = tpu.memref_squeeze %dma_start3A_99 : memref<1x1x32x128xf32, #tpu.memory_space<vmem>> -> memref<32x128xf32, #tpu.memory_space<vmem>>
    %dma_start3A_101 = arith.constant 0 : i32
    %dma_start3A_102 = tpu.memref_slice %arg4[%dma_start3A_101, %multiple_of3A_94] : memref<32x1000000xf32, #tpu.memory_space<hbm>> -> memref<32x128xf32, #tpu.memory_space<hbm>>
    %dma_start3A_103 = arith.constant 0 : i32
    %dma_start3A_104 = arith.constant 0 : i32
    %dma_start3A_105 = tpu.memref_slice %arg9[%dma_start3A_95, %dma_start3A_96, %dma_start3A_103, %dma_start3A_104] : memref<3x4x32x128xf32, #tpu.memory_space<vmem>> -> memref<1x1x32x128xf32, #tpu.memory_space<vmem>>
    %dma_start3A_106 = tpu.memref_squeeze %dma_start3A_105 : memref<1x1x32x128xf32, #tpu.memory_space<vmem>> -> memref<32x128xf32, #tpu.memory_space<vmem>>
    %dma_start3A_107 = arith.constant 0 : i32
    %dma_start3A_108 = tpu.memref_slice %arg4[%dma_start3A_107, %multiple_of3A_94] : memref<32x1000000xf32, #tpu.memory_space<hbm>> -> memref<32x128xf32, #tpu.memory_space<hbm>>
    tpu.enqueue_dma source(%dma_start3A_108 : memref<32x128xf32, #tpu.memory_space<hbm>>) target(%dma_start3A_106 : memref<32x128xf32, #tpu.memory_space<vmem>>) target_semaphore(%arg12 : memref<!tpu.dma_semaphore, #tpu.memory_space<semaphore_mem>>)
    %slice3A_109 = vector.extract_strided_slice %get3A_5 {offsets = [2], sizes = [1], strides = [1]} : vector<16xi32> to vector<1xi32>
    %squeeze3A_110 = vector.extract %slice3A_109[0] : i32 from vector<1xi32>
    %and3A_111 = arith.constant 127 : i32
    %and3A_112 = arith.andi %squeeze3A_110, %and3A_111 : i32
    %sub3A_113 = arith.subi %squeeze3A_110, %and3A_112 : i32
    %min3A_114 = arith.constant 99968 : i32
    %min3A_115 = arith.minsi %sub3A_113, %min3A_114 : i32
    %multiple_of3A_116 = tpu.assume_multiple %min3A_115, 128 : i32
    %dma_start3A_117 = arith.constant 0 : i32
    %dma_start3A_118 = arith.constant 2 : i32
    %dma_start3A_119 = arith.constant 0 : i32
    %dma_start3A_120 = arith.constant 0 : i32
    %dma_start3A_121 = tpu.memref_slice %arg10[%dma_start3A_117, %dma_start3A_118, %dma_start3A_119, %dma_start3A_120] : memref<3x4x32x128xf32, #tpu.memory_space<vmem>> -> memref<1x1x32x128xf32, #tpu.memory_space<vmem>>
    %dma_start3A_122 = tpu.memref_squeeze %dma_start3A_121 : memref<1x1x32x128xf32, #tpu.memory_space<vmem>> -> memref<32x128xf32, #tpu.memory_space<vmem>>
    %dma_start3A_123 = arith.constant 0 : i32
    %dma_start3A_124 = tpu.memref_slice %arg5[%dma_start3A_123, %multiple_of3A_116] : memref<32x100000xf32, #tpu.memory_space<hbm>> -> memref<32x128xf32, #tpu.memory_space<hbm>>
    %dma_start3A_125 = arith.constant 0 : i32
    %dma_start3A_126 = arith.constant 0 : i32
    %dma_start3A_127 = tpu.memref_slice %arg10[%dma_start3A_117, %dma_start3A_118, %dma_start3A_125, %dma_start3A_126] : memref<3x4x32x128xf32, #tpu.memory_space<vmem>> -> memref<1x1x32x128xf32, #tpu.memory_space<vmem>>
    %dma_start3A_128 = tpu.memref_squeeze %dma_start3A_127 : memref<1x1x32x128xf32, #tpu.memory_space<vmem>> -> memref<32x128xf32, #tpu.memory_space<vmem>>
    %dma_start3A_129 = arith.constant 0 : i32
    %dma_start3A_130 = tpu.memref_slice %arg5[%dma_start3A_129, %multiple_of3A_116] : memref<32x100000xf32, #tpu.memory_space<hbm>> -> memref<32x128xf32, #tpu.memory_space<hbm>>
    tpu.enqueue_dma source(%dma_start3A_130 : memref<32x128xf32, #tpu.memory_space<hbm>>) target(%dma_start3A_128 : memref<32x128xf32, #tpu.memory_space<vmem>>) target_semaphore(%arg15 : memref<!tpu.dma_semaphore, #tpu.memory_space<semaphore_mem>>)
    %slice3A_131 = vector.extract_strided_slice %get3A_3 {offsets = [3], sizes = [1], strides = [1]} : vector<16xi32> to vector<1xi32>
    %squeeze3A_132 = vector.extract %slice3A_131[0] : i32 from vector<1xi32>
    %and3A_133 = arith.constant 127 : i32
    %and3A_134 = arith.andi %squeeze3A_132, %and3A_133 : i32
    %sub3A_135 = arith.subi %squeeze3A_132, %and3A_134 : i32
    %min3A_136 = arith.constant 999936 : i32
    %min3A_137 = arith.minsi %sub3A_135, %min3A_136 : i32
    %multiple_of3A_138 = tpu.assume_multiple %min3A_137, 128 : i32
    %dma_start3A_139 = arith.constant 0 : i32
    %dma_start3A_140 = arith.constant 3 : i32
    %dma_start3A_141 = arith.constant 0 : i32
    %dma_start3A_142 = arith.constant 0 : i32
    %dma_start3A_143 = tpu.memref_slice %arg9[%dma_start3A_139, %dma_start3A_140, %dma_start3A_141, %dma_start3A_142] : memref<3x4x32x128xf32, #tpu.memory_space<vmem>> -> memref<1x1x32x128xf32, #tpu.memory_space<vmem>>
    %dma_start3A_144 = tpu.memref_squeeze %dma_start3A_143 : memref<1x1x32x128xf32, #tpu.memory_space<vmem>> -> memref<32x128xf32, #tpu.memory_space<vmem>>
    %dma_start3A_145 = arith.constant 0 : i32
    %dma_start3A_146 = tpu.memref_slice %arg4[%dma_start3A_145, %multiple_of3A_138] : memref<32x1000000xf32, #tpu.memory_space<hbm>> -> memref<32x128xf32, #tpu.memory_space<hbm>>
    %dma_start3A_147 = arith.constant 0 : i32
    %dma_start3A_148 = arith.constant 0 : i32
    %dma_start3A_149 = tpu.memref_slice %arg9[%dma_start3A_139, %dma_start3A_140, %dma_start3A_147, %dma_start3A_148] : memref<3x4x32x128xf32, #tpu.memory_space<vmem>> -> memref<1x1x32x128xf32, #tpu.memory_space<vmem>>
    %dma_start3A_150 = tpu.memref_squeeze %dma_start3A_149 : memref<1x1x32x128xf32, #tpu.memory_space<vmem>> -> memref<32x128xf32, #tpu.memory_space<vmem>>
    %dma_start3A_151 = arith.constant 0 : i32
    %dma_start3A_152 = tpu.memref_slice %arg4[%dma_start3A_151, %multiple_of3A_138] : memref<32x1000000xf32, #tpu.memory_space<hbm>> -> memref<32x128xf32, #tpu.memory_space<hbm>>
    tpu.enqueue_dma source(%dma_start3A_152 : memref<32x128xf32, #tpu.memory_space<hbm>>) target(%dma_start3A_150 : memref<32x128xf32, #tpu.memory_space<vmem>>) target_semaphore(%arg12 : memref<!tpu.dma_semaphore, #tpu.memory_space<semaphore_mem>>)
    %slice3A_153 = vector.extract_strided_slice %get3A_5 {offsets = [3], sizes = [1], strides = [1]} : vector<16xi32> to vector<1xi32>
    %squeeze3A_154 = vector.extract %slice3A_153[0] : i32 from vector<1xi32>
    %and3A_155 = arith.constant 127 : i32
    %and3A_156 = arith.andi %squeeze3A_154, %and3A_155 : i32
    %sub3A_157 = arith.subi %squeeze3A_154, %and3A_156 : i32
    %min3A_158 = arith.constant 99968 : i32
    %min3A_159 = arith.minsi %sub3A_157, %min3A_158 : i32
    %multiple_of3A_160 = tpu.assume_multiple %min3A_159, 128 : i32
    %dma_start3A_161 = arith.constant 0 : i32
    %dma_start3A_162 = arith.constant 3 : i32
    %dma_start3A_163 = arith.constant 0 : i32
    %dma_start3A_164 = arith.constant 0 : i32
    %dma_start3A_165 = tpu.memref_slice %arg10[%dma_start3A_161, %dma_start3A_162, %dma_start3A_163, %dma_start3A_164] : memref<3x4x32x128xf32, #tpu.memory_space<vmem>> -> memref<1x1x32x128xf32, #tpu.memory_space<vmem>>
    %dma_start3A_166 = tpu.memref_squeeze %dma_start3A_165 : memref<1x1x32x128xf32, #tpu.memory_space<vmem>> -> memref<32x128xf32, #tpu.memory_space<vmem>>
    %dma_start3A_167 = arith.constant 0 : i32
    %dma_start3A_168 = tpu.memref_slice %arg5[%dma_start3A_167, %multiple_of3A_160] : memref<32x100000xf32, #tpu.memory_space<hbm>> -> memref<32x128xf32, #tpu.memory_space<hbm>>
    %dma_start3A_169 = arith.constant 0 : i32
    %dma_start3A_170 = arith.constant 0 : i32
    %dma_start3A_171 = tpu.memref_slice %arg10[%dma_start3A_161, %dma_start3A_162, %dma_start3A_169, %dma_start3A_170] : memref<3x4x32x128xf32, #tpu.memory_space<vmem>> -> memref<1x1x32x128xf32, #tpu.memory_space<vmem>>
    %dma_start3A_172 = tpu.memref_squeeze %dma_start3A_171 : memref<1x1x32x128xf32, #tpu.memory_space<vmem>> -> memref<32x128xf32, #tpu.memory_space<vmem>>
    %dma_start3A_173 = arith.constant 0 : i32
    %dma_start3A_174 = tpu.memref_slice %arg5[%dma_start3A_173, %multiple_of3A_160] : memref<32x100000xf32, #tpu.memory_space<hbm>> -> memref<32x128xf32, #tpu.memory_space<hbm>>
    tpu.enqueue_dma source(%dma_start3A_174 : memref<32x128xf32, #tpu.memory_space<hbm>>) target(%dma_start3A_172 : memref<32x128xf32, #tpu.memory_space<vmem>>) target_semaphore(%arg15 : memref<!tpu.dma_semaphore, #tpu.memory_space<semaphore_mem>>)
    %get3A_175 = arith.constant 4 : index
    %get3A_176 = tpu.vector_load %arg7[%get3A_175] {strides = array<i32>} : memref<528xi32, #tpu.memory_space<vmem>>, vector<16xi32>,
    %get3A_177 = arith.constant 4 : index
    %get3A_178 = tpu.vector_load %arg8[%get3A_177] {strides = array<i32>} : memref<528xi32, #tpu.memory_space<vmem>>, vector<16xi32>,
    %slice3A_179 = vector.extract_strided_slice %get3A_176 {offsets = [0], sizes = [1], strides = [1]} : vector<16xi32> to vector<1xi32>
    %squeeze3A_180 = vector.extract %slice3A_179[0] : i32 from vector<1xi32>
    %and3A_181 = arith.constant 127 : i32
    %and3A_182 = arith.andi %squeeze3A_180, %and3A_181 : i32
    %sub3A_183 = arith.subi %squeeze3A_180, %and3A_182 : i32
    %min3A_184 = arith.constant 999936 : i32
    %min3A_185 = arith.minsi %sub3A_183, %min3A_184 : i32
    %multiple_of3A_186 = tpu.assume_multiple %min3A_185, 128 : i32
    %dma_start3A_187 = arith.constant 1 : i32
    %dma_start3A_188 = arith.constant 0 : i32
    %dma_start3A_189 = arith.constant 0 : i32
    %dma_start3A_190 = arith.constant 0 : i32
    %dma_start3A_191 = tpu.memref_slice %arg9[%dma_start3A_187, %dma_start3A_188, %dma_start3A_189, %dma_start3A_190] : memref<3x4x32x128xf32, #tpu.memory_space<vmem>> -> memref<1x1x32x128xf32, #tpu.memory_space<vmem>>
    %dma_start3A_192 = tpu.memref_squeeze %dma_start3A_191 : memref<1x1x32x128xf32, #tpu.memory_space<vmem>> -> memref<32x128xf32, #tpu.memory_space<vmem>>
    %dma_start3A_193 = arith.constant 0 : i32
    %dma_start3A_194 = tpu.memref_slice %arg4[%dma_start3A_193, %multiple_of3A_186] : memref<32x1000000xf32, #tpu.memory_space<hbm>> -> memref<32x128xf32, #tpu.memory_space<hbm>>
    %dma_start3A_195 = arith.constant 0 : i32
    %dma_start3A_196 = arith.constant 0 : i32
    %dma_start3A_197 = tpu.memref_slice %arg9[%dma_start3A_187, %dma_start3A_188, %dma_start3A_195, %dma_start3A_196] : memref<3x4x32x128xf32, #tpu.memory_space<vmem>> -> memref<1x1x32x128xf32, #tpu.memory_space<vmem>>
    %dma_start3A_198 = tpu.memref_squeeze %dma_start3A_197 : memref<1x1x32x128xf32, #tpu.memory_space<vmem>> -> memref<32x128xf32, #tpu.memory_space<vmem>>
    %dma_start3A_199 = arith.constant 0 : i32
    %dma_start3A_200 = tpu.memref_slice %arg4[%dma_start3A_199, %multiple_of3A_186] : memref<32x1000000xf32, #tpu.memory_space<hbm>> -> memref<32x128xf32, #tpu.memory_space<hbm>>
    tpu.enqueue_dma source(%dma_start3A_200 : memref<32x128xf32, #tpu.memory_space<hbm>>) target(%dma_start3A_198 : memref<32x128xf32, #tpu.memory_space<vmem>>) target_semaphore(%arg13 : memref<!tpu.dma_semaphore, #tpu.memory_space<semaphore_mem>>)
    %slice3A_201 = vector.extract_strided_slice %get3A_178 {offsets = [0], sizes = [1], strides = [1]} : vector<16xi32> to vector<1xi32>
    %squeeze3A_202 = vector.extract %slice3A_201[0] : i32 from vector<1xi32>
    %and3A_203 = arith.constant 127 : i32
    %and3A_204 = arith.andi %squeeze3A_202, %and3A_203 : i32
    %sub3A_205 = arith.subi %squeeze3A_202, %and3A_204 : i32
    %min3A_206 = arith.constant 99968 : i32
    %min3A_207 = arith.minsi %sub3A_205, %min3A_206 : i32
    %multiple_of3A_208 = tpu.assume_multiple %min3A_207, 128 : i32
    %dma_start3A_209 = arith.constant 1 : i32
    %dma_start3A_210 = arith.constant 0 : i32
    %dma_start3A_211 = arith.constant 0 : i32
    %dma_start3A_212 = arith.constant 0 : i32
    %dma_start3A_213 = tpu.memref_slice %arg10[%dma_start3A_209, %dma_start3A_210, %dma_start3A_211, %dma_start3A_212] : memref<3x4x32x128xf32, #tpu.memory_space<vmem>> -> memref<1x1x32x128xf32, #tpu.memory_space<vmem>>
    %dma_start3A_214 = tpu.memref_squeeze %dma_start3A_213 : memref<1x1x32x128xf32, #tpu.memory_space<vmem>> -> memref<32x128xf32, #tpu.memory_space<vmem>>
    %dma_start3A_215 = arith.constant 0 : i32
    %dma_start3A_216 = tpu.memref_slice %arg5[%dma_start3A_215, %multiple_of3A_208] : memref<32x100000xf32, #tpu.memory_space<hbm>> -> memref<32x128xf32, #tpu.memory_space<hbm>>
    %dma_start3A_217 = arith.constant 0 : i32
    %dma_start3A_218 = arith.constant 0 : i32
    %dma_start3A_219 = tpu.memref_slice %arg10[%dma_start3A_209, %dma_start3A_210, %dma_start3A_217, %dma_start3A_218] : memref<3x4x32x128xf32, #tpu.memory_space<vmem>> -> memref<1x1x32x128xf32, #tpu.memory_space<vmem>>
    %dma_start3A_220 = tpu.memref_squeeze %dma_start3A_219 : memref<1x1x32x128xf32, #tpu.memory_space<vmem>> -> memref<32x128xf32, #tpu.memory_space<vmem>>
    %dma_start3A_221 = arith.constant 0 : i32
    %dma_start3A_222 = tpu.memref_slice %arg5[%dma_start3A_221, %multiple_of3A_208] : memref<32x100000xf32, #tpu.memory_space<hbm>> -> memref<32x128xf32, #tpu.memory_space<hbm>>
    tpu.enqueue_dma source(%dma_start3A_222 : memref<32x128xf32, #tpu.memory_space<hbm>>) target(%dma_start3A_220 : memref<32x128xf32, #tpu.memory_space<vmem>>) target_semaphore(%arg16 : memref<!tpu.dma_semaphore, #tpu.memory_space<semaphore_mem>>)
    %slice3A_223 = vector.extract_strided_slice %get3A_176 {offsets = [1], sizes = [1], strides = [1]} : vector<16xi32> to vector<1xi32>
    %squeeze3A_224 = vector.extract %slice3A_223[0] : i32 from vector<1xi32>
    %and3A_225 = arith.constant 127 : i32
    %and3A_226 = arith.andi %squeeze3A_224, %and3A_225 : i32
    %sub3A_227 = arith.subi %squeeze3A_224, %and3A_226 : i32
    %min3A_228 = arith.constant 999936 : i32
    %min3A_229 = arith.minsi %sub3A_227, %min3A_228 : i32
    %multiple_of3A_230 = tpu.assume_multiple %min3A_229, 128 : i32
    %dma_start3A_231 = arith.constant 1 : i32
    %dma_start3A_232 = arith.constant 1 : i32
    %dma_start3A_233 = arith.constant 0 : i32
    %dma_start3A_234 = arith.constant 0 : i32
    %dma_start3A_235 = tpu.memref_slice %arg9[%dma_start3A_231, %dma_start3A_232, %dma_start3A_233, %dma_start3A_234] : memref<3x4x32x128xf32, #tpu.memory_space<vmem>> -> memref<1x1x32x128xf32, #tpu.memory_space<vmem>>
    %dma_start3A_236 = tpu.memref_squeeze %dma_start3A_235 : memref<1x1x32x128xf32, #tpu.memory_space<vmem>> -> memref<32x128xf32, #tpu.memory_space<vmem>>
    %dma_start3A_237 = arith.constant 0 : i32
    %dma_start3A_238 = tpu.memref_slice %arg4[%dma_start3A_237, %multiple_of3A_230] : memref<32x1000000xf32, #tpu.memory_space<hbm>> -> memref<32x128xf32, #tpu.memory_space<hbm>>
    %dma_start3A_239 = arith.constant 0 : i32
    %dma_start3A_240 = arith.constant 0 : i32
    %dma_start3A_241 = tpu.memref_slice %arg9[%dma_start3A_231, %dma_start3A_232, %dma_start3A_239, %dma_start3A_240] : memref<3x4x32x128xf32, #tpu.memory_space<vmem>> -> memref<1x1x32x128xf32, #tpu.memory_space<vmem>>
    %dma_start3A_242 = tpu.memref_squeeze %dma_start3A_241 : memref<1x1x32x128xf32, #tpu.memory_space<vmem>> -> memref<32x128xf32, #tpu.memory_space<vmem>>
    %dma_start3A_243 = arith.constant 0 : i32
    %dma_start3A_244 = tpu.memref_slice %arg4[%dma_start3A_243, %multiple_of3A_230] : memref<32x1000000xf32, #tpu.memory_space<hbm>> -> memref<32x128xf32, #tpu.memory_space<hbm>>
    tpu.enqueue_dma source(%dma_start3A_244 : memref<32x128xf32, #tpu.memory_space<hbm>>) target(%dma_start3A_242 : memref<32x128xf32, #tpu.memory_space<vmem>>) target_semaphore(%arg13 : memref<!tpu.dma_semaphore, #tpu.memory_space<semaphore_mem>>)
    %slice3A_245 = vector.extract_strided_slice %get3A_178 {offsets = [1], sizes = [1], strides = [1]} : vector<16xi32> to vector<1xi32>
    %squeeze3A_246 = vector.extract %slice3A_245[0] : i32 from vector<1xi32>
    %and3A_247 = arith.constant 127 : i32
    %and3A_248 = arith.andi %squeeze3A_246, %and3A_247 : i32
    %sub3A_249 = arith.subi %squeeze3A_246, %and3A_248 : i32
    %min3A_250 = arith.constant 99968 : i32
    %min3A_251 = arith.minsi %sub3A_249, %min3A_250 : i32
    %multiple_of3A_252 = tpu.assume_multiple %min3A_251, 128 : i32
    %dma_start3A_253 = arith.constant 1 : i32
    %dma_start3A_254 = arith.constant 1 : i32
    %dma_start3A_255 = arith.constant 0 : i32
    %dma_start3A_256 = arith.constant 0 : i32
    %dma_start3A_257 = tpu.memref_slice %arg10[%dma_start3A_253, %dma_start3A_254, %dma_start3A_255, %dma_start3A_256] : memref<3x4x32x128xf32, #tpu.memory_space<vmem>> -> memref<1x1x32x128xf32, #tpu.memory_space<vmem>>
    %dma_start3A_258 = tpu.memref_squeeze %dma_start3A_257 : memref<1x1x32x128xf32, #tpu.memory_space<vmem>> -> memref<32x128xf32, #tpu.memory_space<vmem>>
    %dma_start3A_259 = arith.constant 0 : i32
    %dma_start3A_260 = tpu.memref_slice %arg5[%dma_start3A_259, %multiple_of3A_252] : memref<32x100000xf32, #tpu.memory_space<hbm>> -> memref<32x128xf32, #tpu.memory_space<hbm>>
    %dma_start3A_261 = arith.constant 0 : i32
    %dma_start3A_262 = arith.constant 0 : i32
    %dma_start3A_263 = tpu.memref_slice %arg10[%dma_start3A_253, %dma_start3A_254, %dma_start3A_261, %dma_start3A_262] : memref<3x4x32x128xf32, #tpu.memory_space<vmem>> -> memref<1x1x32x128xf32, #tpu.memory_space<vmem>>
    %dma_start3A_264 = tpu.memref_squeeze %dma_start3A_263 : memref<1x1x32x128xf32, #tpu.memory_space<vmem>> -> memref<32x128xf32, #tpu.memory_space<vmem>>
    %dma_start3A_265 = arith.constant 0 : i32
    %dma_start3A_266 = tpu.memref_slice %arg5[%dma_start3A_265, %multiple_of3A_252] : memref<32x100000xf32, #tpu.memory_space<hbm>> -> memref<32x128xf32, #tpu.memory_space<hbm>>
    tpu.enqueue_dma source(%dma_start3A_266 : memref<32x128xf32, #tpu.memory_space<hbm>>) target(%dma_start3A_264 : memref<32x128xf32, #tpu.memory_space<vmem>>) target_semaphore(%arg16 : memref<!tpu.dma_semaphore, #tpu.memory_space<semaphore_mem>>)
    %slice3A_267 = vector.extract_strided_slice %get3A_176 {offsets = [2], sizes = [1], strides = [1]} : vector<16xi32> to vector<1xi32>
    %squeeze3A_268 = vector.extract %slice3A_267[0] : i32 from vector<1xi32>
    %and3A_269 = arith.constant 127 : i32
    %and3A_270 = arith.andi %squeeze3A_268, %and3A_269 : i32
    %sub3A_271 = arith.subi %squeeze3A_268, %and3A_270 : i32
    %min3A_272 = arith.constant 999936 : i32
    %min3A_273 = arith.minsi %sub3A_271, %min3A_272 : i32
    %multiple_of3A_274 = tpu.assume_multiple %min3A_273, 128 : i32
    %dma_start3A_275 = arith.constant 1 : i32
    %dma_start3A_276 = arith.constant 2 : i32
    %dma_start3A_277 = arith.constant 0 : i32
    %dma_start3A_278 = arith.constant 0 : i32
    %dma_start3A_279 = tpu.memref_slice %arg9[%dma_start3A_275, %dma_start3A_276, %dma_start3A_277, %dma_start3A_278] : memref<3x4x32x128xf32, #tpu.memory_space<vmem>> -> memref<1x1x32x128xf32, #tpu.memory_space<vmem>>
    %dma_start3A_280 = tpu.memref_squeeze %dma_start3A_279 : memref<1x1x32x128xf32, #tpu.memory_space<vmem>> -> memref<32x128xf32, #tpu.memory_space<vmem>>
    %dma_start3A_281 = arith.constant 0 : i32
    %dma_start3A_282 = tpu.memref_slice %arg4[%dma_start3A_281, %multiple_of3A_274] : memref<32x1000000xf32, #tpu.memory_space<hbm>> -> memref<32x128xf32, #tpu.memory_space<hbm>>
    %dma_start3A_283 = arith.constant 0 : i32
    %dma_start3A_284 = arith.constant 0 : i32
    %dma_start3A_285 = tpu.memref_slice %arg9[%dma_start3A_275, %dma_start3A_276, %dma_start3A_283, %dma_start3A_284] : memref<3x4x32x128xf32, #tpu.memory_space<vmem>> -> memref<1x1x32x128xf32, #tpu.memory_space<vmem>>
    %dma_start3A_286 = tpu.memref_squeeze %dma_start3A_285 : memref<1x1x32x128xf32, #tpu.memory_space<vmem>> -> memref<32x128xf32, #tpu.memory_space<vmem>>
    %dma_start3A_287 = arith.constant 0 : i32
    %dma_start3A_288 = tpu.memref_slice %arg4[%dma_start3A_287, %multiple_of3A_274] : memref<32x1000000xf32, #tpu.memory_space<hbm>> -> memref<32x128xf32, #tpu.memory_space<hbm>>
    tpu.enqueue_dma source(%dma_start3A_288 : memref<32x128xf32, #tpu.memory_space<hbm>>) target(%dma_start3A_286 : memref<32x128xf32, #tpu.memory_space<vmem>>) target_semaphore(%arg13 : memref<!tpu.dma_semaphore, #tpu.memory_space<semaphore_mem>>)
    %slice3A_289 = vector.extract_strided_slice %get3A_178 {offsets = [2], sizes = [1], strides = [1]} : vector<16xi32> to vector<1xi32>
    %squeeze3A_290 = vector.extract %slice3A_289[0] : i32 from vector<1xi32>
    %and3A_291 = arith.constant 127 : i32
    %and3A_292 = arith.andi %squeeze3A_290, %and3A_291 : i32
    %sub3A_293 = arith.subi %squeeze3A_290, %and3A_292 : i32
    %min3A_294 = arith.constant 99968 : i32
    %min3A_295 = arith.minsi %sub3A_293, %min3A_294 : i32
    %multiple_of3A_296 = tpu.assume_multiple %min3A_295, 128 : i32
    %dma_start3A_297 = arith.constant 1 : i32
    %dma_start3A_298 = arith.constant 2 : i32
    %dma_start3A_299 = arith.constant 0 : i32
    %dma_start3A_300 = arith.constant 0 : i32
    %dma_start3A_301 = tpu.memref_slice %arg10[%dma_start3A_297, %dma_start3A_298, %dma_start3A_299, %dma_start3A_300] : memref<3x4x32x128xf32, #tpu.memory_space<vmem>> -> memref<1x1x32x128xf32, #tpu.memory_space<vmem>>
    %dma_start3A_302 = tpu.memref_squeeze %dma_start3A_301 : memref<1x1x32x128xf32, #tpu.memory_space<vmem>> -> memref<32x128xf32, #tpu.memory_space<vmem>>
    %dma_start3A_303 = arith.constant 0 : i32
    %dma_start3A_304 = tpu.memref_slice %arg5[%dma_start3A_303, %multiple_of3A_296] : memref<32x100000xf32, #tpu.memory_space<hbm>> -> memref<32x128xf32, #tpu.memory_space<hbm>>
    %dma_start3A_305 = arith.constant 0 : i32
    %dma_start3A_306 = arith.constant 0 : i32
    %dma_start3A_307 = tpu.memref_slice %arg10[%dma_start3A_297, %dma_start3A_298, %dma_start3A_305, %dma_start3A_306] : memref<3x4x32x128xf32, #tpu.memory_space<vmem>> -> memref<1x1x32x128xf32, #tpu.memory_space<vmem>>
    %dma_start3A_308 = tpu.memref_squeeze %dma_start3A_307 : memref<1x1x32x128xf32, #tpu.memory_space<vmem>> -> memref<32x128xf32, #tpu.memory_space<vmem>>
    %dma_start3A_309 = arith.constant 0 : i32
    %dma_start3A_310 = tpu.memref_slice %arg5[%dma_start3A_309, %multiple_of3A_296] : memref<32x100000xf32, #tpu.memory_space<hbm>> -> memref<32x128xf32, #tpu.memory_space<hbm>>
    tpu.enqueue_dma source(%dma_start3A_310 : memref<32x128xf32, #tpu.memory_space<hbm>>) target(%dma_start3A_308 : memref<32x128xf32, #tpu.memory_space<vmem>>) target_semaphore(%arg16 : memref<!tpu.dma_semaphore, #tpu.memory_space<semaphore_mem>>)
    %slice3A_311 = vector.extract_strided_slice %get3A_176 {offsets = [3], sizes = [1], strides = [1]} : vector<16xi32> to vector<1xi32>
    %squeeze3A_312 = vector.extract %slice3A_311[0] : i32 from vector<1xi32>
    %and3A_313 = arith.constant 127 : i32
    %and3A_314 = arith.andi %squeeze3A_312, %and3A_313 : i32
    %sub3A_315 = arith.subi %squeeze3A_312, %and3A_314 : i32
    %min3A_316 = arith.constant 999936 : i32
    %min3A_317 = arith.minsi %sub3A_315, %min3A_316 : i32
    %multiple_of3A_318 = tpu.assume_multiple %min3A_317, 128 : i32
    %dma_start3A_319 = arith.constant 1 : i32
    %dma_start3A_320 = arith.constant 3 : i32
    %dma_start3A_321 = arith.constant 0 : i32
    %dma_start3A_322 = arith.constant 0 : i32
    %dma_start3A_323 = tpu.memref_slice %arg9[%dma_start3A_319, %dma_start3A_320, %dma_start3A_321, %dma_start3A_322] : memref<3x4x32x128xf32, #tpu.memory_space<vmem>> -> memref<1x1x32x128xf32, #tpu.memory_space<vmem>>
    %dma_start3A_324 = tpu.memref_squeeze %dma_start3A_323 : memref<1x1x32x128xf32, #tpu.memory_space<vmem>> -> memref<32x128xf32, #tpu.memory_space<vmem>>
    %dma_start3A_325 = arith.constant 0 : i32
    %dma_start3A_326 = tpu.memref_slice %arg4[%dma_start3A_325, %multiple_of3A_318] : memref<32x1000000xf32, #tpu.memory_space<hbm>> -> memref<32x128xf32, #tpu.memory_space<hbm>>
    %dma_start3A_327 = arith.constant 0 : i32
    %dma_start3A_328 = arith.constant 0 : i32
    %dma_start3A_329 = tpu.memref_slice %arg9[%dma_start3A_319, %dma_start3A_320, %dma_start3A_327, %dma_start3A_328] : memref<3x4x32x128xf32, #tpu.memory_space<vmem>> -> memref<1x1x32x128xf32, #tpu.memory_space<vmem>>
    %dma_start3A_330 = tpu.memref_squeeze %dma_start3A_329 : memref<1x1x32x128xf32, #tpu.memory_space<vmem>> -> memref<32x128xf32, #tpu.memory_space<vmem>>
    %dma_start3A_331 = arith.constant 0 : i32
    %dma_start3A_332 = tpu.memref_slice %arg4[%dma_start3A_331, %multiple_of3A_318] : memref<32x1000000xf32, #tpu.memory_space<hbm>> -> memref<32x128xf32, #tpu.memory_space<hbm>>
    tpu.enqueue_dma source(%dma_start3A_332 : memref<32x128xf32, #tpu.memory_space<hbm>>) target(%dma_start3A_330 : memref<32x128xf32, #tpu.memory_space<vmem>>) target_semaphore(%arg13 : memref<!tpu.dma_semaphore, #tpu.memory_space<semaphore_mem>>)
    %slice3A_333 = vector.extract_strided_slice %get3A_178 {offsets = [3], sizes = [1], strides = [1]} : vector<16xi32> to vector<1xi32>
    %squeeze3A_334 = vector.extract %slice3A_333[0] : i32 from vector<1xi32>
    %and3A_335 = arith.constant 127 : i32
    %and3A_336 = arith.andi %squeeze3A_334, %and3A_335 : i32
    %sub3A_337 = arith.subi %squeeze3A_334, %and3A_336 : i32
    %min3A_338 = arith.constant 99968 : i32
    %min3A_339 = arith.minsi %sub3A_337, %min3A_338 : i32
    %multiple_of3A_340 = tpu.assume_multiple %min3A_339, 128 : i32
    %dma_start3A_341 = arith.constant 1 : i32
    %dma_start3A_342 = arith.constant 3 : i32
    %dma_start3A_343 = arith.constant 0 : i32
    %dma_start3A_344 = arith.constant 0 : i32
    %dma_start3A_345 = tpu.memref_slice %arg10[%dma_start3A_341, %dma_start3A_342, %dma_start3A_343, %dma_start3A_344] : memref<3x4x32x128xf32, #tpu.memory_space<vmem>> -> memref<1x1x32x128xf32, #tpu.memory_space<vmem>>
    %dma_start3A_346 = tpu.memref_squeeze %dma_start3A_345 : memref<1x1x32x128xf32, #tpu.memory_space<vmem>> -> memref<32x128xf32, #tpu.memory_space<vmem>>
    %dma_start3A_347 = arith.constant 0 : i32
    %dma_start3A_348 = tpu.memref_slice %arg5[%dma_start3A_347, %multiple_of3A_340] : memref<32x100000xf32, #tpu.memory_space<hbm>> -> memref<32x128xf32, #tpu.memory_space<hbm>>
    %dma_start3A_349 = arith.constant 0 : i32
    %dma_start3A_350 = arith.constant 0 : i32
    %dma_start3A_351 = tpu.memref_slice %arg10[%dma_start3A_341, %dma_start3A_342, %dma_start3A_349, %dma_start3A_350] : memref<3x4x32x128xf32, #tpu.memory_space<vmem>> -> memref<1x1x32x128xf32, #tpu.memory_space<vmem>>
    %dma_start3A_352 = tpu.memref_squeeze %dma_start3A_351 : memref<1x1x32x128xf32, #tpu.memory_space<vmem>> -> memref<32x128xf32, #tpu.memory_space<vmem>>
    %dma_start3A_353 = arith.constant 0 : i32
    %dma_start3A_354 = tpu.memref_slice %arg5[%dma_start3A_353, %multiple_of3A_340] : memref<32x100000xf32, #tpu.memory_space<hbm>> -> memref<32x128xf32, #tpu.memory_space<hbm>>
    tpu.enqueue_dma source(%dma_start3A_354 : memref<32x128xf32, #tpu.memory_space<hbm>>) target(%dma_start3A_352 : memref<32x128xf32, #tpu.memory_space<vmem>>) target_semaphore(%arg16 : memref<!tpu.dma_semaphore, #tpu.memory_space<semaphore_mem>>)
    %get3A_355 = arith.constant 8 : index
    %get3A_356 = tpu.vector_load %arg7[%get3A_355] {strides = array<i32>} : memref<528xi32, #tpu.memory_space<vmem>>, vector<16xi32>,
    %get3A_357 = arith.constant 8 : index
    %get3A_358 = tpu.vector_load %arg8[%get3A_357] {strides = array<i32>} : memref<528xi32, #tpu.memory_space<vmem>>, vector<16xi32>,
    %slice3A_359 = vector.extract_strided_slice %get3A_356 {offsets = [0], sizes = [1], strides = [1]} : vector<16xi32> to vector<1xi32>
    %squeeze3A_360 = vector.extract %slice3A_359[0] : i32 from vector<1xi32>
    %and3A_361 = arith.constant 127 : i32
    %and3A_362 = arith.andi %squeeze3A_360, %and3A_361 : i32
    %sub3A_363 = arith.subi %squeeze3A_360, %and3A_362 : i32
    %min3A_364 = arith.constant 999936 : i32
    %min3A_365 = arith.minsi %sub3A_363, %min3A_364 : i32
    %multiple_of3A_366 = tpu.assume_multiple %min3A_365, 128 : i32
    %dma_start3A_367 = arith.constant 2 : i32
    %dma_start3A_368 = arith.constant 0 : i32
    %dma_start3A_369 = arith.constant 0 : i32
    %dma_start3A_370 = arith.constant 0 : i32
    %dma_start3A_371 = tpu.memref_slice %arg9[%dma_start3A_367, %dma_start3A_368, %dma_start3A_369, %dma_start3A_370] : memref<3x4x32x128xf32, #tpu.memory_space<vmem>> -> memref<1x1x32x128xf32, #tpu.memory_space<vmem>>
    %dma_start3A_372 = tpu.memref_squeeze %dma_start3A_371 : memref<1x1x32x128xf32, #tpu.memory_space<vmem>> -> memref<32x128xf32, #tpu.memory_space<vmem>>
    %dma_start3A_373 = arith.constant 0 : i32
    %dma_start3A_374 = tpu.memref_slice %arg4[%dma_start3A_373, %multiple_of3A_366] : memref<32x1000000xf32, #tpu.memory_space<hbm>> -> memref<32x128xf32, #tpu.memory_space<hbm>>
    %dma_start3A_375 = arith.constant 0 : i32
    %dma_start3A_376 = arith.constant 0 : i32
    %dma_start3A_377 = tpu.memref_slice %arg9[%dma_start3A_367, %dma_start3A_368, %dma_start3A_375, %dma_start3A_376] : memref<3x4x32x128xf32, #tpu.memory_space<vmem>> -> memref<1x1x32x128xf32, #tpu.memory_space<vmem>>
    %dma_start3A_378 = tpu.memref_squeeze %dma_start3A_377 : memref<1x1x32x128xf32, #tpu.memory_space<vmem>> -> memref<32x128xf32, #tpu.memory_space<vmem>>
    %dma_start3A_379 = arith.constant 0 : i32
    %dma_start3A_380 = tpu.memref_slice %arg4[%dma_start3A_379, %multiple_of3A_366] : memref<32x1000000xf32, #tpu.memory_space<hbm>> -> memref<32x128xf32, #tpu.memory_space<hbm>>
    tpu.enqueue_dma source(%dma_start3A_380 : memref<32x128xf32, #tpu.memory_space<hbm>>) target(%dma_start3A_378 : memref<32x128xf32, #tpu.memory_space<vmem>>) target_semaphore(%arg14 : memref<!tpu.dma_semaphore, #tpu.memory_space<semaphore_mem>>)
    %slice3A_381 = vector.extract_strided_slice %get3A_358 {offsets = [0], sizes = [1], strides = [1]} : vector<16xi32> to vector<1xi32>
    %squeeze3A_382 = vector.extract %slice3A_381[0] : i32 from vector<1xi32>
    %and3A_383 = arith.constant 127 : i32
    %and3A_384 = arith.andi %squeeze3A_382, %and3A_383 : i32
    %sub3A_385 = arith.subi %squeeze3A_382, %and3A_384 : i32
    %min3A_386 = arith.constant 99968 : i32
    %min3A_387 = arith.minsi %sub3A_385, %min3A_386 : i32
    %multiple_of3A_388 = tpu.assume_multiple %min3A_387, 128 : i32
    %dma_start3A_389 = arith.constant 2 : i32
    %dma_start3A_390 = arith.constant 0 : i32
    %dma_start3A_391 = arith.constant 0 : i32
    %dma_start3A_392 = arith.constant 0 : i32
    %dma_start3A_393 = tpu.memref_slice %arg10[%dma_start3A_389, %dma_start3A_390, %dma_start3A_391, %dma_start3A_392] : memref<3x4x32x128xf32, #tpu.memory_space<vmem>> -> memref<1x1x32x128xf32, #tpu.memory_space<vmem>>
    %dma_start3A_394 = tpu.memref_squeeze %dma_start3A_393 : memref<1x1x32x128xf32, #tpu.memory_space<vmem>> -> memref<32x128xf32, #tpu.memory_space<vmem>>
    %dma_start3A_395 = arith.constant 0 : i32
    %dma_start3A_396 = tpu.memref_slice %arg5[%dma_start3A_395, %multiple_of3A_388] : memref<32x100000xf32, #tpu.memory_space<hbm>> -> memref<32x128xf32, #tpu.memory_space<hbm>>
    %dma_start3A_397 = arith.constant 0 : i32
    %dma_start3A_398 = arith.constant 0 : i32
    %dma_start3A_399 = tpu.memref_slice %arg10[%dma_start3A_389, %dma_start3A_390, %dma_start3A_397, %dma_start3A_398] : memref<3x4x32x128xf32, #tpu.memory_space<vmem>> -> memref<1x1x32x128xf32, #tpu.memory_space<vmem>>
    %dma_start3A_400 = tpu.memref_squeeze %dma_start3A_399 : memref<1x1x32x128xf32, #tpu.memory_space<vmem>> -> memref<32x128xf32, #tpu.memory_space<vmem>>
    %dma_start3A_401 = arith.constant 0 : i32
    %dma_start3A_402 = tpu.memref_slice %arg5[%dma_start3A_401, %multiple_of3A_388] : memref<32x100000xf32, #tpu.memory_space<hbm>> -> memref<32x128xf32, #tpu.memory_space<hbm>>
    tpu.enqueue_dma source(%dma_start3A_402 : memref<32x128xf32, #tpu.memory_space<hbm>>) target(%dma_start3A_400 : memref<32x128xf32, #tpu.memory_space<vmem>>) target_semaphore(%arg17 : memref<!tpu.dma_semaphore, #tpu.memory_space<semaphore_mem>>)
    %slice3A_403 = vector.extract_strided_slice %get3A_356 {offsets = [1], sizes = [1], strides = [1]} : vector<16xi32> to vector<1xi32>
    %squeeze3A_404 = vector.extract %slice3A_403[0] : i32 from vector<1xi32>
    %and3A_405 = arith.constant 127 : i32
    %and3A_406 = arith.andi %squeeze3A_404, %and3A_405 : i32
    %sub3A_407 = arith.subi %squeeze3A_404, %and3A_406 : i32
    %min3A_408 = arith.constant 999936 : i32
    %min3A_409 = arith.minsi %sub3A_407, %min3A_408 : i32
    %multiple_of3A_410 = tpu.assume_multiple %min3A_409, 128 : i32
    %dma_start3A_411 = arith.constant 2 : i32
    %dma_start3A_412 = arith.constant 1 : i32
    %dma_start3A_413 = arith.constant 0 : i32
    %dma_start3A_414 = arith.constant 0 : i32
    %dma_start3A_415 = tpu.memref_slice %arg9[%dma_start3A_411, %dma_start3A_412, %dma_start3A_413, %dma_start3A_414] : memref<3x4x32x128xf32, #tpu.memory_space<vmem>> -> memref<1x1x32x128xf32, #tpu.memory_space<vmem>>
    %dma_start3A_416 = tpu.memref_squeeze %dma_start3A_415 : memref<1x1x32x128xf32, #tpu.memory_space<vmem>> -> memref<32x128xf32, #tpu.memory_space<vmem>>
    %dma_start3A_417 = arith.constant 0 : i32
    %dma_start3A_418 = tpu.memref_slice %arg4[%dma_start3A_417, %multiple_of3A_410] : memref<32x1000000xf32, #tpu.memory_space<hbm>> -> memref<32x128xf32, #tpu.memory_space<hbm>>
    %dma_start3A_419 = arith.constant 0 : i32
    %dma_start3A_420 = arith.constant 0 : i32
    %dma_start3A_421 = tpu.memref_slice %arg9[%dma_start3A_411, %dma_start3A_412, %dma_start3A_419, %dma_start3A_420] : memref<3x4x32x128xf32, #tpu.memory_space<vmem>> -> memref<1x1x32x128xf32, #tpu.memory_space<vmem>>
    %dma_start3A_422 = tpu.memref_squeeze %dma_start3A_421 : memref<1x1x32x128xf32, #tpu.memory_space<vmem>> -> memref<32x128xf32, #tpu.memory_space<vmem>>
    %dma_start3A_423 = arith.constant 0 : i32
    %dma_start3A_424 = tpu.memref_slice %arg4[%dma_start3A_423, %multiple_of3A_410] : memref<32x1000000xf32, #tpu.memory_space<hbm>> -> memref<32x128xf32, #tpu.memory_space<hbm>>
    tpu.enqueue_dma source(%dma_start3A_424 : memref<32x128xf32, #tpu.memory_space<hbm>>) target(%dma_start3A_422 : memref<32x128xf32, #tpu.memory_space<vmem>>) target_semaphore(%arg14 : memref<!tpu.dma_semaphore, #tpu.memory_space<semaphore_mem>>)
    %slice3A_425 = vector.extract_strided_slice %get3A_358 {offsets = [1], sizes = [1], strides = [1]} : vector<16xi32> to vector<1xi32>
    %squeeze3A_426 = vector.extract %slice3A_425[0] : i32 from vector<1xi32>
    %and3A_427 = arith.constant 127 : i32
    %and3A_428 = arith.andi %squeeze3A_426, %and3A_427 : i32
    %sub3A_429 = arith.subi %squeeze3A_426, %and3A_428 : i32
    %min3A_430 = arith.constant 99968 : i32
    %min3A_431 = arith.minsi %sub3A_429, %min3A_430 : i32
    %multiple_of3A_432 = tpu.assume_multiple %min3A_431, 128 : i32
    %dma_start3A_433 = arith.constant 2 : i32
    %dma_start3A_434 = arith.constant 1 : i32
    %dma_start3A_435 = arith.constant 0 : i32
    %dma_start3A_436 = arith.constant 0 : i32
    %dma_start3A_437 = tpu.memref_slice %arg10[%dma_start3A_433, %dma_start3A_434, %dma_start3A_435, %dma_start3A_436] : memref<3x4x32x128xf32, #tpu.memory_space<vmem>> -> memref<1x1x32x128xf32, #tpu.memory_space<vmem>>
    %dma_start3A_438 = tpu.memref_squeeze %dma_start3A_437 : memref<1x1x32x128xf32, #tpu.memory_space<vmem>> -> memref<32x128xf32, #tpu.memory_space<vmem>>
    %dma_start3A_439 = arith.constant 0 : i32
    %dma_start3A_440 = tpu.memref_slice %arg5[%dma_start3A_439, %multiple_of3A_432] : memref<32x100000xf32, #tpu.memory_space<hbm>> -> memref<32x128xf32, #tpu.memory_space<hbm>>
    %dma_start3A_441 = arith.constant 0 : i32
    %dma_start3A_442 = arith.constant 0 : i32
    %dma_start3A_443 = tpu.memref_slice %arg10[%dma_start3A_433, %dma_start3A_434, %dma_start3A_441, %dma_start3A_442] : memref<3x4x32x128xf32, #tpu.memory_space<vmem>> -> memref<1x1x32x128xf32, #tpu.memory_space<vmem>>
    %dma_start3A_444 = tpu.memref_squeeze %dma_start3A_443 : memref<1x1x32x128xf32, #tpu.memory_space<vmem>> -> memref<32x128xf32, #tpu.memory_space<vmem>>
    %dma_start3A_445 = arith.constant 0 : i32
    %dma_start3A_446 = tpu.memref_slice %arg5[%dma_start3A_445, %multiple_of3A_432] : memref<32x100000xf32, #tpu.memory_space<hbm>> -> memref<32x128xf32, #tpu.memory_space<hbm>>
    tpu.enqueue_dma source(%dma_start3A_446 : memref<32x128xf32, #tpu.memory_space<hbm>>) target(%dma_start3A_444 : memref<32x128xf32, #tpu.memory_space<vmem>>) target_semaphore(%arg17 : memref<!tpu.dma_semaphore, #tpu.memory_space<semaphore_mem>>)
    %slice3A_447 = vector.extract_strided_slice %get3A_356 {offsets = [2], sizes = [1], strides = [1]} : vector<16xi32> to vector<1xi32>
    %squeeze3A_448 = vector.extract %slice3A_447[0] : i32 from vector<1xi32>
    %and3A_449 = arith.constant 127 : i32
    %and3A_450 = arith.andi %squeeze3A_448, %and3A_449 : i32
    %sub3A_451 = arith.subi %squeeze3A_448, %and3A_450 : i32
    %min3A_452 = arith.constant 999936 : i32
    %min3A_453 = arith.minsi %sub3A_451, %min3A_452 : i32
    %multiple_of3A_454 = tpu.assume_multiple %min3A_453, 128 : i32
    %dma_start3A_455 = arith.constant 2 : i32
    %dma_start3A_456 = arith.constant 2 : i32
    %dma_start3A_457 = arith.constant 0 : i32
    %dma_start3A_458 = arith.constant 0 : i32
    %dma_start3A_459 = tpu.memref_slice %arg9[%dma_start3A_455, %dma_start3A_456, %dma_start3A_457, %dma_start3A_458] : memref<3x4x32x128xf32, #tpu.memory_space<vmem>> -> memref<1x1x32x128xf32, #tpu.memory_space<vmem>>
    %dma_start3A_460 = tpu.memref_squeeze %dma_start3A_459 : memref<1x1x32x128xf32, #tpu.memory_space<vmem>> -> memref<32x128xf32, #tpu.memory_space<vmem>>
    %dma_start3A_461 = arith.constant 0 : i32
    %dma_start3A_462 = tpu.memref_slice %arg4[%dma_start3A_461, %multiple_of3A_454] : memref<32x1000000xf32, #tpu.memory_space<hbm>> -> memref<32x128xf32, #tpu.memory_space<hbm>>
    %dma_start3A_463 = arith.constant 0 : i32
    %dma_start3A_464 = arith.constant 0 : i32
    %dma_start3A_465 = tpu.memref_slice %arg9[%dma_start3A_455, %dma_start3A_456, %dma_start3A_463, %dma_start3A_464] : memref<3x4x32x128xf32, #tpu.memory_space<vmem>> -> memref<1x1x32x128xf32, #tpu.memory_space<vmem>>
    %dma_start3A_466 = tpu.memref_squeeze %dma_start3A_465 : memref<1x1x32x128xf32, #tpu.memory_space<vmem>> -> memref<32x128xf32, #tpu.memory_space<vmem>>
    %dma_start3A_467 = arith.constant 0 : i32
    %dma_start3A_468 = tpu.memref_slice %arg4[%dma_start3A_467, %multiple_of3A_454] : memref<32x1000000xf32, #tpu.memory_space<hbm>> -> memref<32x128xf32, #tpu.memory_space<hbm>>
    tpu.enqueue_dma source(%dma_start3A_468 : memref<32x128xf32, #tpu.memory_space<hbm>>) target(%dma_start3A_466 : memref<32x128xf32, #tpu.memory_space<vmem>>) target_semaphore(%arg14 : memref<!tpu.dma_semaphore, #tpu.memory_space<semaphore_mem>>)
    %slice3A_469 = vector.extract_strided_slice %get3A_358 {offsets = [2], sizes = [1], strides = [1]} : vector<16xi32> to vector<1xi32>
    %squeeze3A_470 = vector.extract %slice3A_469[0] : i32 from vector<1xi32>
    %and3A_471 = arith.constant 127 : i32
    %and3A_472 = arith.andi %squeeze3A_470, %and3A_471 : i32
    %sub3A_473 = arith.subi %squeeze3A_470, %and3A_472 : i32
    %min3A_474 = arith.constant 99968 : i32
    %min3A_475 = arith.minsi %sub3A_473, %min3A_474 : i32
    %multiple_of3A_476 = tpu.assume_multiple %min3A_475, 128 : i32
    %dma_start3A_477 = arith.constant 2 : i32
    %dma_start3A_478 = arith.constant 2 : i32
    %dma_start3A_479 = arith.constant 0 : i32
    %dma_start3A_480 = arith.constant 0 : i32
    %dma_start3A_481 = tpu.memref_slice %arg10[%dma_start3A_477, %dma_start3A_478, %dma_start3A_479, %dma_start3A_480] : memref<3x4x32x128xf32, #tpu.memory_space<vmem>> -> memref<1x1x32x128xf32, #tpu.memory_space<vmem>>
    %dma_start3A_482 = tpu.memref_squeeze %dma_start3A_481 : memref<1x1x32x128xf32, #tpu.memory_space<vmem>> -> memref<32x128xf32, #tpu.memory_space<vmem>>
    %dma_start3A_483 = arith.constant 0 : i32
    %dma_start3A_484 = tpu.memref_slice %arg5[%dma_start3A_483, %multiple_of3A_476] : memref<32x100000xf32, #tpu.memory_space<hbm>> -> memref<32x128xf32, #tpu.memory_space<hbm>>
    %dma_start3A_485 = arith.constant 0 : i32
    %dma_start3A_486 = arith.constant 0 : i32
    %dma_start3A_487 = tpu.memref_slice %arg10[%dma_start3A_477, %dma_start3A_478, %dma_start3A_485, %dma_start3A_486] : memref<3x4x32x128xf32, #tpu.memory_space<vmem>> -> memref<1x1x32x128xf32, #tpu.memory_space<vmem>>
    %dma_start3A_488 = tpu.memref_squeeze %dma_start3A_487 : memref<1x1x32x128xf32, #tpu.memory_space<vmem>> -> memref<32x128xf32, #tpu.memory_space<vmem>>
    %dma_start3A_489 = arith.constant 0 : i32
    %dma_start3A_490 = tpu.memref_slice %arg5[%dma_start3A_489, %multiple_of3A_476] : memref<32x100000xf32, #tpu.memory_space<hbm>> -> memref<32x128xf32, #tpu.memory_space<hbm>>
    tpu.enqueue_dma source(%dma_start3A_490 : memref<32x128xf32, #tpu.memory_space<hbm>>) target(%dma_start3A_488 : memref<32x128xf32, #tpu.memory_space<vmem>>) target_semaphore(%arg17 : memref<!tpu.dma_semaphore, #tpu.memory_space<semaphore_mem>>)
    %slice3A_491 = vector.extract_strided_slice %get3A_356 {offsets = [3], sizes = [1], strides = [1]} : vector<16xi32> to vector<1xi32>
    %squeeze3A_492 = vector.extract %slice3A_491[0] : i32 from vector<1xi32>
    %and3A_493 = arith.constant 127 : i32
    %and3A_494 = arith.andi %squeeze3A_492, %and3A_493 : i32
    %sub3A_495 = arith.subi %squeeze3A_492, %and3A_494 : i32
    %min3A_496 = arith.constant 999936 : i32
    %min3A_497 = arith.minsi %sub3A_495, %min3A_496 : i32
    %multiple_of3A_498 = tpu.assume_multiple %min3A_497, 128 : i32
    %dma_start3A_499 = arith.constant 2 : i32
    %dma_start3A_500 = arith.constant 3 : i32
    %dma_start3A_501 = arith.constant 0 : i32
    %dma_start3A_502 = arith.constant 0 : i32
    %dma_start3A_503 = tpu.memref_slice %arg9[%dma_start3A_499, %dma_start3A_500, %dma_start3A_501, %dma_start3A_502] : memref<3x4x32x128xf32, #tpu.memory_space<vmem>> -> memref<1x1x32x128xf32, #tpu.memory_space<vmem>>
    %dma_start3A_504 = tpu.memref_squeeze %dma_start3A_503 : memref<1x1x32x128xf32, #tpu.memory_space<vmem>> -> memref<32x128xf32, #tpu.memory_space<vmem>>
    %dma_start3A_505 = arith.constant 0 : i32
    %dma_start3A_506 = tpu.memref_slice %arg4[%dma_start3A_505, %multiple_of3A_498] : memref<32x1000000xf32, #tpu.memory_space<hbm>> -> memref<32x128xf32, #tpu.memory_space<hbm>>
    %dma_start3A_507 = arith.constant 0 : i32
    %dma_start3A_508 = arith.constant 0 : i32
    %dma_start3A_509 = tpu.memref_slice %arg9[%dma_start3A_499, %dma_start3A_500, %dma_start3A_507, %dma_start3A_508] : memref<3x4x32x128xf32, #tpu.memory_space<vmem>> -> memref<1x1x32x128xf32, #tpu.memory_space<vmem>>
    %dma_start3A_510 = tpu.memref_squeeze %dma_start3A_509 : memref<1x1x32x128xf32, #tpu.memory_space<vmem>> -> memref<32x128xf32, #tpu.memory_space<vmem>>
    %dma_start3A_511 = arith.constant 0 : i32
    %dma_start3A_512 = tpu.memref_slice %arg4[%dma_start3A_511, %multiple_of3A_498] : memref<32x1000000xf32, #tpu.memory_space<hbm>> -> memref<32x128xf32, #tpu.memory_space<hbm>>
    tpu.enqueue_dma source(%dma_start3A_512 : memref<32x128xf32, #tpu.memory_space<hbm>>) target(%dma_start3A_510 : memref<32x128xf32, #tpu.memory_space<vmem>>) target_semaphore(%arg14 : memref<!tpu.dma_semaphore, #tpu.memory_space<semaphore_mem>>)
    %slice3A_513 = vector.extract_strided_slice %get3A_358 {offsets = [3], sizes = [1], strides = [1]} : vector<16xi32> to vector<1xi32>
    %squeeze3A_514 = vector.extract %slice3A_513[0] : i32 from vector<1xi32>
    %and3A_515 = arith.constant 127 : i32
    %and3A_516 = arith.andi %squeeze3A_514, %and3A_515 : i32
    %sub3A_517 = arith.subi %squeeze3A_514, %and3A_516 : i32
    %min3A_518 = arith.constant 99968 : i32
    %min3A_519 = arith.minsi %sub3A_517, %min3A_518 : i32
    %multiple_of3A_520 = tpu.assume_multiple %min3A_519, 128 : i32
    %dma_start3A_521 = arith.constant 2 : i32
    %dma_start3A_522 = arith.constant 3 : i32
    %dma_start3A_523 = arith.constant 0 : i32
    %dma_start3A_524 = arith.constant 0 : i32
    %dma_start3A_525 = tpu.memref_slice %arg10[%dma_start3A_521, %dma_start3A_522, %dma_start3A_523, %dma_start3A_524] : memref<3x4x32x128xf32, #tpu.memory_space<vmem>> -> memref<1x1x32x128xf32, #tpu.memory_space<vmem>>
    %dma_start3A_526 = tpu.memref_squeeze %dma_start3A_525 : memref<1x1x32x128xf32, #tpu.memory_space<vmem>> -> memref<32x128xf32, #tpu.memory_space<vmem>>
    %dma_start3A_527 = arith.constant 0 : i32
    %dma_start3A_528 = tpu.memref_slice %arg5[%dma_start3A_527, %multiple_of3A_520] : memref<32x100000xf32, #tpu.memory_space<hbm>> -> memref<32x128xf32, #tpu.memory_space<hbm>>
    %dma_start3A_529 = arith.constant 0 : i32
    %dma_start3A_530 = arith.constant 0 : i32
    %dma_start3A_531 = tpu.memref_slice %arg10[%dma_start3A_521, %dma_start3A_522, %dma_start3A_529, %dma_start3A_530] : memref<3x4x32x128xf32, #tpu.memory_space<vmem>> -> memref<1x1x32x128xf32, #tpu.memory_space<vmem>>
    %dma_start3A_532 = tpu.memref_squeeze %dma_start3A_531 : memref<1x1x32x128xf32, #tpu.memory_space<vmem>> -> memref<32x128xf32, #tpu.memory_space<vmem>>
    %dma_start3A_533 = arith.constant 0 : i32
    %dma_start3A_534 = tpu.memref_slice %arg5[%dma_start3A_533, %multiple_of3A_520] : memref<32x100000xf32, #tpu.memory_space<hbm>> -> memref<32x128xf32, #tpu.memory_space<hbm>>
    tpu.enqueue_dma source(%dma_start3A_534 : memref<32x128xf32, #tpu.memory_space<hbm>>) target(%dma_start3A_532 : memref<32x128xf32, #tpu.memory_space<vmem>>) target_semaphore(%arg17 : memref<!tpu.dma_semaphore, #tpu.memory_space<semaphore_mem>>)
    %scan3A = arith.constant 0 : i32
    %scan3A_535 = arith.constant 0 : i32
    %scan3A_536 = arith.constant 43 : i32
    %scan3A_537 = arith.addi %scan3A_535, %scan3A_536 : i32
    %scan3A_538 = arith.constant 1 : i32
    scf.for %scan3A_540 = %scan3A_535 to %scan3A_537 step %scan3A_538  : i32 {
      %mul3A_541 = arith.constant 3 : i32
      %mul3A_542 = arith.muli %mul3A_541, %scan3A_540 : i32
      %mul3A_543 = arith.constant 3 : i32
      %mul3A_544 = arith.muli %mul3A_543, %scan3A_540 : i32
      %add3A_545 = arith.constant 1 : i32
      %add3A_546 = arith.addi %mul3A_544, %add3A_545 : i32
      %mul3A_547 = arith.constant 3 : i32
      %mul3A_548 = arith.muli %mul3A_547, %scan3A_540 : i32
      %add3A_549 = arith.constant 2 : i32
      %add3A_550 = arith.addi %mul3A_548, %add3A_549 : i32
      %dma_wait3A = arith.constant 0 : i32
      %dma_wait3A_551 = arith.constant 0 : i32
      %dma_wait3A_552 = arith.constant 0 : i32
      %dma_wait3A_553 = arith.constant 0 : i32
      %dma_wait3A_554 = tpu.memref_slice %arg9[%dma_wait3A, %dma_wait3A_551, %dma_wait3A_552, %dma_wait3A_553] : memref<3x4x32x128xf32, #tpu.memory_space<vmem>> -> memref<1x1x32x128xf32, #tpu.memory_space<vmem>>
      %dma_wait3A_555 = tpu.memref_squeeze %dma_wait3A_554 : memref<1x1x32x128xf32, #tpu.memory_space<vmem>> -> memref<32x128xf32, #tpu.memory_space<vmem>>
      %dma_wait3A_556 = arith.constant 0 : i32
      %dma_wait3A_557 = arith.constant 0 : i32
      %dma_wait3A_558 = tpu.memref_slice %arg4[%dma_wait3A_556, %dma_wait3A_557] : memref<32x1000000xf32, #tpu.memory_space<hbm>> -> memref<32x128xf32, #tpu.memory_space<hbm>>
      %dma_wait3A_559 = arith.constant 0 : i32
      %dma_wait3A_560 = arith.constant 0 : i32
      %dma_wait3A_561 = tpu.memref_slice %arg9[%dma_wait3A, %dma_wait3A_551, %dma_wait3A_559, %dma_wait3A_560] : memref<3x4x32x128xf32, #tpu.memory_space<vmem>> -> memref<1x1x32x128xf32, #tpu.memory_space<vmem>>
      %dma_wait3A_562 = tpu.memref_squeeze %dma_wait3A_561 : memref<1x1x32x128xf32, #tpu.memory_space<vmem>> -> memref<32x128xf32, #tpu.memory_space<vmem>>
      %dma_wait3A_563 = arith.constant 0 : i32
      %dma_wait3A_564 = arith.constant 0 : i32
      %dma_wait3A_565 = tpu.memref_slice %arg4[%dma_wait3A_563, %dma_wait3A_564] : memref<32x1000000xf32, #tpu.memory_space<hbm>> -> memref<32x128xf32, #tpu.memory_space<hbm>>
      tpu.wait_dma2 semaphore(%arg12 : memref<!tpu.dma_semaphore, #tpu.memory_space<semaphore_mem>>) src(%dma_wait3A_565 : memref<32x128xf32, #tpu.memory_space<hbm>>) dst(%dma_wait3A_562 : memref<32x128xf32, #tpu.memory_space<vmem>>)
      %dma_wait3A_566 = arith.constant 0 : i32
      %dma_wait3A_567 = arith.constant 0 : i32
      %dma_wait3A_568 = arith.constant 0 : i32
      %dma_wait3A_569 = arith.constant 0 : i32
      %dma_wait3A_570 = tpu.memref_slice %arg10[%dma_wait3A_566, %dma_wait3A_567, %dma_wait3A_568, %dma_wait3A_569] : memref<3x4x32x128xf32, #tpu.memory_space<vmem>> -> memref<1x1x32x128xf32, #tpu.memory_space<vmem>>
      %dma_wait3A_571 = tpu.memref_squeeze %dma_wait3A_570 : memref<1x1x32x128xf32, #tpu.memory_space<vmem>> -> memref<32x128xf32, #tpu.memory_space<vmem>>
      %dma_wait3A_572 = arith.constant 0 : i32
      %dma_wait3A_573 = arith.constant 0 : i32
      %dma_wait3A_574 = tpu.memref_slice %arg5[%dma_wait3A_572, %dma_wait3A_573] : memref<32x100000xf32, #tpu.memory_space<hbm>> -> memref<32x128xf32, #tpu.memory_space<hbm>>
      %dma_wait3A_575 = arith.constant 0 : i32
      %dma_wait3A_576 = arith.constant 0 : i32
      %dma_wait3A_577 = tpu.memref_slice %arg10[%dma_wait3A_566, %dma_wait3A_567, %dma_wait3A_575, %dma_wait3A_576] : memref<3x4x32x128xf32, #tpu.memory_space<vmem>> -> memref<1x1x32x128xf32, #tpu.memory_space<vmem>>
      %dma_wait3A_578 = tpu.memref_squeeze %dma_wait3A_577 : memref<1x1x32x128xf32, #tpu.memory_space<vmem>> -> memref<32x128xf32, #tpu.memory_space<vmem>>
      %dma_wait3A_579 = arith.constant 0 : i32
      %dma_wait3A_580 = arith.constant 0 : i32
      %dma_wait3A_581 = tpu.memref_slice %arg5[%dma_wait3A_579, %dma_wait3A_580] : memref<32x100000xf32, #tpu.memory_space<hbm>> -> memref<32x128xf32, #tpu.memory_space<hbm>>
      tpu.wait_dma2 semaphore(%arg15 : memref<!tpu.dma_semaphore, #tpu.memory_space<semaphore_mem>>) src(%dma_wait3A_581 : memref<32x128xf32, #tpu.memory_space<hbm>>) dst(%dma_wait3A_578 : memref<32x128xf32, #tpu.memory_space<vmem>>)
      %dma_wait3A_582 = arith.constant 0 : i32
      %dma_wait3A_583 = arith.constant 1 : i32
      %dma_wait3A_584 = arith.constant 0 : i32
      %dma_wait3A_585 = arith.constant 0 : i32
      %dma_wait3A_586 = tpu.memref_slice %arg9[%dma_wait3A_582, %dma_wait3A_583, %dma_wait3A_584, %dma_wait3A_585] : memref<3x4x32x128xf32, #tpu.memory_space<vmem>> -> memref<1x1x32x128xf32, #tpu.memory_space<vmem>>
      %dma_wait3A_587 = tpu.memref_squeeze %dma_wait3A_586 : memref<1x1x32x128xf32, #tpu.memory_space<vmem>> -> memref<32x128xf32, #tpu.memory_space<vmem>>
      %dma_wait3A_588 = arith.constant 0 : i32
      %dma_wait3A_589 = arith.constant 0 : i32
      %dma_wait3A_590 = tpu.memref_slice %arg4[%dma_wait3A_588, %dma_wait3A_589] : memref<32x1000000xf32, #tpu.memory_space<hbm>> -> memref<32x128xf32, #tpu.memory_space<hbm>>
      %dma_wait3A_591 = arith.constant 0 : i32
      %dma_wait3A_592 = arith.constant 0 : i32
      %dma_wait3A_593 = tpu.memref_slice %arg9[%dma_wait3A_582, %dma_wait3A_583, %dma_wait3A_591, %dma_wait3A_592] : memref<3x4x32x128xf32, #tpu.memory_space<vmem>> -> memref<1x1x32x128xf32, #tpu.memory_space<vmem>>
      %dma_wait3A_594 = tpu.memref_squeeze %dma_wait3A_593 : memref<1x1x32x128xf32, #tpu.memory_space<vmem>> -> memref<32x128xf32, #tpu.memory_space<vmem>>
      %dma_wait3A_595 = arith.constant 0 : i32
      %dma_wait3A_596 = arith.constant 0 : i32
      %dma_wait3A_597 = tpu.memref_slice %arg4[%dma_wait3A_595, %dma_wait3A_596] : memref<32x1000000xf32, #tpu.memory_space<hbm>> -> memref<32x128xf32, #tpu.memory_space<hbm>>
      tpu.wait_dma2 semaphore(%arg12 : memref<!tpu.dma_semaphore, #tpu.memory_space<semaphore_mem>>) src(%dma_wait3A_597 : memref<32x128xf32, #tpu.memory_space<hbm>>) dst(%dma_wait3A_594 : memref<32x128xf32, #tpu.memory_space<vmem>>)
      %dma_wait3A_598 = arith.constant 0 : i32
      %dma_wait3A_599 = arith.constant 1 : i32
      %dma_wait3A_600 = arith.constant 0 : i32
      %dma_wait3A_601 = arith.constant 0 : i32
      %dma_wait3A_602 = tpu.memref_slice %arg10[%dma_wait3A_598, %dma_wait3A_599, %dma_wait3A_600, %dma_wait3A_601] : memref<3x4x32x128xf32, #tpu.memory_space<vmem>> -> memref<1x1x32x128xf32, #tpu.memory_space<vmem>>
      %dma_wait3A_603 = tpu.memref_squeeze %dma_wait3A_602 : memref<1x1x32x128xf32, #tpu.memory_space<vmem>> -> memref<32x128xf32, #tpu.memory_space<vmem>>
      %dma_wait3A_604 = arith.constant 0 : i32
      %dma_wait3A_605 = arith.constant 0 : i32
      %dma_wait3A_606 = tpu.memref_slice %arg5[%dma_wait3A_604, %dma_wait3A_605] : memref<32x100000xf32, #tpu.memory_space<hbm>> -> memref<32x128xf32, #tpu.memory_space<hbm>>
      %dma_wait3A_607 = arith.constant 0 : i32
      %dma_wait3A_608 = arith.constant 0 : i32
      %dma_wait3A_609 = tpu.memref_slice %arg10[%dma_wait3A_598, %dma_wait3A_599, %dma_wait3A_607, %dma_wait3A_608] : memref<3x4x32x128xf32, #tpu.memory_space<vmem>> -> memref<1x1x32x128xf32, #tpu.memory_space<vmem>>
      %dma_wait3A_610 = tpu.memref_squeeze %dma_wait3A_609 : memref<1x1x32x128xf32, #tpu.memory_space<vmem>> -> memref<32x128xf32, #tpu.memory_space<vmem>>
      %dma_wait3A_611 = arith.constant 0 : i32
      %dma_wait3A_612 = arith.constant 0 : i32
      %dma_wait3A_613 = tpu.memref_slice %arg5[%dma_wait3A_611, %dma_wait3A_612] : memref<32x100000xf32, #tpu.memory_space<hbm>> -> memref<32x128xf32, #tpu.memory_space<hbm>>
      tpu.wait_dma2 semaphore(%arg15 : memref<!tpu.dma_semaphore, #tpu.memory_space<semaphore_mem>>) src(%dma_wait3A_613 : memref<32x128xf32, #tpu.memory_space<hbm>>) dst(%dma_wait3A_610 : memref<32x128xf32, #tpu.memory_space<vmem>>)
      %dma_wait3A_614 = arith.constant 0 : i32
      %dma_wait3A_615 = arith.constant 2 : i32
      %dma_wait3A_616 = arith.constant 0 : i32
      %dma_wait3A_617 = arith.constant 0 : i32
      %dma_wait3A_618 = tpu.memref_slice %arg9[%dma_wait3A_614, %dma_wait3A_615, %dma_wait3A_616, %dma_wait3A_617] : memref<3x4x32x128xf32, #tpu.memory_space<vmem>> -> memref<1x1x32x128xf32, #tpu.memory_space<vmem>>
      %dma_wait3A_619 = tpu.memref_squeeze %dma_wait3A_618 : memref<1x1x32x128xf32, #tpu.memory_space<vmem>> -> memref<32x128xf32, #tpu.memory_space<vmem>>
      %dma_wait3A_620 = arith.constant 0 : i32
      %dma_wait3A_621 = arith.constant 0 : i32
      %dma_wait3A_622 = tpu.memref_slice %arg4[%dma_wait3A_620, %dma_wait3A_621] : memref<32x1000000xf32, #tpu.memory_space<hbm>> -> memref<32x128xf32, #tpu.memory_space<hbm>>
      %dma_wait3A_623 = arith.constant 0 : i32
      %dma_wait3A_624 = arith.constant 0 : i32
      %dma_wait3A_625 = tpu.memref_slice %arg9[%dma_wait3A_614, %dma_wait3A_615, %dma_wait3A_623, %dma_wait3A_624] : memref<3x4x32x128xf32, #tpu.memory_space<vmem>> -> memref<1x1x32x128xf32, #tpu.memory_space<vmem>>
      %dma_wait3A_626 = tpu.memref_squeeze %dma_wait3A_625 : memref<1x1x32x128xf32, #tpu.memory_space<vmem>> -> memref<32x128xf32, #tpu.memory_space<vmem>>
      %dma_wait3A_627 = arith.constant 0 : i32
      %dma_wait3A_628 = arith.constant 0 : i32
      %dma_wait3A_629 = tpu.memref_slice %arg4[%dma_wait3A_627, %dma_wait3A_628] : memref<32x1000000xf32, #tpu.memory_space<hbm>> -> memref<32x128xf32, #tpu.memory_space<hbm>>
      tpu.wait_dma2 semaphore(%arg12 : memref<!tpu.dma_semaphore, #tpu.memory_space<semaphore_mem>>) src(%dma_wait3A_629 : memref<32x128xf32, #tpu.memory_space<hbm>>) dst(%dma_wait3A_626 : memref<32x128xf32, #tpu.memory_space<vmem>>)
      %dma_wait3A_630 = arith.constant 0 : i32
      %dma_wait3A_631 = arith.constant 2 : i32
      %dma_wait3A_632 = arith.constant 0 : i32
      %dma_wait3A_633 = arith.constant 0 : i32
      %dma_wait3A_634 = tpu.memref_slice %arg10[%dma_wait3A_630, %dma_wait3A_631, %dma_wait3A_632, %dma_wait3A_633] : memref<3x4x32x128xf32, #tpu.memory_space<vmem>> -> memref<1x1x32x128xf32, #tpu.memory_space<vmem>>
      %dma_wait3A_635 = tpu.memref_squeeze %dma_wait3A_634 : memref<1x1x32x128xf32, #tpu.memory_space<vmem>> -> memref<32x128xf32, #tpu.memory_space<vmem>>
      %dma_wait3A_636 = arith.constant 0 : i32
      %dma_wait3A_637 = arith.constant 0 : i32
      %dma_wait3A_638 = tpu.memref_slice %arg5[%dma_wait3A_636, %dma_wait3A_637] : memref<32x100000xf32, #tpu.memory_space<hbm>> -> memref<32x128xf32, #tpu.memory_space<hbm>>
      %dma_wait3A_639 = arith.constant 0 : i32
      %dma_wait3A_640 = arith.constant 0 : i32
      %dma_wait3A_641 = tpu.memref_slice %arg10[%dma_wait3A_630, %dma_wait3A_631, %dma_wait3A_639, %dma_wait3A_640] : memref<3x4x32x128xf32, #tpu.memory_space<vmem>> -> memref<1x1x32x128xf32, #tpu.memory_space<vmem>>
      %dma_wait3A_642 = tpu.memref_squeeze %dma_wait3A_641 : memref<1x1x32x128xf32, #tpu.memory_space<vmem>> -> memref<32x128xf32, #tpu.memory_space<vmem>>
      %dma_wait3A_643 = arith.constant 0 : i32
      %dma_wait3A_644 = arith.constant 0 : i32
      %dma_wait3A_645 = tpu.memref_slice %arg5[%dma_wait3A_643, %dma_wait3A_644] : memref<32x100000xf32, #tpu.memory_space<hbm>> -> memref<32x128xf32, #tpu.memory_space<hbm>>
      tpu.wait_dma2 semaphore(%arg15 : memref<!tpu.dma_semaphore, #tpu.memory_space<semaphore_mem>>) src(%dma_wait3A_645 : memref<32x128xf32, #tpu.memory_space<hbm>>) dst(%dma_wait3A_642 : memref<32x128xf32, #tpu.memory_space<vmem>>)
      %dma_wait3A_646 = arith.constant 0 : i32
      %dma_wait3A_647 = arith.constant 3 : i32
      %dma_wait3A_648 = arith.constant 0 : i32
      %dma_wait3A_649 = arith.constant 0 : i32
      %dma_wait3A_650 = tpu.memref_slice %arg9[%dma_wait3A_646, %dma_wait3A_647, %dma_wait3A_648, %dma_wait3A_649] : memref<3x4x32x128xf32, #tpu.memory_space<vmem>> -> memref<1x1x32x128xf32, #tpu.memory_space<vmem>>
      %dma_wait3A_651 = tpu.memref_squeeze %dma_wait3A_650 : memref<1x1x32x128xf32, #tpu.memory_space<vmem>> -> memref<32x128xf32, #tpu.memory_space<vmem>>
      %dma_wait3A_652 = arith.constant 0 : i32
      %dma_wait3A_653 = arith.constant 0 : i32
      %dma_wait3A_654 = tpu.memref_slice %arg4[%dma_wait3A_652, %dma_wait3A_653] : memref<32x1000000xf32, #tpu.memory_space<hbm>> -> memref<32x128xf32, #tpu.memory_space<hbm>>
      %dma_wait3A_655 = arith.constant 0 : i32
      %dma_wait3A_656 = arith.constant 0 : i32
      %dma_wait3A_657 = tpu.memref_slice %arg9[%dma_wait3A_646, %dma_wait3A_647, %dma_wait3A_655, %dma_wait3A_656] : memref<3x4x32x128xf32, #tpu.memory_space<vmem>> -> memref<1x1x32x128xf32, #tpu.memory_space<vmem>>
      %dma_wait3A_658 = tpu.memref_squeeze %dma_wait3A_657 : memref<1x1x32x128xf32, #tpu.memory_space<vmem>> -> memref<32x128xf32, #tpu.memory_space<vmem>>
      %dma_wait3A_659 = arith.constant 0 : i32
      %dma_wait3A_660 = arith.constant 0 : i32
      %dma_wait3A_661 = tpu.memref_slice %arg4[%dma_wait3A_659, %dma_wait3A_660] : memref<32x1000000xf32, #tpu.memory_space<hbm>> -> memref<32x128xf32, #tpu.memory_space<hbm>>
      tpu.wait_dma2 semaphore(%arg12 : memref<!tpu.dma_semaphore, #tpu.memory_space<semaphore_mem>>) src(%dma_wait3A_661 : memref<32x128xf32, #tpu.memory_space<hbm>>) dst(%dma_wait3A_658 : memref<32x128xf32, #tpu.memory_space<vmem>>)
      %dma_wait3A_662 = arith.constant 0 : i32
      %dma_wait3A_663 = arith.constant 3 : i32
      %dma_wait3A_664 = arith.constant 0 : i32
      %dma_wait3A_665 = arith.constant 0 : i32
      %dma_wait3A_666 = tpu.memref_slice %arg10[%dma_wait3A_662, %dma_wait3A_663, %dma_wait3A_664, %dma_wait3A_665] : memref<3x4x32x128xf32, #tpu.memory_space<vmem>> -> memref<1x1x32x128xf32, #tpu.memory_space<vmem>>
      %dma_wait3A_667 = tpu.memref_squeeze %dma_wait3A_666 : memref<1x1x32x128xf32, #tpu.memory_space<vmem>> -> memref<32x128xf32, #tpu.memory_space<vmem>>
      %dma_wait3A_668 = arith.constant 0 : i32
      %dma_wait3A_669 = arith.constant 0 : i32
      %dma_wait3A_670 = tpu.memref_slice %arg5[%dma_wait3A_668, %dma_wait3A_669] : memref<32x100000xf32, #tpu.memory_space<hbm>> -> memref<32x128xf32, #tpu.memory_space<hbm>>
      %dma_wait3A_671 = arith.constant 0 : i32
      %dma_wait3A_672 = arith.constant 0 : i32
      %dma_wait3A_673 = tpu.memref_slice %arg10[%dma_wait3A_662, %dma_wait3A_663, %dma_wait3A_671, %dma_wait3A_672] : memref<3x4x32x128xf32, #tpu.memory_space<vmem>> -> memref<1x1x32x128xf32, #tpu.memory_space<vmem>>
      %dma_wait3A_674 = tpu.memref_squeeze %dma_wait3A_673 : memref<1x1x32x128xf32, #tpu.memory_space<vmem>> -> memref<32x128xf32, #tpu.memory_space<vmem>>
      %dma_wait3A_675 = arith.constant 0 : i32
      %dma_wait3A_676 = arith.constant 0 : i32
      %dma_wait3A_677 = tpu.memref_slice %arg5[%dma_wait3A_675, %dma_wait3A_676] : memref<32x100000xf32, #tpu.memory_space<hbm>> -> memref<32x128xf32, #tpu.memory_space<hbm>>
      tpu.wait_dma2 semaphore(%arg15 : memref<!tpu.dma_semaphore, #tpu.memory_space<semaphore_mem>>) src(%dma_wait3A_677 : memref<32x128xf32, #tpu.memory_space<hbm>>) dst(%dma_wait3A_674 : memref<32x128xf32, #tpu.memory_space<vmem>>)
      %mul3A_678 = arith.constant 4 : i32
      %mul3A_679 = arith.muli %mul3A_542, %mul3A_678 : i32
      %get3A_680 = arith.index_cast %mul3A_679 : i32 to index
      %get3A_681 = tpu.vector_load %arg7[%get3A_680] {strides = array<i32>} : memref<528xi32, #tpu.memory_space<vmem>>, vector<16xi32>,
      %mul3A_682 = arith.constant 4 : i32
      %mul3A_683 = arith.muli %mul3A_542, %mul3A_682 : i32
      %get3A_684 = arith.index_cast %mul3A_683 : i32 to index
      %get3A_685 = tpu.vector_load %arg8[%get3A_684] {strides = array<i32>} : memref<528xi32, #tpu.memory_space<vmem>>, vector<16xi32>,
      %mul3A_686 = arith.constant 4 : i32
      %mul3A_687 = arith.muli %mul3A_542, %mul3A_686 : i32
      %add3A_688 = arith.constant 0 : i32
      %add3A_689 = arith.addi %mul3A_687, %add3A_688 : i32
      %and3A_690 = arith.constant 127 : i32
      %and3A_691 = arith.andi %add3A_689, %and3A_690 : i32
      %slice3A_692 = vector.extract_strided_slice %get3A_681 {offsets = [0], sizes = [1], strides = [1]} : vector<16xi32> to vector<1xi32>
      %squeeze3A_693 = vector.extract %slice3A_692[0] : i32 from vector<1xi32>
      %and3A_694 = arith.constant 127 : i32
      %and3A_695 = arith.andi %squeeze3A_693, %and3A_694 : i32
      %sub3A_696 = arith.subi %squeeze3A_693, %and3A_695 : i32
      %min3A_697 = arith.constant 999936 : i32
      %min3A_698 = arith.minsi %sub3A_696, %min3A_697 : i32
      %sub3A_699 = arith.subi %squeeze3A_693, %min3A_698 : i32
      %broadcast_in_dim3A = vector.broadcast %sub3A_699 : i32 to vector<16xi32>
      %broadcast_in_dim3A_700 = vector.broadcast %and3A_691 : i32 to vector<16xi32>
      %gather3A = arith.constant 0 : i32
      %gather3A_701 = arith.constant 0 : i32
      %gather3A_702 = arith.constant 0 : i32
      %gather3A_703 = arith.constant 0 : i32
      %gather3A_704 = tpu.memref_slice %arg9[%gather3A, %gather3A_701, %gather3A_702, %gather3A_703] : memref<3x4x32x128xf32, #tpu.memory_space<vmem>> -> memref<1x1x32x128xf32, #tpu.memory_space<vmem>>
      %gather3A_705 = tpu.memref_squeeze %gather3A_704 : memref<1x1x32x128xf32, #tpu.memory_space<vmem>> -> memref<32x128xf32, #tpu.memory_space<vmem>>
      %gather3A_706 = tpu.vector_load_idx %gather3A_705[%iota3A, %broadcast_in_dim3A] : memref<32x128xf32, #tpu.memory_space<vmem>>[vector<16xi32>, vector<16xi32>], vector<16xf32>,
      %add3A_707 = arith.constant 16 : i32
      %add3A_708 = vector.broadcast %add3A_707 : i32 to vector<16xi32>
      %add3A_709 = arith.addi %iota3A, %add3A_708 : vector<16xi32>
      %gather3A_710 = arith.constant 0 : i32
      %gather3A_711 = arith.constant 0 : i32
      %gather3A_712 = arith.constant 0 : i32
      %gather3A_713 = arith.constant 0 : i32
      %gather3A_714 = tpu.memref_slice %arg9[%gather3A_710, %gather3A_711, %gather3A_712, %gather3A_713] : memref<3x4x32x128xf32, #tpu.memory_space<vmem>> -> memref<1x1x32x128xf32, #tpu.memory_space<vmem>>
      %gather3A_715 = tpu.memref_squeeze %gather3A_714 : memref<1x1x32x128xf32, #tpu.memory_space<vmem>> -> memref<32x128xf32, #tpu.memory_space<vmem>>
      %gather3A_716 = tpu.vector_load_idx %gather3A_715[%add3A_709, %broadcast_in_dim3A] : memref<32x128xf32, #tpu.memory_space<vmem>>[vector<16xi32>, vector<16xi32>], vector<16xf32>,
      %add3A_717 = arith.constant 0 : i32
      %add3A_718 = vector.broadcast %add3A_717 : i32 to vector<16xi32>
      %add3A_719 = arith.addi %iota3A, %add3A_718 : vector<16xi32>
      tpu.vector_store_idx %arg11[%broadcast_in_dim3A_700, %add3A_719], %gather3A_706 : memref<128x128xf32, #tpu.memory_space<vmem>>[vector<16xi32>, vector<16xi32>], vector<16xf32>,
      %add3A_720 = arith.constant 16 : i32
      %add3A_721 = vector.broadcast %add3A_720 : i32 to vector<16xi32>
      %add3A_722 = arith.addi %iota3A, %add3A_721 : vector<16xi32>
      tpu.vector_store_idx %arg11[%broadcast_in_dim3A_700, %add3A_722], %gather3A_716 : memref<128x128xf32, #tpu.memory_space<vmem>>[vector<16xi32>, vector<16xi32>], vector<16xf32>,
      %slice3A_723 = vector.extract_strided_slice %get3A_685 {offsets = [0], sizes = [1], strides = [1]} : vector<16xi32> to vector<1xi32>
      %squeeze3A_724 = vector.extract %slice3A_723[0] : i32 from vector<1xi32>
      %and3A_725 = arith.constant 127 : i32
      %and3A_726 = arith.andi %squeeze3A_724, %and3A_725 : i32
      %sub3A_727 = arith.subi %squeeze3A_724, %and3A_726 : i32
      %min3A_728 = arith.constant 99968 : i32
      %min3A_729 = arith.minsi %sub3A_727, %min3A_728 : i32
      %sub3A_730 = arith.subi %squeeze3A_724, %min3A_729 : i32
      %broadcast_in_dim3A_731 = vector.broadcast %sub3A_730 : i32 to vector<16xi32>
      %broadcast_in_dim3A_732 = vector.broadcast %and3A_691 : i32 to vector<16xi32>
      %gather3A_733 = arith.constant 0 : i32
      %gather3A_734 = arith.constant 0 : i32
      %gather3A_735 = arith.constant 0 : i32
      %gather3A_736 = arith.constant 0 : i32
      %gather3A_737 = tpu.memref_slice %arg10[%gather3A_733, %gather3A_734, %gather3A_735, %gather3A_736] : memref<3x4x32x128xf32, #tpu.memory_space<vmem>> -> memref<1x1x32x128xf32, #tpu.memory_space<vmem>>
      %gather3A_738 = tpu.memref_squeeze %gather3A_737 : memref<1x1x32x128xf32, #tpu.memory_space<vmem>> -> memref<32x128xf32, #tpu.memory_space<vmem>>
      %gather3A_739 = tpu.vector_load_idx %gather3A_738[%iota3A, %broadcast_in_dim3A_731] : memref<32x128xf32, #tpu.memory_space<vmem>>[vector<16xi32>, vector<16xi32>], vector<16xf32>,
      %add3A_740 = arith.constant 16 : i32
      %add3A_741 = vector.broadcast %add3A_740 : i32 to vector<16xi32>
      %add3A_742 = arith.addi %iota3A, %add3A_741 : vector<16xi32>
      %gather3A_743 = arith.constant 0 : i32
      %gather3A_744 = arith.constant 0 : i32
      %gather3A_745 = arith.constant 0 : i32
      %gather3A_746 = arith.constant 0 : i32
      %gather3A_747 = tpu.memref_slice %arg10[%gather3A_743, %gather3A_744, %gather3A_745, %gather3A_746] : memref<3x4x32x128xf32, #tpu.memory_space<vmem>> -> memref<1x1x32x128xf32, #tpu.memory_space<vmem>>
      %gather3A_748 = tpu.memref_squeeze %gather3A_747 : memref<1x1x32x128xf32, #tpu.memory_space<vmem>> -> memref<32x128xf32, #tpu.memory_space<vmem>>
      %gather3A_749 = tpu.vector_load_idx %gather3A_748[%add3A_742, %broadcast_in_dim3A_731] : memref<32x128xf32, #tpu.memory_space<vmem>>[vector<16xi32>, vector<16xi32>], vector<16xf32>,
      %add3A_750 = arith.constant 32 : i32
      %add3A_751 = vector.broadcast %add3A_750 : i32 to vector<16xi32>
      %add3A_752 = arith.addi %iota3A, %add3A_751 : vector<16xi32>
      tpu.vector_store_idx %arg11[%broadcast_in_dim3A_732, %add3A_752], %gather3A_739 : memref<128x128xf32, #tpu.memory_space<vmem>>[vector<16xi32>, vector<16xi32>], vector<16xf32>,
      %add3A_753 = arith.constant 48 : i32
      %add3A_754 = vector.broadcast %add3A_753 : i32 to vector<16xi32>
      %add3A_755 = arith.addi %iota3A, %add3A_754 : vector<16xi32>
      tpu.vector_store_idx %arg11[%broadcast_in_dim3A_732, %add3A_755], %gather3A_749 : memref<128x128xf32, #tpu.memory_space<vmem>>[vector<16xi32>, vector<16xi32>], vector<16xf32>,
      %mul3A_756 = arith.constant 4 : i32
      %mul3A_757 = arith.muli %mul3A_542, %mul3A_756 : i32
      %add3A_758 = arith.constant 1 : i32
      %add3A_759 = arith.addi %mul3A_757, %add3A_758 : i32
      %and3A_760 = arith.constant 127 : i32
      %and3A_761 = arith.andi %add3A_759, %and3A_760 : i32
      %slice3A_762 = vector.extract_strided_slice %get3A_681 {offsets = [1], sizes = [1], strides = [1]} : vector<16xi32> to vector<1xi32>
      %squeeze3A_763 = vector.extract %slice3A_762[0] : i32 from vector<1xi32>
      %and3A_764 = arith.constant 127 : i32
      %and3A_765 = arith.andi %squeeze3A_763, %and3A_764 : i32
      %sub3A_766 = arith.subi %squeeze3A_763, %and3A_765 : i32
      %min3A_767 = arith.constant 999936 : i32
      %min3A_768 = arith.minsi %sub3A_766, %min3A_767 : i32
      %sub3A_769 = arith.subi %squeeze3A_763, %min3A_768 : i32
      %broadcast_in_dim3A_770 = vector.broadcast %sub3A_769 : i32 to vector<16xi32>
      %broadcast_in_dim3A_771 = vector.broadcast %and3A_761 : i32 to vector<16xi32>
      %gather3A_772 = arith.constant 0 : i32
      %gather3A_773 = arith.constant 1 : i32
      %gather3A_774 = arith.constant 0 : i32
      %gather3A_775 = arith.constant 0 : i32
      %gather3A_776 = tpu.memref_slice %arg9[%gather3A_772, %gather3A_773, %gather3A_774, %gather3A_775] : memref<3x4x32x128xf32, #tpu.memory_space<vmem>> -> memref<1x1x32x128xf32, #tpu.memory_space<vmem>>
      %gather3A_777 = tpu.memref_squeeze %gather3A_776 : memref<1x1x32x128xf32, #tpu.memory_space<vmem>> -> memref<32x128xf32, #tpu.memory_space<vmem>>
      %gather3A_778 = tpu.vector_load_idx %gather3A_777[%iota3A, %broadcast_in_dim3A_770] : memref<32x128xf32, #tpu.memory_space<vmem>>[vector<16xi32>, vector<16xi32>], vector<16xf32>,
      %add3A_779 = arith.constant 16 : i32
      %add3A_780 = vector.broadcast %add3A_779 : i32 to vector<16xi32>
      %add3A_781 = arith.addi %iota3A, %add3A_780 : vector<16xi32>
      %gather3A_782 = arith.constant 0 : i32
      %gather3A_783 = arith.constant 1 : i32
      %gather3A_784 = arith.constant 0 : i32
      %gather3A_785 = arith.constant 0 : i32
      %gather3A_786 = tpu.memref_slice %arg9[%gather3A_782, %gather3A_783, %gather3A_784, %gather3A_785] : memref<3x4x32x128xf32, #tpu.memory_space<vmem>> -> memref<1x1x32x128xf32, #tpu.memory_space<vmem>>
      %gather3A_787 = tpu.memref_squeeze %gather3A_786 : memref<1x1x32x128xf32, #tpu.memory_space<vmem>> -> memref<32x128xf32, #tpu.memory_space<vmem>>
      %gather3A_788 = tpu.vector_load_idx %gather3A_787[%add3A_781, %broadcast_in_dim3A_770] : memref<32x128xf32, #tpu.memory_space<vmem>>[vector<16xi32>, vector<16xi32>], vector<16xf32>,
      %add3A_789 = arith.constant 0 : i32
      %add3A_790 = vector.broadcast %add3A_789 : i32 to vector<16xi32>
      %add3A_791 = arith.addi %iota3A, %add3A_790 : vector<16xi32>
      tpu.vector_store_idx %arg11[%broadcast_in_dim3A_771, %add3A_791], %gather3A_778 : memref<128x128xf32, #tpu.memory_space<vmem>>[vector<16xi32>, vector<16xi32>], vector<16xf32>,
      %add3A_792 = arith.constant 16 : i32
      %add3A_793 = vector.broadcast %add3A_792 : i32 to vector<16xi32>
      %add3A_794 = arith.addi %iota3A, %add3A_793 : vector<16xi32>
      tpu.vector_store_idx %arg11[%broadcast_in_dim3A_771, %add3A_794], %gather3A_788 : memref<128x128xf32, #tpu.memory_space<vmem>>[vector<16xi32>, vector<16xi32>], vector<16xf32>,
      %slice3A_795 = vector.extract_strided_slice %get3A_685 {offsets = [1], sizes = [1], strides = [1]} : vector<16xi32> to vector<1xi32>
      %squeeze3A_796 = vector.extract %slice3A_795[0] : i32 from vector<1xi32>
      %and3A_797 = arith.constant 127 : i32
      %and3A_798 = arith.andi %squeeze3A_796, %and3A_797 : i32
      %sub3A_799 = arith.subi %squeeze3A_796, %and3A_798 : i32
      %min3A_800 = arith.constant 99968 : i32
      %min3A_801 = arith.minsi %sub3A_799, %min3A_800 : i32
      %sub3A_802 = arith.subi %squeeze3A_796, %min3A_801 : i32
      %broadcast_in_dim3A_803 = vector.broadcast %sub3A_802 : i32 to vector<16xi32>
      %broadcast_in_dim3A_804 = vector.broadcast %and3A_761 : i32 to vector<16xi32>
      %gather3A_805 = arith.constant 0 : i32
      %gather3A_806 = arith.constant 1 : i32
      %gather3A_807 = arith.constant 0 : i32
      %gather3A_808 = arith.constant 0 : i32
      %gather3A_809 = tpu.memref_slice %arg10[%gather3A_805, %gather3A_806, %gather3A_807, %gather3A_808] : memref<3x4x32x128xf32, #tpu.memory_space<vmem>> -> memref<1x1x32x128xf32, #tpu.memory_space<vmem>>
      %gather3A_810 = tpu.memref_squeeze %gather3A_809 : memref<1x1x32x128xf32, #tpu.memory_space<vmem>> -> memref<32x128xf32, #tpu.memory_space<vmem>>
      %gather3A_811 = tpu.vector_load_idx %gather3A_810[%iota3A, %broadcast_in_dim3A_803] : memref<32x128xf32, #tpu.memory_space<vmem>>[vector<16xi32>, vector<16xi32>], vector<16xf32>,
      %add3A_812 = arith.constant 16 : i32
      %add3A_813 = vector.broadcast %add3A_812 : i32 to vector<16xi32>
      %add3A_814 = arith.addi %iota3A, %add3A_813 : vector<16xi32>
      %gather3A_815 = arith.constant 0 : i32
      %gather3A_816 = arith.constant 1 : i32
      %gather3A_817 = arith.constant 0 : i32
      %gather3A_818 = arith.constant 0 : i32
      %gather3A_819 = tpu.memref_slice %arg10[%gather3A_815, %gather3A_816, %gather3A_817, %gather3A_818] : memref<3x4x32x128xf32, #tpu.memory_space<vmem>> -> memref<1x1x32x128xf32, #tpu.memory_space<vmem>>
      %gather3A_820 = tpu.memref_squeeze %gather3A_819 : memref<1x1x32x128xf32, #tpu.memory_space<vmem>> -> memref<32x128xf32, #tpu.memory_space<vmem>>
      %gather3A_821 = tpu.vector_load_idx %gather3A_820[%add3A_814, %broadcast_in_dim3A_803] : memref<32x128xf32, #tpu.memory_space<vmem>>[vector<16xi32>, vector<16xi32>], vector<16xf32>,
      %add3A_822 = arith.constant 32 : i32
      %add3A_823 = vector.broadcast %add3A_822 : i32 to vector<16xi32>
      %add3A_824 = arith.addi %iota3A, %add3A_823 : vector<16xi32>
      tpu.vector_store_idx %arg11[%broadcast_in_dim3A_804, %add3A_824], %gather3A_811 : memref<128x128xf32, #tpu.memory_space<vmem>>[vector<16xi32>, vector<16xi32>], vector<16xf32>,
      %add3A_825 = arith.constant 48 : i32
      %add3A_826 = vector.broadcast %add3A_825 : i32 to vector<16xi32>
      %add3A_827 = arith.addi %iota3A, %add3A_826 : vector<16xi32>
      tpu.vector_store_idx %arg11[%broadcast_in_dim3A_804, %add3A_827], %gather3A_821 : memref<128x128xf32, #tpu.memory_space<vmem>>[vector<16xi32>, vector<16xi32>], vector<16xf32>,
      %mul3A_828 = arith.constant 4 : i32
      %mul3A_829 = arith.muli %mul3A_542, %mul3A_828 : i32
      %add3A_830 = arith.constant 2 : i32
      %add3A_831 = arith.addi %mul3A_829, %add3A_830 : i32
      %and3A_832 = arith.constant 127 : i32
      %and3A_833 = arith.andi %add3A_831, %and3A_832 : i32
      %slice3A_834 = vector.extract_strided_slice %get3A_681 {offsets = [2], sizes = [1], strides = [1]} : vector<16xi32> to vector<1xi32>
      %squeeze3A_835 = vector.extract %slice3A_834[0] : i32 from vector<1xi32>
      %and3A_836 = arith.constant 127 : i32
      %and3A_837 = arith.andi %squeeze3A_835, %and3A_836 : i32
      %sub3A_838 = arith.subi %squeeze3A_835, %and3A_837 : i32
      %min3A_839 = arith.constant 999936 : i32
      %min3A_840 = arith.minsi %sub3A_838, %min3A_839 : i32
      %sub3A_841 = arith.subi %squeeze3A_835, %min3A_840 : i32
      %broadcast_in_dim3A_842 = vector.broadcast %sub3A_841 : i32 to vector<16xi32>
      %broadcast_in_dim3A_843 = vector.broadcast %and3A_833 : i32 to vector<16xi32>
      %gather3A_844 = arith.constant 0 : i32
      %gather3A_845 = arith.constant 2 : i32
      %gather3A_846 = arith.constant 0 : i32
      %gather3A_847 = arith.constant 0 : i32
      %gather3A_848 = tpu.memref_slice %arg9[%gather3A_844, %gather3A_845, %gather3A_846, %gather3A_847] : memref<3x4x32x128xf32, #tpu.memory_space<vmem>> -> memref<1x1x32x128xf32, #tpu.memory_space<vmem>>
      %gather3A_849 = tpu.memref_squeeze %gather3A_848 : memref<1x1x32x128xf32, #tpu.memory_space<vmem>> -> memref<32x128xf32, #tpu.memory_space<vmem>>
      %gather3A_850 = tpu.vector_load_idx %gather3A_849[%iota3A, %broadcast_in_dim3A_842] : memref<32x128xf32, #tpu.memory_space<vmem>>[vector<16xi32>, vector<16xi32>], vector<16xf32>,
      %add3A_851 = arith.constant 16 : i32
      %add3A_852 = vector.broadcast %add3A_851 : i32 to vector<16xi32>
      %add3A_853 = arith.addi %iota3A, %add3A_852 : vector<16xi32>
      %gather3A_854 = arith.constant 0 : i32
      %gather3A_855 = arith.constant 2 : i32
      %gather3A_856 = arith.constant 0 : i32
      %gather3A_857 = arith.constant 0 : i32
      %gather3A_858 = tpu.memref_slice %arg9[%gather3A_854, %gather3A_855, %gather3A_856, %gather3A_857] : memref<3x4x32x128xf32, #tpu.memory_space<vmem>> -> memref<1x1x32x128xf32, #tpu.memory_space<vmem>>
      %gather3A_859 = tpu.memref_squeeze %gather3A_858 : memref<1x1x32x128xf32, #tpu.memory_space<vmem>> -> memref<32x128xf32, #tpu.memory_space<vmem>>
      %gather3A_860 = tpu.vector_load_idx %gather3A_859[%add3A_853, %broadcast_in_dim3A_842] : memref<32x128xf32, #tpu.memory_space<vmem>>[vector<16xi32>, vector<16xi32>], vector<16xf32>,
      %add3A_861 = arith.constant 0 : i32
      %add3A_862 = vector.broadcast %add3A_861 : i32 to vector<16xi32>
      %add3A_863 = arith.addi %iota3A, %add3A_862 : vector<16xi32>
      tpu.vector_store_idx %arg11[%broadcast_in_dim3A_843, %add3A_863], %gather3A_850 : memref<128x128xf32, #tpu.memory_space<vmem>>[vector<16xi32>, vector<16xi32>], vector<16xf32>,
      %add3A_864 = arith.constant 16 : i32
      %add3A_865 = vector.broadcast %add3A_864 : i32 to vector<16xi32>
      %add3A_866 = arith.addi %iota3A, %add3A_865 : vector<16xi32>
      tpu.vector_store_idx %arg11[%broadcast_in_dim3A_843, %add3A_866], %gather3A_860 : memref<128x128xf32, #tpu.memory_space<vmem>>[vector<16xi32>, vector<16xi32>], vector<16xf32>,
      %slice3A_867 = vector.extract_strided_slice %get3A_685 {offsets = [2], sizes = [1], strides = [1]} : vector<16xi32> to vector<1xi32>
      %squeeze3A_868 = vector.extract %slice3A_867[0] : i32 from vector<1xi32>
      %and3A_869 = arith.constant 127 : i32
      %and3A_870 = arith.andi %squeeze3A_868, %and3A_869 : i32
      %sub3A_871 = arith.subi %squeeze3A_868, %and3A_870 : i32
      %min3A_872 = arith.constant 99968 : i32
      %min3A_873 = arith.minsi %sub3A_871, %min3A_872 : i32
      %sub3A_874 = arith.subi %squeeze3A_868, %min3A_873 : i32
      %broadcast_in_dim3A_875 = vector.broadcast %sub3A_874 : i32 to vector<16xi32>
      %broadcast_in_dim3A_876 = vector.broadcast %and3A_833 : i32 to vector<16xi32>
      %gather3A_877 = arith.constant 0 : i32
      %gather3A_878 = arith.constant 2 : i32
      %gather3A_879 = arith.constant 0 : i32
      %gather3A_880 = arith.constant 0 : i32
      %gather3A_881 = tpu.memref_slice %arg10[%gather3A_877, %gather3A_878, %gather3A_879, %gather3A_880] : memref<3x4x32x128xf32, #tpu.memory_space<vmem>> -> memref<1x1x32x128xf32, #tpu.memory_space<vmem>>
      %gather3A_882 = tpu.memref_squeeze %gather3A_881 : memref<1x1x32x128xf32, #tpu.memory_space<vmem>> -> memref<32x128xf32, #tpu.memory_space<vmem>>
      %gather3A_883 = tpu.vector_load_idx %gather3A_882[%iota3A, %broadcast_in_dim3A_875] : memref<32x128xf32, #tpu.memory_space<vmem>>[vector<16xi32>, vector<16xi32>], vector<16xf32>,
      %add3A_884 = arith.constant 16 : i32
      %add3A_885 = vector.broadcast %add3A_884 : i32 to vector<16xi32>
      %add3A_886 = arith.addi %iota3A, %add3A_885 : vector<16xi32>
      %gather3A_887 = arith.constant 0 : i32
      %gather3A_888 = arith.constant 2 : i32
      %gather3A_889 = arith.constant 0 : i32
      %gather3A_890 = arith.constant 0 : i32
      %gather3A_891 = tpu.memref_slice %arg10[%gather3A_887, %gather3A_888, %gather3A_889, %gather3A_890] : memref<3x4x32x128xf32, #tpu.memory_space<vmem>> -> memref<1x1x32x128xf32, #tpu.memory_space<vmem>>
      %gather3A_892 = tpu.memref_squeeze %gather3A_891 : memref<1x1x32x128xf32, #tpu.memory_space<vmem>> -> memref<32x128xf32, #tpu.memory_space<vmem>>
      %gather3A_893 = tpu.vector_load_idx %gather3A_892[%add3A_886, %broadcast_in_dim3A_875] : memref<32x128xf32, #tpu.memory_space<vmem>>[vector<16xi32>, vector<16xi32>], vector<16xf32>,
      %add3A_894 = arith.constant 32 : i32
      %add3A_895 = vector.broadcast %add3A_894 : i32 to vector<16xi32>
      %add3A_896 = arith.addi %iota3A, %add3A_895 : vector<16xi32>
      tpu.vector_store_idx %arg11[%broadcast_in_dim3A_876, %add3A_896], %gather3A_883 : memref<128x128xf32, #tpu.memory_space<vmem>>[vector<16xi32>, vector<16xi32>], vector<16xf32>,
      %add3A_897 = arith.constant 48 : i32
      %add3A_898 = vector.broadcast %add3A_897 : i32 to vector<16xi32>
      %add3A_899 = arith.addi %iota3A, %add3A_898 : vector<16xi32>
      tpu.vector_store_idx %arg11[%broadcast_in_dim3A_876, %add3A_899], %gather3A_893 : memref<128x128xf32, #tpu.memory_space<vmem>>[vector<16xi32>, vector<16xi32>], vector<16xf32>,
      %mul3A_900 = arith.constant 4 : i32
      %mul3A_901 = arith.muli %mul3A_542, %mul3A_900 : i32
      %add3A_902 = arith.constant 3 : i32
      %add3A_903 = arith.addi %mul3A_901, %add3A_902 : i32
      %and3A_904 = arith.constant 127 : i32
      %and3A_905 = arith.andi %add3A_903, %and3A_904 : i32
      %slice3A_906 = vector.extract_strided_slice %get3A_681 {offsets = [3], sizes = [1], strides = [1]} : vector<16xi32> to vector<1xi32>
      %squeeze3A_907 = vector.extract %slice3A_906[0] : i32 from vector<1xi32>
      %and3A_908 = arith.constant 127 : i32
      %and3A_909 = arith.andi %squeeze3A_907, %and3A_908 : i32
      %sub3A_910 = arith.subi %squeeze3A_907, %and3A_909 : i32
      %min3A_911 = arith.constant 999936 : i32
      %min3A_912 = arith.minsi %sub3A_910, %min3A_911 : i32
      %sub3A_913 = arith.subi %squeeze3A_907, %min3A_912 : i32
      %broadcast_in_dim3A_914 = vector.broadcast %sub3A_913 : i32 to vector<16xi32>
      %broadcast_in_dim3A_915 = vector.broadcast %and3A_905 : i32 to vector<16xi32>
      %gather3A_916 = arith.constant 0 : i32
      %gather3A_917 = arith.constant 3 : i32
      %gather3A_918 = arith.constant 0 : i32
      %gather3A_919 = arith.constant 0 : i32
      %gather3A_920 = tpu.memref_slice %arg9[%gather3A_916, %gather3A_917, %gather3A_918, %gather3A_919] : memref<3x4x32x128xf32, #tpu.memory_space<vmem>> -> memref<1x1x32x128xf32, #tpu.memory_space<vmem>>
      %gather3A_921 = tpu.memref_squeeze %gather3A_920 : memref<1x1x32x128xf32, #tpu.memory_space<vmem>> -> memref<32x128xf32, #tpu.memory_space<vmem>>
      %gather3A_922 = tpu.vector_load_idx %gather3A_921[%iota3A, %broadcast_in_dim3A_914] : memref<32x128xf32, #tpu.memory_space<vmem>>[vector<16xi32>, vector<16xi32>], vector<16xf32>,
      %add3A_923 = arith.constant 16 : i32
      %add3A_924 = vector.broadcast %add3A_923 : i32 to vector<16xi32>
      %add3A_925 = arith.addi %iota3A, %add3A_924 : vector<16xi32>
      %gather3A_926 = arith.constant 0 : i32
      %gather3A_927 = arith.constant 3 : i32
      %gather3A_928 = arith.constant 0 : i32
      %gather3A_929 = arith.constant 0 : i32
      %gather3A_930 = tpu.memref_slice %arg9[%gather3A_926, %gather3A_927, %gather3A_928, %gather3A_929] : memref<3x4x32x128xf32, #tpu.memory_space<vmem>> -> memref<1x1x32x128xf32, #tpu.memory_space<vmem>>
      %gather3A_931 = tpu.memref_squeeze %gather3A_930 : memref<1x1x32x128xf32, #tpu.memory_space<vmem>> -> memref<32x128xf32, #tpu.memory_space<vmem>>
      %gather3A_932 = tpu.vector_load_idx %gather3A_931[%add3A_925, %broadcast_in_dim3A_914] : memref<32x128xf32, #tpu.memory_space<vmem>>[vector<16xi32>, vector<16xi32>], vector<16xf32>,
      %add3A_933 = arith.constant 0 : i32
      %add3A_934 = vector.broadcast %add3A_933 : i32 to vector<16xi32>
      %add3A_935 = arith.addi %iota3A, %add3A_934 : vector<16xi32>
      tpu.vector_store_idx %arg11[%broadcast_in_dim3A_915, %add3A_935], %gather3A_922 : memref<128x128xf32, #tpu.memory_space<vmem>>[vector<16xi32>, vector<16xi32>], vector<16xf32>,
      %add3A_936 = arith.constant 16 : i32
      %add3A_937 = vector.broadcast %add3A_936 : i32 to vector<16xi32>
      %add3A_938 = arith.addi %iota3A, %add3A_937 : vector<16xi32>
      tpu.vector_store_idx %arg11[%broadcast_in_dim3A_915, %add3A_938], %gather3A_932 : memref<128x128xf32, #tpu.memory_space<vmem>>[vector<16xi32>, vector<16xi32>], vector<16xf32>,
      %slice3A_939 = vector.extract_strided_slice %get3A_685 {offsets = [3], sizes = [1], strides = [1]} : vector<16xi32> to vector<1xi32>
      %squeeze3A_940 = vector.extract %slice3A_939[0] : i32 from vector<1xi32>
      %and3A_941 = arith.constant 127 : i32
      %and3A_942 = arith.andi %squeeze3A_940, %and3A_941 : i32
      %sub3A_943 = arith.subi %squeeze3A_940, %and3A_942 : i32
      %min3A_944 = arith.constant 99968 : i32
      %min3A_945 = arith.minsi %sub3A_943, %min3A_944 : i32
      %sub3A_946 = arith.subi %squeeze3A_940, %min3A_945 : i32
      %broadcast_in_dim3A_947 = vector.broadcast %sub3A_946 : i32 to vector<16xi32>
      %broadcast_in_dim3A_948 = vector.broadcast %and3A_905 : i32 to vector<16xi32>
      %gather3A_949 = arith.constant 0 : i32
      %gather3A_950 = arith.constant 3 : i32
      %gather3A_951 = arith.constant 0 : i32
      %gather3A_952 = arith.constant 0 : i32
      %gather3A_953 = tpu.memref_slice %arg10[%gather3A_949, %gather3A_950, %gather3A_951, %gather3A_952] : memref<3x4x32x128xf32, #tpu.memory_space<vmem>> -> memref<1x1x32x128xf32, #tpu.memory_space<vmem>>
      %gather3A_954 = tpu.memref_squeeze %gather3A_953 : memref<1x1x32x128xf32, #tpu.memory_space<vmem>> -> memref<32x128xf32, #tpu.memory_space<vmem>>
      %gather3A_955 = tpu.vector_load_idx %gather3A_954[%iota3A, %broadcast_in_dim3A_947] : memref<32x128xf32, #tpu.memory_space<vmem>>[vector<16xi32>, vector<16xi32>], vector<16xf32>,
      %add3A_956 = arith.constant 16 : i32
      %add3A_957 = vector.broadcast %add3A_956 : i32 to vector<16xi32>
      %add3A_958 = arith.addi %iota3A, %add3A_957 : vector<16xi32>
      %gather3A_959 = arith.constant 0 : i32
      %gather3A_960 = arith.constant 3 : i32
      %gather3A_961 = arith.constant 0 : i32
      %gather3A_962 = arith.constant 0 : i32
      %gather3A_963 = tpu.memref_slice %arg10[%gather3A_959, %gather3A_960, %gather3A_961, %gather3A_962] : memref<3x4x32x128xf32, #tpu.memory_space<vmem>> -> memref<1x1x32x128xf32, #tpu.memory_space<vmem>>
      %gather3A_964 = tpu.memref_squeeze %gather3A_963 : memref<1x1x32x128xf32, #tpu.memory_space<vmem>> -> memref<32x128xf32, #tpu.memory_space<vmem>>
      %gather3A_965 = tpu.vector_load_idx %gather3A_964[%add3A_958, %broadcast_in_dim3A_947] : memref<32x128xf32, #tpu.memory_space<vmem>>[vector<16xi32>, vector<16xi32>], vector<16xf32>,
      %add3A_966 = arith.constant 32 : i32
      %add3A_967 = vector.broadcast %add3A_966 : i32 to vector<16xi32>
      %add3A_968 = arith.addi %iota3A, %add3A_967 : vector<16xi32>
      tpu.vector_store_idx %arg11[%broadcast_in_dim3A_948, %add3A_968], %gather3A_955 : memref<128x128xf32, #tpu.memory_space<vmem>>[vector<16xi32>, vector<16xi32>], vector<16xf32>,
      %add3A_969 = arith.constant 48 : i32
      %add3A_970 = vector.broadcast %add3A_969 : i32 to vector<16xi32>
      %add3A_971 = arith.addi %iota3A, %add3A_970 : vector<16xi32>
      tpu.vector_store_idx %arg11[%broadcast_in_dim3A_948, %add3A_971], %gather3A_965 : memref<128x128xf32, #tpu.memory_space<vmem>>[vector<16xi32>, vector<16xi32>], vector<16xf32>,
      %and3A_972 = arith.constant 31 : i32
      %and3A_973 = arith.andi %mul3A_542, %and3A_972 : i32
      %eq3A = arith.constant 31 : i32
      %eq3A_974 = arith.cmpi eq, %and3A_973, %eq3A : i32
      %convert_element_type3A = arith.extui %eq3A_974 : i1 to i32
      %cond3A = arith.constant 0 : i32
      %cond3A_975 = arith.cmpi ne, %convert_element_type3A, %cond3A : i32
      scf.if %cond3A_975 {
        %jit3A = arith.constant 32 : i32
        %div3A = arith.divsi %mul3A_542, %jit3A : i32
        %sign3A = arith.constant 0 : i32
        %sign3A_1432 = arith.cmpi sgt, %mul3A_542, %sign3A : i32
        %sign3A_1433 = arith.extui %sign3A_1432 : i1 to i32
        %sign3A_1434 = arith.constant 0 : i32
        %sign3A_1435 = arith.cmpi slt, %mul3A_542, %sign3A_1434 : i32
        %sign3A_1436 = arith.extui %sign3A_1435 : i1 to i32
        %sign3A_1437 = arith.subi %sign3A_1433, %sign3A_1436 : i32
        %sign3A_1438 = arith.constant 0 : i32
        %sign3A_1439 = arith.cmpi sgt, %jit3A, %sign3A_1438 : i32
        %sign3A_1440 = arith.extui %sign3A_1439 : i1 to i32
        %sign3A_1441 = arith.constant 0 : i32
        %sign3A_1442 = arith.cmpi slt, %jit3A, %sign3A_1441 : i32
        %sign3A_1443 = arith.extui %sign3A_1442 : i1 to i32
        %sign3A_1444 = arith.subi %sign3A_1440, %sign3A_1443 : i32
        %ne3A = arith.cmpi ne, %sign3A_1437, %sign3A_1444 : i32
        %rem3A = arith.remsi %mul3A_542, %jit3A : i32
        %ne3A_1445 = arith.constant 0 : i32
        %ne3A_1446 = arith.cmpi ne, %rem3A, %ne3A_1445 : i32
        %and3A_1447 = arith.andi %ne3A, %ne3A_1446 : i1
        %sub3A_1448 = arith.constant 1 : i32
        %sub3A_1449 = arith.subi %div3A, %sub3A_1448 : i32
        %select_n3A = arith.select %and3A_1447, %sub3A_1449, %div3A : i32
        %mul3A_1450 = arith.constant 128 : i32
        %mul3A_1451 = arith.muli %select_n3A, %mul3A_1450 : i32
        %add3A_1452 = arith.addi %mul3A_2, %mul3A_1451 : i32
        %multiple_of3A_1453 = tpu.assume_multiple %add3A_1452, 128 : i32
        "tpu.region"() ({
          %run_scoped3A = tpu.sem_alloc : memref<!tpu.dma_semaphore, #tpu.memory_space<semaphore_mem>>
          %dma_start3A_1454 = arith.constant 0 : i32
          %dma_start3A_1455 = tpu.memref_slice %arg6[%multiple_of3A_1453, %dma_start3A_1454] : memref<16384x128xf32, #tpu.memory_space<hbm>> -> memref<128x128xf32, #tpu.memory_space<hbm>>
          %dma_start3A_1456 = arith.constant 0 : i32
          %dma_start3A_1457 = tpu.memref_slice %arg6[%multiple_of3A_1453, %dma_start3A_1456] : memref<16384x128xf32, #tpu.memory_space<hbm>> -> memref<128x128xf32, #tpu.memory_space<hbm>>
          tpu.enqueue_dma source(%arg11 : memref<128x128xf32, #tpu.memory_space<vmem>>) target(%dma_start3A_1457 : memref<128x128xf32, #tpu.memory_space<hbm>>) target_semaphore(%run_scoped3A : memref<!tpu.dma_semaphore, #tpu.memory_space<semaphore_mem>>)
          %dma_wait3A_1458 = arith.constant 0 : i32
          %dma_wait3A_1459 = tpu.memref_slice %arg6[%multiple_of3A_1453, %dma_wait3A_1458] : memref<16384x128xf32, #tpu.memory_space<hbm>> -> memref<128x128xf32, #tpu.memory_space<hbm>>
          %dma_wait3A_1460 = arith.constant 0 : i32
          %dma_wait3A_1461 = tpu.memref_slice %arg6[%multiple_of3A_1453, %dma_wait3A_1460] : memref<16384x128xf32, #tpu.memory_space<hbm>> -> memref<128x128xf32, #tpu.memory_space<hbm>>
          tpu.wait_dma2 semaphore(%run_scoped3A : memref<!tpu.dma_semaphore, #tpu.memory_space<semaphore_mem>>) src(%arg11 : memref<128x128xf32, #tpu.memory_space<vmem>>) dst(%dma_wait3A_1461 : memref<128x128xf32, #tpu.memory_space<hbm>>)
          tpu.yield
        }) : () -> ()
      } else {
      }
      %add3A_976 = arith.constant 3 : i32
      %add3A_977 = arith.addi %mul3A_542, %add3A_976 : i32
      %lt3A = arith.constant 128 : i32
      %lt3A_978 = arith.cmpi slt, %add3A_977, %lt3A : i32
      %convert_element_type3A_979 = arith.extui %lt3A_978 : i1 to i32
      %cond3A_980 = arith.constant 0 : i32
      %cond3A_981 = arith.cmpi ne, %convert_element_type3A_979, %cond3A_980 : i32
      scf.if %cond3A_981 {
        %add3A_1432 = arith.constant 3 : i32
        %add3A_1433 = arith.addi %mul3A_542, %add3A_1432 : i32
        %mul3A_1434 = arith.constant 4 : i32
        %mul3A_1435 = arith.muli %add3A_1433, %mul3A_1434 : i32
        %get3A_1436 = arith.index_cast %mul3A_1435 : i32 to index
        %get3A_1437 = tpu.vector_load %arg7[%get3A_1436] {strides = array<i32>} : memref<528xi32, #tpu.memory_space<vmem>>, vector<16xi32>,
        %mul3A_1438 = arith.constant 4 : i32
        %mul3A_1439 = arith.muli %add3A_1433, %mul3A_1438 : i32
        %get3A_1440 = arith.index_cast %mul3A_1439 : i32 to index
        %get3A_1441 = tpu.vector_load %arg8[%get3A_1440] {strides = array<i32>} : memref<528xi32, #tpu.memory_space<vmem>>, vector<16xi32>,
        %slice3A_1442 = vector.extract_strided_slice %get3A_1437 {offsets = [0], sizes = [1], strides = [1]} : vector<16xi32> to vector<1xi32>
        %squeeze3A_1443 = vector.extract %slice3A_1442[0] : i32 from vector<1xi32>
        %and3A_1444 = arith.constant 127 : i32
        %and3A_1445 = arith.andi %squeeze3A_1443, %and3A_1444 : i32
        %sub3A_1446 = arith.subi %squeeze3A_1443, %and3A_1445 : i32
        %min3A_1447 = arith.constant 999936 : i32
        %min3A_1448 = arith.minsi %sub3A_1446, %min3A_1447 : i32
        %multiple_of3A_1449 = tpu.assume_multiple %min3A_1448, 128 : i32
        %dma_start3A_1450 = arith.constant 0 : i32
        %dma_start3A_1451 = arith.constant 0 : i32
        %dma_start3A_1452 = arith.constant 0 : i32
        %dma_start3A_1453 = arith.constant 0 : i32
        %dma_start3A_1454 = tpu.memref_slice %arg9[%dma_start3A_1450, %dma_start3A_1451, %dma_start3A_1452, %dma_start3A_1453] : memref<3x4x32x128xf32, #tpu.memory_space<vmem>> -> memref<1x1x32x128xf32, #tpu.memory_space<vmem>>
        %dma_start3A_1455 = tpu.memref_squeeze %dma_start3A_1454 : memref<1x1x32x128xf32, #tpu.memory_space<vmem>> -> memref<32x128xf32, #tpu.memory_space<vmem>>
        %dma_start3A_1456 = arith.constant 0 : i32
        %dma_start3A_1457 = tpu.memref_slice %arg4[%dma_start3A_1456, %multiple_of3A_1449] : memref<32x1000000xf32, #tpu.memory_space<hbm>> -> memref<32x128xf32, #tpu.memory_space<hbm>>
        %dma_start3A_1458 = arith.constant 0 : i32
        %dma_start3A_1459 = arith.constant 0 : i32
        %dma_start3A_1460 = tpu.memref_slice %arg9[%dma_start3A_1450, %dma_start3A_1451, %dma_start3A_1458, %dma_start3A_1459] : memref<3x4x32x128xf32, #tpu.memory_space<vmem>> -> memref<1x1x32x128xf32, #tpu.memory_space<vmem>>
        %dma_start3A_1461 = tpu.memref_squeeze %dma_start3A_1460 : memref<1x1x32x128xf32, #tpu.memory_space<vmem>> -> memref<32x128xf32, #tpu.memory_space<vmem>>
        %dma_start3A_1462 = arith.constant 0 : i32
        %dma_start3A_1463 = tpu.memref_slice %arg4[%dma_start3A_1462, %multiple_of3A_1449] : memref<32x1000000xf32, #tpu.memory_space<hbm>> -> memref<32x128xf32, #tpu.memory_space<hbm>>
        tpu.enqueue_dma source(%dma_start3A_1463 : memref<32x128xf32, #tpu.memory_space<hbm>>) target(%dma_start3A_1461 : memref<32x128xf32, #tpu.memory_space<vmem>>) target_semaphore(%arg12 : memref<!tpu.dma_semaphore, #tpu.memory_space<semaphore_mem>>)
        %slice3A_1464 = vector.extract_strided_slice %get3A_1441 {offsets = [0], sizes = [1], strides = [1]} : vector<16xi32> to vector<1xi32>
        %squeeze3A_1465 = vector.extract %slice3A_1464[0] : i32 from vector<1xi32>
        %and3A_1466 = arith.constant 127 : i32
        %and3A_1467 = arith.andi %squeeze3A_1465, %and3A_1466 : i32
        %sub3A_1468 = arith.subi %squeeze3A_1465, %and3A_1467 : i32
        %min3A_1469 = arith.constant 99968 : i32
        %min3A_1470 = arith.minsi %sub3A_1468, %min3A_1469 : i32
        %multiple_of3A_1471 = tpu.assume_multiple %min3A_1470, 128 : i32
        %dma_start3A_1472 = arith.constant 0 : i32
        %dma_start3A_1473 = arith.constant 0 : i32
        %dma_start3A_1474 = arith.constant 0 : i32
        %dma_start3A_1475 = arith.constant 0 : i32
        %dma_start3A_1476 = tpu.memref_slice %arg10[%dma_start3A_1472, %dma_start3A_1473, %dma_start3A_1474, %dma_start3A_1475] : memref<3x4x32x128xf32, #tpu.memory_space<vmem>> -> memref<1x1x32x128xf32, #tpu.memory_space<vmem>>
        %dma_start3A_1477 = tpu.memref_squeeze %dma_start3A_1476 : memref<1x1x32x128xf32, #tpu.memory_space<vmem>> -> memref<32x128xf32, #tpu.memory_space<vmem>>
        %dma_start3A_1478 = arith.constant 0 : i32
        %dma_start3A_1479 = tpu.memref_slice %arg5[%dma_start3A_1478, %multiple_of3A_1471] : memref<32x100000xf32, #tpu.memory_space<hbm>> -> memref<32x128xf32, #tpu.memory_space<hbm>>
        %dma_start3A_1480 = arith.constant 0 : i32
        %dma_start3A_1481 = arith.constant 0 : i32
        %dma_start3A_1482 = tpu.memref_slice %arg10[%dma_start3A_1472, %dma_start3A_1473, %dma_start3A_1480, %dma_start3A_1481] : memref<3x4x32x128xf32, #tpu.memory_space<vmem>> -> memref<1x1x32x128xf32, #tpu.memory_space<vmem>>
        %dma_start3A_1483 = tpu.memref_squeeze %dma_start3A_1482 : memref<1x1x32x128xf32, #tpu.memory_space<vmem>> -> memref<32x128xf32, #tpu.memory_space<vmem>>
        %dma_start3A_1484 = arith.constant 0 : i32
        %dma_start3A_1485 = tpu.memref_slice %arg5[%dma_start3A_1484, %multiple_of3A_1471] : memref<32x100000xf32, #tpu.memory_space<hbm>> -> memref<32x128xf32, #tpu.memory_space<hbm>>
        tpu.enqueue_dma source(%dma_start3A_1485 : memref<32x128xf32, #tpu.memory_space<hbm>>) target(%dma_start3A_1483 : memref<32x128xf32, #tpu.memory_space<vmem>>) target_semaphore(%arg15 : memref<!tpu.dma_semaphore, #tpu.memory_space<semaphore_mem>>)
        %slice3A_1486 = vector.extract_strided_slice %get3A_1437 {offsets = [1], sizes = [1], strides = [1]} : vector<16xi32> to vector<1xi32>
        %squeeze3A_1487 = vector.extract %slice3A_1486[0] : i32 from vector<1xi32>
        %and3A_1488 = arith.constant 127 : i32
        %and3A_1489 = arith.andi %squeeze3A_1487, %and3A_1488 : i32
        %sub3A_1490 = arith.subi %squeeze3A_1487, %and3A_1489 : i32
        %min3A_1491 = arith.constant 999936 : i32
        %min3A_1492 = arith.minsi %sub3A_1490, %min3A_1491 : i32
        %multiple_of3A_1493 = tpu.assume_multiple %min3A_1492, 128 : i32
        %dma_start3A_1494 = arith.constant 0 : i32
        %dma_start3A_1495 = arith.constant 1 : i32
        %dma_start3A_1496 = arith.constant 0 : i32
        %dma_start3A_1497 = arith.constant 0 : i32
        %dma_start3A_1498 = tpu.memref_slice %arg9[%dma_start3A_1494, %dma_start3A_1495, %dma_start3A_1496, %dma_start3A_1497] : memref<3x4x32x128xf32, #tpu.memory_space<vmem>> -> memref<1x1x32x128xf32, #tpu.memory_space<vmem>>
        %dma_start3A_1499 = tpu.memref_squeeze %dma_start3A_1498 : memref<1x1x32x128xf32, #tpu.memory_space<vmem>> -> memref<32x128xf32, #tpu.memory_space<vmem>>
        %dma_start3A_1500 = arith.constant 0 : i32
        %dma_start3A_1501 = tpu.memref_slice %arg4[%dma_start3A_1500, %multiple_of3A_1493] : memref<32x1000000xf32, #tpu.memory_space<hbm>> -> memref<32x128xf32, #tpu.memory_space<hbm>>
        %dma_start3A_1502 = arith.constant 0 : i32
        %dma_start3A_1503 = arith.constant 0 : i32
        %dma_start3A_1504 = tpu.memref_slice %arg9[%dma_start3A_1494, %dma_start3A_1495, %dma_start3A_1502, %dma_start3A_1503] : memref<3x4x32x128xf32, #tpu.memory_space<vmem>> -> memref<1x1x32x128xf32, #tpu.memory_space<vmem>>
        %dma_start3A_1505 = tpu.memref_squeeze %dma_start3A_1504 : memref<1x1x32x128xf32, #tpu.memory_space<vmem>> -> memref<32x128xf32, #tpu.memory_space<vmem>>
        %dma_start3A_1506 = arith.constant 0 : i32
        %dma_start3A_1507 = tpu.memref_slice %arg4[%dma_start3A_1506, %multiple_of3A_1493] : memref<32x1000000xf32, #tpu.memory_space<hbm>> -> memref<32x128xf32, #tpu.memory_space<hbm>>
        tpu.enqueue_dma source(%dma_start3A_1507 : memref<32x128xf32, #tpu.memory_space<hbm>>) target(%dma_start3A_1505 : memref<32x128xf32, #tpu.memory_space<vmem>>) target_semaphore(%arg12 : memref<!tpu.dma_semaphore, #tpu.memory_space<semaphore_mem>>)
        %slice3A_1508 = vector.extract_strided_slice %get3A_1441 {offsets = [1], sizes = [1], strides = [1]} : vector<16xi32> to vector<1xi32>
        %squeeze3A_1509 = vector.extract %slice3A_1508[0] : i32 from vector<1xi32>
        %and3A_1510 = arith.constant 127 : i32
        %and3A_1511 = arith.andi %squeeze3A_1509, %and3A_1510 : i32
        %sub3A_1512 = arith.subi %squeeze3A_1509, %and3A_1511 : i32
        %min3A_1513 = arith.constant 99968 : i32
        %min3A_1514 = arith.minsi %sub3A_1512, %min3A_1513 : i32
        %multiple_of3A_1515 = tpu.assume_multiple %min3A_1514, 128 : i32
        %dma_start3A_1516 = arith.constant 0 : i32
        %dma_start3A_1517 = arith.constant 1 : i32
        %dma_start3A_1518 = arith.constant 0 : i32
        %dma_start3A_1519 = arith.constant 0 : i32
        %dma_start3A_1520 = tpu.memref_slice %arg10[%dma_start3A_1516, %dma_start3A_1517, %dma_start3A_1518, %dma_start3A_1519] : memref<3x4x32x128xf32, #tpu.memory_space<vmem>> -> memref<1x1x32x128xf32, #tpu.memory_space<vmem>>
        %dma_start3A_1521 = tpu.memref_squeeze %dma_start3A_1520 : memref<1x1x32x128xf32, #tpu.memory_space<vmem>> -> memref<32x128xf32, #tpu.memory_space<vmem>>
        %dma_start3A_1522 = arith.constant 0 : i32
        %dma_start3A_1523 = tpu.memref_slice %arg5[%dma_start3A_1522, %multiple_of3A_1515] : memref<32x100000xf32, #tpu.memory_space<hbm>> -> memref<32x128xf32, #tpu.memory_space<hbm>>
        %dma_start3A_1524 = arith.constant 0 : i32
        %dma_start3A_1525 = arith.constant 0 : i32
        %dma_start3A_1526 = tpu.memref_slice %arg10[%dma_start3A_1516, %dma_start3A_1517, %dma_start3A_1524, %dma_start3A_1525] : memref<3x4x32x128xf32, #tpu.memory_space<vmem>> -> memref<1x1x32x128xf32, #tpu.memory_space<vmem>>
        %dma_start3A_1527 = tpu.memref_squeeze %dma_start3A_1526 : memref<1x1x32x128xf32, #tpu.memory_space<vmem>> -> memref<32x128xf32, #tpu.memory_space<vmem>>
        %dma_start3A_1528 = arith.constant 0 : i32
        %dma_start3A_1529 = tpu.memref_slice %arg5[%dma_start3A_1528, %multiple_of3A_1515] : memref<32x100000xf32, #tpu.memory_space<hbm>> -> memref<32x128xf32, #tpu.memory_space<hbm>>
        tpu.enqueue_dma source(%dma_start3A_1529 : memref<32x128xf32, #tpu.memory_space<hbm>>) target(%dma_start3A_1527 : memref<32x128xf32, #tpu.memory_space<vmem>>) target_semaphore(%arg15 : memref<!tpu.dma_semaphore, #tpu.memory_space<semaphore_mem>>)
        %slice3A_1530 = vector.extract_strided_slice %get3A_1437 {offsets = [2], sizes = [1], strides = [1]} : vector<16xi32> to vector<1xi32>
        %squeeze3A_1531 = vector.extract %slice3A_1530[0] : i32 from vector<1xi32>
        %and3A_1532 = arith.constant 127 : i32
        %and3A_1533 = arith.andi %squeeze3A_1531, %and3A_1532 : i32
        %sub3A_1534 = arith.subi %squeeze3A_1531, %and3A_1533 : i32
        %min3A_1535 = arith.constant 999936 : i32
        %min3A_1536 = arith.minsi %sub3A_1534, %min3A_1535 : i32
        %multiple_of3A_1537 = tpu.assume_multiple %min3A_1536, 128 : i32
        %dma_start3A_1538 = arith.constant 0 : i32
        %dma_start3A_1539 = arith.constant 2 : i32
        %dma_start3A_1540 = arith.constant 0 : i32
        %dma_start3A_1541 = arith.constant 0 : i32
        %dma_start3A_1542 = tpu.memref_slice %arg9[%dma_start3A_1538, %dma_start3A_1539, %dma_start3A_1540, %dma_start3A_1541] : memref<3x4x32x128xf32, #tpu.memory_space<vmem>> -> memref<1x1x32x128xf32, #tpu.memory_space<vmem>>
        %dma_start3A_1543 = tpu.memref_squeeze %dma_start3A_1542 : memref<1x1x32x128xf32, #tpu.memory_space<vmem>> -> memref<32x128xf32, #tpu.memory_space<vmem>>
        %dma_start3A_1544 = arith.constant 0 : i32
        %dma_start3A_1545 = tpu.memref_slice %arg4[%dma_start3A_1544, %multiple_of3A_1537] : memref<32x1000000xf32, #tpu.memory_space<hbm>> -> memref<32x128xf32, #tpu.memory_space<hbm>>
        %dma_start3A_1546 = arith.constant 0 : i32
        %dma_start3A_1547 = arith.constant 0 : i32
        %dma_start3A_1548 = tpu.memref_slice %arg9[%dma_start3A_1538, %dma_start3A_1539, %dma_start3A_1546, %dma_start3A_1547] : memref<3x4x32x128xf32, #tpu.memory_space<vmem>> -> memref<1x1x32x128xf32, #tpu.memory_space<vmem>>
        %dma_start3A_1549 = tpu.memref_squeeze %dma_start3A_1548 : memref<1x1x32x128xf32, #tpu.memory_space<vmem>> -> memref<32x128xf32, #tpu.memory_space<vmem>>
        %dma_start3A_1550 = arith.constant 0 : i32
        %dma_start3A_1551 = tpu.memref_slice %arg4[%dma_start3A_1550, %multiple_of3A_1537] : memref<32x1000000xf32, #tpu.memory_space<hbm>> -> memref<32x128xf32, #tpu.memory_space<hbm>>
        tpu.enqueue_dma source(%dma_start3A_1551 : memref<32x128xf32, #tpu.memory_space<hbm>>) target(%dma_start3A_1549 : memref<32x128xf32, #tpu.memory_space<vmem>>) target_semaphore(%arg12 : memref<!tpu.dma_semaphore, #tpu.memory_space<semaphore_mem>>)
        %slice3A_1552 = vector.extract_strided_slice %get3A_1441 {offsets = [2], sizes = [1], strides = [1]} : vector<16xi32> to vector<1xi32>
        %squeeze3A_1553 = vector.extract %slice3A_1552[0] : i32 from vector<1xi32>
        %and3A_1554 = arith.constant 127 : i32
        %and3A_1555 = arith.andi %squeeze3A_1553, %and3A_1554 : i32
        %sub3A_1556 = arith.subi %squeeze3A_1553, %and3A_1555 : i32
        %min3A_1557 = arith.constant 99968 : i32
        %min3A_1558 = arith.minsi %sub3A_1556, %min3A_1557 : i32
        %multiple_of3A_1559 = tpu.assume_multiple %min3A_1558, 128 : i32
        %dma_start3A_1560 = arith.constant 0 : i32
        %dma_start3A_1561 = arith.constant 2 : i32
        %dma_start3A_1562 = arith.constant 0 : i32
        %dma_start3A_1563 = arith.constant 0 : i32
        %dma_start3A_1564 = tpu.memref_slice %arg10[%dma_start3A_1560, %dma_start3A_1561, %dma_start3A_1562, %dma_start3A_1563] : memref<3x4x32x128xf32, #tpu.memory_space<vmem>> -> memref<1x1x32x128xf32, #tpu.memory_space<vmem>>
        %dma_start3A_1565 = tpu.memref_squeeze %dma_start3A_1564 : memref<1x1x32x128xf32, #tpu.memory_space<vmem>> -> memref<32x128xf32, #tpu.memory_space<vmem>>
        %dma_start3A_1566 = arith.constant 0 : i32
        %dma_start3A_1567 = tpu.memref_slice %arg5[%dma_start3A_1566, %multiple_of3A_1559] : memref<32x100000xf32, #tpu.memory_space<hbm>> -> memref<32x128xf32, #tpu.memory_space<hbm>>
        %dma_start3A_1568 = arith.constant 0 : i32
        %dma_start3A_1569 = arith.constant 0 : i32
        %dma_start3A_1570 = tpu.memref_slice %arg10[%dma_start3A_1560, %dma_start3A_1561, %dma_start3A_1568, %dma_start3A_1569] : memref<3x4x32x128xf32, #tpu.memory_space<vmem>> -> memref<1x1x32x128xf32, #tpu.memory_space<vmem>>
        %dma_start3A_1571 = tpu.memref_squeeze %dma_start3A_1570 : memref<1x1x32x128xf32, #tpu.memory_space<vmem>> -> memref<32x128xf32, #tpu.memory_space<vmem>>
        %dma_start3A_1572 = arith.constant 0 : i32
        %dma_start3A_1573 = tpu.memref_slice %arg5[%dma_start3A_1572, %multiple_of3A_1559] : memref<32x100000xf32, #tpu.memory_space<hbm>> -> memref<32x128xf32, #tpu.memory_space<hbm>>
        tpu.enqueue_dma source(%dma_start3A_1573 : memref<32x128xf32, #tpu.memory_space<hbm>>) target(%dma_start3A_1571 : memref<32x128xf32, #tpu.memory_space<vmem>>) target_semaphore(%arg15 : memref<!tpu.dma_semaphore, #tpu.memory_space<semaphore_mem>>)
        %slice3A_1574 = vector.extract_strided_slice %get3A_1437 {offsets = [3], sizes = [1], strides = [1]} : vector<16xi32> to vector<1xi32>
        %squeeze3A_1575 = vector.extract %slice3A_1574[0] : i32 from vector<1xi32>
        %and3A_1576 = arith.constant 127 : i32
        %and3A_1577 = arith.andi %squeeze3A_1575, %and3A_1576 : i32
        %sub3A_1578 = arith.subi %squeeze3A_1575, %and3A_1577 : i32
        %min3A_1579 = arith.constant 999936 : i32
        %min3A_1580 = arith.minsi %sub3A_1578, %min3A_1579 : i32
        %multiple_of3A_1581 = tpu.assume_multiple %min3A_1580, 128 : i32
        %dma_start3A_1582 = arith.constant 0 : i32
        %dma_start3A_1583 = arith.constant 3 : i32
        %dma_start3A_1584 = arith.constant 0 : i32
        %dma_start3A_1585 = arith.constant 0 : i32
        %dma_start3A_1586 = tpu.memref_slice %arg9[%dma_start3A_1582, %dma_start3A_1583, %dma_start3A_1584, %dma_start3A_1585] : memref<3x4x32x128xf32, #tpu.memory_space<vmem>> -> memref<1x1x32x128xf32, #tpu.memory_space<vmem>>
        %dma_start3A_1587 = tpu.memref_squeeze %dma_start3A_1586 : memref<1x1x32x128xf32, #tpu.memory_space<vmem>> -> memref<32x128xf32, #tpu.memory_space<vmem>>
        %dma_start3A_1588 = arith.constant 0 : i32
        %dma_start3A_1589 = tpu.memref_slice %arg4[%dma_start3A_1588, %multiple_of3A_1581] : memref<32x1000000xf32, #tpu.memory_space<hbm>> -> memref<32x128xf32, #tpu.memory_space<hbm>>
        %dma_start3A_1590 = arith.constant 0 : i32
        %dma_start3A_1591 = arith.constant 0 : i32
        %dma_start3A_1592 = tpu.memref_slice %arg9[%dma_start3A_1582, %dma_start3A_1583, %dma_start3A_1590, %dma_start3A_1591] : memref<3x4x32x128xf32, #tpu.memory_space<vmem>> -> memref<1x1x32x128xf32, #tpu.memory_space<vmem>>
        %dma_start3A_1593 = tpu.memref_squeeze %dma_start3A_1592 : memref<1x1x32x128xf32, #tpu.memory_space<vmem>> -> memref<32x128xf32, #tpu.memory_space<vmem>>
        %dma_start3A_1594 = arith.constant 0 : i32
        %dma_start3A_1595 = tpu.memref_slice %arg4[%dma_start3A_1594, %multiple_of3A_1581] : memref<32x1000000xf32, #tpu.memory_space<hbm>> -> memref<32x128xf32, #tpu.memory_space<hbm>>
        tpu.enqueue_dma source(%dma_start3A_1595 : memref<32x128xf32, #tpu.memory_space<hbm>>) target(%dma_start3A_1593 : memref<32x128xf32, #tpu.memory_space<vmem>>) target_semaphore(%arg12 : memref<!tpu.dma_semaphore, #tpu.memory_space<semaphore_mem>>)
        %slice3A_1596 = vector.extract_strided_slice %get3A_1441 {offsets = [3], sizes = [1], strides = [1]} : vector<16xi32> to vector<1xi32>
        %squeeze3A_1597 = vector.extract %slice3A_1596[0] : i32 from vector<1xi32>
        %and3A_1598 = arith.constant 127 : i32
        %and3A_1599 = arith.andi %squeeze3A_1597, %and3A_1598 : i32
        %sub3A_1600 = arith.subi %squeeze3A_1597, %and3A_1599 : i32
        %min3A_1601 = arith.constant 99968 : i32
        %min3A_1602 = arith.minsi %sub3A_1600, %min3A_1601 : i32
        %multiple_of3A_1603 = tpu.assume_multiple %min3A_1602, 128 : i32
        %dma_start3A_1604 = arith.constant 0 : i32
        %dma_start3A_1605 = arith.constant 3 : i32
        %dma_start3A_1606 = arith.constant 0 : i32
        %dma_start3A_1607 = arith.constant 0 : i32
        %dma_start3A_1608 = tpu.memref_slice %arg10[%dma_start3A_1604, %dma_start3A_1605, %dma_start3A_1606, %dma_start3A_1607] : memref<3x4x32x128xf32, #tpu.memory_space<vmem>> -> memref<1x1x32x128xf32, #tpu.memory_space<vmem>>
        %dma_start3A_1609 = tpu.memref_squeeze %dma_start3A_1608 : memref<1x1x32x128xf32, #tpu.memory_space<vmem>> -> memref<32x128xf32, #tpu.memory_space<vmem>>
        %dma_start3A_1610 = arith.constant 0 : i32
        %dma_start3A_1611 = tpu.memref_slice %arg5[%dma_start3A_1610, %multiple_of3A_1603] : memref<32x100000xf32, #tpu.memory_space<hbm>> -> memref<32x128xf32, #tpu.memory_space<hbm>>
        %dma_start3A_1612 = arith.constant 0 : i32
        %dma_start3A_1613 = arith.constant 0 : i32
        %dma_start3A_1614 = tpu.memref_slice %arg10[%dma_start3A_1604, %dma_start3A_1605, %dma_start3A_1612, %dma_start3A_1613] : memref<3x4x32x128xf32, #tpu.memory_space<vmem>> -> memref<1x1x32x128xf32, #tpu.memory_space<vmem>>
        %dma_start3A_1615 = tpu.memref_squeeze %dma_start3A_1614 : memref<1x1x32x128xf32, #tpu.memory_space<vmem>> -> memref<32x128xf32, #tpu.memory_space<vmem>>
        %dma_start3A_1616 = arith.constant 0 : i32
        %dma_start3A_1617 = tpu.memref_slice %arg5[%dma_start3A_1616, %multiple_of3A_1603] : memref<32x100000xf32, #tpu.memory_space<hbm>> -> memref<32x128xf32, #tpu.memory_space<hbm>>
        tpu.enqueue_dma source(%dma_start3A_1617 : memref<32x128xf32, #tpu.memory_space<hbm>>) target(%dma_start3A_1615 : memref<32x128xf32, #tpu.memory_space<vmem>>) target_semaphore(%arg15 : memref<!tpu.dma_semaphore, #tpu.memory_space<semaphore_mem>>)
      } else {
      }
      %dma_wait3A_982 = arith.constant 1 : i32
      %dma_wait3A_983 = arith.constant 0 : i32
      %dma_wait3A_984 = arith.constant 0 : i32
      %dma_wait3A_985 = arith.constant 0 : i32
      %dma_wait3A_986 = tpu.memref_slice %arg9[%dma_wait3A_982, %dma_wait3A_983, %dma_wait3A_984, %dma_wait3A_985] : memref<3x4x32x128xf32, #tpu.memory_space<vmem>> -> memref<1x1x32x128xf32, #tpu.memory_space<vmem>>
      %dma_wait3A_987 = tpu.memref_squeeze %dma_wait3A_986 : memref<1x1x32x128xf32, #tpu.memory_space<vmem>> -> memref<32x128xf32, #tpu.memory_space<vmem>>
      %dma_wait3A_988 = arith.constant 0 : i32
      %dma_wait3A_989 = arith.constant 0 : i32
      %dma_wait3A_990 = tpu.memref_slice %arg4[%dma_wait3A_988, %dma_wait3A_989] : memref<32x1000000xf32, #tpu.memory_space<hbm>> -> memref<32x128xf32, #tpu.memory_space<hbm>>
      %dma_wait3A_991 = arith.constant 0 : i32
      %dma_wait3A_992 = arith.constant 0 : i32
      %dma_wait3A_993 = tpu.memref_slice %arg9[%dma_wait3A_982, %dma_wait3A_983, %dma_wait3A_991, %dma_wait3A_992] : memref<3x4x32x128xf32, #tpu.memory_space<vmem>> -> memref<1x1x32x128xf32, #tpu.memory_space<vmem>>
      %dma_wait3A_994 = tpu.memref_squeeze %dma_wait3A_993 : memref<1x1x32x128xf32, #tpu.memory_space<vmem>> -> memref<32x128xf32, #tpu.memory_space<vmem>>
      %dma_wait3A_995 = arith.constant 0 : i32
      %dma_wait3A_996 = arith.constant 0 : i32
      %dma_wait3A_997 = tpu.memref_slice %arg4[%dma_wait3A_995, %dma_wait3A_996] : memref<32x1000000xf32, #tpu.memory_space<hbm>> -> memref<32x128xf32, #tpu.memory_space<hbm>>
      tpu.wait_dma2 semaphore(%arg13 : memref<!tpu.dma_semaphore, #tpu.memory_space<semaphore_mem>>) src(%dma_wait3A_997 : memref<32x128xf32, #tpu.memory_space<hbm>>) dst(%dma_wait3A_994 : memref<32x128xf32, #tpu.memory_space<vmem>>)
      %dma_wait3A_998 = arith.constant 1 : i32
      %dma_wait3A_999 = arith.constant 0 : i32
      %dma_wait3A_1000 = arith.constant 0 : i32
      %dma_wait3A_1001 = arith.constant 0 : i32
      %dma_wait3A_1002 = tpu.memref_slice %arg10[%dma_wait3A_998, %dma_wait3A_999, %dma_wait3A_1000, %dma_wait3A_1001] : memref<3x4x32x128xf32, #tpu.memory_space<vmem>> -> memref<1x1x32x128xf32, #tpu.memory_space<vmem>>
      %dma_wait3A_1003 = tpu.memref_squeeze %dma_wait3A_1002 : memref<1x1x32x128xf32, #tpu.memory_space<vmem>> -> memref<32x128xf32, #tpu.memory_space<vmem>>
      %dma_wait3A_1004 = arith.constant 0 : i32
      %dma_wait3A_1005 = arith.constant 0 : i32
      %dma_wait3A_1006 = tpu.memref_slice %arg5[%dma_wait3A_1004, %dma_wait3A_1005] : memref<32x100000xf32, #tpu.memory_space<hbm>> -> memref<32x128xf32, #tpu.memory_space<hbm>>
      %dma_wait3A_1007 = arith.constant 0 : i32
      %dma_wait3A_1008 = arith.constant 0 : i32
      %dma_wait3A_1009 = tpu.memref_slice %arg10[%dma_wait3A_998, %dma_wait3A_999, %dma_wait3A_1007, %dma_wait3A_1008] : memref<3x4x32x128xf32, #tpu.memory_space<vmem>> -> memref<1x1x32x128xf32, #tpu.memory_space<vmem>>
      %dma_wait3A_1010 = tpu.memref_squeeze %dma_wait3A_1009 : memref<1x1x32x128xf32, #tpu.memory_space<vmem>> -> memref<32x128xf32, #tpu.memory_space<vmem>>
      %dma_wait3A_1011 = arith.constant 0 : i32
      %dma_wait3A_1012 = arith.constant 0 : i32
      %dma_wait3A_1013 = tpu.memref_slice %arg5[%dma_wait3A_1011, %dma_wait3A_1012] : memref<32x100000xf32, #tpu.memory_space<hbm>> -> memref<32x128xf32, #tpu.memory_space<hbm>>
      tpu.wait_dma2 semaphore(%arg16 : memref<!tpu.dma_semaphore, #tpu.memory_space<semaphore_mem>>) src(%dma_wait3A_1013 : memref<32x128xf32, #tpu.memory_space<hbm>>) dst(%dma_wait3A_1010 : memref<32x128xf32, #tpu.memory_space<vmem>>)
      %dma_wait3A_1014 = arith.constant 1 : i32
      %dma_wait3A_1015 = arith.constant 1 : i32
      %dma_wait3A_1016 = arith.constant 0 : i32
      %dma_wait3A_1017 = arith.constant 0 : i32
      %dma_wait3A_1018 = tpu.memref_slice %arg9[%dma_wait3A_1014, %dma_wait3A_1015, %dma_wait3A_1016, %dma_wait3A_1017] : memref<3x4x32x128xf32, #tpu.memory_space<vmem>> -> memref<1x1x32x128xf32, #tpu.memory_space<vmem>>
      %dma_wait3A_1019 = tpu.memref_squeeze %dma_wait3A_1018 : memref<1x1x32x128xf32, #tpu.memory_space<vmem>> -> memref<32x128xf32, #tpu.memory_space<vmem>>
      %dma_wait3A_1020 = arith.constant 0 : i32
      %dma_wait3A_1021 = arith.constant 0 : i32
      %dma_wait3A_1022 = tpu.memref_slice %arg4[%dma_wait3A_1020, %dma_wait3A_1021] : memref<32x1000000xf32, #tpu.memory_space<hbm>> -> memref<32x128xf32, #tpu.memory_space<hbm>>
      %dma_wait3A_1023 = arith.constant 0 : i32
      %dma_wait3A_1024 = arith.constant 0 : i32
      %dma_wait3A_1025 = tpu.memref_slice %arg9[%dma_wait3A_1014, %dma_wait3A_1015, %dma_wait3A_1023, %dma_wait3A_1024] : memref<3x4x32x128xf32, #tpu.memory_space<vmem>> -> memref<1x1x32x128xf32, #tpu.memory_space<vmem>>
      %dma_wait3A_1026 = tpu.memref_squeeze %dma_wait3A_1025 : memref<1x1x32x128xf32, #tpu.memory_space<vmem>> -> memref<32x128xf32, #tpu.memory_space<vmem>>
      %dma_wait3A_1027 = arith.constant 0 : i32
      %dma_wait3A_1028 = arith.constant 0 : i32
      %dma_wait3A_1029 = tpu.memref_slice %arg4[%dma_wait3A_1027, %dma_wait3A_1028] : memref<32x1000000xf32, #tpu.memory_space<hbm>> -> memref<32x128xf32, #tpu.memory_space<hbm>>
      tpu.wait_dma2 semaphore(%arg13 : memref<!tpu.dma_semaphore, #tpu.memory_space<semaphore_mem>>) src(%dma_wait3A_1029 : memref<32x128xf32, #tpu.memory_space<hbm>>) dst(%dma_wait3A_1026 : memref<32x128xf32, #tpu.memory_space<vmem>>)
      %dma_wait3A_1030 = arith.constant 1 : i32
      %dma_wait3A_1031 = arith.constant 1 : i32
      %dma_wait3A_1032 = arith.constant 0 : i32
      %dma_wait3A_1033 = arith.constant 0 : i32
      %dma_wait3A_1034 = tpu.memref_slice %arg10[%dma_wait3A_1030, %dma_wait3A_1031, %dma_wait3A_1032, %dma_wait3A_1033] : memref<3x4x32x128xf32, #tpu.memory_space<vmem>> -> memref<1x1x32x128xf32, #tpu.memory_space<vmem>>
      %dma_wait3A_1035 = tpu.memref_squeeze %dma_wait3A_1034 : memref<1x1x32x128xf32, #tpu.memory_space<vmem>> -> memref<32x128xf32, #tpu.memory_space<vmem>>
      %dma_wait3A_1036 = arith.constant 0 : i32
      %dma_wait3A_1037 = arith.constant 0 : i32
      %dma_wait3A_1038 = tpu.memref_slice %arg5[%dma_wait3A_1036, %dma_wait3A_1037] : memref<32x100000xf32, #tpu.memory_space<hbm>> -> memref<32x128xf32, #tpu.memory_space<hbm>>
      %dma_wait3A_1039 = arith.constant 0 : i32
      %dma_wait3A_1040 = arith.constant 0 : i32
      %dma_wait3A_1041 = tpu.memref_slice %arg10[%dma_wait3A_1030, %dma_wait3A_1031, %dma_wait3A_1039, %dma_wait3A_1040] : memref<3x4x32x128xf32, #tpu.memory_space<vmem>> -> memref<1x1x32x128xf32, #tpu.memory_space<vmem>>
      %dma_wait3A_1042 = tpu.memref_squeeze %dma_wait3A_1041 : memref<1x1x32x128xf32, #tpu.memory_space<vmem>> -> memref<32x128xf32, #tpu.memory_space<vmem>>
      %dma_wait3A_1043 = arith.constant 0 : i32
      %dma_wait3A_1044 = arith.constant 0 : i32
      %dma_wait3A_1045 = tpu.memref_slice %arg5[%dma_wait3A_1043, %dma_wait3A_1044] : memref<32x100000xf32, #tpu.memory_space<hbm>> -> memref<32x128xf32, #tpu.memory_space<hbm>>
      tpu.wait_dma2 semaphore(%arg16 : memref<!tpu.dma_semaphore, #tpu.memory_space<semaphore_mem>>) src(%dma_wait3A_1045 : memref<32x128xf32, #tpu.memory_space<hbm>>) dst(%dma_wait3A_1042 : memref<32x128xf32, #tpu.memory_space<vmem>>)
      %dma_wait3A_1046 = arith.constant 1 : i32
      %dma_wait3A_1047 = arith.constant 2 : i32
      %dma_wait3A_1048 = arith.constant 0 : i32
      %dma_wait3A_1049 = arith.constant 0 : i32
      %dma_wait3A_1050 = tpu.memref_slice %arg9[%dma_wait3A_1046, %dma_wait3A_1047, %dma_wait3A_1048, %dma_wait3A_1049] : memref<3x4x32x128xf32, #tpu.memory_space<vmem>> -> memref<1x1x32x128xf32, #tpu.memory_space<vmem>>
      %dma_wait3A_1051 = tpu.memref_squeeze %dma_wait3A_1050 : memref<1x1x32x128xf32, #tpu.memory_space<vmem>> -> memref<32x128xf32, #tpu.memory_space<vmem>>
      %dma_wait3A_1052 = arith.constant 0 : i32
      %dma_wait3A_1053 = arith.constant 0 : i32
      %dma_wait3A_1054 = tpu.memref_slice %arg4[%dma_wait3A_1052, %dma_wait3A_1053] : memref<32x1000000xf32, #tpu.memory_space<hbm>> -> memref<32x128xf32, #tpu.memory_space<hbm>>
      %dma_wait3A_1055 = arith.constant 0 : i32
      %dma_wait3A_1056 = arith.constant 0 : i32
      %dma_wait3A_1057 = tpu.memref_slice %arg9[%dma_wait3A_1046, %dma_wait3A_1047, %dma_wait3A_1055, %dma_wait3A_1056] : memref<3x4x32x128xf32, #tpu.memory_space<vmem>> -> memref<1x1x32x128xf32, #tpu.memory_space<vmem>>
      %dma_wait3A_1058 = tpu.memref_squeeze %dma_wait3A_1057 : memref<1x1x32x128xf32, #tpu.memory_space<vmem>> -> memref<32x128xf32, #tpu.memory_space<vmem>>
      %dma_wait3A_1059 = arith.constant 0 : i32
      %dma_wait3A_1060 = arith.constant 0 : i32
      %dma_wait3A_1061 = tpu.memref_slice %arg4[%dma_wait3A_1059, %dma_wait3A_1060] : memref<32x1000000xf32, #tpu.memory_space<hbm>> -> memref<32x128xf32, #tpu.memory_space<hbm>>
      tpu.wait_dma2 semaphore(%arg13 : memref<!tpu.dma_semaphore, #tpu.memory_space<semaphore_mem>>) src(%dma_wait3A_1061 : memref<32x128xf32, #tpu.memory_space<hbm>>) dst(%dma_wait3A_1058 : memref<32x128xf32, #tpu.memory_space<vmem>>)
      %dma_wait3A_1062 = arith.constant 1 : i32
      %dma_wait3A_1063 = arith.constant 2 : i32
      %dma_wait3A_1064 = arith.constant 0 : i32
      %dma_wait3A_1065 = arith.constant 0 : i32
      %dma_wait3A_1066 = tpu.memref_slice %arg10[%dma_wait3A_1062, %dma_wait3A_1063, %dma_wait3A_1064, %dma_wait3A_1065] : memref<3x4x32x128xf32, #tpu.memory_space<vmem>> -> memref<1x1x32x128xf32, #tpu.memory_space<vmem>>
      %dma_wait3A_1067 = tpu.memref_squeeze %dma_wait3A_1066 : memref<1x1x32x128xf32, #tpu.memory_space<vmem>> -> memref<32x128xf32, #tpu.memory_space<vmem>>
      %dma_wait3A_1068 = arith.constant 0 : i32
      %dma_wait3A_1069 = arith.constant 0 : i32
      %dma_wait3A_1070 = tpu.memref_slice %arg5[%dma_wait3A_1068, %dma_wait3A_1069] : memref<32x100000xf32, #tpu.memory_space<hbm>> -> memref<32x128xf32, #tpu.memory_space<hbm>>
      %dma_wait3A_1071 = arith.constant 0 : i32
      %dma_wait3A_1072 = arith.constant 0 : i32
      %dma_wait3A_1073 = tpu.memref_slice %arg10[%dma_wait3A_1062, %dma_wait3A_1063, %dma_wait3A_1071, %dma_wait3A_1072] : memref<3x4x32x128xf32, #tpu.memory_space<vmem>> -> memref<1x1x32x128xf32, #tpu.memory_space<vmem>>
      %dma_wait3A_1074 = tpu.memref_squeeze %dma_wait3A_1073 : memref<1x1x32x128xf32, #tpu.memory_space<vmem>> -> memref<32x128xf32, #tpu.memory_space<vmem>>
      %dma_wait3A_1075 = arith.constant 0 : i32
      %dma_wait3A_1076 = arith.constant 0 : i32
      %dma_wait3A_1077 = tpu.memref_slice %arg5[%dma_wait3A_1075, %dma_wait3A_1076] : memref<32x100000xf32, #tpu.memory_space<hbm>> -> memref<32x128xf32, #tpu.memory_space<hbm>>
      tpu.wait_dma2 semaphore(%arg16 : memref<!tpu.dma_semaphore, #tpu.memory_space<semaphore_mem>>) src(%dma_wait3A_1077 : memref<32x128xf32, #tpu.memory_space<hbm>>) dst(%dma_wait3A_1074 : memref<32x128xf32, #tpu.memory_space<vmem>>)
      %dma_wait3A_1078 = arith.constant 1 : i32
      %dma_wait3A_1079 = arith.constant 3 : i32
      %dma_wait3A_1080 = arith.constant 0 : i32
      %dma_wait3A_1081 = arith.constant 0 : i32
      %dma_wait3A_1082 = tpu.memref_slice %arg9[%dma_wait3A_1078, %dma_wait3A_1079, %dma_wait3A_1080, %dma_wait3A_1081] : memref<3x4x32x128xf32, #tpu.memory_space<vmem>> -> memref<1x1x32x128xf32, #tpu.memory_space<vmem>>
      %dma_wait3A_1083 = tpu.memref_squeeze %dma_wait3A_1082 : memref<1x1x32x128xf32, #tpu.memory_space<vmem>> -> memref<32x128xf32, #tpu.memory_space<vmem>>
      %dma_wait3A_1084 = arith.constant 0 : i32
      %dma_wait3A_1085 = arith.constant 0 : i32
      %dma_wait3A_1086 = tpu.memref_slice %arg4[%dma_wait3A_1084, %dma_wait3A_1085] : memref<32x1000000xf32, #tpu.memory_space<hbm>> -> memref<32x128xf32, #tpu.memory_space<hbm>>
      %dma_wait3A_1087 = arith.constant 0 : i32
      %dma_wait3A_1088 = arith.constant 0 : i32
      %dma_wait3A_1089 = tpu.memref_slice %arg9[%dma_wait3A_1078, %dma_wait3A_1079, %dma_wait3A_1087, %dma_wait3A_1088] : memref<3x4x32x128xf32, #tpu.memory_space<vmem>> -> memref<1x1x32x128xf32, #tpu.memory_space<vmem>>
      %dma_wait3A_1090 = tpu.memref_squeeze %dma_wait3A_1089 : memref<1x1x32x128xf32, #tpu.memory_space<vmem>> -> memref<32x128xf32, #tpu.memory_space<vmem>>
      %dma_wait3A_1091 = arith.constant 0 : i32
      %dma_wait3A_1092 = arith.constant 0 : i32
      %dma_wait3A_1093 = tpu.memref_slice %arg4[%dma_wait3A_1091, %dma_wait3A_1092] : memref<32x1000000xf32, #tpu.memory_space<hbm>> -> memref<32x128xf32, #tpu.memory_space<hbm>>
      tpu.wait_dma2 semaphore(%arg13 : memref<!tpu.dma_semaphore, #tpu.memory_space<semaphore_mem>>) src(%dma_wait3A_1093 : memref<32x128xf32, #tpu.memory_space<hbm>>) dst(%dma_wait3A_1090 : memref<32x128xf32, #tpu.memory_space<vmem>>)
      %dma_wait3A_1094 = arith.constant 1 : i32
      %dma_wait3A_1095 = arith.constant 3 : i32
      %dma_wait3A_1096 = arith.constant 0 : i32
      %dma_wait3A_1097 = arith.constant 0 : i32
      %dma_wait3A_1098 = tpu.memref_slice %arg10[%dma_wait3A_1094, %dma_wait3A_1095, %dma_wait3A_1096, %dma_wait3A_1097] : memref<3x4x32x128xf32, #tpu.memory_space<vmem>> -> memref<1x1x32x128xf32, #tpu.memory_space<vmem>>
      %dma_wait3A_1099 = tpu.memref_squeeze %dma_wait3A_1098 : memref<1x1x32x128xf32, #tpu.memory_space<vmem>> -> memref<32x128xf32, #tpu.memory_space<vmem>>
      %dma_wait3A_1100 = arith.constant 0 : i32
      %dma_wait3A_1101 = arith.constant 0 : i32
      %dma_wait3A_1102 = tpu.memref_slice %arg5[%dma_wait3A_1100, %dma_wait3A_1101] : memref<32x100000xf32, #tpu.memory_space<hbm>> -> memref<32x128xf32, #tpu.memory_space<hbm>>
      %dma_wait3A_1103 = arith.constant 0 : i32
      %dma_wait3A_1104 = arith.constant 0 : i32
      %dma_wait3A_1105 = tpu.memref_slice %arg10[%dma_wait3A_1094, %dma_wait3A_1095, %dma_wait3A_1103, %dma_wait3A_1104] : memref<3x4x32x128xf32, #tpu.memory_space<vmem>> -> memref<1x1x32x128xf32, #tpu.memory_space<vmem>>
      %dma_wait3A_1106 = tpu.memref_squeeze %dma_wait3A_1105 : memref<1x1x32x128xf32, #tpu.memory_space<vmem>> -> memref<32x128xf32, #tpu.memory_space<vmem>>
      %dma_wait3A_1107 = arith.constant 0 : i32
      %dma_wait3A_1108 = arith.constant 0 : i32
      %dma_wait3A_1109 = tpu.memref_slice %arg5[%dma_wait3A_1107, %dma_wait3A_1108] : memref<32x100000xf32, #tpu.memory_space<hbm>> -> memref<32x128xf32, #tpu.memory_space<hbm>>
      tpu.wait_dma2 semaphore(%arg16 : memref<!tpu.dma_semaphore, #tpu.memory_space<semaphore_mem>>) src(%dma_wait3A_1109 : memref<32x128xf32, #tpu.memory_space<hbm>>) dst(%dma_wait3A_1106 : memref<32x128xf32, #tpu.memory_space<vmem>>)
      %mul3A_1110 = arith.constant 4 : i32
      %mul3A_1111 = arith.muli %add3A_546, %mul3A_1110 : i32
      %get3A_1112 = arith.index_cast %mul3A_1111 : i32 to index
      %get3A_1113 = tpu.vector_load %arg7[%get3A_1112] {strides = array<i32>} : memref<528xi32, #tpu.memory_space<vmem>>, vector<16xi32>,
      %mul3A_1114 = arith.constant 4 : i32
      %mul3A_1115 = arith.muli %add3A_546, %mul3A_1114 : i32
      %get3A_1116 = arith.index_cast %mul3A_1115 : i32 to index
      %get3A_1117 = tpu.vector_load %arg8[%get3A_1116] {strides = array<i32>} : memref<528xi32, #tpu.memory_space<vmem>>, vector<16xi32>,
      %mul3A_1118 = arith.constant 4 : i32
      %mul3A_1119 = arith.muli %add3A_546, %mul3A_1118 : i32
      %add3A_1120 = arith.constant 0 : i32
      %add3A_1121 = arith.addi %mul3A_1119, %add3A_1120 : i32
      %and3A_1122 = arith.constant 127 : i32
      %and3A_1123 = arith.andi %add3A_1121, %and3A_1122 : i32
      %slice3A_1124 = vector.extract_strided_slice %get3A_1113 {offsets = [0], sizes = [1], strides = [1]} : vector<16xi32> to vector<1xi32>
      %squeeze3A_1125 = vector.extract %slice3A_1124[0] : i32 from vector<1xi32>
      %and3A_1126 = arith.constant 127 : i32
      %and3A_1127 = arith.andi %squeeze3A_1125, %and3A_1126 : i32
      %sub3A_1128 = arith.subi %squeeze3A_1125, %and3A_1127 : i32
      %min3A_1129 = arith.constant 999936 : i32
      %min3A_1130 = arith.minsi %sub3A_1128, %min3A_1129 : i32
      %sub3A_1131 = arith.subi %squeeze3A_1125, %min3A_1130 : i32
      %broadcast_in_dim3A_1132 = vector.broadcast %sub3A_1131 : i32 to vector<16xi32>
      %broadcast_in_dim3A_1133 = vector.broadcast %and3A_1123 : i32 to vector<16xi32>
      %gather3A_1134 = arith.constant 1 : i32
      %gather3A_1135 = arith.constant 0 : i32
      %gather3A_1136 = arith.constant 0 : i32
      %gather3A_1137 = arith.constant 0 : i32
      %gather3A_1138 = tpu.memref_slice %arg9[%gather3A_1134, %gather3A_1135, %gather3A_1136, %gather3A_1137] : memref<3x4x32x128xf32, #tpu.memory_space<vmem>> -> memref<1x1x32x128xf32, #tpu.memory_space<vmem>>
      %gather3A_1139 = tpu.memref_squeeze %gather3A_1138 : memref<1x1x32x128xf32, #tpu.memory_space<vmem>> -> memref<32x128xf32, #tpu.memory_space<vmem>>
      %gather3A_1140 = tpu.vector_load_idx %gather3A_1139[%iota3A, %broadcast_in_dim3A_1132] : memref<32x128xf32, #tpu.memory_space<vmem>>[vector<16xi32>, vector<16xi32>], vector<16xf32>,
      %add3A_1141 = arith.constant 16 : i32
      %add3A_1142 = vector.broadcast %add3A_1141 : i32 to vector<16xi32>
      %add3A_1143 = arith.addi %iota3A, %add3A_1142 : vector<16xi32>
      %gather3A_1144 = arith.constant 1 : i32
      %gather3A_1145 = arith.constant 0 : i32
      %gather3A_1146 = arith.constant 0 : i32
      %gather3A_1147 = arith.constant 0 : i32
      %gather3A_1148 = tpu.memref_slice %arg9[%gather3A_1144, %gather3A_1145, %gather3A_1146, %gather3A_1147] : memref<3x4x32x128xf32, #tpu.memory_space<vmem>> -> memref<1x1x32x128xf32, #tpu.memory_space<vmem>>
      %gather3A_1149 = tpu.memref_squeeze %gather3A_1148 : memref<1x1x32x128xf32, #tpu.memory_space<vmem>> -> memref<32x128xf32, #tpu.memory_space<vmem>>
      %gather3A_1150 = tpu.vector_load_idx %gather3A_1149[%add3A_1143, %broadcast_in_dim3A_1132] : memref<32x128xf32, #tpu.memory_space<vmem>>[vector<16xi32>, vector<16xi32>], vector<16xf32>,
      %add3A_1151 = arith.constant 0 : i32
      %add3A_1152 = vector.broadcast %add3A_1151 : i32 to vector<16xi32>
      %add3A_1153 = arith.addi %iota3A, %add3A_1152 : vector<16xi32>
      tpu.vector_store_idx %arg11[%broadcast_in_dim3A_1133, %add3A_1153], %gather3A_1140 : memref<128x128xf32, #tpu.memory_space<vmem>>[vector<16xi32>, vector<16xi32>], vector<16xf32>,
      %add3A_1154 = arith.constant 16 : i32
      %add3A_1155 = vector.broadcast %add3A_1154 : i32 to vector<16xi32>
      %add3A_1156 = arith.addi %iota3A, %add3A_1155 : vector<16xi32>
      tpu.vector_store_idx %arg11[%broadcast_in_dim3A_1133, %add3A_1156], %gather3A_1150 : memref<128x128xf32, #tpu.memory_space<vmem>>[vector<16xi32>, vector<16xi32>], vector<16xf32>,
      %slice3A_1157 = vector.extract_strided_slice %get3A_1117 {offsets = [0], sizes = [1], strides = [1]} : vector<16xi32> to vector<1xi32>
      %squeeze3A_1158 = vector.extract %slice3A_1157[0] : i32 from vector<1xi32>
      %and3A_1159 = arith.constant 127 : i32
      %and3A_1160 = arith.andi %squeeze3A_1158, %and3A_1159 : i32
      %sub3A_1161 = arith.subi %squeeze3A_1158, %and3A_1160 : i32
      %min3A_1162 = arith.constant 99968 : i32
      %min3A_1163 = arith.minsi %sub3A_1161, %min3A_1162 : i32
      %sub3A_1164 = arith.subi %squeeze3A_1158, %min3A_1163 : i32
      %broadcast_in_dim3A_1165 = vector.broadcast %sub3A_1164 : i32 to vector<16xi32>
      %broadcast_in_dim3A_1166 = vector.broadcast %and3A_1123 : i32 to vector<16xi32>
      %gather3A_1167 = arith.constant 1 : i32
      %gather3A_1168 = arith.constant 0 : i32
      %gather3A_1169 = arith.constant 0 : i32
      %gather3A_1170 = arith.constant 0 : i32
      %gather3A_1171 = tpu.memref_slice %arg10[%gather3A_1167, %gather3A_1168, %gather3A_1169, %gather3A_1170] : memref<3x4x32x128xf32, #tpu.memory_space<vmem>> -> memref<1x1x32x128xf32, #tpu.memory_space<vmem>>
      %gather3A_1172 = tpu.memref_squeeze %gather3A_1171 : memref<1x1x32x128xf32, #tpu.memory_space<vmem>> -> memref<32x128xf32, #tpu.memory_space<vmem>>
      %gather3A_1173 = tpu.vector_load_idx %gather3A_1172[%iota3A, %broadcast_in_dim3A_1165] : memref<32x128xf32, #tpu.memory_space<vmem>>[vector<16xi32>, vector<16xi32>], vector<16xf32>,
      %add3A_1174 = arith.constant 16 : i32
      %add3A_1175 = vector.broadcast %add3A_1174 : i32 to vector<16xi32>
      %add3A_1176 = arith.addi %iota3A, %add3A_1175 : vector<16xi32>
      %gather3A_1177 = arith.constant 1 : i32
      %gather3A_1178 = arith.constant 0 : i32
      %gather3A_1179 = arith.constant 0 : i32
      %gather3A_1180 = arith.constant 0 : i32
      %gather3A_1181 = tpu.memref_slice %arg10[%gather3A_1177, %gather3A_1178, %gather3A_1179, %gather3A_1180] : memref<3x4x32x128xf32, #tpu.memory_space<vmem>> -> memref<1x1x32x128xf32, #tpu.memory_space<vmem>>
      %gather3A_1182 = tpu.memref_squeeze %gather3A_1181 : memref<1x1x32x128xf32, #tpu.memory_space<vmem>> -> memref<32x128xf32, #tpu.memory_space<vmem>>
      %gather3A_1183 = tpu.vector_load_idx %gather3A_1182[%add3A_1176, %broadcast_in_dim3A_1165] : memref<32x128xf32, #tpu.memory_space<vmem>>[vector<16xi32>, vector<16xi32>], vector<16xf32>,
      %add3A_1184 = arith.constant 32 : i32
      %add3A_1185 = vector.broadcast %add3A_1184 : i32 to vector<16xi32>
      %add3A_1186 = arith.addi %iota3A, %add3A_1185 : vector<16xi32>
      tpu.vector_store_idx %arg11[%broadcast_in_dim3A_1166, %add3A_1186], %gather3A_1173 : memref<128x128xf32, #tpu.memory_space<vmem>>[vector<16xi32>, vector<16xi32>], vector<16xf32>,
      %add3A_1187 = arith.constant 48 : i32
      %add3A_1188 = vector.broadcast %add3A_1187 : i32 to vector<16xi32>
      %add3A_1189 = arith.addi %iota3A, %add3A_1188 : vector<16xi32>
      tpu.vector_store_idx %arg11[%broadcast_in_dim3A_1166, %add3A_1189], %gather3A_1183 : memref<128x128xf32, #tpu.memory_space<vmem>>[vector<16xi32>, vector<16xi32>], vector<16xf32>,
      %mul3A_1190 = arith.constant 4 : i32
      %mul3A_1191 = arith.muli %add3A_546, %mul3A_1190 : i32
      %add3A_1192 = arith.constant 1 : i32
      %add3A_1193 = arith.addi %mul3A_1191, %add3A_1192 : i32
      %and3A_1194 = arith.constant 127 : i32
      %and3A_1195 = arith.andi %add3A_1193, %and3A_1194 : i32
      %slice3A_1196 = vector.extract_strided_slice %get3A_1113 {offsets = [1], sizes = [1], strides = [1]} : vector<16xi32> to vector<1xi32>
      %squeeze3A_1197 = vector.extract %slice3A_1196[0] : i32 from vector<1xi32>
      %and3A_1198 = arith.constant 127 : i32
      %and3A_1199 = arith.andi %squeeze3A_1197, %and3A_1198 : i32
      %sub3A_1200 = arith.subi %squeeze3A_1197, %and3A_1199 : i32
      %min3A_1201 = arith.constant 999936 : i32
      %min3A_1202 = arith.minsi %sub3A_1200, %min3A_1201 : i32
      %sub3A_1203 = arith.subi %squeeze3A_1197, %min3A_1202 : i32
      %broadcast_in_dim3A_1204 = vector.broadcast %sub3A_1203 : i32 to vector<16xi32>
      %broadcast_in_dim3A_1205 = vector.broadcast %and3A_1195 : i32 to vector<16xi32>
      %gather3A_1206 = arith.constant 1 : i32
      %gather3A_1207 = arith.constant 1 : i32
      %gather3A_1208 = arith.constant 0 : i32
      %gather3A_1209 = arith.constant 0 : i32
      %gather3A_1210 = tpu.memref_slice %arg9[%gather3A_1206, %gather3A_1207, %gather3A_1208, %gather3A_1209] : memref<3x4x32x128xf32, #tpu.memory_space<vmem>> -> memref<1x1x32x128xf32, #tpu.memory_space<vmem>>
      %gather3A_1211 = tpu.memref_squeeze %gather3A_1210 : memref<1x1x32x128xf32, #tpu.memory_space<vmem>> -> memref<32x128xf32, #tpu.memory_space<vmem>>
      %gather3A_1212 = tpu.vector_load_idx %gather3A_1211[%iota3A, %broadcast_in_dim3A_1204] : memref<32x128xf32, #tpu.memory_space<vmem>>[vector<16xi32>, vector<16xi32>], vector<16xf32>,
      %add3A_1213 = arith.constant 16 : i32
      %add3A_1214 = vector.broadcast %add3A_1213 : i32 to vector<16xi32>
      %add3A_1215 = arith.addi %iota3A, %add3A_1214 : vector<16xi32>
      %gather3A_1216 = arith.constant 1 : i32
      %gather3A_1217 = arith.constant 1 : i32
      %gather3A_1218 = arith.constant 0 : i32
      %gather3A_1219 = arith.constant 0 : i32
      %gather3A_1220 = tpu.memref_slice %arg9[%gather3A_1216, %gather3A_1217, %gather3A_1218, %gather3A_1219] : memref<3x4x32x128xf32, #tpu.memory_space<vmem>> -> memref<1x1x32x128xf32, #tpu.memory_space<vmem>>
      %gather3A_1221 = tpu.memref_squeeze %gather3A_1220 : memref<1x1x32x128xf32, #tpu.memory_space<vmem>> -> memref<32x128xf32, #tpu.memory_space<vmem>>
      %gather3A_1222 = tpu.vector_load_idx %gather3A_1221[%add3A_1215, %broadcast_in_dim3A_1204] : memref<32x128xf32, #tpu.memory_space<vmem>>[vector<16xi32>, vector<16xi32>], vector<16xf32>,
      %add3A_1223 = arith.constant 0 : i32
      %add3A_1224 = vector.broadcast %add3A_1223 : i32 to vector<16xi32>
      %add3A_1225 = arith.addi %iota3A, %add3A_1224 : vector<16xi32>
      tpu.vector_store_idx %arg11[%broadcast_in_dim3A_1205, %add3A_1225], %gather3A_1212 : memref<128x128xf32, #tpu.memory_space<vmem>>[vector<16xi32>, vector<16xi32>], vector<16xf32>,
      %add3A_1226 = arith.constant 16 : i32
      %add3A_1227 = vector.broadcast %add3A_1226 : i32 to vector<16xi32>
      %add3A_1228 = arith.addi %iota3A, %add3A_1227 : vector<16xi32>
      tpu.vector_store_idx %arg11[%broadcast_in_dim3A_1205, %add3A_1228], %gather3A_1222 : memref<128x128xf32, #tpu.memory_space<vmem>>[vector<16xi32>, vector<16xi32>], vector<16xf32>,
      %slice3A_1229 = vector.extract_strided_slice %get3A_1117 {offsets = [1], sizes = [1], strides = [1]} : vector<16xi32> to vector<1xi32>
      %squeeze3A_1230 = vector.extract %slice3A_1229[0] : i32 from vector<1xi32>
      %and3A_1231 = arith.constant 127 : i32
      %and3A_1232 = arith.andi %squeeze3A_1230, %and3A_1231 : i32
      %sub3A_1233 = arith.subi %squeeze3A_1230, %and3A_1232 : i32
      %min3A_1234 = arith.constant 99968 : i32
      %min3A_1235 = arith.minsi %sub3A_1233, %min3A_1234 : i32
      %sub3A_1236 = arith.subi %squeeze3A_1230, %min3A_1235 : i32
      %broadcast_in_dim3A_1237 = vector.broadcast %sub3A_1236 : i32 to vector<16xi32>
      %broadcast_in_dim3A_1238 = vector.broadcast %and3A_1195 : i32 to vector<16xi32>
      %gather3A_1239 = arith.constant 1 : i32
      %gather3A_1240 = arith.constant 1 : i32
      %gather3A_1241 = arith.constant 0 : i32
      %gather3A_1242 = arith.constant 0 : i32
      %gather3A_1243 = tpu.memref_slice %arg10[%gather3A_1239, %gather3A_1240, %gather3A_1241, %gather3A_1242] : memref<3x4x32x128xf32, #tpu.memory_space<vmem>> -> memref<1x1x32x128xf32, #tpu.memory_space<vmem>>
      %gather3A_1244 = tpu.memref_squeeze %gather3A_1243 : memref<1x1x32x128xf32, #tpu.memory_space<vmem>> -> memref<32x128xf32, #tpu.memory_space<vmem>>
      %gather3A_1245 = tpu.vector_load_idx %gather3A_1244[%iota3A, %broadcast_in_dim3A_1237] : memref<32x128xf32, #tpu.memory_space<vmem>>[vector<16xi32>, vector<16xi32>], vector<16xf32>,
      %add3A_1246 = arith.constant 16 : i32
      %add3A_1247 = vector.broadcast %add3A_1246 : i32 to vector<16xi32>
      %add3A_1248 = arith.addi %iota3A, %add3A_1247 : vector<16xi32>
      %gather3A_1249 = arith.constant 1 : i32
      %gather3A_1250 = arith.constant 1 : i32
      %gather3A_1251 = arith.constant 0 : i32
      %gather3A_1252 = arith.constant 0 : i32
      %gather3A_1253 = tpu.memref_slice %arg10[%gather3A_1249, %gather3A_1250, %gather3A_1251, %gather3A_1252] : memref<3x4x32x128xf32, #tpu.memory_space<vmem>> -> memref<1x1x32x128xf32, #tpu.memory_space<vmem>>
      %gather3A_1254 = tpu.memref_squeeze %gather3A_1253 : memref<1x1x32x128xf32, #tpu.memory_space<vmem>> -> memref<32x128xf32, #tpu.memory_space<vmem>>
      %gather3A_1255 = tpu.vector_load_idx %gather3A_1254[%add3A_1248, %broadcast_in_dim3A_1237] : memref<32x128xf32, #tpu.memory_space<vmem>>[vector<16xi32>, vector<16xi32>], vector<16xf32>,
      %add3A_1256 = arith.constant 32 : i32
      %add3A_1257 = vector.broadcast %add3A_1256 : i32 to vector<16xi32>
      %add3A_1258 = arith.addi %iota3A, %add3A_1257 : vector<16xi32>
      tpu.vector_store_idx %arg11[%broadcast_in_dim3A_1238, %add3A_1258], %gather3A_1245 : memref<128x128xf32, #tpu.memory_space<vmem>>[vector<16xi32>, vector<16xi32>], vector<16xf32>,
      %add3A_1259 = arith.constant 48 : i32
      %add3A_1260 = vector.broadcast %add3A_1259 : i32 to vector<16xi32>
      %add3A_1261 = arith.addi %iota3A, %add3A_1260 : vector<16xi32>
      tpu.vector_store_idx %arg11[%broadcast_in_dim3A_1238, %add3A_1261], %gather3A_1255 : memref<128x128xf32, #tpu.memory_space<vmem>>[vector<16xi32>, vector<16xi32>], vector<16xf32>,
      %mul3A_1262 = arith.constant 4 : i32
      %mul3A_1263 = arith.muli %add3A_546, %mul3A_1262 : i32
      %add3A_1264 = arith.constant 2 : i32
      %add3A_1265 = arith.addi %mul3A_1263, %add3A_1264 : i32
      %and3A_1266 = arith.constant 127 : i32
      %and3A_1267 = arith.andi %add3A_1265, %and3A_1266 : i32
      %slice3A_1268 = vector.extract_strided_slice %get3A_1113 {offsets = [2], sizes = [1], strides = [1]} : vector<16xi32> to vector<1xi32>
      %squeeze3A_1269 = vector.extract %slice3A_1268[0] : i32 from vector<1xi32>
      %and3A_1270 = arith.constant 127 : i32
      %and3A_1271 = arith.andi %squeeze3A_1269, %and3A_1270 : i32
      %sub3A_1272 = arith.subi %squeeze3A_1269, %and3A_1271 : i32
      %min3A_1273 = arith.constant 999936 : i32
      %min3A_1274 = arith.minsi %sub3A_1272, %min3A_1273 : i32
      %sub3A_1275 = arith.subi %squeeze3A_1269, %min3A_1274 : i32
      %broadcast_in_dim3A_1276 = vector.broadcast %sub3A_1275 : i32 to vector<16xi32>
      %broadcast_in_dim3A_1277 = vector.broadcast %and3A_1267 : i32 to vector<16xi32>
      %gather3A_1278 = arith.constant 1 : i32
      %gather3A_1279 = arith.constant 2 : i32
      %gather3A_1280 = arith.constant 0 : i32
      %gather3A_1281 = arith.constant 0 : i32
      %gather3A_1282 = tpu.memref_slice %arg9[%gather3A_1278, %gather3A_1279, %gather3A_1280, %gather3A_1281] : memref<3x4x32x128xf32, #tpu.memory_space<vmem>> -> memref<1x1x32x128xf32, #tpu.memory_space<vmem>>
      %gather3A_1283 = tpu.memref_squeeze %gather3A_1282 : memref<1x1x32x128xf32, #tpu.memory_space<vmem>> -> memref<32x128xf32, #tpu.memory_space<vmem>>
      %gather3A_1284 = tpu.vector_load_idx %gather3A_1283[%iota3A, %broadcast_in_dim3A_1276] : memref<32x128xf32, #tpu.memory_space<vmem>>[vector<16xi32>, vector<16xi32>], vector<16xf32>,
      %add3A_1285 = arith.constant 16 : i32
      %add3A_1286 = vector.broadcast %add3A_1285 : i32 to vector<16xi32>
      %add3A_1287 = arith.addi %iota3A, %add3A_1286 : vector<16xi32>
      %gather3A_1288 = arith.constant 1 : i32
      %gather3A_1289 = arith.constant 2 : i32
      %gather3A_1290 = arith.constant 0 : i32
      %gather3A_1291 = arith.constant 0 : i32
      %gather3A_1292 = tpu.memref_slice %arg9[%gather3A_1288, %gather3A_1289, %gather3A_1290, %gather3A_1291] : memref<3x4x32x128xf32, #tpu.memory_space<vmem>> -> memref<1x1x32x128xf32, #tpu.memory_space<vmem>>
      %gather3A_1293 = tpu.memref_squeeze %gather3A_1292 : memref<1x1x32x128xf32, #tpu.memory_space<vmem>> -> memref<32x128xf32, #tpu.memory_space<vmem>>
      %gather3A_1294 = tpu.vector_load_idx %gather3A_1293[%add3A_1287, %broadcast_in_dim3A_1276] : memref<32x128xf32, #tpu.memory_space<vmem>>[vector<16xi32>, vector<16xi32>], vector<16xf32>,
      %add3A_1295 = arith.constant 0 : i32
      %add3A_1296 = vector.broadcast %add3A_1295 : i32 to vector<16xi32>
      %add3A_1297 = arith.addi %iota3A, %add3A_1296 : vector<16xi32>
      tpu.vector_store_idx %arg11[%broadcast_in_dim3A_1277, %add3A_1297], %gather3A_1284 : memref<128x128xf32, #tpu.memory_space<vmem>>[vector<16xi32>, vector<16xi32>], vector<16xf32>,
      %add3A_1298 = arith.constant 16 : i32
      %add3A_1299 = vector.broadcast %add3A_1298 : i32 to vector<16xi32>
      %add3A_1300 = arith.addi %iota3A, %add3A_1299 : vector<16xi32>
      tpu.vector_store_idx %arg11[%broadcast_in_dim3A_1277, %add3A_1300], %gather3A_1294 : memref<128x128xf32, #tpu.memory_space<vmem>>[vector<16xi32>, vector<16xi32>], vector<16xf32>,
      %slice3A_1301 = vector.extract_strided_slice %get3A_1117 {offsets = [2], sizes = [1], strides = [1]} : vector<16xi32> to vector<1xi32>
      %squeeze3A_1302 = vector.extract %slice3A_1301[0] : i32 from vector<1xi32>
      %and3A_1303 = arith.constant 127 : i32
      %and3A_1304 = arith.andi %squeeze3A_1302, %and3A_1303 : i32
      %sub3A_1305 = arith.subi %squeeze3A_1302, %and3A_1304 : i32
      %min3A_1306 = arith.constant 99968 : i32
      %min3A_1307 = arith.minsi %sub3A_1305, %min3A_1306 : i32
      %sub3A_1308 = arith.subi %squeeze3A_1302, %min3A_1307 : i32
      %broadcast_in_dim3A_1309 = vector.broadcast %sub3A_1308 : i32 to vector<16xi32>
      %broadcast_in_dim3A_1310 = vector.broadcast %and3A_1267 : i32 to vector<16xi32>
      %gather3A_1311 = arith.constant 1 : i32
      %gather3A_1312 = arith.constant 2 : i32
      %gather3A_1313 = arith.constant 0 : i32
      %gather3A_1314 = arith.constant 0 : i32
      %gather3A_1315 = tpu.memref_slice %arg10[%gather3A_1311, %gather3A_1312, %gather3A_1313, %gather3A_1314] : memref<3x4x32x128xf32, #tpu.memory_space<vmem>> -> memref<1x1x32x128xf32, #tpu.memory_space<vmem>>
      %gather3A_1316 = tpu.memref_squeeze %gather3A_1315 : memref<1x1x32x128xf32, #tpu.memory_space<vmem>> -> memref<32x128xf32, #tpu.memory_space<vmem>>
      %gather3A_1317 = tpu.vector_load_idx %gather3A_1316[%iota3A, %broadcast_in_dim3A_1309] : memref<32x128xf32, #tpu.memory_space<vmem>>[vector<16xi32>, vector<16xi32>], vector<16xf32>,
      %add3A_1318 = arith.constant 16 : i32
      %add3A_1319 = vector.broadcast %add3A_1318 : i32 to vector<16xi32>
      %add3A_1320 = arith.addi %iota3A, %add3A_1319 : vector<16xi32>
      %gather3A_1321 = arith.constant 1 : i32
      %gather3A_1322 = arith.constant 2 : i32
      %gather3A_1323 = arith.constant 0 : i32
      %gather3A_1324 = arith.constant 0 : i32
      %gather3A_1325 = tpu.memref_slice %arg10[%gather3A_1321, %gather3A_1322, %gather3A_1323, %gather3A_1324] : memref<3x4x32x128xf32, #tpu.memory_space<vmem>> -> memref<1x1x32x128xf32, #tpu.memory_space<vmem>>
      %gather3A_1326 = tpu.memref_squeeze %gather3A_1325 : memref<1x1x32x128xf32, #tpu.memory_space<vmem>> -> memref<32x128xf32, #tpu.memory_space<vmem>>
      %gather3A_1327 = tpu.vector_load_idx %gather3A_1326[%add3A_1320, %broadcast_in_dim3A_1309] : memref<32x128xf32, #tpu.memory_space<vmem>>[vector<16xi32>, vector<16xi32>], vector<16xf32>,
      %add3A_1328 = arith.constant 32 : i32
      %add3A_1329 = vector.broadcast %add3A_1328 : i32 to vector<16xi32>
      %add3A_1330 = arith.addi %iota3A, %add3A_1329 : vector<16xi32>
      tpu.vector_store_idx %arg11[%broadcast_in_dim3A_1310, %add3A_1330], %gather3A_1317 : memref<128x128xf32, #tpu.memory_space<vmem>>[vector<16xi32>, vector<16xi32>], vector<16xf32>,
      %add3A_1331 = arith.constant 48 : i32
      %add3A_1332 = vector.broadcast %add3A_1331 : i32 to vector<16xi32>
      %add3A_1333 = arith.addi %iota3A, %add3A_1332 : vector<16xi32>
      tpu.vector_store_idx %arg11[%broadcast_in_dim3A_1310, %add3A_1333], %gather3A_1327 : memref<128x128xf32, #tpu.memory_space<vmem>>[vector<16xi32>, vector<16xi32>], vector<16xf32>,
      %mul3A_1334 = arith.constant 4 : i32
      %mul3A_1335 = arith.muli %add3A_546, %mul3A_1334 : i32
      %add3A_1336 = arith.constant 3 : i32
      %add3A_1337 = arith.addi %mul3A_1335, %add3A_1336 : i32
      %and3A_1338 = arith.constant 127 : i32
      %and3A_1339 = arith.andi %add3A_1337, %and3A_1338 : i32
      %slice3A_1340 = vector.extract_strided_slice %get3A_1113 {offsets = [3], sizes = [1], strides = [1]} : vector<16xi32> to vector<1xi32>
      %squeeze3A_1341 = vector.extract %slice3A_1340[0] : i32 from vector<1xi32>
      %and3A_1342 = arith.constant 127 : i32
      %and3A_1343 = arith.andi %squeeze3A_1341, %and3A_1342 : i32
      %sub3A_1344 = arith.subi %squeeze3A_1341, %and3A_1343 : i32
      %min3A_1345 = arith.constant 999936 : i32
      %min3A_1346 = arith.minsi %sub3A_1344, %min3A_1345 : i32
      %sub3A_1347 = arith.subi %squeeze3A_1341, %min3A_1346 : i32
      %broadcast_in_dim3A_1348 = vector.broadcast %sub3A_1347 : i32 to vector<16xi32>
      %broadcast_in_dim3A_1349 = vector.broadcast %and3A_1339 : i32 to vector<16xi32>
      %gather3A_1350 = arith.constant 1 : i32
      %gather3A_1351 = arith.constant 3 : i32
      %gather3A_1352 = arith.constant 0 : i32
      %gather3A_1353 = arith.constant 0 : i32
      %gather3A_1354 = tpu.memref_slice %arg9[%gather3A_1350, %gather3A_1351, %gather3A_1352, %gather3A_1353] : memref<3x4x32x128xf32, #tpu.memory_space<vmem>> -> memref<1x1x32x128xf32, #tpu.memory_space<vmem>>
      %gather3A_1355 = tpu.memref_squeeze %gather3A_1354 : memref<1x1x32x128xf32, #tpu.memory_space<vmem>> -> memref<32x128xf32, #tpu.memory_space<vmem>>
      %gather3A_1356 = tpu.vector_load_idx %gather3A_1355[%iota3A, %broadcast_in_dim3A_1348] : memref<32x128xf32, #tpu.memory_space<vmem>>[vector<16xi32>, vector<16xi32>], vector<16xf32>,
      %add3A_1357 = arith.constant 16 : i32
      %add3A_1358 = vector.broadcast %add3A_1357 : i32 to vector<16xi32>
      %add3A_1359 = arith.addi %iota3A, %add3A_1358 : vector<16xi32>
      %gather3A_1360 = arith.constant 1 : i32
      %gather3A_1361 = arith.constant 3 : i32
      %gather3A_1362 = arith.constant 0 : i32
      %gather3A_1363 = arith.constant 0 : i32
      %gather3A_1364 = tpu.memref_slice %arg9[%gather3A_1360, %gather3A_1361, %gather3A_1362, %gather3A_1363] : memref<3x4x32x128xf32, #tpu.memory_space<vmem>> -> memref<1x1x32x128xf32, #tpu.memory_space<vmem>>
      %gather3A_1365 = tpu.memref_squeeze %gather3A_1364 : memref<1x1x32x128xf32, #tpu.memory_space<vmem>> -> memref<32x128xf32, #tpu.memory_space<vmem>>
      %gather3A_1366 = tpu.vector_load_idx %gather3A_1365[%add3A_1359, %broadcast_in_dim3A_1348] : memref<32x128xf32, #tpu.memory_space<vmem>>[vector<16xi32>, vector<16xi32>], vector<16xf32>,
      %add3A_1367 = arith.constant 0 : i32
      %add3A_1368 = vector.broadcast %add3A_1367 : i32 to vector<16xi32>
      %add3A_1369 = arith.addi %iota3A, %add3A_1368 : vector<16xi32>
      tpu.vector_store_idx %arg11[%broadcast_in_dim3A_1349, %add3A_1369], %gather3A_1356 : memref<128x128xf32, #tpu.memory_space<vmem>>[vector<16xi32>, vector<16xi32>], vector<16xf32>,
      %add3A_1370 = arith.constant 16 : i32
      %add3A_1371 = vector.broadcast %add3A_1370 : i32 to vector<16xi32>
      %add3A_1372 = arith.addi %iota3A, %add3A_1371 : vector<16xi32>
      tpu.vector_store_idx %arg11[%broadcast_in_dim3A_1349, %add3A_1372], %gather3A_1366 : memref<128x128xf32, #tpu.memory_space<vmem>>[vector<16xi32>, vector<16xi32>], vector<16xf32>,
      %slice3A_1373 = vector.extract_strided_slice %get3A_1117 {offsets = [3], sizes = [1], strides = [1]} : vector<16xi32> to vector<1xi32>
      %squeeze3A_1374 = vector.extract %slice3A_1373[0] : i32 from vector<1xi32>
      %and3A_1375 = arith.constant 127 : i32
      %and3A_1376 = arith.andi %squeeze3A_1374, %and3A_1375 : i32
      %sub3A_1377 = arith.subi %squeeze3A_1374, %and3A_1376 : i32
      %min3A_1378 = arith.constant 99968 : i32
      %min3A_1379 = arith.minsi %sub3A_1377, %min3A_1378 : i32
      %sub3A_1380 = arith.subi %squeeze3A_1374, %min3A_1379 : i32
      %broadcast_in_dim3A_1381 = vector.broadcast %sub3A_1380 : i32 to vector<16xi32>
      %broadcast_in_dim3A_1382 = vector.broadcast %and3A_1339 : i32 to vector<16xi32>
      %gather3A_1383 = arith.constant 1 : i32
      %gather3A_1384 = arith.constant 3 : i32
      %gather3A_1385 = arith.constant 0 : i32
      %gather3A_1386 = arith.constant 0 : i32
      %gather3A_1387 = tpu.memref_slice %arg10[%gather3A_1383, %gather3A_1384, %gather3A_1385, %gather3A_1386] : memref<3x4x32x128xf32, #tpu.memory_space<vmem>> -> memref<1x1x32x128xf32, #tpu.memory_space<vmem>>
      %gather3A_1388 = tpu.memref_squeeze %gather3A_1387 : memref<1x1x32x128xf32, #tpu.memory_space<vmem>> -> memref<32x128xf32, #tpu.memory_space<vmem>>
      %gather3A_1389 = tpu.vector_load_idx %gather3A_1388[%iota3A, %broadcast_in_dim3A_1381] : memref<32x128xf32, #tpu.memory_space<vmem>>[vector<16xi32>, vector<16xi32>], vector<16xf32>,
      %add3A_1390 = arith.constant 16 : i32
      %add3A_1391 = vector.broadcast %add3A_1390 : i32 to vector<16xi32>
      %add3A_1392 = arith.addi %iota3A, %add3A_1391 : vector<16xi32>
      %gather3A_1393 = arith.constant 1 : i32
      %gather3A_1394 = arith.constant 3 : i32
      %gather3A_1395 = arith.constant 0 : i32
      %gather3A_1396 = arith.constant 0 : i32
      %gather3A_1397 = tpu.memref_slice %arg10[%gather3A_1393, %gather3A_1394, %gather3A_1395, %gather3A_1396] : memref<3x4x32x128xf32, #tpu.memory_space<vmem>> -> memref<1x1x32x128xf32, #tpu.memory_space<vmem>>
      %gather3A_1398 = tpu.memref_squeeze %gather3A_1397 : memref<1x1x32x128xf32, #tpu.memory_space<vmem>> -> memref<32x128xf32, #tpu.memory_space<vmem>>
      %gather3A_1399 = tpu.vector_load_idx %gather3A_1398[%add3A_1392, %broadcast_in_dim3A_1381] : memref<32x128xf32, #tpu.memory_space<vmem>>[vector<16xi32>, vector<16xi32>], vector<16xf32>,
      %add3A_1400 = arith.constant 32 : i32
      %add3A_1401 = vector.broadcast %add3A_1400 : i32 to vector<16xi32>
      %add3A_1402 = arith.addi %iota3A, %add3A_1401 : vector<16xi32>
      tpu.vector_store_idx %arg11[%broadcast_in_dim3A_1382, %add3A_1402], %gather3A_1389 : memref<128x128xf32, #tpu.memory_space<vmem>>[vector<16xi32>, vector<16xi32>], vector<16xf32>,
      %add3A_1403 = arith.constant 48 : i32
      %add3A_1404 = vector.broadcast %add3A_1403 : i32 to vector<16xi32>
      %add3A_1405 = arith.addi %iota3A, %add3A_1404 : vector<16xi32>
      tpu.vector_store_idx %arg11[%broadcast_in_dim3A_1382, %add3A_1405], %gather3A_1399 : memref<128x128xf32, #tpu.memory_space<vmem>>[vector<16xi32>, vector<16xi32>], vector<16xf32>,
      %and3A_1406 = arith.constant 31 : i32
      %and3A_1407 = arith.andi %add3A_546, %and3A_1406 : i32
      %eq3A_1408 = arith.constant 31 : i32
      %eq3A_1409 = arith.cmpi eq, %and3A_1407, %eq3A_1408 : i32
      %convert_element_type3A_1410 = arith.extui %eq3A_1409 : i1 to i32
      %cond3A_1411 = arith.constant 0 : i32
      %cond3A_1412 = arith.cmpi ne, %convert_element_type3A_1410, %cond3A_1411 : i32
      scf.if %cond3A_1412 {
        %jit3A = arith.constant 32 : i32
        %div3A = arith.divsi %add3A_546, %jit3A : i32
        %sign3A = arith.constant 0 : i32
        %sign3A_1432 = arith.cmpi sgt, %add3A_546, %sign3A : i32
        %sign3A_1433 = arith.extui %sign3A_1432 : i1 to i32
        %sign3A_1434 = arith.constant 0 : i32
        %sign3A_1435 = arith.cmpi slt, %add3A_546, %sign3A_1434 : i32
        %sign3A_1436 = arith.extui %sign3A_1435 : i1 to i32
        %sign3A_1437 = arith.subi %sign3A_1433, %sign3A_1436 : i32
        %sign3A_1438 = arith.constant 0 : i32
        %sign3A_1439 = arith.cmpi sgt, %jit3A, %sign3A_1438 : i32
        %sign3A_1440 = arith.extui %sign3A_1439 : i1 to i32
        %sign3A_1441 = arith.constant 0 : i32
        %sign3A_1442 = arith.cmpi slt, %jit3A, %sign3A_1441 : i32
        %sign3A_1443 = arith.extui %sign3A_1442 : i1 to i32
        %sign3A_1444 = arith.subi %sign3A_1440, %sign3A_1443 : i32
        %ne3A = arith.cmpi ne, %sign3A_1437, %sign3A_1444 : i32
        %rem3A = arith.remsi %add3A_546, %jit3A : i32
        %ne3A_1445 = arith.constant 0 : i32
        %ne3A_1446 = arith.cmpi ne, %rem3A, %ne3A_1445 : i32
        %and3A_1447 = arith.andi %ne3A, %ne3A_1446 : i1
        %sub3A_1448 = arith.constant 1 : i32
        %sub3A_1449 = arith.subi %div3A, %sub3A_1448 : i32
        %select_n3A = arith.select %and3A_1447, %sub3A_1449, %div3A : i32
        %mul3A_1450 = arith.constant 128 : i32
        %mul3A_1451 = arith.muli %select_n3A, %mul3A_1450 : i32
        %add3A_1452 = arith.addi %mul3A_2, %mul3A_1451 : i32
        %multiple_of3A_1453 = tpu.assume_multiple %add3A_1452, 128 : i32
        "tpu.region"() ({
          %run_scoped3A = tpu.sem_alloc : memref<!tpu.dma_semaphore, #tpu.memory_space<semaphore_mem>>
          %dma_start3A_1454 = arith.constant 0 : i32
          %dma_start3A_1455 = tpu.memref_slice %arg6[%multiple_of3A_1453, %dma_start3A_1454] : memref<16384x128xf32, #tpu.memory_space<hbm>> -> memref<128x128xf32, #tpu.memory_space<hbm>>
          %dma_start3A_1456 = arith.constant 0 : i32
          %dma_start3A_1457 = tpu.memref_slice %arg6[%multiple_of3A_1453, %dma_start3A_1456] : memref<16384x128xf32, #tpu.memory_space<hbm>> -> memref<128x128xf32, #tpu.memory_space<hbm>>
          tpu.enqueue_dma source(%arg11 : memref<128x128xf32, #tpu.memory_space<vmem>>) target(%dma_start3A_1457 : memref<128x128xf32, #tpu.memory_space<hbm>>) target_semaphore(%run_scoped3A : memref<!tpu.dma_semaphore, #tpu.memory_space<semaphore_mem>>)
          %dma_wait3A_1458 = arith.constant 0 : i32
          %dma_wait3A_1459 = tpu.memref_slice %arg6[%multiple_of3A_1453, %dma_wait3A_1458] : memref<16384x128xf32, #tpu.memory_space<hbm>> -> memref<128x128xf32, #tpu.memory_space<hbm>>
          %dma_wait3A_1460 = arith.constant 0 : i32
          %dma_wait3A_1461 = tpu.memref_slice %arg6[%multiple_of3A_1453, %dma_wait3A_1460] : memref<16384x128xf32, #tpu.memory_space<hbm>> -> memref<128x128xf32, #tpu.memory_space<hbm>>
          tpu.wait_dma2 semaphore(%run_scoped3A : memref<!tpu.dma_semaphore, #tpu.memory_space<semaphore_mem>>) src(%arg11 : memref<128x128xf32, #tpu.memory_space<vmem>>) dst(%dma_wait3A_1461 : memref<128x128xf32, #tpu.memory_space<hbm>>)
          tpu.yield
        }) : () -> ()
      } else {
      }
      %add3A_1413 = arith.constant 3 : i32
      %add3A_1414 = arith.addi %add3A_546, %add3A_1413 : i32
      %lt3A_1415 = arith.constant 128 : i32
      %lt3A_1416 = arith.cmpi slt, %add3A_1414, %lt3A_1415 : i32
      %convert_element_type3A_1417 = arith.extui %lt3A_1416 : i1 to i32
      %cond3A_1418 = arith.constant 0 : i32
      %cond3A_1419 = arith.cmpi ne, %convert_element_type3A_1417, %cond3A_1418 : i32
      scf.if %cond3A_1419 {
        %add3A_1432 = arith.constant 3 : i32
        %add3A_1433 = arith.addi %add3A_546, %add3A_1432 : i32
        %mul3A_1434 = arith.constant 4 : i32
        %mul3A_1435 = arith.muli %add3A_1433, %mul3A_1434 : i32
        %get3A_1436 = arith.index_cast %mul3A_1435 : i32 to index
        %get3A_1437 = tpu.vector_load %arg7[%get3A_1436] {strides = array<i32>} : memref<528xi32, #tpu.memory_space<vmem>>, vector<16xi32>,
        %mul3A_1438 = arith.constant 4 : i32
        %mul3A_1439 = arith.muli %add3A_1433, %mul3A_1438 : i32
        %get3A_1440 = arith.index_cast %mul3A_1439 : i32 to index
        %get3A_1441 = tpu.vector_load %arg8[%get3A_1440] {strides = array<i32>} : memref<528xi32, #tpu.memory_space<vmem>>, vector<16xi32>,
        %slice3A_1442 = vector.extract_strided_slice %get3A_1437 {offsets = [0], sizes = [1], strides = [1]} : vector<16xi32> to vector<1xi32>
        %squeeze3A_1443 = vector.extract %slice3A_1442[0] : i32 from vector<1xi32>
        %and3A_1444 = arith.constant 127 : i32
        %and3A_1445 = arith.andi %squeeze3A_1443, %and3A_1444 : i32
        %sub3A_1446 = arith.subi %squeeze3A_1443, %and3A_1445 : i32
        %min3A_1447 = arith.constant 999936 : i32
        %min3A_1448 = arith.minsi %sub3A_1446, %min3A_1447 : i32
        %multiple_of3A_1449 = tpu.assume_multiple %min3A_1448, 128 : i32
        %dma_start3A_1450 = arith.constant 1 : i32
        %dma_start3A_1451 = arith.constant 0 : i32
        %dma_start3A_1452 = arith.constant 0 : i32
        %dma_start3A_1453 = arith.constant 0 : i32
        %dma_start3A_1454 = tpu.memref_slice %arg9[%dma_start3A_1450, %dma_start3A_1451, %dma_start3A_1452, %dma_start3A_1453] : memref<3x4x32x128xf32, #tpu.memory_space<vmem>> -> memref<1x1x32x128xf32, #tpu.memory_space<vmem>>
        %dma_start3A_1455 = tpu.memref_squeeze %dma_start3A_1454 : memref<1x1x32x128xf32, #tpu.memory_space<vmem>> -> memref<32x128xf32, #tpu.memory_space<vmem>>
        %dma_start3A_1456 = arith.constant 0 : i32
        %dma_start3A_1457 = tpu.memref_slice %arg4[%dma_start3A_1456, %multiple_of3A_1449] : memref<32x1000000xf32, #tpu.memory_space<hbm>> -> memref<32x128xf32, #tpu.memory_space<hbm>>
        %dma_start3A_1458 = arith.constant 0 : i32
        %dma_start3A_1459 = arith.constant 0 : i32
        %dma_start3A_1460 = tpu.memref_slice %arg9[%dma_start3A_1450, %dma_start3A_1451, %dma_start3A_1458, %dma_start3A_1459] : memref<3x4x32x128xf32, #tpu.memory_space<vmem>> -> memref<1x1x32x128xf32, #tpu.memory_space<vmem>>
        %dma_start3A_1461 = tpu.memref_squeeze %dma_start3A_1460 : memref<1x1x32x128xf32, #tpu.memory_space<vmem>> -> memref<32x128xf32, #tpu.memory_space<vmem>>
        %dma_start3A_1462 = arith.constant 0 : i32
        %dma_start3A_1463 = tpu.memref_slice %arg4[%dma_start3A_1462, %multiple_of3A_1449] : memref<32x1000000xf32, #tpu.memory_space<hbm>> -> memref<32x128xf32, #tpu.memory_space<hbm>>
        tpu.enqueue_dma source(%dma_start3A_1463 : memref<32x128xf32, #tpu.memory_space<hbm>>) target(%dma_start3A_1461 : memref<32x128xf32, #tpu.memory_space<vmem>>) target_semaphore(%arg13 : memref<!tpu.dma_semaphore, #tpu.memory_space<semaphore_mem>>)
        %slice3A_1464 = vector.extract_strided_slice %get3A_1441 {offsets = [0], sizes = [1], strides = [1]} : vector<16xi32> to vector<1xi32>
        %squeeze3A_1465 = vector.extract %slice3A_1464[0] : i32 from vector<1xi32>
        %and3A_1466 = arith.constant 127 : i32
        %and3A_1467 = arith.andi %squeeze3A_1465, %and3A_1466 : i32
        %sub3A_1468 = arith.subi %squeeze3A_1465, %and3A_1467 : i32
        %min3A_1469 = arith.constant 99968 : i32
        %min3A_1470 = arith.minsi %sub3A_1468, %min3A_1469 : i32
        %multiple_of3A_1471 = tpu.assume_multiple %min3A_1470, 128 : i32
        %dma_start3A_1472 = arith.constant 1 : i32
        %dma_start3A_1473 = arith.constant 0 : i32
        %dma_start3A_1474 = arith.constant 0 : i32
        %dma_start3A_1475 = arith.constant 0 : i32
        %dma_start3A_1476 = tpu.memref_slice %arg10[%dma_start3A_1472, %dma_start3A_1473, %dma_start3A_1474, %dma_start3A_1475] : memref<3x4x32x128xf32, #tpu.memory_space<vmem>> -> memref<1x1x32x128xf32, #tpu.memory_space<vmem>>
        %dma_start3A_1477 = tpu.memref_squeeze %dma_start3A_1476 : memref<1x1x32x128xf32, #tpu.memory_space<vmem>> -> memref<32x128xf32, #tpu.memory_space<vmem>>
        %dma_start3A_1478 = arith.constant 0 : i32
        %dma_start3A_1479 = tpu.memref_slice %arg5[%dma_start3A_1478, %multiple_of3A_1471] : memref<32x100000xf32, #tpu.memory_space<hbm>> -> memref<32x128xf32, #tpu.memory_space<hbm>>
        %dma_start3A_1480 = arith.constant 0 : i32
        %dma_start3A_1481 = arith.constant 0 : i32
        %dma_start3A_1482 = tpu.memref_slice %arg10[%dma_start3A_1472, %dma_start3A_1473, %dma_start3A_1480, %dma_start3A_1481] : memref<3x4x32x128xf32, #tpu.memory_space<vmem>> -> memref<1x1x32x128xf32, #tpu.memory_space<vmem>>
        %dma_start3A_1483 = tpu.memref_squeeze %dma_start3A_1482 : memref<1x1x32x128xf32, #tpu.memory_space<vmem>> -> memref<32x128xf32, #tpu.memory_space<vmem>>
        %dma_start3A_1484 = arith.constant 0 : i32
        %dma_start3A_1485 = tpu.memref_slice %arg5[%dma_start3A_1484, %multiple_of3A_1471] : memref<32x100000xf32, #tpu.memory_space<hbm>> -> memref<32x128xf32, #tpu.memory_space<hbm>>
        tpu.enqueue_dma source(%dma_start3A_1485 : memref<32x128xf32, #tpu.memory_space<hbm>>) target(%dma_start3A_1483 : memref<32x128xf32, #tpu.memory_space<vmem>>) target_semaphore(%arg16 : memref<!tpu.dma_semaphore, #tpu.memory_space<semaphore_mem>>)
        %slice3A_1486 = vector.extract_strided_slice %get3A_1437 {offsets = [1], sizes = [1], strides = [1]} : vector<16xi32> to vector<1xi32>
        %squeeze3A_1487 = vector.extract %slice3A_1486[0] : i32 from vector<1xi32>
        %and3A_1488 = arith.constant 127 : i32
        %and3A_1489 = arith.andi %squeeze3A_1487, %and3A_1488 : i32
        %sub3A_1490 = arith.subi %squeeze3A_1487, %and3A_1489 : i32
        %min3A_1491 = arith.constant 999936 : i32
        %min3A_1492 = arith.minsi %sub3A_1490, %min3A_1491 : i32
        %multiple_of3A_1493 = tpu.assume_multiple %min3A_1492, 128 : i32
        %dma_start3A_1494 = arith.constant 1 : i32
        %dma_start3A_1495 = arith.constant 1 : i32
        %dma_start3A_1496 = arith.constant 0 : i32
        %dma_start3A_1497 = arith.constant 0 : i32
        %dma_start3A_1498 = tpu.memref_slice %arg9[%dma_start3A_1494, %dma_start3A_1495, %dma_start3A_1496, %dma_start3A_1497] : memref<3x4x32x128xf32, #tpu.memory_space<vmem>> -> memref<1x1x32x128xf32, #tpu.memory_space<vmem>>
        %dma_start3A_1499 = tpu.memref_squeeze %dma_start3A_1498 : memref<1x1x32x128xf32, #tpu.memory_space<vmem>> -> memref<32x128xf32, #tpu.memory_space<vmem>>
        %dma_start3A_1500 = arith.constant 0 : i32
        %dma_start3A_1501 = tpu.memref_slice %arg4[%dma_start3A_1500, %multiple_of3A_1493] : memref<32x1000000xf32, #tpu.memory_space<hbm>> -> memref<32x128xf32, #tpu.memory_space<hbm>>
        %dma_start3A_1502 = arith.constant 0 : i32
        %dma_start3A_1503 = arith.constant 0 : i32
        %dma_start3A_1504 = tpu.memref_slice %arg9[%dma_start3A_1494, %dma_start3A_1495, %dma_start3A_1502, %dma_start3A_1503] : memref<3x4x32x128xf32, #tpu.memory_space<vmem>> -> memref<1x1x32x128xf32, #tpu.memory_space<vmem>>
        %dma_start3A_1505 = tpu.memref_squeeze %dma_start3A_1504 : memref<1x1x32x128xf32, #tpu.memory_space<vmem>> -> memref<32x128xf32, #tpu.memory_space<vmem>>
        %dma_start3A_1506 = arith.constant 0 : i32
        %dma_start3A_1507 = tpu.memref_slice %arg4[%dma_start3A_1506, %multiple_of3A_1493] : memref<32x1000000xf32, #tpu.memory_space<hbm>> -> memref<32x128xf32, #tpu.memory_space<hbm>>
        tpu.enqueue_dma source(%dma_start3A_1507 : memref<32x128xf32, #tpu.memory_space<hbm>>) target(%dma_start3A_1505 : memref<32x128xf32, #tpu.memory_space<vmem>>) target_semaphore(%arg13 : memref<!tpu.dma_semaphore, #tpu.memory_space<semaphore_mem>>)
        %slice3A_1508 = vector.extract_strided_slice %get3A_1441 {offsets = [1], sizes = [1], strides = [1]} : vector<16xi32> to vector<1xi32>
        %squeeze3A_1509 = vector.extract %slice3A_1508[0] : i32 from vector<1xi32>
        %and3A_1510 = arith.constant 127 : i32
        %and3A_1511 = arith.andi %squeeze3A_1509, %and3A_1510 : i32
        %sub3A_1512 = arith.subi %squeeze3A_1509, %and3A_1511 : i32
        %min3A_1513 = arith.constant 99968 : i32
        %min3A_1514 = arith.minsi %sub3A_1512, %min3A_1513 : i32
        %multiple_of3A_1515 = tpu.assume_multiple %min3A_1514, 128 : i32
        %dma_start3A_1516 = arith.constant 1 : i32
        %dma_start3A_1517 = arith.constant 1 : i32
        %dma_start3A_1518 = arith.constant 0 : i32
        %dma_start3A_1519 = arith.constant 0 : i32
        %dma_start3A_1520 = tpu.memref_slice %arg10[%dma_start3A_1516, %dma_start3A_1517, %dma_start3A_1518, %dma_start3A_1519] : memref<3x4x32x128xf32, #tpu.memory_space<vmem>> -> memref<1x1x32x128xf32, #tpu.memory_space<vmem>>
        %dma_start3A_1521 = tpu.memref_squeeze %dma_start3A_1520 : memref<1x1x32x128xf32, #tpu.memory_space<vmem>> -> memref<32x128xf32, #tpu.memory_space<vmem>>
        %dma_start3A_1522 = arith.constant 0 : i32
        %dma_start3A_1523 = tpu.memref_slice %arg5[%dma_start3A_1522, %multiple_of3A_1515] : memref<32x100000xf32, #tpu.memory_space<hbm>> -> memref<32x128xf32, #tpu.memory_space<hbm>>
        %dma_start3A_1524 = arith.constant 0 : i32
        %dma_start3A_1525 = arith.constant 0 : i32
        %dma_start3A_1526 = tpu.memref_slice %arg10[%dma_start3A_1516, %dma_start3A_1517, %dma_start3A_1524, %dma_start3A_1525] : memref<3x4x32x128xf32, #tpu.memory_space<vmem>> -> memref<1x1x32x128xf32, #tpu.memory_space<vmem>>
        %dma_start3A_1527 = tpu.memref_squeeze %dma_start3A_1526 : memref<1x1x32x128xf32, #tpu.memory_space<vmem>> -> memref<32x128xf32, #tpu.memory_space<vmem>>
        %dma_start3A_1528 = arith.constant 0 : i32
        %dma_start3A_1529 = tpu.memref_slice %arg5[%dma_start3A_1528, %multiple_of3A_1515] : memref<32x100000xf32, #tpu.memory_space<hbm>> -> memref<32x128xf32, #tpu.memory_space<hbm>>
        tpu.enqueue_dma source(%dma_start3A_1529 : memref<32x128xf32, #tpu.memory_space<hbm>>) target(%dma_start3A_1527 : memref<32x128xf32, #tpu.memory_space<vmem>>) target_semaphore(%arg16 : memref<!tpu.dma_semaphore, #tpu.memory_space<semaphore_mem>>)
        %slice3A_1530 = vector.extract_strided_slice %get3A_1437 {offsets = [2], sizes = [1], strides = [1]} : vector<16xi32> to vector<1xi32>
        %squeeze3A_1531 = vector.extract %slice3A_1530[0] : i32 from vector<1xi32>
        %and3A_1532 = arith.constant 127 : i32
        %and3A_1533 = arith.andi %squeeze3A_1531, %and3A_1532 : i32
        %sub3A_1534 = arith.subi %squeeze3A_1531, %and3A_1533 : i32
        %min3A_1535 = arith.constant 999936 : i32
        %min3A_1536 = arith.minsi %sub3A_1534, %min3A_1535 : i32
        %multiple_of3A_1537 = tpu.assume_multiple %min3A_1536, 128 : i32
        %dma_start3A_1538 = arith.constant 1 : i32
        %dma_start3A_1539 = arith.constant 2 : i32
        %dma_start3A_1540 = arith.constant 0 : i32
        %dma_start3A_1541 = arith.constant 0 : i32
        %dma_start3A_1542 = tpu.memref_slice %arg9[%dma_start3A_1538, %dma_start3A_1539, %dma_start3A_1540, %dma_start3A_1541] : memref<3x4x32x128xf32, #tpu.memory_space<vmem>> -> memref<1x1x32x128xf32, #tpu.memory_space<vmem>>
        %dma_start3A_1543 = tpu.memref_squeeze %dma_start3A_1542 : memref<1x1x32x128xf32, #tpu.memory_space<vmem>> -> memref<32x128xf32, #tpu.memory_space<vmem>>
        %dma_start3A_1544 = arith.constant 0 : i32
        %dma_start3A_1545 = tpu.memref_slice %arg4[%dma_start3A_1544, %multiple_of3A_1537] : memref<32x1000000xf32, #tpu.memory_space<hbm>> -> memref<32x128xf32, #tpu.memory_space<hbm>>
        %dma_start3A_1546 = arith.constant 0 : i32
        %dma_start3A_1547 = arith.constant 0 : i32
        %dma_start3A_1548 = tpu.memref_slice %arg9[%dma_start3A_1538, %dma_start3A_1539, %dma_start3A_1546, %dma_start3A_1547] : memref<3x4x32x128xf32, #tpu.memory_space<vmem>> -> memref<1x1x32x128xf32, #tpu.memory_space<vmem>>
        %dma_start3A_1549 = tpu.memref_squeeze %dma_start3A_1548 : memref<1x1x32x128xf32, #tpu.memory_space<vmem>> -> memref<32x128xf32, #tpu.memory_space<vmem>>
        %dma_start3A_1550 = arith.constant 0 : i32
        %dma_start3A_1551 = tpu.memref_slice %arg4[%dma_start3A_1550, %multiple_of3A_1537] : memref<32x1000000xf32, #tpu.memory_space<hbm>> -> memref<32x128xf32, #tpu.memory_space<hbm>>
        tpu.enqueue_dma source(%dma_start3A_1551 : memref<32x128xf32, #tpu.memory_space<hbm>>) target(%dma_start3A_1549 : memref<32x128xf32, #tpu.memory_space<vmem>>) target_semaphore(%arg13 : memref<!tpu.dma_semaphore, #tpu.memory_space<semaphore_mem>>)
        %slice3A_1552 = vector.extract_strided_slice %get3A_1441 {offsets = [2], sizes = [1], strides = [1]} : vector<16xi32> to vector<1xi32>
        %squeeze3A_1553 = vector.extract %slice3A_1552[0] : i32 from vector<1xi32>
        %and3A_1554 = arith.constant 127 : i32
        %and3A_1555 = arith.andi %squeeze3A_1553, %and3A_1554 : i32
        %sub3A_1556 = arith.subi %squeeze3A_1553, %and3A_1555 : i32
        %min3A_1557 = arith.constant 99968 : i32
        %min3A_1558 = arith.minsi %sub3A_1556, %min3A_1557 : i32
        %multiple_of3A_1559 = tpu.assume_multiple %min3A_1558, 128 : i32
        %dma_start3A_1560 = arith.constant 1 : i32
        %dma_start3A_1561 = arith.constant 2 : i32
        %dma_start3A_1562 = arith.constant 0 : i32
        %dma_start3A_1563 = arith.constant 0 : i32
        %dma_start3A_1564 = tpu.memref_slice %arg10[%dma_start3A_1560, %dma_start3A_1561, %dma_start3A_1562, %dma_start3A_1563] : memref<3x4x32x128xf32, #tpu.memory_space<vmem>> -> memref<1x1x32x128xf32, #tpu.memory_space<vmem>>
        %dma_start3A_1565 = tpu.memref_squeeze %dma_start3A_1564 : memref<1x1x32x128xf32, #tpu.memory_space<vmem>> -> memref<32x128xf32, #tpu.memory_space<vmem>>
        %dma_start3A_1566 = arith.constant 0 : i32
        %dma_start3A_1567 = tpu.memref_slice %arg5[%dma_start3A_1566, %multiple_of3A_1559] : memref<32x100000xf32, #tpu.memory_space<hbm>> -> memref<32x128xf32, #tpu.memory_space<hbm>>
        %dma_start3A_1568 = arith.constant 0 : i32
        %dma_start3A_1569 = arith.constant 0 : i32
        %dma_start3A_1570 = tpu.memref_slice %arg10[%dma_start3A_1560, %dma_start3A_1561, %dma_start3A_1568, %dma_start3A_1569] : memref<3x4x32x128xf32, #tpu.memory_space<vmem>> -> memref<1x1x32x128xf32, #tpu.memory_space<vmem>>
        %dma_start3A_1571 = tpu.memref_squeeze %dma_start3A_1570 : memref<1x1x32x128xf32, #tpu.memory_space<vmem>> -> memref<32x128xf32, #tpu.memory_space<vmem>>
        %dma_start3A_1572 = arith.constant 0 : i32
        %dma_start3A_1573 = tpu.memref_slice %arg5[%dma_start3A_1572, %multiple_of3A_1559] : memref<32x100000xf32, #tpu.memory_space<hbm>> -> memref<32x128xf32, #tpu.memory_space<hbm>>
        tpu.enqueue_dma source(%dma_start3A_1573 : memref<32x128xf32, #tpu.memory_space<hbm>>) target(%dma_start3A_1571 : memref<32x128xf32, #tpu.memory_space<vmem>>) target_semaphore(%arg16 : memref<!tpu.dma_semaphore, #tpu.memory_space<semaphore_mem>>)
        %slice3A_1574 = vector.extract_strided_slice %get3A_1437 {offsets = [3], sizes = [1], strides = [1]} : vector<16xi32> to vector<1xi32>
        %squeeze3A_1575 = vector.extract %slice3A_1574[0] : i32 from vector<1xi32>
        %and3A_1576 = arith.constant 127 : i32
        %and3A_1577 = arith.andi %squeeze3A_1575, %and3A_1576 : i32
        %sub3A_1578 = arith.subi %squeeze3A_1575, %and3A_1577 : i32
        %min3A_1579 = arith.constant 999936 : i32
        %min3A_1580 = arith.minsi %sub3A_1578, %min3A_1579 : i32
        %multiple_of3A_1581 = tpu.assume_multiple %min3A_1580, 128 : i32
        %dma_start3A_1582 = arith.constant 1 : i32
        %dma_start3A_1583 = arith.constant 3 : i32
        %dma_start3A_1584 = arith.constant 0 : i32
        %dma_start3A_1585 = arith.constant 0 : i32
        %dma_start3A_1586 = tpu.memref_slice %arg9[%dma_start3A_1582, %dma_start3A_1583, %dma_start3A_1584, %dma_start3A_1585] : memref<3x4x32x128xf32, #tpu.memory_space<vmem>> -> memref<1x1x32x128xf32, #tpu.memory_space<vmem>>
        %dma_start3A_1587 = tpu.memref_squeeze %dma_start3A_1586 : memref<1x1x32x128xf32, #tpu.memory_space<vmem>> -> memref<32x128xf32, #tpu.memory_space<vmem>>
        %dma_start3A_1588 = arith.constant 0 : i32
        %dma_start3A_1589 = tpu.memref_slice %arg4[%dma_start3A_1588, %multiple_of3A_1581] : memref<32x1000000xf32, #tpu.memory_space<hbm>> -> memref<32x128xf32, #tpu.memory_space<hbm>>
        %dma_start3A_1590 = arith.constant 0 : i32
        %dma_start3A_1591 = arith.constant 0 : i32
        %dma_start3A_1592 = tpu.memref_slice %arg9[%dma_start3A_1582, %dma_start3A_1583, %dma_start3A_1590, %dma_start3A_1591] : memref<3x4x32x128xf32, #tpu.memory_space<vmem>> -> memref<1x1x32x128xf32, #tpu.memory_space<vmem>>
        %dma_start3A_1593 = tpu.memref_squeeze %dma_start3A_1592 : memref<1x1x32x128xf32, #tpu.memory_space<vmem>> -> memref<32x128xf32, #tpu.memory_space<vmem>>
        %dma_start3A_1594 = arith.constant 0 : i32
        %dma_start3A_1595 = tpu.memref_slice %arg4[%dma_start3A_1594, %multiple_of3A_1581] : memref<32x1000000xf32, #tpu.memory_space<hbm>> -> memref<32x128xf32, #tpu.memory_space<hbm>>
        tpu.enqueue_dma source(%dma_start3A_1595 : memref<32x128xf32, #tpu.memory_space<hbm>>) target(%dma_start3A_1593 : memref<32x128xf32, #tpu.memory_space<vmem>>) target_semaphore(%arg13 : memref<!tpu.dma_semaphore, #tpu.memory_space<semaphore_mem>>)
        %slice3A_1596 = vector.extract_strided_slice %get3A_1441 {offsets = [3], sizes = [1], strides = [1]} : vector<16xi32> to vector<1xi32>
        %squeeze3A_1597 = vector.extract %slice3A_1596[0] : i32 from vector<1xi32>
        %and3A_1598 = arith.constant 127 : i32
        %and3A_1599 = arith.andi %squeeze3A_1597, %and3A_1598 : i32
        %sub3A_1600 = arith.subi %squeeze3A_1597, %and3A_1599 : i32
        %min3A_1601 = arith.constant 99968 : i32
        %min3A_1602 = arith.minsi %sub3A_1600, %min3A_1601 : i32
        %multiple_of3A_1603 = tpu.assume_multiple %min3A_1602, 128 : i32
        %dma_start3A_1604 = arith.constant 1 : i32
        %dma_start3A_1605 = arith.constant 3 : i32
        %dma_start3A_1606 = arith.constant 0 : i32
        %dma_start3A_1607 = arith.constant 0 : i32
        %dma_start3A_1608 = tpu.memref_slice %arg10[%dma_start3A_1604, %dma_start3A_1605, %dma_start3A_1606, %dma_start3A_1607] : memref<3x4x32x128xf32, #tpu.memory_space<vmem>> -> memref<1x1x32x128xf32, #tpu.memory_space<vmem>>
        %dma_start3A_1609 = tpu.memref_squeeze %dma_start3A_1608 : memref<1x1x32x128xf32, #tpu.memory_space<vmem>> -> memref<32x128xf32, #tpu.memory_space<vmem>>
        %dma_start3A_1610 = arith.constant 0 : i32
        %dma_start3A_1611 = tpu.memref_slice %arg5[%dma_start3A_1610, %multiple_of3A_1603] : memref<32x100000xf32, #tpu.memory_space<hbm>> -> memref<32x128xf32, #tpu.memory_space<hbm>>
        %dma_start3A_1612 = arith.constant 0 : i32
        %dma_start3A_1613 = arith.constant 0 : i32
        %dma_start3A_1614 = tpu.memref_slice %arg10[%dma_start3A_1604, %dma_start3A_1605, %dma_start3A_1612, %dma_start3A_1613] : memref<3x4x32x128xf32, #tpu.memory_space<vmem>> -> memref<1x1x32x128xf32, #tpu.memory_space<vmem>>
        %dma_start3A_1615 = tpu.memref_squeeze %dma_start3A_1614 : memref<1x1x32x128xf32, #tpu.memory_space<vmem>> -> memref<32x128xf32, #tpu.memory_space<vmem>>
        %dma_start3A_1616 = arith.constant 0 : i32
        %dma_start3A_1617 = tpu.memref_slice %arg5[%dma_start3A_1616, %multiple_of3A_1603] : memref<32x100000xf32, #tpu.memory_space<hbm>> -> memref<32x128xf32, #tpu.memory_space<hbm>>
        tpu.enqueue_dma source(%dma_start3A_1617 : memref<32x128xf32, #tpu.memory_space<hbm>>) target(%dma_start3A_1615 : memref<32x128xf32, #tpu.memory_space<vmem>>) target_semaphore(%arg16 : memref<!tpu.dma_semaphore, #tpu.memory_space<semaphore_mem>>)
      } else {
      }
      %lt3A_1420 = arith.constant 128 : i32
      %lt3A_1421 = arith.cmpi slt, %add3A_550, %lt3A_1420 : i32
      %convert_element_type3A_1422 = arith.extui %lt3A_1421 : i1 to i32
      %cond3A_1423 = arith.constant 0 : i32
      %cond3A_1424 = arith.cmpi ne, %convert_element_type3A_1422, %cond3A_1423 : i32
      scf.if %cond3A_1424 {
        %dma_wait3A_1432 = arith.constant 2 : i32
        %dma_wait3A_1433 = arith.constant 0 : i32
        %dma_wait3A_1434 = arith.constant 0 : i32
        %dma_wait3A_1435 = arith.constant 0 : i32
        %dma_wait3A_1436 = tpu.memref_slice %arg9[%dma_wait3A_1432, %dma_wait3A_1433, %dma_wait3A_1434, %dma_wait3A_1435] : memref<3x4x32x128xf32, #tpu.memory_space<vmem>> -> memref<1x1x32x128xf32, #tpu.memory_space<vmem>>
        %dma_wait3A_1437 = tpu.memref_squeeze %dma_wait3A_1436 : memref<1x1x32x128xf32, #tpu.memory_space<vmem>> -> memref<32x128xf32, #tpu.memory_space<vmem>>
        %dma_wait3A_1438 = arith.constant 0 : i32
        %dma_wait3A_1439 = arith.constant 0 : i32
        %dma_wait3A_1440 = tpu.memref_slice %arg4[%dma_wait3A_1438, %dma_wait3A_1439] : memref<32x1000000xf32, #tpu.memory_space<hbm>> -> memref<32x128xf32, #tpu.memory_space<hbm>>
        %dma_wait3A_1441 = arith.constant 0 : i32
        %dma_wait3A_1442 = arith.constant 0 : i32
        %dma_wait3A_1443 = tpu.memref_slice %arg9[%dma_wait3A_1432, %dma_wait3A_1433, %dma_wait3A_1441, %dma_wait3A_1442] : memref<3x4x32x128xf32, #tpu.memory_space<vmem>> -> memref<1x1x32x128xf32, #tpu.memory_space<vmem>>
        %dma_wait3A_1444 = tpu.memref_squeeze %dma_wait3A_1443 : memref<1x1x32x128xf32, #tpu.memory_space<vmem>> -> memref<32x128xf32, #tpu.memory_space<vmem>>
        %dma_wait3A_1445 = arith.constant 0 : i32
        %dma_wait3A_1446 = arith.constant 0 : i32
        %dma_wait3A_1447 = tpu.memref_slice %arg4[%dma_wait3A_1445, %dma_wait3A_1446] : memref<32x1000000xf32, #tpu.memory_space<hbm>> -> memref<32x128xf32, #tpu.memory_space<hbm>>
        tpu.wait_dma2 semaphore(%arg14 : memref<!tpu.dma_semaphore, #tpu.memory_space<semaphore_mem>>) src(%dma_wait3A_1447 : memref<32x128xf32, #tpu.memory_space<hbm>>) dst(%dma_wait3A_1444 : memref<32x128xf32, #tpu.memory_space<vmem>>)
        %dma_wait3A_1448 = arith.constant 2 : i32
        %dma_wait3A_1449 = arith.constant 0 : i32
        %dma_wait3A_1450 = arith.constant 0 : i32
        %dma_wait3A_1451 = arith.constant 0 : i32
        %dma_wait3A_1452 = tpu.memref_slice %arg10[%dma_wait3A_1448, %dma_wait3A_1449, %dma_wait3A_1450, %dma_wait3A_1451] : memref<3x4x32x128xf32, #tpu.memory_space<vmem>> -> memref<1x1x32x128xf32, #tpu.memory_space<vmem>>
        %dma_wait3A_1453 = tpu.memref_squeeze %dma_wait3A_1452 : memref<1x1x32x128xf32, #tpu.memory_space<vmem>> -> memref<32x128xf32, #tpu.memory_space<vmem>>
        %dma_wait3A_1454 = arith.constant 0 : i32
        %dma_wait3A_1455 = arith.constant 0 : i32
        %dma_wait3A_1456 = tpu.memref_slice %arg5[%dma_wait3A_1454, %dma_wait3A_1455] : memref<32x100000xf32, #tpu.memory_space<hbm>> -> memref<32x128xf32, #tpu.memory_space<hbm>>
        %dma_wait3A_1457 = arith.constant 0 : i32
        %dma_wait3A_1458 = arith.constant 0 : i32
        %dma_wait3A_1459 = tpu.memref_slice %arg10[%dma_wait3A_1448, %dma_wait3A_1449, %dma_wait3A_1457, %dma_wait3A_1458] : memref<3x4x32x128xf32, #tpu.memory_space<vmem>> -> memref<1x1x32x128xf32, #tpu.memory_space<vmem>>
        %dma_wait3A_1460 = tpu.memref_squeeze %dma_wait3A_1459 : memref<1x1x32x128xf32, #tpu.memory_space<vmem>> -> memref<32x128xf32, #tpu.memory_space<vmem>>
        %dma_wait3A_1461 = arith.constant 0 : i32
        %dma_wait3A_1462 = arith.constant 0 : i32
        %dma_wait3A_1463 = tpu.memref_slice %arg5[%dma_wait3A_1461, %dma_wait3A_1462] : memref<32x100000xf32, #tpu.memory_space<hbm>> -> memref<32x128xf32, #tpu.memory_space<hbm>>
        tpu.wait_dma2 semaphore(%arg17 : memref<!tpu.dma_semaphore, #tpu.memory_space<semaphore_mem>>) src(%dma_wait3A_1463 : memref<32x128xf32, #tpu.memory_space<hbm>>) dst(%dma_wait3A_1460 : memref<32x128xf32, #tpu.memory_space<vmem>>)
        %dma_wait3A_1464 = arith.constant 2 : i32
        %dma_wait3A_1465 = arith.constant 1 : i32
        %dma_wait3A_1466 = arith.constant 0 : i32
        %dma_wait3A_1467 = arith.constant 0 : i32
        %dma_wait3A_1468 = tpu.memref_slice %arg9[%dma_wait3A_1464, %dma_wait3A_1465, %dma_wait3A_1466, %dma_wait3A_1467] : memref<3x4x32x128xf32, #tpu.memory_space<vmem>> -> memref<1x1x32x128xf32, #tpu.memory_space<vmem>>
        %dma_wait3A_1469 = tpu.memref_squeeze %dma_wait3A_1468 : memref<1x1x32x128xf32, #tpu.memory_space<vmem>> -> memref<32x128xf32, #tpu.memory_space<vmem>>
        %dma_wait3A_1470 = arith.constant 0 : i32
        %dma_wait3A_1471 = arith.constant 0 : i32
        %dma_wait3A_1472 = tpu.memref_slice %arg4[%dma_wait3A_1470, %dma_wait3A_1471] : memref<32x1000000xf32, #tpu.memory_space<hbm>> -> memref<32x128xf32, #tpu.memory_space<hbm>>
        %dma_wait3A_1473 = arith.constant 0 : i32
        %dma_wait3A_1474 = arith.constant 0 : i32
        %dma_wait3A_1475 = tpu.memref_slice %arg9[%dma_wait3A_1464, %dma_wait3A_1465, %dma_wait3A_1473, %dma_wait3A_1474] : memref<3x4x32x128xf32, #tpu.memory_space<vmem>> -> memref<1x1x32x128xf32, #tpu.memory_space<vmem>>
        %dma_wait3A_1476 = tpu.memref_squeeze %dma_wait3A_1475 : memref<1x1x32x128xf32, #tpu.memory_space<vmem>> -> memref<32x128xf32, #tpu.memory_space<vmem>>
        %dma_wait3A_1477 = arith.constant 0 : i32
        %dma_wait3A_1478 = arith.constant 0 : i32
        %dma_wait3A_1479 = tpu.memref_slice %arg4[%dma_wait3A_1477, %dma_wait3A_1478] : memref<32x1000000xf32, #tpu.memory_space<hbm>> -> memref<32x128xf32, #tpu.memory_space<hbm>>
        tpu.wait_dma2 semaphore(%arg14 : memref<!tpu.dma_semaphore, #tpu.memory_space<semaphore_mem>>) src(%dma_wait3A_1479 : memref<32x128xf32, #tpu.memory_space<hbm>>) dst(%dma_wait3A_1476 : memref<32x128xf32, #tpu.memory_space<vmem>>)
        %dma_wait3A_1480 = arith.constant 2 : i32
        %dma_wait3A_1481 = arith.constant 1 : i32
        %dma_wait3A_1482 = arith.constant 0 : i32
        %dma_wait3A_1483 = arith.constant 0 : i32
        %dma_wait3A_1484 = tpu.memref_slice %arg10[%dma_wait3A_1480, %dma_wait3A_1481, %dma_wait3A_1482, %dma_wait3A_1483] : memref<3x4x32x128xf32, #tpu.memory_space<vmem>> -> memref<1x1x32x128xf32, #tpu.memory_space<vmem>>
        %dma_wait3A_1485 = tpu.memref_squeeze %dma_wait3A_1484 : memref<1x1x32x128xf32, #tpu.memory_space<vmem>> -> memref<32x128xf32, #tpu.memory_space<vmem>>
        %dma_wait3A_1486 = arith.constant 0 : i32
        %dma_wait3A_1487 = arith.constant 0 : i32
        %dma_wait3A_1488 = tpu.memref_slice %arg5[%dma_wait3A_1486, %dma_wait3A_1487] : memref<32x100000xf32, #tpu.memory_space<hbm>> -> memref<32x128xf32, #tpu.memory_space<hbm>>
        %dma_wait3A_1489 = arith.constant 0 : i32
        %dma_wait3A_1490 = arith.constant 0 : i32
        %dma_wait3A_1491 = tpu.memref_slice %arg10[%dma_wait3A_1480, %dma_wait3A_1481, %dma_wait3A_1489, %dma_wait3A_1490] : memref<3x4x32x128xf32, #tpu.memory_space<vmem>> -> memref<1x1x32x128xf32, #tpu.memory_space<vmem>>
        %dma_wait3A_1492 = tpu.memref_squeeze %dma_wait3A_1491 : memref<1x1x32x128xf32, #tpu.memory_space<vmem>> -> memref<32x128xf32, #tpu.memory_space<vmem>>
        %dma_wait3A_1493 = arith.constant 0 : i32
        %dma_wait3A_1494 = arith.constant 0 : i32
        %dma_wait3A_1495 = tpu.memref_slice %arg5[%dma_wait3A_1493, %dma_wait3A_1494] : memref<32x100000xf32, #tpu.memory_space<hbm>> -> memref<32x128xf32, #tpu.memory_space<hbm>>
        tpu.wait_dma2 semaphore(%arg17 : memref<!tpu.dma_semaphore, #tpu.memory_space<semaphore_mem>>) src(%dma_wait3A_1495 : memref<32x128xf32, #tpu.memory_space<hbm>>) dst(%dma_wait3A_1492 : memref<32x128xf32, #tpu.memory_space<vmem>>)
        %dma_wait3A_1496 = arith.constant 2 : i32
        %dma_wait3A_1497 = arith.constant 2 : i32
        %dma_wait3A_1498 = arith.constant 0 : i32
        %dma_wait3A_1499 = arith.constant 0 : i32
        %dma_wait3A_1500 = tpu.memref_slice %arg9[%dma_wait3A_1496, %dma_wait3A_1497, %dma_wait3A_1498, %dma_wait3A_1499] : memref<3x4x32x128xf32, #tpu.memory_space<vmem>> -> memref<1x1x32x128xf32, #tpu.memory_space<vmem>>
        %dma_wait3A_1501 = tpu.memref_squeeze %dma_wait3A_1500 : memref<1x1x32x128xf32, #tpu.memory_space<vmem>> -> memref<32x128xf32, #tpu.memory_space<vmem>>
        %dma_wait3A_1502 = arith.constant 0 : i32
        %dma_wait3A_1503 = arith.constant 0 : i32
        %dma_wait3A_1504 = tpu.memref_slice %arg4[%dma_wait3A_1502, %dma_wait3A_1503] : memref<32x1000000xf32, #tpu.memory_space<hbm>> -> memref<32x128xf32, #tpu.memory_space<hbm>>
        %dma_wait3A_1505 = arith.constant 0 : i32
        %dma_wait3A_1506 = arith.constant 0 : i32
        %dma_wait3A_1507 = tpu.memref_slice %arg9[%dma_wait3A_1496, %dma_wait3A_1497, %dma_wait3A_1505, %dma_wait3A_1506] : memref<3x4x32x128xf32, #tpu.memory_space<vmem>> -> memref<1x1x32x128xf32, #tpu.memory_space<vmem>>
        %dma_wait3A_1508 = tpu.memref_squeeze %dma_wait3A_1507 : memref<1x1x32x128xf32, #tpu.memory_space<vmem>> -> memref<32x128xf32, #tpu.memory_space<vmem>>
        %dma_wait3A_1509 = arith.constant 0 : i32
        %dma_wait3A_1510 = arith.constant 0 : i32
        %dma_wait3A_1511 = tpu.memref_slice %arg4[%dma_wait3A_1509, %dma_wait3A_1510] : memref<32x1000000xf32, #tpu.memory_space<hbm>> -> memref<32x128xf32, #tpu.memory_space<hbm>>
        tpu.wait_dma2 semaphore(%arg14 : memref<!tpu.dma_semaphore, #tpu.memory_space<semaphore_mem>>) src(%dma_wait3A_1511 : memref<32x128xf32, #tpu.memory_space<hbm>>) dst(%dma_wait3A_1508 : memref<32x128xf32, #tpu.memory_space<vmem>>)
        %dma_wait3A_1512 = arith.constant 2 : i32
        %dma_wait3A_1513 = arith.constant 2 : i32
        %dma_wait3A_1514 = arith.constant 0 : i32
        %dma_wait3A_1515 = arith.constant 0 : i32
        %dma_wait3A_1516 = tpu.memref_slice %arg10[%dma_wait3A_1512, %dma_wait3A_1513, %dma_wait3A_1514, %dma_wait3A_1515] : memref<3x4x32x128xf32, #tpu.memory_space<vmem>> -> memref<1x1x32x128xf32, #tpu.memory_space<vmem>>
        %dma_wait3A_1517 = tpu.memref_squeeze %dma_wait3A_1516 : memref<1x1x32x128xf32, #tpu.memory_space<vmem>> -> memref<32x128xf32, #tpu.memory_space<vmem>>
        %dma_wait3A_1518 = arith.constant 0 : i32
        %dma_wait3A_1519 = arith.constant 0 : i32
        %dma_wait3A_1520 = tpu.memref_slice %arg5[%dma_wait3A_1518, %dma_wait3A_1519] : memref<32x100000xf32, #tpu.memory_space<hbm>> -> memref<32x128xf32, #tpu.memory_space<hbm>>
        %dma_wait3A_1521 = arith.constant 0 : i32
        %dma_wait3A_1522 = arith.constant 0 : i32
        %dma_wait3A_1523 = tpu.memref_slice %arg10[%dma_wait3A_1512, %dma_wait3A_1513, %dma_wait3A_1521, %dma_wait3A_1522] : memref<3x4x32x128xf32, #tpu.memory_space<vmem>> -> memref<1x1x32x128xf32, #tpu.memory_space<vmem>>
        %dma_wait3A_1524 = tpu.memref_squeeze %dma_wait3A_1523 : memref<1x1x32x128xf32, #tpu.memory_space<vmem>> -> memref<32x128xf32, #tpu.memory_space<vmem>>
        %dma_wait3A_1525 = arith.constant 0 : i32
        %dma_wait3A_1526 = arith.constant 0 : i32
        %dma_wait3A_1527 = tpu.memref_slice %arg5[%dma_wait3A_1525, %dma_wait3A_1526] : memref<32x100000xf32, #tpu.memory_space<hbm>> -> memref<32x128xf32, #tpu.memory_space<hbm>>
        tpu.wait_dma2 semaphore(%arg17 : memref<!tpu.dma_semaphore, #tpu.memory_space<semaphore_mem>>) src(%dma_wait3A_1527 : memref<32x128xf32, #tpu.memory_space<hbm>>) dst(%dma_wait3A_1524 : memref<32x128xf32, #tpu.memory_space<vmem>>)
        %dma_wait3A_1528 = arith.constant 2 : i32
        %dma_wait3A_1529 = arith.constant 3 : i32
        %dma_wait3A_1530 = arith.constant 0 : i32
        %dma_wait3A_1531 = arith.constant 0 : i32
        %dma_wait3A_1532 = tpu.memref_slice %arg9[%dma_wait3A_1528, %dma_wait3A_1529, %dma_wait3A_1530, %dma_wait3A_1531] : memref<3x4x32x128xf32, #tpu.memory_space<vmem>> -> memref<1x1x32x128xf32, #tpu.memory_space<vmem>>
        %dma_wait3A_1533 = tpu.memref_squeeze %dma_wait3A_1532 : memref<1x1x32x128xf32, #tpu.memory_space<vmem>> -> memref<32x128xf32, #tpu.memory_space<vmem>>
        %dma_wait3A_1534 = arith.constant 0 : i32
        %dma_wait3A_1535 = arith.constant 0 : i32
        %dma_wait3A_1536 = tpu.memref_slice %arg4[%dma_wait3A_1534, %dma_wait3A_1535] : memref<32x1000000xf32, #tpu.memory_space<hbm>> -> memref<32x128xf32, #tpu.memory_space<hbm>>
        %dma_wait3A_1537 = arith.constant 0 : i32
        %dma_wait3A_1538 = arith.constant 0 : i32
        %dma_wait3A_1539 = tpu.memref_slice %arg9[%dma_wait3A_1528, %dma_wait3A_1529, %dma_wait3A_1537, %dma_wait3A_1538] : memref<3x4x32x128xf32, #tpu.memory_space<vmem>> -> memref<1x1x32x128xf32, #tpu.memory_space<vmem>>
        %dma_wait3A_1540 = tpu.memref_squeeze %dma_wait3A_1539 : memref<1x1x32x128xf32, #tpu.memory_space<vmem>> -> memref<32x128xf32, #tpu.memory_space<vmem>>
        %dma_wait3A_1541 = arith.constant 0 : i32
        %dma_wait3A_1542 = arith.constant 0 : i32
        %dma_wait3A_1543 = tpu.memref_slice %arg4[%dma_wait3A_1541, %dma_wait3A_1542] : memref<32x1000000xf32, #tpu.memory_space<hbm>> -> memref<32x128xf32, #tpu.memory_space<hbm>>
        tpu.wait_dma2 semaphore(%arg14 : memref<!tpu.dma_semaphore, #tpu.memory_space<semaphore_mem>>) src(%dma_wait3A_1543 : memref<32x128xf32, #tpu.memory_space<hbm>>) dst(%dma_wait3A_1540 : memref<32x128xf32, #tpu.memory_space<vmem>>)
        %dma_wait3A_1544 = arith.constant 2 : i32
        %dma_wait3A_1545 = arith.constant 3 : i32
        %dma_wait3A_1546 = arith.constant 0 : i32
        %dma_wait3A_1547 = arith.constant 0 : i32
        %dma_wait3A_1548 = tpu.memref_slice %arg10[%dma_wait3A_1544, %dma_wait3A_1545, %dma_wait3A_1546, %dma_wait3A_1547] : memref<3x4x32x128xf32, #tpu.memory_space<vmem>> -> memref<1x1x32x128xf32, #tpu.memory_space<vmem>>
        %dma_wait3A_1549 = tpu.memref_squeeze %dma_wait3A_1548 : memref<1x1x32x128xf32, #tpu.memory_space<vmem>> -> memref<32x128xf32, #tpu.memory_space<vmem>>
        %dma_wait3A_1550 = arith.constant 0 : i32
        %dma_wait3A_1551 = arith.constant 0 : i32
        %dma_wait3A_1552 = tpu.memref_slice %arg5[%dma_wait3A_1550, %dma_wait3A_1551] : memref<32x100000xf32, #tpu.memory_space<hbm>> -> memref<32x128xf32, #tpu.memory_space<hbm>>
        %dma_wait3A_1553 = arith.constant 0 : i32
        %dma_wait3A_1554 = arith.constant 0 : i32
        %dma_wait3A_1555 = tpu.memref_slice %arg10[%dma_wait3A_1544, %dma_wait3A_1545, %dma_wait3A_1553, %dma_wait3A_1554] : memref<3x4x32x128xf32, #tpu.memory_space<vmem>> -> memref<1x1x32x128xf32, #tpu.memory_space<vmem>>
        %dma_wait3A_1556 = tpu.memref_squeeze %dma_wait3A_1555 : memref<1x1x32x128xf32, #tpu.memory_space<vmem>> -> memref<32x128xf32, #tpu.memory_space<vmem>>
        %dma_wait3A_1557 = arith.constant 0 : i32
        %dma_wait3A_1558 = arith.constant 0 : i32
        %dma_wait3A_1559 = tpu.memref_slice %arg5[%dma_wait3A_1557, %dma_wait3A_1558] : memref<32x100000xf32, #tpu.memory_space<hbm>> -> memref<32x128xf32, #tpu.memory_space<hbm>>
        tpu.wait_dma2 semaphore(%arg17 : memref<!tpu.dma_semaphore, #tpu.memory_space<semaphore_mem>>) src(%dma_wait3A_1559 : memref<32x128xf32, #tpu.memory_space<hbm>>) dst(%dma_wait3A_1556 : memref<32x128xf32, #tpu.memory_space<vmem>>)
        %mul3A_1560 = arith.constant 4 : i32
        %mul3A_1561 = arith.muli %add3A_550, %mul3A_1560 : i32
        %get3A_1562 = arith.index_cast %mul3A_1561 : i32 to index
        %get3A_1563 = tpu.vector_load %arg7[%get3A_1562] {strides = array<i32>} : memref<528xi32, #tpu.memory_space<vmem>>, vector<16xi32>,
        %mul3A_1564 = arith.constant 4 : i32
        %mul3A_1565 = arith.muli %add3A_550, %mul3A_1564 : i32
        %get3A_1566 = arith.index_cast %mul3A_1565 : i32 to index
        %get3A_1567 = tpu.vector_load %arg8[%get3A_1566] {strides = array<i32>} : memref<528xi32, #tpu.memory_space<vmem>>, vector<16xi32>,
        %mul3A_1568 = arith.constant 4 : i32
        %mul3A_1569 = arith.muli %add3A_550, %mul3A_1568 : i32
        %add3A_1570 = arith.constant 0 : i32
        %add3A_1571 = arith.addi %mul3A_1569, %add3A_1570 : i32
        %and3A_1572 = arith.constant 127 : i32
        %and3A_1573 = arith.andi %add3A_1571, %and3A_1572 : i32
        %slice3A_1574 = vector.extract_strided_slice %get3A_1563 {offsets = [0], sizes = [1], strides = [1]} : vector<16xi32> to vector<1xi32>
        %squeeze3A_1575 = vector.extract %slice3A_1574[0] : i32 from vector<1xi32>
        %and3A_1576 = arith.constant 127 : i32
        %and3A_1577 = arith.andi %squeeze3A_1575, %and3A_1576 : i32
        %sub3A_1578 = arith.subi %squeeze3A_1575, %and3A_1577 : i32
        %min3A_1579 = arith.constant 999936 : i32
        %min3A_1580 = arith.minsi %sub3A_1578, %min3A_1579 : i32
        %sub3A_1581 = arith.subi %squeeze3A_1575, %min3A_1580 : i32
        %broadcast_in_dim3A_1582 = vector.broadcast %sub3A_1581 : i32 to vector<16xi32>
        %broadcast_in_dim3A_1583 = vector.broadcast %and3A_1573 : i32 to vector<16xi32>
        %gather3A_1584 = arith.constant 2 : i32
        %gather3A_1585 = arith.constant 0 : i32
        %gather3A_1586 = arith.constant 0 : i32
        %gather3A_1587 = arith.constant 0 : i32
        %gather3A_1588 = tpu.memref_slice %arg9[%gather3A_1584, %gather3A_1585, %gather3A_1586, %gather3A_1587] : memref<3x4x32x128xf32, #tpu.memory_space<vmem>> -> memref<1x1x32x128xf32, #tpu.memory_space<vmem>>
        %gather3A_1589 = tpu.memref_squeeze %gather3A_1588 : memref<1x1x32x128xf32, #tpu.memory_space<vmem>> -> memref<32x128xf32, #tpu.memory_space<vmem>>
        %gather3A_1590 = tpu.vector_load_idx %gather3A_1589[%iota3A, %broadcast_in_dim3A_1582] : memref<32x128xf32, #tpu.memory_space<vmem>>[vector<16xi32>, vector<16xi32>], vector<16xf32>,
        %add3A_1591 = arith.constant 16 : i32
        %add3A_1592 = vector.broadcast %add3A_1591 : i32 to vector<16xi32>
        %add3A_1593 = arith.addi %iota3A, %add3A_1592 : vector<16xi32>
        %gather3A_1594 = arith.constant 2 : i32
        %gather3A_1595 = arith.constant 0 : i32
        %gather3A_1596 = arith.constant 0 : i32
        %gather3A_1597 = arith.constant 0 : i32
        %gather3A_1598 = tpu.memref_slice %arg9[%gather3A_1594, %gather3A_1595, %gather3A_1596, %gather3A_1597] : memref<3x4x32x128xf32, #tpu.memory_space<vmem>> -> memref<1x1x32x128xf32, #tpu.memory_space<vmem>>
        %gather3A_1599 = tpu.memref_squeeze %gather3A_1598 : memref<1x1x32x128xf32, #tpu.memory_space<vmem>> -> memref<32x128xf32, #tpu.memory_space<vmem>>
        %gather3A_1600 = tpu.vector_load_idx %gather3A_1599[%add3A_1593, %broadcast_in_dim3A_1582] : memref<32x128xf32, #tpu.memory_space<vmem>>[vector<16xi32>, vector<16xi32>], vector<16xf32>,
        %add3A_1601 = arith.constant 0 : i32
        %add3A_1602 = vector.broadcast %add3A_1601 : i32 to vector<16xi32>
        %add3A_1603 = arith.addi %iota3A, %add3A_1602 : vector<16xi32>
        tpu.vector_store_idx %arg11[%broadcast_in_dim3A_1583, %add3A_1603], %gather3A_1590 : memref<128x128xf32, #tpu.memory_space<vmem>>[vector<16xi32>, vector<16xi32>], vector<16xf32>,
        %add3A_1604 = arith.constant 16 : i32
        %add3A_1605 = vector.broadcast %add3A_1604 : i32 to vector<16xi32>
        %add3A_1606 = arith.addi %iota3A, %add3A_1605 : vector<16xi32>
        tpu.vector_store_idx %arg11[%broadcast_in_dim3A_1583, %add3A_1606], %gather3A_1600 : memref<128x128xf32, #tpu.memory_space<vmem>>[vector<16xi32>, vector<16xi32>], vector<16xf32>,
        %slice3A_1607 = vector.extract_strided_slice %get3A_1567 {offsets = [0], sizes = [1], strides = [1]} : vector<16xi32> to vector<1xi32>
        %squeeze3A_1608 = vector.extract %slice3A_1607[0] : i32 from vector<1xi32>
        %and3A_1609 = arith.constant 127 : i32
        %and3A_1610 = arith.andi %squeeze3A_1608, %and3A_1609 : i32
        %sub3A_1611 = arith.subi %squeeze3A_1608, %and3A_1610 : i32
        %min3A_1612 = arith.constant 99968 : i32
        %min3A_1613 = arith.minsi %sub3A_1611, %min3A_1612 : i32
        %sub3A_1614 = arith.subi %squeeze3A_1608, %min3A_1613 : i32
        %broadcast_in_dim3A_1615 = vector.broadcast %sub3A_1614 : i32 to vector<16xi32>
        %broadcast_in_dim3A_1616 = vector.broadcast %and3A_1573 : i32 to vector<16xi32>
        %gather3A_1617 = arith.constant 2 : i32
        %gather3A_1618 = arith.constant 0 : i32
        %gather3A_1619 = arith.constant 0 : i32
        %gather3A_1620 = arith.constant 0 : i32
        %gather3A_1621 = tpu.memref_slice %arg10[%gather3A_1617, %gather3A_1618, %gather3A_1619, %gather3A_1620] : memref<3x4x32x128xf32, #tpu.memory_space<vmem>> -> memref<1x1x32x128xf32, #tpu.memory_space<vmem>>
        %gather3A_1622 = tpu.memref_squeeze %gather3A_1621 : memref<1x1x32x128xf32, #tpu.memory_space<vmem>> -> memref<32x128xf32, #tpu.memory_space<vmem>>
        %gather3A_1623 = tpu.vector_load_idx %gather3A_1622[%iota3A, %broadcast_in_dim3A_1615] : memref<32x128xf32, #tpu.memory_space<vmem>>[vector<16xi32>, vector<16xi32>], vector<16xf32>,
        %add3A_1624 = arith.constant 16 : i32
        %add3A_1625 = vector.broadcast %add3A_1624 : i32 to vector<16xi32>
        %add3A_1626 = arith.addi %iota3A, %add3A_1625 : vector<16xi32>
        %gather3A_1627 = arith.constant 2 : i32
        %gather3A_1628 = arith.constant 0 : i32
        %gather3A_1629 = arith.constant 0 : i32
        %gather3A_1630 = arith.constant 0 : i32
        %gather3A_1631 = tpu.memref_slice %arg10[%gather3A_1627, %gather3A_1628, %gather3A_1629, %gather3A_1630] : memref<3x4x32x128xf32, #tpu.memory_space<vmem>> -> memref<1x1x32x128xf32, #tpu.memory_space<vmem>>
        %gather3A_1632 = tpu.memref_squeeze %gather3A_1631 : memref<1x1x32x128xf32, #tpu.memory_space<vmem>> -> memref<32x128xf32, #tpu.memory_space<vmem>>
        %gather3A_1633 = tpu.vector_load_idx %gather3A_1632[%add3A_1626, %broadcast_in_dim3A_1615] : memref<32x128xf32, #tpu.memory_space<vmem>>[vector<16xi32>, vector<16xi32>], vector<16xf32>,
        %add3A_1634 = arith.constant 32 : i32
        %add3A_1635 = vector.broadcast %add3A_1634 : i32 to vector<16xi32>
        %add3A_1636 = arith.addi %iota3A, %add3A_1635 : vector<16xi32>
        tpu.vector_store_idx %arg11[%broadcast_in_dim3A_1616, %add3A_1636], %gather3A_1623 : memref<128x128xf32, #tpu.memory_space<vmem>>[vector<16xi32>, vector<16xi32>], vector<16xf32>,
        %add3A_1637 = arith.constant 48 : i32
        %add3A_1638 = vector.broadcast %add3A_1637 : i32 to vector<16xi32>
        %add3A_1639 = arith.addi %iota3A, %add3A_1638 : vector<16xi32>
        tpu.vector_store_idx %arg11[%broadcast_in_dim3A_1616, %add3A_1639], %gather3A_1633 : memref<128x128xf32, #tpu.memory_space<vmem>>[vector<16xi32>, vector<16xi32>], vector<16xf32>,
        %mul3A_1640 = arith.constant 4 : i32
        %mul3A_1641 = arith.muli %add3A_550, %mul3A_1640 : i32
        %add3A_1642 = arith.constant 1 : i32
        %add3A_1643 = arith.addi %mul3A_1641, %add3A_1642 : i32
        %and3A_1644 = arith.constant 127 : i32
        %and3A_1645 = arith.andi %add3A_1643, %and3A_1644 : i32
        %slice3A_1646 = vector.extract_strided_slice %get3A_1563 {offsets = [1], sizes = [1], strides = [1]} : vector<16xi32> to vector<1xi32>
        %squeeze3A_1647 = vector.extract %slice3A_1646[0] : i32 from vector<1xi32>
        %and3A_1648 = arith.constant 127 : i32
        %and3A_1649 = arith.andi %squeeze3A_1647, %and3A_1648 : i32
        %sub3A_1650 = arith.subi %squeeze3A_1647, %and3A_1649 : i32
        %min3A_1651 = arith.constant 999936 : i32
        %min3A_1652 = arith.minsi %sub3A_1650, %min3A_1651 : i32
        %sub3A_1653 = arith.subi %squeeze3A_1647, %min3A_1652 : i32
        %broadcast_in_dim3A_1654 = vector.broadcast %sub3A_1653 : i32 to vector<16xi32>
        %broadcast_in_dim3A_1655 = vector.broadcast %and3A_1645 : i32 to vector<16xi32>
        %gather3A_1656 = arith.constant 2 : i32
        %gather3A_1657 = arith.constant 1 : i32
        %gather3A_1658 = arith.constant 0 : i32
        %gather3A_1659 = arith.constant 0 : i32
        %gather3A_1660 = tpu.memref_slice %arg9[%gather3A_1656, %gather3A_1657, %gather3A_1658, %gather3A_1659] : memref<3x4x32x128xf32, #tpu.memory_space<vmem>> -> memref<1x1x32x128xf32, #tpu.memory_space<vmem>>
        %gather3A_1661 = tpu.memref_squeeze %gather3A_1660 : memref<1x1x32x128xf32, #tpu.memory_space<vmem>> -> memref<32x128xf32, #tpu.memory_space<vmem>>
        %gather3A_1662 = tpu.vector_load_idx %gather3A_1661[%iota3A, %broadcast_in_dim3A_1654] : memref<32x128xf32, #tpu.memory_space<vmem>>[vector<16xi32>, vector<16xi32>], vector<16xf32>,
        %add3A_1663 = arith.constant 16 : i32
        %add3A_1664 = vector.broadcast %add3A_1663 : i32 to vector<16xi32>
        %add3A_1665 = arith.addi %iota3A, %add3A_1664 : vector<16xi32>
        %gather3A_1666 = arith.constant 2 : i32
        %gather3A_1667 = arith.constant 1 : i32
        %gather3A_1668 = arith.constant 0 : i32
        %gather3A_1669 = arith.constant 0 : i32
        %gather3A_1670 = tpu.memref_slice %arg9[%gather3A_1666, %gather3A_1667, %gather3A_1668, %gather3A_1669] : memref<3x4x32x128xf32, #tpu.memory_space<vmem>> -> memref<1x1x32x128xf32, #tpu.memory_space<vmem>>
        %gather3A_1671 = tpu.memref_squeeze %gather3A_1670 : memref<1x1x32x128xf32, #tpu.memory_space<vmem>> -> memref<32x128xf32, #tpu.memory_space<vmem>>
        %gather3A_1672 = tpu.vector_load_idx %gather3A_1671[%add3A_1665, %broadcast_in_dim3A_1654] : memref<32x128xf32, #tpu.memory_space<vmem>>[vector<16xi32>, vector<16xi32>], vector<16xf32>,
        %add3A_1673 = arith.constant 0 : i32
        %add3A_1674 = vector.broadcast %add3A_1673 : i32 to vector<16xi32>
        %add3A_1675 = arith.addi %iota3A, %add3A_1674 : vector<16xi32>
        tpu.vector_store_idx %arg11[%broadcast_in_dim3A_1655, %add3A_1675], %gather3A_1662 : memref<128x128xf32, #tpu.memory_space<vmem>>[vector<16xi32>, vector<16xi32>], vector<16xf32>,
        %add3A_1676 = arith.constant 16 : i32
        %add3A_1677 = vector.broadcast %add3A_1676 : i32 to vector<16xi32>
        %add3A_1678 = arith.addi %iota3A, %add3A_1677 : vector<16xi32>
        tpu.vector_store_idx %arg11[%broadcast_in_dim3A_1655, %add3A_1678], %gather3A_1672 : memref<128x128xf32, #tpu.memory_space<vmem>>[vector<16xi32>, vector<16xi32>], vector<16xf32>,
        %slice3A_1679 = vector.extract_strided_slice %get3A_1567 {offsets = [1], sizes = [1], strides = [1]} : vector<16xi32> to vector<1xi32>
        %squeeze3A_1680 = vector.extract %slice3A_1679[0] : i32 from vector<1xi32>
        %and3A_1681 = arith.constant 127 : i32
        %and3A_1682 = arith.andi %squeeze3A_1680, %and3A_1681 : i32
        %sub3A_1683 = arith.subi %squeeze3A_1680, %and3A_1682 : i32
        %min3A_1684 = arith.constant 99968 : i32
        %min3A_1685 = arith.minsi %sub3A_1683, %min3A_1684 : i32
        %sub3A_1686 = arith.subi %squeeze3A_1680, %min3A_1685 : i32
        %broadcast_in_dim3A_1687 = vector.broadcast %sub3A_1686 : i32 to vector<16xi32>
        %broadcast_in_dim3A_1688 = vector.broadcast %and3A_1645 : i32 to vector<16xi32>
        %gather3A_1689 = arith.constant 2 : i32
        %gather3A_1690 = arith.constant 1 : i32
        %gather3A_1691 = arith.constant 0 : i32
        %gather3A_1692 = arith.constant 0 : i32
        %gather3A_1693 = tpu.memref_slice %arg10[%gather3A_1689, %gather3A_1690, %gather3A_1691, %gather3A_1692] : memref<3x4x32x128xf32, #tpu.memory_space<vmem>> -> memref<1x1x32x128xf32, #tpu.memory_space<vmem>>
        %gather3A_1694 = tpu.memref_squeeze %gather3A_1693 : memref<1x1x32x128xf32, #tpu.memory_space<vmem>> -> memref<32x128xf32, #tpu.memory_space<vmem>>
        %gather3A_1695 = tpu.vector_load_idx %gather3A_1694[%iota3A, %broadcast_in_dim3A_1687] : memref<32x128xf32, #tpu.memory_space<vmem>>[vector<16xi32>, vector<16xi32>], vector<16xf32>,
        %add3A_1696 = arith.constant 16 : i32
        %add3A_1697 = vector.broadcast %add3A_1696 : i32 to vector<16xi32>
        %add3A_1698 = arith.addi %iota3A, %add3A_1697 : vector<16xi32>
        %gather3A_1699 = arith.constant 2 : i32
        %gather3A_1700 = arith.constant 1 : i32
        %gather3A_1701 = arith.constant 0 : i32
        %gather3A_1702 = arith.constant 0 : i32
        %gather3A_1703 = tpu.memref_slice %arg10[%gather3A_1699, %gather3A_1700, %gather3A_1701, %gather3A_1702] : memref<3x4x32x128xf32, #tpu.memory_space<vmem>> -> memref<1x1x32x128xf32, #tpu.memory_space<vmem>>
        %gather3A_1704 = tpu.memref_squeeze %gather3A_1703 : memref<1x1x32x128xf32, #tpu.memory_space<vmem>> -> memref<32x128xf32, #tpu.memory_space<vmem>>
        %gather3A_1705 = tpu.vector_load_idx %gather3A_1704[%add3A_1698, %broadcast_in_dim3A_1687] : memref<32x128xf32, #tpu.memory_space<vmem>>[vector<16xi32>, vector<16xi32>], vector<16xf32>,
        %add3A_1706 = arith.constant 32 : i32
        %add3A_1707 = vector.broadcast %add3A_1706 : i32 to vector<16xi32>
        %add3A_1708 = arith.addi %iota3A, %add3A_1707 : vector<16xi32>
        tpu.vector_store_idx %arg11[%broadcast_in_dim3A_1688, %add3A_1708], %gather3A_1695 : memref<128x128xf32, #tpu.memory_space<vmem>>[vector<16xi32>, vector<16xi32>], vector<16xf32>,
        %add3A_1709 = arith.constant 48 : i32
        %add3A_1710 = vector.broadcast %add3A_1709 : i32 to vector<16xi32>
        %add3A_1711 = arith.addi %iota3A, %add3A_1710 : vector<16xi32>
        tpu.vector_store_idx %arg11[%broadcast_in_dim3A_1688, %add3A_1711], %gather3A_1705 : memref<128x128xf32, #tpu.memory_space<vmem>>[vector<16xi32>, vector<16xi32>], vector<16xf32>,
        %mul3A_1712 = arith.constant 4 : i32
        %mul3A_1713 = arith.muli %add3A_550, %mul3A_1712 : i32
        %add3A_1714 = arith.constant 2 : i32
        %add3A_1715 = arith.addi %mul3A_1713, %add3A_1714 : i32
        %and3A_1716 = arith.constant 127 : i32
        %and3A_1717 = arith.andi %add3A_1715, %and3A_1716 : i32
        %slice3A_1718 = vector.extract_strided_slice %get3A_1563 {offsets = [2], sizes = [1], strides = [1]} : vector<16xi32> to vector<1xi32>
        %squeeze3A_1719 = vector.extract %slice3A_1718[0] : i32 from vector<1xi32>
        %and3A_1720 = arith.constant 127 : i32
        %and3A_1721 = arith.andi %squeeze3A_1719, %and3A_1720 : i32
        %sub3A_1722 = arith.subi %squeeze3A_1719, %and3A_1721 : i32
        %min3A_1723 = arith.constant 999936 : i32
        %min3A_1724 = arith.minsi %sub3A_1722, %min3A_1723 : i32
        %sub3A_1725 = arith.subi %squeeze3A_1719, %min3A_1724 : i32
        %broadcast_in_dim3A_1726 = vector.broadcast %sub3A_1725 : i32 to vector<16xi32>
        %broadcast_in_dim3A_1727 = vector.broadcast %and3A_1717 : i32 to vector<16xi32>
        %gather3A_1728 = arith.constant 2 : i32
        %gather3A_1729 = arith.constant 2 : i32
        %gather3A_1730 = arith.constant 0 : i32
        %gather3A_1731 = arith.constant 0 : i32
        %gather3A_1732 = tpu.memref_slice %arg9[%gather3A_1728, %gather3A_1729, %gather3A_1730, %gather3A_1731] : memref<3x4x32x128xf32, #tpu.memory_space<vmem>> -> memref<1x1x32x128xf32, #tpu.memory_space<vmem>>
        %gather3A_1733 = tpu.memref_squeeze %gather3A_1732 : memref<1x1x32x128xf32, #tpu.memory_space<vmem>> -> memref<32x128xf32, #tpu.memory_space<vmem>>
        %gather3A_1734 = tpu.vector_load_idx %gather3A_1733[%iota3A, %broadcast_in_dim3A_1726] : memref<32x128xf32, #tpu.memory_space<vmem>>[vector<16xi32>, vector<16xi32>], vector<16xf32>,
        %add3A_1735 = arith.constant 16 : i32
        %add3A_1736 = vector.broadcast %add3A_1735 : i32 to vector<16xi32>
        %add3A_1737 = arith.addi %iota3A, %add3A_1736 : vector<16xi32>
        %gather3A_1738 = arith.constant 2 : i32
        %gather3A_1739 = arith.constant 2 : i32
        %gather3A_1740 = arith.constant 0 : i32
        %gather3A_1741 = arith.constant 0 : i32
        %gather3A_1742 = tpu.memref_slice %arg9[%gather3A_1738, %gather3A_1739, %gather3A_1740, %gather3A_1741] : memref<3x4x32x128xf32, #tpu.memory_space<vmem>> -> memref<1x1x32x128xf32, #tpu.memory_space<vmem>>
        %gather3A_1743 = tpu.memref_squeeze %gather3A_1742 : memref<1x1x32x128xf32, #tpu.memory_space<vmem>> -> memref<32x128xf32, #tpu.memory_space<vmem>>
        %gather3A_1744 = tpu.vector_load_idx %gather3A_1743[%add3A_1737, %broadcast_in_dim3A_1726] : memref<32x128xf32, #tpu.memory_space<vmem>>[vector<16xi32>, vector<16xi32>], vector<16xf32>,
        %add3A_1745 = arith.constant 0 : i32
        %add3A_1746 = vector.broadcast %add3A_1745 : i32 to vector<16xi32>
        %add3A_1747 = arith.addi %iota3A, %add3A_1746 : vector<16xi32>
        tpu.vector_store_idx %arg11[%broadcast_in_dim3A_1727, %add3A_1747], %gather3A_1734 : memref<128x128xf32, #tpu.memory_space<vmem>>[vector<16xi32>, vector<16xi32>], vector<16xf32>,
        %add3A_1748 = arith.constant 16 : i32
        %add3A_1749 = vector.broadcast %add3A_1748 : i32 to vector<16xi32>
        %add3A_1750 = arith.addi %iota3A, %add3A_1749 : vector<16xi32>
        tpu.vector_store_idx %arg11[%broadcast_in_dim3A_1727, %add3A_1750], %gather3A_1744 : memref<128x128xf32, #tpu.memory_space<vmem>>[vector<16xi32>, vector<16xi32>], vector<16xf32>,
        %slice3A_1751 = vector.extract_strided_slice %get3A_1567 {offsets = [2], sizes = [1], strides = [1]} : vector<16xi32> to vector<1xi32>
        %squeeze3A_1752 = vector.extract %slice3A_1751[0] : i32 from vector<1xi32>
        %and3A_1753 = arith.constant 127 : i32
        %and3A_1754 = arith.andi %squeeze3A_1752, %and3A_1753 : i32
        %sub3A_1755 = arith.subi %squeeze3A_1752, %and3A_1754 : i32
        %min3A_1756 = arith.constant 99968 : i32
        %min3A_1757 = arith.minsi %sub3A_1755, %min3A_1756 : i32
        %sub3A_1758 = arith.subi %squeeze3A_1752, %min3A_1757 : i32
        %broadcast_in_dim3A_1759 = vector.broadcast %sub3A_1758 : i32 to vector<16xi32>
        %broadcast_in_dim3A_1760 = vector.broadcast %and3A_1717 : i32 to vector<16xi32>
        %gather3A_1761 = arith.constant 2 : i32
        %gather3A_1762 = arith.constant 2 : i32
        %gather3A_1763 = arith.constant 0 : i32
        %gather3A_1764 = arith.constant 0 : i32
        %gather3A_1765 = tpu.memref_slice %arg10[%gather3A_1761, %gather3A_1762, %gather3A_1763, %gather3A_1764] : memref<3x4x32x128xf32, #tpu.memory_space<vmem>> -> memref<1x1x32x128xf32, #tpu.memory_space<vmem>>
        %gather3A_1766 = tpu.memref_squeeze %gather3A_1765 : memref<1x1x32x128xf32, #tpu.memory_space<vmem>> -> memref<32x128xf32, #tpu.memory_space<vmem>>
        %gather3A_1767 = tpu.vector_load_idx %gather3A_1766[%iota3A, %broadcast_in_dim3A_1759] : memref<32x128xf32, #tpu.memory_space<vmem>>[vector<16xi32>, vector<16xi32>], vector<16xf32>,
        %add3A_1768 = arith.constant 16 : i32
        %add3A_1769 = vector.broadcast %add3A_1768 : i32 to vector<16xi32>
        %add3A_1770 = arith.addi %iota3A, %add3A_1769 : vector<16xi32>
        %gather3A_1771 = arith.constant 2 : i32
        %gather3A_1772 = arith.constant 2 : i32
        %gather3A_1773 = arith.constant 0 : i32
        %gather3A_1774 = arith.constant 0 : i32
        %gather3A_1775 = tpu.memref_slice %arg10[%gather3A_1771, %gather3A_1772, %gather3A_1773, %gather3A_1774] : memref<3x4x32x128xf32, #tpu.memory_space<vmem>> -> memref<1x1x32x128xf32, #tpu.memory_space<vmem>>
        %gather3A_1776 = tpu.memref_squeeze %gather3A_1775 : memref<1x1x32x128xf32, #tpu.memory_space<vmem>> -> memref<32x128xf32, #tpu.memory_space<vmem>>
        %gather3A_1777 = tpu.vector_load_idx %gather3A_1776[%add3A_1770, %broadcast_in_dim3A_1759] : memref<32x128xf32, #tpu.memory_space<vmem>>[vector<16xi32>, vector<16xi32>], vector<16xf32>,
        %add3A_1778 = arith.constant 32 : i32
        %add3A_1779 = vector.broadcast %add3A_1778 : i32 to vector<16xi32>
        %add3A_1780 = arith.addi %iota3A, %add3A_1779 : vector<16xi32>
        tpu.vector_store_idx %arg11[%broadcast_in_dim3A_1760, %add3A_1780], %gather3A_1767 : memref<128x128xf32, #tpu.memory_space<vmem>>[vector<16xi32>, vector<16xi32>], vector<16xf32>,
        %add3A_1781 = arith.constant 48 : i32
        %add3A_1782 = vector.broadcast %add3A_1781 : i32 to vector<16xi32>
        %add3A_1783 = arith.addi %iota3A, %add3A_1782 : vector<16xi32>
        tpu.vector_store_idx %arg11[%broadcast_in_dim3A_1760, %add3A_1783], %gather3A_1777 : memref<128x128xf32, #tpu.memory_space<vmem>>[vector<16xi32>, vector<16xi32>], vector<16xf32>,
        %mul3A_1784 = arith.constant 4 : i32
        %mul3A_1785 = arith.muli %add3A_550, %mul3A_1784 : i32
        %add3A_1786 = arith.constant 3 : i32
        %add3A_1787 = arith.addi %mul3A_1785, %add3A_1786 : i32
        %and3A_1788 = arith.constant 127 : i32
        %and3A_1789 = arith.andi %add3A_1787, %and3A_1788 : i32
        %slice3A_1790 = vector.extract_strided_slice %get3A_1563 {offsets = [3], sizes = [1], strides = [1]} : vector<16xi32> to vector<1xi32>
        %squeeze3A_1791 = vector.extract %slice3A_1790[0] : i32 from vector<1xi32>
        %and3A_1792 = arith.constant 127 : i32
        %and3A_1793 = arith.andi %squeeze3A_1791, %and3A_1792 : i32
        %sub3A_1794 = arith.subi %squeeze3A_1791, %and3A_1793 : i32
        %min3A_1795 = arith.constant 999936 : i32
        %min3A_1796 = arith.minsi %sub3A_1794, %min3A_1795 : i32
        %sub3A_1797 = arith.subi %squeeze3A_1791, %min3A_1796 : i32
        %broadcast_in_dim3A_1798 = vector.broadcast %sub3A_1797 : i32 to vector<16xi32>
        %broadcast_in_dim3A_1799 = vector.broadcast %and3A_1789 : i32 to vector<16xi32>
        %gather3A_1800 = arith.constant 2 : i32
        %gather3A_1801 = arith.constant 3 : i32
        %gather3A_1802 = arith.constant 0 : i32
        %gather3A_1803 = arith.constant 0 : i32
        %gather3A_1804 = tpu.memref_slice %arg9[%gather3A_1800, %gather3A_1801, %gather3A_1802, %gather3A_1803] : memref<3x4x32x128xf32, #tpu.memory_space<vmem>> -> memref<1x1x32x128xf32, #tpu.memory_space<vmem>>
        %gather3A_1805 = tpu.memref_squeeze %gather3A_1804 : memref<1x1x32x128xf32, #tpu.memory_space<vmem>> -> memref<32x128xf32, #tpu.memory_space<vmem>>
        %gather3A_1806 = tpu.vector_load_idx %gather3A_1805[%iota3A, %broadcast_in_dim3A_1798] : memref<32x128xf32, #tpu.memory_space<vmem>>[vector<16xi32>, vector<16xi32>], vector<16xf32>,
        %add3A_1807 = arith.constant 16 : i32
        %add3A_1808 = vector.broadcast %add3A_1807 : i32 to vector<16xi32>
        %add3A_1809 = arith.addi %iota3A, %add3A_1808 : vector<16xi32>
        %gather3A_1810 = arith.constant 2 : i32
        %gather3A_1811 = arith.constant 3 : i32
        %gather3A_1812 = arith.constant 0 : i32
        %gather3A_1813 = arith.constant 0 : i32
        %gather3A_1814 = tpu.memref_slice %arg9[%gather3A_1810, %gather3A_1811, %gather3A_1812, %gather3A_1813] : memref<3x4x32x128xf32, #tpu.memory_space<vmem>> -> memref<1x1x32x128xf32, #tpu.memory_space<vmem>>
        %gather3A_1815 = tpu.memref_squeeze %gather3A_1814 : memref<1x1x32x128xf32, #tpu.memory_space<vmem>> -> memref<32x128xf32, #tpu.memory_space<vmem>>
        %gather3A_1816 = tpu.vector_load_idx %gather3A_1815[%add3A_1809, %broadcast_in_dim3A_1798] : memref<32x128xf32, #tpu.memory_space<vmem>>[vector<16xi32>, vector<16xi32>], vector<16xf32>,
        %add3A_1817 = arith.constant 0 : i32
        %add3A_1818 = vector.broadcast %add3A_1817 : i32 to vector<16xi32>
        %add3A_1819 = arith.addi %iota3A, %add3A_1818 : vector<16xi32>
        tpu.vector_store_idx %arg11[%broadcast_in_dim3A_1799, %add3A_1819], %gather3A_1806 : memref<128x128xf32, #tpu.memory_space<vmem>>[vector<16xi32>, vector<16xi32>], vector<16xf32>,
        %add3A_1820 = arith.constant 16 : i32
        %add3A_1821 = vector.broadcast %add3A_1820 : i32 to vector<16xi32>
        %add3A_1822 = arith.addi %iota3A, %add3A_1821 : vector<16xi32>
        tpu.vector_store_idx %arg11[%broadcast_in_dim3A_1799, %add3A_1822], %gather3A_1816 : memref<128x128xf32, #tpu.memory_space<vmem>>[vector<16xi32>, vector<16xi32>], vector<16xf32>,
        %slice3A_1823 = vector.extract_strided_slice %get3A_1567 {offsets = [3], sizes = [1], strides = [1]} : vector<16xi32> to vector<1xi32>
        %squeeze3A_1824 = vector.extract %slice3A_1823[0] : i32 from vector<1xi32>
        %and3A_1825 = arith.constant 127 : i32
        %and3A_1826 = arith.andi %squeeze3A_1824, %and3A_1825 : i32
        %sub3A_1827 = arith.subi %squeeze3A_1824, %and3A_1826 : i32
        %min3A_1828 = arith.constant 99968 : i32
        %min3A_1829 = arith.minsi %sub3A_1827, %min3A_1828 : i32
        %sub3A_1830 = arith.subi %squeeze3A_1824, %min3A_1829 : i32
        %broadcast_in_dim3A_1831 = vector.broadcast %sub3A_1830 : i32 to vector<16xi32>
        %broadcast_in_dim3A_1832 = vector.broadcast %and3A_1789 : i32 to vector<16xi32>
        %gather3A_1833 = arith.constant 2 : i32
        %gather3A_1834 = arith.constant 3 : i32
        %gather3A_1835 = arith.constant 0 : i32
        %gather3A_1836 = arith.constant 0 : i32
        %gather3A_1837 = tpu.memref_slice %arg10[%gather3A_1833, %gather3A_1834, %gather3A_1835, %gather3A_1836] : memref<3x4x32x128xf32, #tpu.memory_space<vmem>> -> memref<1x1x32x128xf32, #tpu.memory_space<vmem>>
        %gather3A_1838 = tpu.memref_squeeze %gather3A_1837 : memref<1x1x32x128xf32, #tpu.memory_space<vmem>> -> memref<32x128xf32, #tpu.memory_space<vmem>>
        %gather3A_1839 = tpu.vector_load_idx %gather3A_1838[%iota3A, %broadcast_in_dim3A_1831] : memref<32x128xf32, #tpu.memory_space<vmem>>[vector<16xi32>, vector<16xi32>], vector<16xf32>,
        %add3A_1840 = arith.constant 16 : i32
        %add3A_1841 = vector.broadcast %add3A_1840 : i32 to vector<16xi32>
        %add3A_1842 = arith.addi %iota3A, %add3A_1841 : vector<16xi32>
        %gather3A_1843 = arith.constant 2 : i32
        %gather3A_1844 = arith.constant 3 : i32
        %gather3A_1845 = arith.constant 0 : i32
        %gather3A_1846 = arith.constant 0 : i32
        %gather3A_1847 = tpu.memref_slice %arg10[%gather3A_1843, %gather3A_1844, %gather3A_1845, %gather3A_1846] : memref<3x4x32x128xf32, #tpu.memory_space<vmem>> -> memref<1x1x32x128xf32, #tpu.memory_space<vmem>>
        %gather3A_1848 = tpu.memref_squeeze %gather3A_1847 : memref<1x1x32x128xf32, #tpu.memory_space<vmem>> -> memref<32x128xf32, #tpu.memory_space<vmem>>
        %gather3A_1849 = tpu.vector_load_idx %gather3A_1848[%add3A_1842, %broadcast_in_dim3A_1831] : memref<32x128xf32, #tpu.memory_space<vmem>>[vector<16xi32>, vector<16xi32>], vector<16xf32>,
        %add3A_1850 = arith.constant 32 : i32
        %add3A_1851 = vector.broadcast %add3A_1850 : i32 to vector<16xi32>
        %add3A_1852 = arith.addi %iota3A, %add3A_1851 : vector<16xi32>
        tpu.vector_store_idx %arg11[%broadcast_in_dim3A_1832, %add3A_1852], %gather3A_1839 : memref<128x128xf32, #tpu.memory_space<vmem>>[vector<16xi32>, vector<16xi32>], vector<16xf32>,
        %add3A_1853 = arith.constant 48 : i32
        %add3A_1854 = vector.broadcast %add3A_1853 : i32 to vector<16xi32>
        %add3A_1855 = arith.addi %iota3A, %add3A_1854 : vector<16xi32>
        tpu.vector_store_idx %arg11[%broadcast_in_dim3A_1832, %add3A_1855], %gather3A_1849 : memref<128x128xf32, #tpu.memory_space<vmem>>[vector<16xi32>, vector<16xi32>], vector<16xf32>,
        %and3A_1856 = arith.constant 31 : i32
        %and3A_1857 = arith.andi %add3A_550, %and3A_1856 : i32
        %eq3A_1858 = arith.constant 31 : i32
        %eq3A_1859 = arith.cmpi eq, %and3A_1857, %eq3A_1858 : i32
        %convert_element_type3A_1860 = arith.extui %eq3A_1859 : i1 to i32
        %cond3A_1861 = arith.constant 0 : i32
        %cond3A_1862 = arith.cmpi ne, %convert_element_type3A_1860, %cond3A_1861 : i32
        scf.if %cond3A_1862 {
          %jit3A = arith.constant 32 : i32
          %div3A = arith.divsi %add3A_550, %jit3A : i32
          %sign3A = arith.constant 0 : i32
          %sign3A_1863 = arith.cmpi sgt, %add3A_550, %sign3A : i32
          %sign3A_1864 = arith.extui %sign3A_1863 : i1 to i32
          %sign3A_1865 = arith.constant 0 : i32
          %sign3A_1866 = arith.cmpi slt, %add3A_550, %sign3A_1865 : i32
          %sign3A_1867 = arith.extui %sign3A_1866 : i1 to i32
          %sign3A_1868 = arith.subi %sign3A_1864, %sign3A_1867 : i32
          %sign3A_1869 = arith.constant 0 : i32
          %sign3A_1870 = arith.cmpi sgt, %jit3A, %sign3A_1869 : i32
          %sign3A_1871 = arith.extui %sign3A_1870 : i1 to i32
          %sign3A_1872 = arith.constant 0 : i32
          %sign3A_1873 = arith.cmpi slt, %jit3A, %sign3A_1872 : i32
          %sign3A_1874 = arith.extui %sign3A_1873 : i1 to i32
          %sign3A_1875 = arith.subi %sign3A_1871, %sign3A_1874 : i32
          %ne3A = arith.cmpi ne, %sign3A_1868, %sign3A_1875 : i32
          %rem3A = arith.remsi %add3A_550, %jit3A : i32
          %ne3A_1876 = arith.constant 0 : i32
          %ne3A_1877 = arith.cmpi ne, %rem3A, %ne3A_1876 : i32
          %and3A_1878 = arith.andi %ne3A, %ne3A_1877 : i1
          %sub3A_1879 = arith.constant 1 : i32
          %sub3A_1880 = arith.subi %div3A, %sub3A_1879 : i32
          %select_n3A = arith.select %and3A_1878, %sub3A_1880, %div3A : i32
          %mul3A_1881 = arith.constant 128 : i32
          %mul3A_1882 = arith.muli %select_n3A, %mul3A_1881 : i32
          %add3A_1883 = arith.addi %mul3A_2, %mul3A_1882 : i32
          %multiple_of3A_1884 = tpu.assume_multiple %add3A_1883, 128 : i32
          "tpu.region"() ({
            %run_scoped3A = tpu.sem_alloc : memref<!tpu.dma_semaphore, #tpu.memory_space<semaphore_mem>>
            %dma_start3A_1885 = arith.constant 0 : i32
            %dma_start3A_1886 = tpu.memref_slice %arg6[%multiple_of3A_1884, %dma_start3A_1885] : memref<16384x128xf32, #tpu.memory_space<hbm>> -> memref<128x128xf32, #tpu.memory_space<hbm>>
            %dma_start3A_1887 = arith.constant 0 : i32
            %dma_start3A_1888 = tpu.memref_slice %arg6[%multiple_of3A_1884, %dma_start3A_1887] : memref<16384x128xf32, #tpu.memory_space<hbm>> -> memref<128x128xf32, #tpu.memory_space<hbm>>
            tpu.enqueue_dma source(%arg11 : memref<128x128xf32, #tpu.memory_space<vmem>>) target(%dma_start3A_1888 : memref<128x128xf32, #tpu.memory_space<hbm>>) target_semaphore(%run_scoped3A : memref<!tpu.dma_semaphore, #tpu.memory_space<semaphore_mem>>)
            %dma_wait3A_1889 = arith.constant 0 : i32
            %dma_wait3A_1890 = tpu.memref_slice %arg6[%multiple_of3A_1884, %dma_wait3A_1889] : memref<16384x128xf32, #tpu.memory_space<hbm>> -> memref<128x128xf32, #tpu.memory_space<hbm>>
            %dma_wait3A_1891 = arith.constant 0 : i32
            %dma_wait3A_1892 = tpu.memref_slice %arg6[%multiple_of3A_1884, %dma_wait3A_1891] : memref<16384x128xf32, #tpu.memory_space<hbm>> -> memref<128x128xf32, #tpu.memory_space<hbm>>
            tpu.wait_dma2 semaphore(%run_scoped3A : memref<!tpu.dma_semaphore, #tpu.memory_space<semaphore_mem>>) src(%arg11 : memref<128x128xf32, #tpu.memory_space<vmem>>) dst(%dma_wait3A_1892 : memref<128x128xf32, #tpu.memory_space<hbm>>)
            tpu.yield
          }) : () -> ()
        } else {
        }
      } else {
      }
      %add3A_1425 = arith.constant 3 : i32
      %add3A_1426 = arith.addi %add3A_550, %add3A_1425 : i32
      %lt3A_1427 = arith.constant 128 : i32
      %lt3A_1428 = arith.cmpi slt, %add3A_1426, %lt3A_1427 : i32
      %convert_element_type3A_1429 = arith.extui %lt3A_1428 : i1 to i32
      %cond3A_1430 = arith.constant 0 : i32
      %cond3A_1431 = arith.cmpi ne, %convert_element_type3A_1429, %cond3A_1430 : i32
      scf.if %cond3A_1431 {
        %add3A_1432 = arith.constant 3 : i32
        %add3A_1433 = arith.addi %add3A_550, %add3A_1432 : i32
        %mul3A_1434 = arith.constant 4 : i32
        %mul3A_1435 = arith.muli %add3A_1433, %mul3A_1434 : i32
        %get3A_1436 = arith.index_cast %mul3A_1435 : i32 to index
        %get3A_1437 = tpu.vector_load %arg7[%get3A_1436] {strides = array<i32>} : memref<528xi32, #tpu.memory_space<vmem>>, vector<16xi32>,
        %mul3A_1438 = arith.constant 4 : i32
        %mul3A_1439 = arith.muli %add3A_1433, %mul3A_1438 : i32
        %get3A_1440 = arith.index_cast %mul3A_1439 : i32 to index
        %get3A_1441 = tpu.vector_load %arg8[%get3A_1440] {strides = array<i32>} : memref<528xi32, #tpu.memory_space<vmem>>, vector<16xi32>,
        %slice3A_1442 = vector.extract_strided_slice %get3A_1437 {offsets = [0], sizes = [1], strides = [1]} : vector<16xi32> to vector<1xi32>
        %squeeze3A_1443 = vector.extract %slice3A_1442[0] : i32 from vector<1xi32>
        %and3A_1444 = arith.constant 127 : i32
        %and3A_1445 = arith.andi %squeeze3A_1443, %and3A_1444 : i32
        %sub3A_1446 = arith.subi %squeeze3A_1443, %and3A_1445 : i32
        %min3A_1447 = arith.constant 999936 : i32
        %min3A_1448 = arith.minsi %sub3A_1446, %min3A_1447 : i32
        %multiple_of3A_1449 = tpu.assume_multiple %min3A_1448, 128 : i32
        %dma_start3A_1450 = arith.constant 2 : i32
        %dma_start3A_1451 = arith.constant 0 : i32
        %dma_start3A_1452 = arith.constant 0 : i32
        %dma_start3A_1453 = arith.constant 0 : i32
        %dma_start3A_1454 = tpu.memref_slice %arg9[%dma_start3A_1450, %dma_start3A_1451, %dma_start3A_1452, %dma_start3A_1453] : memref<3x4x32x128xf32, #tpu.memory_space<vmem>> -> memref<1x1x32x128xf32, #tpu.memory_space<vmem>>
        %dma_start3A_1455 = tpu.memref_squeeze %dma_start3A_1454 : memref<1x1x32x128xf32, #tpu.memory_space<vmem>> -> memref<32x128xf32, #tpu.memory_space<vmem>>
        %dma_start3A_1456 = arith.constant 0 : i32
        %dma_start3A_1457 = tpu.memref_slice %arg4[%dma_start3A_1456, %multiple_of3A_1449] : memref<32x1000000xf32, #tpu.memory_space<hbm>> -> memref<32x128xf32, #tpu.memory_space<hbm>>
        %dma_start3A_1458 = arith.constant 0 : i32
        %dma_start3A_1459 = arith.constant 0 : i32
        %dma_start3A_1460 = tpu.memref_slice %arg9[%dma_start3A_1450, %dma_start3A_1451, %dma_start3A_1458, %dma_start3A_1459] : memref<3x4x32x128xf32, #tpu.memory_space<vmem>> -> memref<1x1x32x128xf32, #tpu.memory_space<vmem>>
        %dma_start3A_1461 = tpu.memref_squeeze %dma_start3A_1460 : memref<1x1x32x128xf32, #tpu.memory_space<vmem>> -> memref<32x128xf32, #tpu.memory_space<vmem>>
        %dma_start3A_1462 = arith.constant 0 : i32
        %dma_start3A_1463 = tpu.memref_slice %arg4[%dma_start3A_1462, %multiple_of3A_1449] : memref<32x1000000xf32, #tpu.memory_space<hbm>> -> memref<32x128xf32, #tpu.memory_space<hbm>>
        tpu.enqueue_dma source(%dma_start3A_1463 : memref<32x128xf32, #tpu.memory_space<hbm>>) target(%dma_start3A_1461 : memref<32x128xf32, #tpu.memory_space<vmem>>) target_semaphore(%arg14 : memref<!tpu.dma_semaphore, #tpu.memory_space<semaphore_mem>>)
        %slice3A_1464 = vector.extract_strided_slice %get3A_1441 {offsets = [0], sizes = [1], strides = [1]} : vector<16xi32> to vector<1xi32>
        %squeeze3A_1465 = vector.extract %slice3A_1464[0] : i32 from vector<1xi32>
        %and3A_1466 = arith.constant 127 : i32
        %and3A_1467 = arith.andi %squeeze3A_1465, %and3A_1466 : i32
        %sub3A_1468 = arith.subi %squeeze3A_1465, %and3A_1467 : i32
        %min3A_1469 = arith.constant 99968 : i32
        %min3A_1470 = arith.minsi %sub3A_1468, %min3A_1469 : i32
        %multiple_of3A_1471 = tpu.assume_multiple %min3A_1470, 128 : i32
        %dma_start3A_1472 = arith.constant 2 : i32
        %dma_start3A_1473 = arith.constant 0 : i32
        %dma_start3A_1474 = arith.constant 0 : i32
        %dma_start3A_1475 = arith.constant 0 : i32
        %dma_start3A_1476 = tpu.memref_slice %arg10[%dma_start3A_1472, %dma_start3A_1473, %dma_start3A_1474, %dma_start3A_1475] : memref<3x4x32x128xf32, #tpu.memory_space<vmem>> -> memref<1x1x32x128xf32, #tpu.memory_space<vmem>>
        %dma_start3A_1477 = tpu.memref_squeeze %dma_start3A_1476 : memref<1x1x32x128xf32, #tpu.memory_space<vmem>> -> memref<32x128xf32, #tpu.memory_space<vmem>>
        %dma_start3A_1478 = arith.constant 0 : i32
        %dma_start3A_1479 = tpu.memref_slice %arg5[%dma_start3A_1478, %multiple_of3A_1471] : memref<32x100000xf32, #tpu.memory_space<hbm>> -> memref<32x128xf32, #tpu.memory_space<hbm>>
        %dma_start3A_1480 = arith.constant 0 : i32
        %dma_start3A_1481 = arith.constant 0 : i32
        %dma_start3A_1482 = tpu.memref_slice %arg10[%dma_start3A_1472, %dma_start3A_1473, %dma_start3A_1480, %dma_start3A_1481] : memref<3x4x32x128xf32, #tpu.memory_space<vmem>> -> memref<1x1x32x128xf32, #tpu.memory_space<vmem>>
        %dma_start3A_1483 = tpu.memref_squeeze %dma_start3A_1482 : memref<1x1x32x128xf32, #tpu.memory_space<vmem>> -> memref<32x128xf32, #tpu.memory_space<vmem>>
        %dma_start3A_1484 = arith.constant 0 : i32
        %dma_start3A_1485 = tpu.memref_slice %arg5[%dma_start3A_1484, %multiple_of3A_1471] : memref<32x100000xf32, #tpu.memory_space<hbm>> -> memref<32x128xf32, #tpu.memory_space<hbm>>
        tpu.enqueue_dma source(%dma_start3A_1485 : memref<32x128xf32, #tpu.memory_space<hbm>>) target(%dma_start3A_1483 : memref<32x128xf32, #tpu.memory_space<vmem>>) target_semaphore(%arg17 : memref<!tpu.dma_semaphore, #tpu.memory_space<semaphore_mem>>)
        %slice3A_1486 = vector.extract_strided_slice %get3A_1437 {offsets = [1], sizes = [1], strides = [1]} : vector<16xi32> to vector<1xi32>
        %squeeze3A_1487 = vector.extract %slice3A_1486[0] : i32 from vector<1xi32>
        %and3A_1488 = arith.constant 127 : i32
        %and3A_1489 = arith.andi %squeeze3A_1487, %and3A_1488 : i32
        %sub3A_1490 = arith.subi %squeeze3A_1487, %and3A_1489 : i32
        %min3A_1491 = arith.constant 999936 : i32
        %min3A_1492 = arith.minsi %sub3A_1490, %min3A_1491 : i32
        %multiple_of3A_1493 = tpu.assume_multiple %min3A_1492, 128 : i32
        %dma_start3A_1494 = arith.constant 2 : i32
        %dma_start3A_1495 = arith.constant 1 : i32
        %dma_start3A_1496 = arith.constant 0 : i32
        %dma_start3A_1497 = arith.constant 0 : i32
        %dma_start3A_1498 = tpu.memref_slice %arg9[%dma_start3A_1494, %dma_start3A_1495, %dma_start3A_1496, %dma_start3A_1497] : memref<3x4x32x128xf32, #tpu.memory_space<vmem>> -> memref<1x1x32x128xf32, #tpu.memory_space<vmem>>
        %dma_start3A_1499 = tpu.memref_squeeze %dma_start3A_1498 : memref<1x1x32x128xf32, #tpu.memory_space<vmem>> -> memref<32x128xf32, #tpu.memory_space<vmem>>
        %dma_start3A_1500 = arith.constant 0 : i32
        %dma_start3A_1501 = tpu.memref_slice %arg4[%dma_start3A_1500, %multiple_of3A_1493] : memref<32x1000000xf32, #tpu.memory_space<hbm>> -> memref<32x128xf32, #tpu.memory_space<hbm>>
        %dma_start3A_1502 = arith.constant 0 : i32
        %dma_start3A_1503 = arith.constant 0 : i32
        %dma_start3A_1504 = tpu.memref_slice %arg9[%dma_start3A_1494, %dma_start3A_1495, %dma_start3A_1502, %dma_start3A_1503] : memref<3x4x32x128xf32, #tpu.memory_space<vmem>> -> memref<1x1x32x128xf32, #tpu.memory_space<vmem>>
        %dma_start3A_1505 = tpu.memref_squeeze %dma_start3A_1504 : memref<1x1x32x128xf32, #tpu.memory_space<vmem>> -> memref<32x128xf32, #tpu.memory_space<vmem>>
        %dma_start3A_1506 = arith.constant 0 : i32
        %dma_start3A_1507 = tpu.memref_slice %arg4[%dma_start3A_1506, %multiple_of3A_1493] : memref<32x1000000xf32, #tpu.memory_space<hbm>> -> memref<32x128xf32, #tpu.memory_space<hbm>>
        tpu.enqueue_dma source(%dma_start3A_1507 : memref<32x128xf32, #tpu.memory_space<hbm>>) target(%dma_start3A_1505 : memref<32x128xf32, #tpu.memory_space<vmem>>) target_semaphore(%arg14 : memref<!tpu.dma_semaphore, #tpu.memory_space<semaphore_mem>>)
        %slice3A_1508 = vector.extract_strided_slice %get3A_1441 {offsets = [1], sizes = [1], strides = [1]} : vector<16xi32> to vector<1xi32>
        %squeeze3A_1509 = vector.extract %slice3A_1508[0] : i32 from vector<1xi32>
        %and3A_1510 = arith.constant 127 : i32
        %and3A_1511 = arith.andi %squeeze3A_1509, %and3A_1510 : i32
        %sub3A_1512 = arith.subi %squeeze3A_1509, %and3A_1511 : i32
        %min3A_1513 = arith.constant 99968 : i32
        %min3A_1514 = arith.minsi %sub3A_1512, %min3A_1513 : i32
        %multiple_of3A_1515 = tpu.assume_multiple %min3A_1514, 128 : i32
        %dma_start3A_1516 = arith.constant 2 : i32
        %dma_start3A_1517 = arith.constant 1 : i32
        %dma_start3A_1518 = arith.constant 0 : i32
        %dma_start3A_1519 = arith.constant 0 : i32
        %dma_start3A_1520 = tpu.memref_slice %arg10[%dma_start3A_1516, %dma_start3A_1517, %dma_start3A_1518, %dma_start3A_1519] : memref<3x4x32x128xf32, #tpu.memory_space<vmem>> -> memref<1x1x32x128xf32, #tpu.memory_space<vmem>>
        %dma_start3A_1521 = tpu.memref_squeeze %dma_start3A_1520 : memref<1x1x32x128xf32, #tpu.memory_space<vmem>> -> memref<32x128xf32, #tpu.memory_space<vmem>>
        %dma_start3A_1522 = arith.constant 0 : i32
        %dma_start3A_1523 = tpu.memref_slice %arg5[%dma_start3A_1522, %multiple_of3A_1515] : memref<32x100000xf32, #tpu.memory_space<hbm>> -> memref<32x128xf32, #tpu.memory_space<hbm>>
        %dma_start3A_1524 = arith.constant 0 : i32
        %dma_start3A_1525 = arith.constant 0 : i32
        %dma_start3A_1526 = tpu.memref_slice %arg10[%dma_start3A_1516, %dma_start3A_1517, %dma_start3A_1524, %dma_start3A_1525] : memref<3x4x32x128xf32, #tpu.memory_space<vmem>> -> memref<1x1x32x128xf32, #tpu.memory_space<vmem>>
        %dma_start3A_1527 = tpu.memref_squeeze %dma_start3A_1526 : memref<1x1x32x128xf32, #tpu.memory_space<vmem>> -> memref<32x128xf32, #tpu.memory_space<vmem>>
        %dma_start3A_1528 = arith.constant 0 : i32
        %dma_start3A_1529 = tpu.memref_slice %arg5[%dma_start3A_1528, %multiple_of3A_1515] : memref<32x100000xf32, #tpu.memory_space<hbm>> -> memref<32x128xf32, #tpu.memory_space<hbm>>
        tpu.enqueue_dma source(%dma_start3A_1529 : memref<32x128xf32, #tpu.memory_space<hbm>>) target(%dma_start3A_1527 : memref<32x128xf32, #tpu.memory_space<vmem>>) target_semaphore(%arg17 : memref<!tpu.dma_semaphore, #tpu.memory_space<semaphore_mem>>)
        %slice3A_1530 = vector.extract_strided_slice %get3A_1437 {offsets = [2], sizes = [1], strides = [1]} : vector<16xi32> to vector<1xi32>
        %squeeze3A_1531 = vector.extract %slice3A_1530[0] : i32 from vector<1xi32>
        %and3A_1532 = arith.constant 127 : i32
        %and3A_1533 = arith.andi %squeeze3A_1531, %and3A_1532 : i32
        %sub3A_1534 = arith.subi %squeeze3A_1531, %and3A_1533 : i32
        %min3A_1535 = arith.constant 999936 : i32
        %min3A_1536 = arith.minsi %sub3A_1534, %min3A_1535 : i32
        %multiple_of3A_1537 = tpu.assume_multiple %min3A_1536, 128 : i32
        %dma_start3A_1538 = arith.constant 2 : i32
        %dma_start3A_1539 = arith.constant 2 : i32
        %dma_start3A_1540 = arith.constant 0 : i32
        %dma_start3A_1541 = arith.constant 0 : i32
        %dma_start3A_1542 = tpu.memref_slice %arg9[%dma_start3A_1538, %dma_start3A_1539, %dma_start3A_1540, %dma_start3A_1541] : memref<3x4x32x128xf32, #tpu.memory_space<vmem>> -> memref<1x1x32x128xf32, #tpu.memory_space<vmem>>
        %dma_start3A_1543 = tpu.memref_squeeze %dma_start3A_1542 : memref<1x1x32x128xf32, #tpu.memory_space<vmem>> -> memref<32x128xf32, #tpu.memory_space<vmem>>
        %dma_start3A_1544 = arith.constant 0 : i32
        %dma_start3A_1545 = tpu.memref_slice %arg4[%dma_start3A_1544, %multiple_of3A_1537] : memref<32x1000000xf32, #tpu.memory_space<hbm>> -> memref<32x128xf32, #tpu.memory_space<hbm>>
        %dma_start3A_1546 = arith.constant 0 : i32
        %dma_start3A_1547 = arith.constant 0 : i32
        %dma_start3A_1548 = tpu.memref_slice %arg9[%dma_start3A_1538, %dma_start3A_1539, %dma_start3A_1546, %dma_start3A_1547] : memref<3x4x32x128xf32, #tpu.memory_space<vmem>> -> memref<1x1x32x128xf32, #tpu.memory_space<vmem>>
        %dma_start3A_1549 = tpu.memref_squeeze %dma_start3A_1548 : memref<1x1x32x128xf32, #tpu.memory_space<vmem>> -> memref<32x128xf32, #tpu.memory_space<vmem>>
        %dma_start3A_1550 = arith.constant 0 : i32
        %dma_start3A_1551 = tpu.memref_slice %arg4[%dma_start3A_1550, %multiple_of3A_1537] : memref<32x1000000xf32, #tpu.memory_space<hbm>> -> memref<32x128xf32, #tpu.memory_space<hbm>>
        tpu.enqueue_dma source(%dma_start3A_1551 : memref<32x128xf32, #tpu.memory_space<hbm>>) target(%dma_start3A_1549 : memref<32x128xf32, #tpu.memory_space<vmem>>) target_semaphore(%arg14 : memref<!tpu.dma_semaphore, #tpu.memory_space<semaphore_mem>>)
        %slice3A_1552 = vector.extract_strided_slice %get3A_1441 {offsets = [2], sizes = [1], strides = [1]} : vector<16xi32> to vector<1xi32>
        %squeeze3A_1553 = vector.extract %slice3A_1552[0] : i32 from vector<1xi32>
        %and3A_1554 = arith.constant 127 : i32
        %and3A_1555 = arith.andi %squeeze3A_1553, %and3A_1554 : i32
        %sub3A_1556 = arith.subi %squeeze3A_1553, %and3A_1555 : i32
        %min3A_1557 = arith.constant 99968 : i32
        %min3A_1558 = arith.minsi %sub3A_1556, %min3A_1557 : i32
        %multiple_of3A_1559 = tpu.assume_multiple %min3A_1558, 128 : i32
        %dma_start3A_1560 = arith.constant 2 : i32
        %dma_start3A_1561 = arith.constant 2 : i32
        %dma_start3A_1562 = arith.constant 0 : i32
        %dma_start3A_1563 = arith.constant 0 : i32
        %dma_start3A_1564 = tpu.memref_slice %arg10[%dma_start3A_1560, %dma_start3A_1561, %dma_start3A_1562, %dma_start3A_1563] : memref<3x4x32x128xf32, #tpu.memory_space<vmem>> -> memref<1x1x32x128xf32, #tpu.memory_space<vmem>>
        %dma_start3A_1565 = tpu.memref_squeeze %dma_start3A_1564 : memref<1x1x32x128xf32, #tpu.memory_space<vmem>> -> memref<32x128xf32, #tpu.memory_space<vmem>>
        %dma_start3A_1566 = arith.constant 0 : i32
        %dma_start3A_1567 = tpu.memref_slice %arg5[%dma_start3A_1566, %multiple_of3A_1559] : memref<32x100000xf32, #tpu.memory_space<hbm>> -> memref<32x128xf32, #tpu.memory_space<hbm>>
        %dma_start3A_1568 = arith.constant 0 : i32
        %dma_start3A_1569 = arith.constant 0 : i32
        %dma_start3A_1570 = tpu.memref_slice %arg10[%dma_start3A_1560, %dma_start3A_1561, %dma_start3A_1568, %dma_start3A_1569] : memref<3x4x32x128xf32, #tpu.memory_space<vmem>> -> memref<1x1x32x128xf32, #tpu.memory_space<vmem>>
        %dma_start3A_1571 = tpu.memref_squeeze %dma_start3A_1570 : memref<1x1x32x128xf32, #tpu.memory_space<vmem>> -> memref<32x128xf32, #tpu.memory_space<vmem>>
        %dma_start3A_1572 = arith.constant 0 : i32
        %dma_start3A_1573 = tpu.memref_slice %arg5[%dma_start3A_1572, %multiple_of3A_1559] : memref<32x100000xf32, #tpu.memory_space<hbm>> -> memref<32x128xf32, #tpu.memory_space<hbm>>
        tpu.enqueue_dma source(%dma_start3A_1573 : memref<32x128xf32, #tpu.memory_space<hbm>>) target(%dma_start3A_1571 : memref<32x128xf32, #tpu.memory_space<vmem>>) target_semaphore(%arg17 : memref<!tpu.dma_semaphore, #tpu.memory_space<semaphore_mem>>)
        %slice3A_1574 = vector.extract_strided_slice %get3A_1437 {offsets = [3], sizes = [1], strides = [1]} : vector<16xi32> to vector<1xi32>
        %squeeze3A_1575 = vector.extract %slice3A_1574[0] : i32 from vector<1xi32>
        %and3A_1576 = arith.constant 127 : i32
        %and3A_1577 = arith.andi %squeeze3A_1575, %and3A_1576 : i32
        %sub3A_1578 = arith.subi %squeeze3A_1575, %and3A_1577 : i32
        %min3A_1579 = arith.constant 999936 : i32
        %min3A_1580 = arith.minsi %sub3A_1578, %min3A_1579 : i32
        %multiple_of3A_1581 = tpu.assume_multiple %min3A_1580, 128 : i32
        %dma_start3A_1582 = arith.constant 2 : i32
        %dma_start3A_1583 = arith.constant 3 : i32
        %dma_start3A_1584 = arith.constant 0 : i32
        %dma_start3A_1585 = arith.constant 0 : i32
        %dma_start3A_1586 = tpu.memref_slice %arg9[%dma_start3A_1582, %dma_start3A_1583, %dma_start3A_1584, %dma_start3A_1585] : memref<3x4x32x128xf32, #tpu.memory_space<vmem>> -> memref<1x1x32x128xf32, #tpu.memory_space<vmem>>
        %dma_start3A_1587 = tpu.memref_squeeze %dma_start3A_1586 : memref<1x1x32x128xf32, #tpu.memory_space<vmem>> -> memref<32x128xf32, #tpu.memory_space<vmem>>
        %dma_start3A_1588 = arith.constant 0 : i32
        %dma_start3A_1589 = tpu.memref_slice %arg4[%dma_start3A_1588, %multiple_of3A_1581] : memref<32x1000000xf32, #tpu.memory_space<hbm>> -> memref<32x128xf32, #tpu.memory_space<hbm>>
        %dma_start3A_1590 = arith.constant 0 : i32
        %dma_start3A_1591 = arith.constant 0 : i32
        %dma_start3A_1592 = tpu.memref_slice %arg9[%dma_start3A_1582, %dma_start3A_1583, %dma_start3A_1590, %dma_start3A_1591] : memref<3x4x32x128xf32, #tpu.memory_space<vmem>> -> memref<1x1x32x128xf32, #tpu.memory_space<vmem>>
        %dma_start3A_1593 = tpu.memref_squeeze %dma_start3A_1592 : memref<1x1x32x128xf32, #tpu.memory_space<vmem>> -> memref<32x128xf32, #tpu.memory_space<vmem>>
        %dma_start3A_1594 = arith.constant 0 : i32
        %dma_start3A_1595 = tpu.memref_slice %arg4[%dma_start3A_1594, %multiple_of3A_1581] : memref<32x1000000xf32, #tpu.memory_space<hbm>> -> memref<32x128xf32, #tpu.memory_space<hbm>>
        tpu.enqueue_dma source(%dma_start3A_1595 : memref<32x128xf32, #tpu.memory_space<hbm>>) target(%dma_start3A_1593 : memref<32x128xf32, #tpu.memory_space<vmem>>) target_semaphore(%arg14 : memref<!tpu.dma_semaphore, #tpu.memory_space<semaphore_mem>>)
        %slice3A_1596 = vector.extract_strided_slice %get3A_1441 {offsets = [3], sizes = [1], strides = [1]} : vector<16xi32> to vector<1xi32>
        %squeeze3A_1597 = vector.extract %slice3A_1596[0] : i32 from vector<1xi32>
        %and3A_1598 = arith.constant 127 : i32
        %and3A_1599 = arith.andi %squeeze3A_1597, %and3A_1598 : i32
        %sub3A_1600 = arith.subi %squeeze3A_1597, %and3A_1599 : i32
        %min3A_1601 = arith.constant 99968 : i32
        %min3A_1602 = arith.minsi %sub3A_1600, %min3A_1601 : i32
        %multiple_of3A_1603 = tpu.assume_multiple %min3A_1602, 128 : i32
        %dma_start3A_1604 = arith.constant 2 : i32
        %dma_start3A_1605 = arith.constant 3 : i32
        %dma_start3A_1606 = arith.constant 0 : i32
        %dma_start3A_1607 = arith.constant 0 : i32
        %dma_start3A_1608 = tpu.memref_slice %arg10[%dma_start3A_1604, %dma_start3A_1605, %dma_start3A_1606, %dma_start3A_1607] : memref<3x4x32x128xf32, #tpu.memory_space<vmem>> -> memref<1x1x32x128xf32, #tpu.memory_space<vmem>>
        %dma_start3A_1609 = tpu.memref_squeeze %dma_start3A_1608 : memref<1x1x32x128xf32, #tpu.memory_space<vmem>> -> memref<32x128xf32, #tpu.memory_space<vmem>>
        %dma_start3A_1610 = arith.constant 0 : i32
        %dma_start3A_1611 = tpu.memref_slice %arg5[%dma_start3A_1610, %multiple_of3A_1603] : memref<32x100000xf32, #tpu.memory_space<hbm>> -> memref<32x128xf32, #tpu.memory_space<hbm>>
        %dma_start3A_1612 = arith.constant 0 : i32
        %dma_start3A_1613 = arith.constant 0 : i32
        %dma_start3A_1614 = tpu.memref_slice %arg10[%dma_start3A_1604, %dma_start3A_1605, %dma_start3A_1612, %dma_start3A_1613] : memref<3x4x32x128xf32, #tpu.memory_space<vmem>> -> memref<1x1x32x128xf32, #tpu.memory_space<vmem>>
        %dma_start3A_1615 = tpu.memref_squeeze %dma_start3A_1614 : memref<1x1x32x128xf32, #tpu.memory_space<vmem>> -> memref<32x128xf32, #tpu.memory_space<vmem>>
        %dma_start3A_1616 = arith.constant 0 : i32
        %dma_start3A_1617 = tpu.memref_slice %arg5[%dma_start3A_1616, %multiple_of3A_1603] : memref<32x100000xf32, #tpu.memory_space<hbm>> -> memref<32x128xf32, #tpu.memory_space<hbm>>
        tpu.enqueue_dma source(%dma_start3A_1617 : memref<32x128xf32, #tpu.memory_space<hbm>>) target(%dma_start3A_1615 : memref<32x128xf32, #tpu.memory_space<vmem>>) target_semaphore(%arg17 : memref<!tpu.dma_semaphore, #tpu.memory_space<semaphore_mem>>)
      } else {
      }
    }
    %scan3A_539 = arith.constant 43 : i32
    return
  }
}

module attributes {stable_mosaic.version = 14 : i64} {
  func.func @_mlp_body(%arg0: i32, %arg1: memref<2048x128xf32, #tpu.memory_space<vmem>>, %arg2: memref<64x32xf32, #tpu.memory_space<vmem>>, %arg3: memref<32xf32, #tpu.memory_space<vmem>>, %arg4: memref<32x16xf32, #tpu.memory_space<vmem>>, %arg5: memref<16xf32, #tpu.memory_space<vmem>>, %arg6: memref<16x8xf32, #tpu.memory_space<vmem>>, %arg7: memref<8xf32, #tpu.memory_space<vmem>>, %arg8: memref<8x1xf32, #tpu.memory_space<vmem>>, %arg9: memref<1xf32, #tpu.memory_space<vmem>>, %arg10: memref<2048xf32, #tpu.memory_space<vmem>>) attributes {dimension_semantics = [#tpu.dimension_semantics<arbitrary>], iteration_bounds = array<i64: 8>, scalar_prefetch = 0 : i64, scratch_operands = 0 : i64, tpu.core_type = #tpu.core_type<tc>, window_params = [{transform_indices = @transform_0, window_bounds = array<i64: 2048, 128>}, {pipeline_mode = #tpu.pipeline_mode<synchronous>, transform_indices = @transform_1, window_bounds = array<i64: 64, 32>}, {pipeline_mode = #tpu.pipeline_mode<synchronous>, transform_indices = @transform_2, window_bounds = array<i64: 32>}, {pipeline_mode = #tpu.pipeline_mode<synchronous>, transform_indices = @transform_3, window_bounds = array<i64: 32, 16>}, {pipeline_mode = #tpu.pipeline_mode<synchronous>, transform_indices = @transform_4, window_bounds = array<i64: 16>}, {pipeline_mode = #tpu.pipeline_mode<synchronous>, transform_indices = @transform_5, window_bounds = array<i64: 16, 8>}, {pipeline_mode = #tpu.pipeline_mode<synchronous>, transform_indices = @transform_6, window_bounds = array<i64: 8>}, {pipeline_mode = #tpu.pipeline_mode<synchronous>, transform_indices = @transform_7, window_bounds = array<i64: 8, 1>}, {pipeline_mode = #tpu.pipeline_mode<synchronous>, transform_indices = @transform_8, window_bounds = array<i64: 1>}, {transform_indices = @transform_9, window_bounds = array<i64: 2048>}]} {
    %get3A = arith.constant 0 : index
    %get3A_0 = arith.constant 0 : index
    %get3A_1 = vector.load %arg1[%get3A, %get3A_0] : memref<2048x128xf32, #tpu.memory_space<vmem>>, vector<2048x32xf32>
    %get3A_2 = arith.constant 0 : index
    %get3A_3 = arith.constant 32 : index
    %get3A_4 = vector.load %arg1[%get3A_2, %get3A_3] : memref<2048x128xf32, #tpu.memory_space<vmem>>, vector<2048x32xf32>
    %get3A_5 = arith.constant 0 : index
    %get3A_6 = arith.constant 0 : index
    %get3A_7 = vector.load %arg2[%get3A_5, %get3A_6] : memref<64x32xf32, #tpu.memory_space<vmem>>, vector<32x32xf32>
    %get3A_8 = arith.constant 32 : index
    %get3A_9 = arith.constant 0 : index
    %get3A_10 = vector.load %arg2[%get3A_8, %get3A_9] : memref<64x32xf32, #tpu.memory_space<vmem>>, vector<32x32xf32>
    %dot_general3A = arith.constant dense<0.000000e+00> : vector<2048x32xf32>
    %dot_general3A_11 = tpu.matmul %get3A_1, %get3A_7, %dot_general3A {dimension_numbers = #tpu.dot_dimension_numbers<[1], [0], [0], [1], [0, 0, 1, 1], [], []>, transpose_lhs_hint = false} : vector<2048x32xf32>, vector<32x32xf32>, vector<2048x32xf32> -> vector<2048x32xf32>
    %dot_general3A_12 = arith.constant dense<0.000000e+00> : vector<2048x32xf32>
    %dot_general3A_13 = tpu.matmul %get3A_4, %get3A_10, %dot_general3A_12 {dimension_numbers = #tpu.dot_dimension_numbers<[1], [0], [0], [1], [0, 0, 1, 1], [], []>, transpose_lhs_hint = false} : vector<2048x32xf32>, vector<32x32xf32>, vector<2048x32xf32> -> vector<2048x32xf32>
    %add3A = arith.addf %dot_general3A_11, %dot_general3A_13 : vector<2048x32xf32>
    %get3A_14 = arith.constant 0 : index
    %get3A_15 = vector.load %arg3[%get3A_14] : memref<32xf32, #tpu.memory_space<vmem>>, vector<32xf32>
    %broadcast_in_dim3A = vector.shape_cast %get3A_15 : vector<32xf32> to vector<1x32xf32>
    %add3A_16 = vector.broadcast %broadcast_in_dim3A : vector<1x32xf32> to vector<2048x32xf32>
    %add3A_17 = arith.addf %add3A, %add3A_16 : vector<2048x32xf32>
    %max3A = arith.constant 0.000000e+00 : f32
    %max3A_18 = vector.broadcast %max3A : f32 to vector<2048x32xf32>
    %max3A_19 = arith.maximumf %add3A_17, %max3A_18 : vector<2048x32xf32>
    %get3A_20 = arith.constant 0 : index
    %get3A_21 = arith.constant 0 : index
    %get3A_22 = vector.load %arg4[%get3A_20, %get3A_21] : memref<32x16xf32, #tpu.memory_space<vmem>>, vector<32x16xf32>
    %dot_general3A_23 = arith.constant dense<0.000000e+00> : vector<2048x16xf32>
    %dot_general3A_24 = tpu.matmul %max3A_19, %get3A_22, %dot_general3A_23 {dimension_numbers = #tpu.dot_dimension_numbers<[1], [0], [0], [1], [0, 0, 1, 1], [], []>, transpose_lhs_hint = false} : vector<2048x32xf32>, vector<32x16xf32>, vector<2048x16xf32> -> vector<2048x16xf32>
    %get3A_25 = arith.constant 0 : index
    %get3A_26 = vector.load %arg5[%get3A_25] : memref<16xf32, #tpu.memory_space<vmem>>, vector<16xf32>
    %broadcast_in_dim3A_27 = vector.shape_cast %get3A_26 : vector<16xf32> to vector<1x16xf32>
    %add3A_28 = vector.broadcast %broadcast_in_dim3A_27 : vector<1x16xf32> to vector<2048x16xf32>
    %add3A_29 = arith.addf %dot_general3A_24, %add3A_28 : vector<2048x16xf32>
    %max3A_30 = arith.constant 0.000000e+00 : f32
    %max3A_31 = vector.broadcast %max3A_30 : f32 to vector<2048x16xf32>
    %max3A_32 = arith.maximumf %add3A_29, %max3A_31 : vector<2048x16xf32>
    %get3A_33 = arith.constant 0 : index
    %get3A_34 = arith.constant 0 : index
    %get3A_35 = vector.load %arg6[%get3A_33, %get3A_34] : memref<16x8xf32, #tpu.memory_space<vmem>>, vector<16x8xf32>
    %dot_general3A_36 = arith.constant dense<0.000000e+00> : vector<2048x8xf32>
    %dot_general3A_37 = tpu.matmul %max3A_32, %get3A_35, %dot_general3A_36 {dimension_numbers = #tpu.dot_dimension_numbers<[1], [0], [0], [1], [0, 0, 1, 1], [], []>, transpose_lhs_hint = false} : vector<2048x16xf32>, vector<16x8xf32>, vector<2048x8xf32> -> vector<2048x8xf32>
    %get3A_38 = arith.constant 0 : index
    %get3A_39 = vector.load %arg7[%get3A_38] : memref<8xf32, #tpu.memory_space<vmem>>, vector<8xf32>
    %broadcast_in_dim3A_40 = vector.shape_cast %get3A_39 : vector<8xf32> to vector<1x8xf32>
    %add3A_41 = vector.broadcast %broadcast_in_dim3A_40 : vector<1x8xf32> to vector<2048x8xf32>
    %add3A_42 = arith.addf %dot_general3A_37, %add3A_41 : vector<2048x8xf32>
    %max3A_43 = arith.constant 0.000000e+00 : f32
    %max3A_44 = vector.broadcast %max3A_43 : f32 to vector<2048x8xf32>
    %max3A_45 = arith.maximumf %add3A_42, %max3A_44 : vector<2048x8xf32>
    %get3A_46 = arith.constant 0 : index
    %get3A_47 = arith.constant 0 : index
    %get3A_48 = vector.load %arg8[%get3A_46, %get3A_47] : memref<8x1xf32, #tpu.memory_space<vmem>>, vector<8x1xf32>
    %dot_general3A_49 = arith.constant dense<0.000000e+00> : vector<2048x1xf32>
    %dot_general3A_50 = tpu.matmul %max3A_45, %get3A_48, %dot_general3A_49 {dimension_numbers = #tpu.dot_dimension_numbers<[1], [0], [0], [1], [0, 0, 1, 1], [], []>, transpose_lhs_hint = false} : vector<2048x8xf32>, vector<8x1xf32>, vector<2048x1xf32> -> vector<2048x1xf32>
    %squeeze3A = vector.shape_cast %dot_general3A_50 : vector<2048x1xf32> to vector<2048xf32>
    %get3A_51 = arith.constant 0 : index
    %get3A_52 = vector.load %arg9[%get3A_51] : memref<1xf32, #tpu.memory_space<vmem>>, vector<1xf32>
    %add3A_53 = vector.broadcast %get3A_52 : vector<1xf32> to vector<2048xf32>
    %add3A_54 = arith.addf %squeeze3A, %add3A_53 : vector<2048xf32>
    %swap3A = arith.constant 0 : index
    %swap3A_55 = vector.load %arg10[%swap3A] : memref<2048xf32, #tpu.memory_space<vmem>>, vector<2048xf32>
    tpu.vector_store %arg10[%swap3A], %add3A_54 {strides = array<i32>} : memref<2048xf32, #tpu.memory_space<vmem>>, vector<2048xf32>,
    return
  }
  func.func @transform_0(%arg0: i32) -> (i32, i32) {
    %c0_i32 = arith.constant 0 : i32
    %c0_i32_0 = arith.constant 0 : i32
    return %arg0, %c0_i32 : i32, i32
  }
  func.func @transform_1(%arg0: i32) -> (i32, i32) {
    %c0_i32 = arith.constant 0 : i32
    %c0_i32_0 = arith.constant 0 : i32
    %c0_i32_1 = arith.constant 0 : i32
    return %c0_i32, %c0_i32_0 : i32, i32
  }
  func.func @transform_2(%arg0: i32) -> i32 {
    %c0_i32 = arith.constant 0 : i32
    %c0_i32_0 = arith.constant 0 : i32
    return %c0_i32 : i32
  }
  func.func @transform_3(%arg0: i32) -> (i32, i32) {
    %c0_i32 = arith.constant 0 : i32
    %c0_i32_0 = arith.constant 0 : i32
    %c0_i32_1 = arith.constant 0 : i32
    return %c0_i32, %c0_i32_0 : i32, i32
  }
  func.func @transform_4(%arg0: i32) -> i32 {
    %c0_i32 = arith.constant 0 : i32
    %c0_i32_0 = arith.constant 0 : i32
    return %c0_i32 : i32
  }
  func.func @transform_5(%arg0: i32) -> (i32, i32) {
    %c0_i32 = arith.constant 0 : i32
    %c0_i32_0 = arith.constant 0 : i32
    %c0_i32_1 = arith.constant 0 : i32
    return %c0_i32, %c0_i32_0 : i32, i32
  }
  func.func @transform_6(%arg0: i32) -> i32 {
    %c0_i32 = arith.constant 0 : i32
    %c0_i32_0 = arith.constant 0 : i32
    return %c0_i32 : i32
  }
  func.func @transform_7(%arg0: i32) -> (i32, i32) {
    %c0_i32 = arith.constant 0 : i32
    %c0_i32_0 = arith.constant 0 : i32
    %c0_i32_1 = arith.constant 0 : i32
    return %c0_i32, %c0_i32_0 : i32, i32
  }
  func.func @transform_8(%arg0: i32) -> i32 {
    %c0_i32 = arith.constant 0 : i32
    %c0_i32_0 = arith.constant 0 : i32
    return %c0_i32 : i32
  }
  func.func @transform_9(%arg0: i32) -> i32 {
    %c0_i32 = arith.constant 0 : i32
    return %arg0 : i32
  }
}

</mosaic_0001>

<sc_bundles>
// kernel: kernel.4.cloned.1.call-start
scs
__scs_entry_jumppad:
0x0: {  	(pc) =	sbr.rel $0x88, $3  }
0x1: {  	(tag) =	ssettag $0x0;
	lr =	simm.s32 $0x1  }
0x2: {  	[smem:$0x3F95] =	sst lr;
	_ =	strace $0xD0000000  }
0x3: {  	_ = 	snop  }
0x4: {  	_ = 	snop  }
0x5: {  	_ = 	snop  }
0x6: {  	_ = 	snop  }
0x7: {  	_ = 	snop  }
__scs_overlays_trampoline_lowered:
0x8: {  	[smem:$0x3FA4] =	sst s0  }
0x9: {  	[smem:$0x3FA5] =	sst s1  }
0xa: {  	[smem:$0x3FA6] =	sst s2  }
0xb: {  	[smem:$0x3FA7] =	sst s3  }
0xc: {  	[smem:$0x3FA8] =	sst s4  }
0xd: {  	[smem:$0x3FA9] =	sst s5  }
0xe: {  	[smem:$0x3FAA] =	sst s6  }
0xf: {  	[smem:$0x3FAB] =	sst s7  }
0x10: {  	[smem:$0x3FAC] =	sst s8  }
0x11: {  	[smem:$0x3FAD] =	sst s9;
	s0 =	simm.s32 @!p0 $0x0  }
0x12: {  	s1 =	sld [smem:$0x3F93];
	s0 =	simm.s32 @p0 $0x1  }
0x13: {  	[smem:$0x3FAE] =	sst s0;
	s0 =	simm.s32 @!p1 $0x0  }
0x14: {  	s2 =	sld [smem:$0x3F92];
	s0 =	simm.s32 @p1 $0x1  }
0x15: {  	[smem:$0x3FAF] =	sst s0;
	s0 =	simm.s32 @!p2 $0x0  }
0x16: {  	s3 =	sld [smem:$0x3FDB];
	s0 =	simm.s32 @p2 $0x1  }
0x17: {  	s4 =	simm.s32 $0x1BF5;
	[smem:$0x3FB1] =	sst s0  }
0x18: {  	s0 =	sld [smem:$0x3F94];
	_ =	swait.ge [sflag:s4], $0x0  }
0x19: {  	s7 =	sld [smem:$0x3F95]  }
0x1a: {  	s8 =	sadd.s32 $0xFFFFE003, lr  }
0x1b: {  	s9 =	sadd.s32 $0xFFFFFEF7, lr;
	s5 =	simm.s32 $0xFFFFFFFF;
	p2 =	slt.u32 s8, $0xFFFFF086  }
0x1c: {  	p1 =	slt.u32 s9, $0xF7A;
	s5 =	simm.s32 @!p2 $0x0  }
0x1d: {  	s5 =	simm.s32 @p1 $0x1;
	p0 =	seq.s32 s7, s2  }
0x1e: {  	s7 =	smul.u32 @!p0 $0xF7A, s2;
	p2 =	seq.s32 @!p0 s5, $0x0  }
0x1f: {  	s9 =	smul.u32 $0xF7A, s1;
	s8 =	simm.s32 @!p0 $0x1BF5;
	p2 =	por !p2, p0  }
0x20: {  	[sflag:s8] =	ssyncset.s32 @!p0 $0xFFFFF086;
	s6 =	sadd.s32 @!p0 s3, s7;
	s7 =	simm.s32 @!p0 $0x108  }
0x21: {  	s3 =	sadd.s32 s3, s9;
	s6 =	sadd.s32 @!p0 $0x88, s6;
	s7 =	simm.s32 @p2 $0x1082  }
0x22: {  	[simem:s7], [sflag:s8] =	dma.local @!p0 [hbm:s6], $0xF7A  }
0x23: {  	s9 =	sor.u32 $0xD0000000, s2;
	s6 =	simm.s32 $0x108;
	_ =	swait.ge @!p0 [sflag:s8], $0x0  }
0x24: {  	s3 =	sadd.s32 $0x88, s3;
	s6 =	simm.s32 @!p1 $0x1082;
	[sflag:s4] =	ssyncset.s32 $0xFFFFF086  }
0x25: {  	[simem:s6], [sflag:s4] =	dma.local [hbm:s3], $0xF7A  }
0x26: {  	[smem:$0x3F95] =	sst s1;
	(tag) =	ssettag s2;
	_ =	strace s9  }
0x27: {  	s1 =	sld [smem:$0x3FA5]  }
0x28: {  	s2 =	sld [smem:$0x3FA6]  }
0x29: {  	s4 =	sld [smem:$0x3FA8]  }
0x2a: {  	p0 =	seq.s32 s5, $0x0;
	s5 =	sld [smem:$0x3FA9]  }
0x2b: {  	s6 =	sld [smem:$0x3FAA]  }
0x2c: {  	s7 =	sld [smem:$0x3FAB]  }
0x2d: {  	s3 =	simm.s32 $0x108;
	s8 =	sld [smem:$0x3FAC]  }
0x2e: {  	s3 =	simm.s32 @!p0 $0x1082;
	s9 =	sld [smem:$0x3FAD]  }
0x2f: {  	lr =	sadd.s32 s0, s3;
	s0 =	sld [smem:$0x3FA4]  }
0x30: {  	s3 =	sld [smem:$0x3FA7]  }
0x31: {  	[smem:$0x3FB0] =	sst s10  }
0x32: {  	s10 =	sld [smem:$0x3FAE];
	_ =	sdelay $0x3  }
0x33: {  	p0 =	seq.s32 s10, $0x1;
	s10 =	sld [smem:$0x3FB0];
	_ =	sdelay $0x3  }
0x34: {  	[smem:$0x3FB0] =	sst s10  }
0x35: {  	s10 =	sld [smem:$0x3FAF];
	_ =	sdelay $0x3  }
0x36: {  	p1 =	seq.s32 s10, $0x1;
	s10 =	sld [smem:$0x3FB0];
	_ =	sdelay $0x3  }
0x37: {  	[smem:$0x3FB0] =	sst s10  }
0x38: {  	s10 =	sld [smem:$0x3FB1]  }
0x39: {  	_ = 	snop;
	(pc) =	sbr.ind lr, $3  }
0x3a: {  	_ = 	snop  }
0x3b: {  	_ = 	snop  }
0x3c: {  	p2 =	seq.s32 s10, $0x1;
	s10 =	sld [smem:$0x3FB0]  }
0x3d: {  	_ =	shalt  }
0x3e: {  	_ =	shalt  }
0x3f: {  	_ =	shalt  }
0x40: {  	_ =	shalt  }
0x41: {  	_ =	shalt  }
0x42: {  	_ =	shalt  }
0x43: {  	_ =	shalt  }
0x44: {  	_ =	shalt  }
0x45: {  	_ =	shalt  }
0x46: {  	_ =	shalt  }
0x47: {  	_ =	shalt  }
0x48: {  	_ =	shalt  }
0x49: {  	_ =	shalt  }
0x4a: {  	_ =	shalt  }
0x4b: {  	_ =	shalt  }
0x4c: {  	_ =	shalt  }
0x4d: {  	_ =	shalt  }
0x4e: {  	_ =	shalt  }
0x4f: {  	_ =	shalt  }
0x50: {  	_ =	shalt  }
0x51: {  	_ =	shalt  }
0x52: {  	_ =	shalt  }
0x53: {  	_ =	shalt  }
0x54: {  	_ =	shalt  }
0x55: {  	_ =	shalt  }
0x56: {  	_ =	shalt  }
0x57: {  	_ =	shalt  }
0x58: {  	_ =	shalt  }
0x59: {  	_ =	shalt  }
0x5a: {  	_ =	shalt  }
0x5b: {  	_ =	shalt  }
0x5c: {  	_ =	shalt  }
0x5d: {  	_ =	shalt  }
0x5e: {  	_ =	shalt  }
0x5f: {  	_ =	shalt  }
0x60: {  	_ =	shalt  }
0x61: {  	_ =	shalt  }
0x62: {  	_ =	shalt  }
0x63: {  	_ =	shalt  }
0x64: {  	_ =	shalt  }
0x65: {  	_ =	shalt  }
0x66: {  	_ =	shalt  }
0x67: {  	_ =	shalt  }
0x68: {  	_ =	shalt  }
0x69: {  	_ =	shalt  }
0x6a: {  	_ =	shalt  }
0x6b: {  	_ =	shalt  }
0x6c: {  	_ =	shalt  }
0x6d: {  	_ =	shalt  }
0x6e: {  	_ =	shalt  }
0x6f: {  	_ =	shalt  }
0x70: {  	_ =	shalt  }
0x71: {  	_ =	shalt  }
0x72: {  	_ =	shalt  }
0x73: {  	_ =	shalt  }
0x74: {  	_ =	shalt  }
0x75: {  	_ =	shalt  }
0x76: {  	_ =	shalt  }
0x77: {  	_ =	shalt  }
0x78: {  	_ =	shalt  }
0x79: {  	_ =	shalt  }
0x7a: {  	_ =	shalt  }
0x7b: {  	_ =	shalt  }
0x7c: {  	_ =	shalt  }
0x7d: {  	_ =	shalt  }
0x7e: {  	_ =	shalt  }
0x7f: {  	_ =	shalt  }
0x80: {  	_ =	shalt  }
0x81: {  	_ =	shalt  }
0x82: {  	_ =	shalt  }
0x83: {  	_ =	shalt  }
0x84: {  	_ =	shalt  }
0x85: {  	_ =	shalt  }
0x86: {  	_ =	shalt  }
0x87: {  	_ =	shalt  }
.Lfunc_end0:
.L_simem_size_0:
called_computation_lowered:
.L_overlay_start_0:
0x88: {  	s2 =	sld [smem:$0x3FD9]  }
0x89: {  	s3 =	sld [smem:$0x3FFE];
	_ =	sdelay $0x1  }
0x8a: {  	s1 =	srdreg.scid  }
0x8b: {  	s0 =	sand.u32 $0x1, s1  }
0x8c: {  	s17 =	sshll.u32 s0, $0xA;
	s2 =	sadd.s32 s3, s2  }
0x8d: {  	s2 =	sadd.s32 s2, s17  }
0x8e: {  	[smem:$0x3FBC] =	sst s2  }
0x8f: {  	_ = 	snop  }
0x90: {  	s2 =	sld [smem:$0x3FC9]  }
0x91: {  	s18 =	sld [smem:$0x3FC8]  }
0x92: {  	s4 =	sld [smem:$0x3FC7]  }
0x93: {  	s5 =	sld [smem:$0x3FC6];
	(tm) =	ssettm $0x1  }
0x94: {  	s6 =	sld [smem:$0x3FFB];
	_ =	sdelay $0x3  }
0x95: {  	_ =	strace s6  }
0x96: {  	s6 =	sld [smem:$0x3FFC];
	_ =	sdelay $0x3  }
0x97: {  	_ =	strace s6  }
0x98: {  	s6 =	sld [smem:$0x3FFD];
	_ =	sdelay $0x3  }
0x99: {  	_ =	strace s6  }
0x9a: {  	_ =	strace $0x8FFFFFFF  }
0x9b: {  	s19 =	sld [smem:$0x3FDB];
	_ =	sdelay $0x1  }
0x9c: {  	s7 =	simm.s32 $_scs_section_size  }
0x9d: {  	s8 =	simm.s32 $_size__tile_overlayer_lowered;
	s9 =	simm.s32 $_tile_overlayer_lowered  }
0x9e: {  	s22 =	simm.s32 $0x1BFF;
	s21 =	sshll.u32 s9, $0x1;
	s6 =	sadd.s32 s7, s19  }
0x9f: {  	s10 =	simm.s32 $0x0;
	s20 =	sshll.u32 s8, $0x1;
	s8 =	sadd.s32 s21, s6  }
0xa0: {  	[timem:s10], [sflag:s22] =	dma.local [hbm:s8], s20  }
0xa1: {  	_ =	swait.ge [sflag:s22], s20  }
0xa2: {  	s7 =	ssub.s32 $0x0, s20;
	[sflag:s22] =	ssyncset.done $0x0  }
0xa3: {  	[sflag:s22] =	ssyncadd.s32 s7;
	_ =	sdelay $0x1  }
0xa4: {  	s23 =	simm.s32 $0x1B8B  }
0xa5: {  	_ =	swait.ge [sflag:s23], $0x1  }
0xa6: {  	[sflag:s23] =	ssyncset.done $0x0  }
0xa7: {  	s25 =	simm.s32 $0x1B8E;
	s24 =	sld [smem:$0x3FFE];
	[sflag:s23] =	ssyncadd.s32 $0xFFFFFFFF  }
0xa8: {  	s26 =	simm.s32 $execute0_lowered;
	[smem:$0x3FD2] =	sst s25  }
0xa9: {  	s8 =	sshll.u32 s26, $0x1;
	_ =	strace $0x80000046;
	[dreg:$0x1] =	wrdreg $0xFFFFFFFF  }
0xaa: {  	s28 =	simm.s32 $_size_execute0_lowered;
	s6 =	sadd.s32 s6, s8;
	[dreg:$0x0] =	wrdreg $0x0  }
0xab: {  	s8 =	sshll.u32 s28, $0x1;
	[dreg:$0x2] =	wrdreg s6  }
0xac: {  	[dreg:$0x3] =	wrdreg s8  }
0xad: {  	[dreg:$0x4] =	wrdreg $0xC0  }
0xae: {  	_ =	task [dreg:s10], $0x5FFFF  }
0xaf: {  	[dreg:$0x1] =	wrdreg $0xFFFFFFFF  }
0xb0: {  	[dreg:$0x0] =	wrdreg $0x60  }
0xb1: {  	[dreg:$0x2] =	wrdreg s2  }
0xb2: {  	[dreg:$0x3] =	wrdreg s18  }
0xb3: {  	[dreg:$0x4] =	wrdreg s4  }
0xb4: {  	[dreg:$0x5] =	wrdreg s5  }
0xb5: {  	[dreg:$0x6] =	wrdreg s24  }
0xb6: {  	[dreg:$0x7] =	wrdreg $0x9  }
0xb7: {  	_ =	task.clear_ibuf [dreg:s10], $0x8FFFF;
	_ =	strace $0x90000046  }
0xb8: {  	s29 =	simm.s32 $0x9;
	_ =	strace $0x80000048  }
0xb9: {  	_ =	swait.ge [sflag:s29], $0x1  }
0xba: {  	[sflag:s29] =	ssyncadd.s32 $0xFFFFFFFF  }
0xbb: {  	_ =	strace $0x90000048  }
0xbc: {  	_ =	sfence  }
0xbd: {  	s30 =	sld [smem:$0x0];
	_ =	sdelay $0x2  }
0xbe: {  	s31 =	sshll.u32 s1, $0xD;
	s1 =	sshrl.u32 s1, $0x2  }
0xbf: {  	s3 =	sand.u32 $0x4000, s31;
	s1 =	sadd.s32 s1, s30  }
0xc0: {  	s0 =	sor.u32 s3, s0;
	s1 =	sshll.u32 s1, $0x11  }
0xc1: {  	s0 =	sor.u32 s1, s0  }
0xc2: {  	s0 =	sadd.s32 $0x8F2B, s0  }
0xc3: {  	[sflag:s0] =	ssyncadd.remote.s32 $0x1  }
0xc4: {  	_ =	sfence.sel $0xFFFF  }
0xc5: {  	[dreg:$0x0] =	wrdreg $0xFFFFFFFF;
	(pc) =	sbr.abs _section_cstart, $3  }
0xc6: {  	[dreg:$0x1] =	wrdreg $0xFFFFFFFF  }
0xc7: {  	_ =	task.clear_ibuf [dreg:s10], $0x2FFFF;
	_ =	strace $0x9FFFFFFF  }
0xc8: {  	(tm) =	ssettm $0x7FFFFFFF  }
0xc9: {  	_ =	shalt  }
tec
execute0_lowered:
.L_overlay_start_1:
0x0: {  	(tag) =	ssettag $0x1  }
0x1: {  	s0 =	rddreg [dreg:$0x0]  }
0x2: {  	s2 =	rddreg [dreg:$0x1]  }
0x3: {  	s1 =	rddreg [dreg:$0x2]  }
0x4: {  	s3 =	rddreg [dreg:$0x3]  }
0x5: {  	s4 =	rddreg [dreg:$0x4];
	s5 =	srdreg.scid  }
0x6: {  	s6 =	stileid.u32;
	s8 =	simm.s32 $0x0;
	s13 =	simm.s32 $0x400  }
0x7: {  	s14 =	simm.s32 $0x7A1400;
	s16 =	simm.s32 $0xC3800;
	s28 =	simm.s32 $0x6500  }
0x8: {  	s29 =	simm.s32 $0x12500;
	s30 =	simm.s32 $0x7500;
	s31 =	simm.s32 $0x13500  }
0x9: {  	s12 =	simm.s32 $0x18500;
	s10 =	simm.s32 $0x6;
	s5 =	sand.u32 $0x1, s5  }
0xa: {  	s6 =	sshll.u32 s6, $0xA;
	[smem:$0x7FF] =	sst s8;
	s9 =	sadd.s32 $0x1400, s4  }
0xb: {  	s8 =	simm.s32 $0x1;
	s4 =	simm.s32 $0x2;
	s7 =	sshll.u32 s5, $0x9  }
0xc: {  	s5 =	ssub.s32 $0x2, s5;
	_ =	strace $0x80000047;
	[dreg:$0x6] =	wrdreg s9  }
0xd: {  	s6 =	sor.u32 s7, s6;
	s20 =	sshrl.u32 s5, $0x1;
	s7 =	simm.s32 $0x3  }
0xe: {  	s21 =	sshrl.u32 s6, $0x3;
	s22 =	ssub.s32 s5, s20;
	s24 =	sshll.u32 s6, $0x7  }
0xf: {  	s25 =	sshll.u32 s6, $0x4;
	s6 =	simm.s32 $0x5;
	s0 =	sadd.s32 s0, s21  }
.Ltmp0:
0x10: {  	s23 =	sadd.s32 s2, s21;
	[dreg:$0x9] =	wrdreg s24;
	(pc) =	sbr.rel .LBB2_1-.Ltmp0, $4  }
0x11: {  	v0 =	vlaneseq.u32;
	s26 =	smax.u32 s22, $0x1;
	s24 =	simm.s32 $0x10500;
	[dreg:$0x7] =	wrdreg s0  }
0x12: {  	v1 =	vmul.u32 $0x80, v0;
	s2 =	simm.s32 $0x4;
	[dreg:$0x8] =	wrdreg s23;
	s0 =	sadd.s32 s9, s25  }
0x13: {  	v3 =	vor.u32 $0x10, v0;
	[dreg:$0xa] =	wrdreg s26;
	s9 =	simm.s32 $0x4500;
	s25 =	simm.s32 $0x5500  }
0x14: {  	v4 =	vor.u32 $0x20, v0;
	v5 =	vor.u32 $0x30, v0;
	v2 =	vor.u32 $0x800, v1;
	s26 =	simm.s32 $0x11500;
	[dreg:$0xb] =	wrdreg s0;
	s0 =	simm.s32 $0x0  }
.LBB2_8:
0x15: {  	s0 =	rddreg [dreg:$0xc]  }
0x16: {  	s5 =	rddreg [dreg:$0xa];
	s0 =	sadd.s32 $0x1, s0  }
0x17: {  	p0 =	sne.s32 s0, s5  }
.Ltmp1:
0x18: {  	_ = 	snop;
	(pc) =	sbr.rel @!p0 .LBB2_9-.Ltmp1, $1  }
0x19: {  	_ =	sdelay $0x3  }
.LBB2_1:
0x1a: {  	[dreg:$0xc] =	wrdreg s0  }
0x1b: {  	s5 =	simm.s32 $0x0;
	s11 =	rddreg [dreg:$0x7];
	s15 =	simm.s32 $0x7  }
0x1c: {  	[tilespmem:s5], [sflag:$0x7] =	stream.linear.gather [hbm4b:s11+s5], $0x200, $0x38;
	[tilespmem:$0x1C500] =	vst v63  }
0x1d: {  	_ =	swait.ge [sflag:s15], $0x200  }
0x1e: {  	[sflag:s15] =	ssyncset.done $0x0  }
0x1f: {  	s17 =	simm.s32 $0x280;
	s0 =	rddreg [dreg:$0x8];
	[sflag:s15] =	ssyncadd.s32 $0xFFFFFE00  }
0x20: {  	[tilespmem:s17], [sflag:$0x7] =	stream.linear.gather [hbm4b:s0+s5], $0x200, $0x38;
	[tilespmem:$0x1C500] =	vst v63  }
0x21: {  	_ =	swait.ge [sflag:s15], $0x200  }
0x22: {  	[sflag:s15] =	ssyncset.done $0x0  }
0x23: {  	[sflag:s15] =	ssyncadd.s32 $0xFFFFFE00  }
0x24: {  	v6 =	vld [tilespmem:$0x0];
	_ =	sdelay $0x3  }
0x25: {  	v7 =	vld [tilespmem:$0x280]  }
0x26: {  	(v2sf) =	vpush v6, $0x0;
	_ =	sdelay $0x3  }
0x27: {  	(v2sf) =	vpush v7, $0x0;
	_ =	sdelay $0x4  }
0x28: {  	(v2sf) =	vpush v6, $0x1;
	_ =	sdelay $0x5  }
0x29: {  	s11 =	spop (v2sf)  }
0x2a: {  	(v2sf) =	vpush v7, $0x1;
	s5 =	sand.u32 $0xFFFFFF80, s11  }
0x2b: {  	p0 =	slt.s32 s5, $0xF4200  }
0x2c: {  	s5 =	simm.s32 @!p0 $0xF4200  }
0x2d: {  	s15 =	simm.s32 $0x500;
	s17 =	spop (v2sf);
	s5 =	sadd.s32 s1, s5  }
0x2e: {  	(v2sf) =	vpush v6, $0x2;
	[tilespmem:s15], [sflag:$0x1] =	stream.strided.gather [hbm4b:s5+s13], $0x1000, s14, s13, $0x38;
	[tilespmem:$0x1C500] =	vst v63  }
0x2f: {  	s5 =	sand.u32 $0xFFFFFF80, s17  }
0x30: {  	p0 =	slt.s32 s5, $0x18680  }
0x31: {  	s5 =	simm.s32 @!p0 $0x18680  }
0x32: {  	s18 =	simm.s32 $0xC500;
	s19 =	spop (v2sf);
	s5 =	sadd.s32 s3, s5  }
0x33: {  	(v2sf) =	vpush v7, $0x2;
	[tilespmem:s18], [sflag:$0x4] =	stream.strided.gather [hbm4b:s5+s13], $0x1000, s16, s13, $0x38;
	[tilespmem:$0x1C500] =	vst v63  }
0x34: {  	s5 =	sand.u32 $0xFFFFFF80, s19  }
0x35: {  	p0 =	slt.s32 s5, $0xF4200  }
0x36: {  	s5 =	simm.s32 @!p0 $0xF4200  }
0x37: {  	s20 =	simm.s32 $0x1500;
	s5 =	sadd.s32 s1, s5  }
0x38: {  	[tilespmem:s20], [sflag:$0x1] =	stream.strided.gather [hbm4b:s5+s13], $0x1000, s14, s13, $0x38;
	[tilespmem:$0x1C500] =	vst v63  }
0x39: {  	s21 =	spop (v2sf)  }
0x3a: {  	(v2sf) =	vpush v6, $0x3;
	s5 =	sand.u32 $0xFFFFFF80, s21  }
0x3b: {  	p0 =	slt.s32 s5, $0x18680  }
0x3c: {  	s5 =	simm.s32 @!p0 $0x18680  }
0x3d: {  	s22 =	simm.s32 $0xD500;
	s23 =	spop (v2sf);
	s5 =	sadd.s32 s3, s5  }
0x3e: {  	(v2sf) =	vpush v7, $0x3;
	[tilespmem:s22], [sflag:$0x4] =	stream.strided.gather [hbm4b:s5+s13], $0x1000, s16, s13, $0x38;
	[tilespmem:$0x1C500] =	vst v63  }
0x3f: {  	s5 =	sand.u32 $0xFFFFFF80, s23  }
0x40: {  	p0 =	slt.s32 s5, $0xF4200  }
0x41: {  	s5 =	simm.s32 @!p0 $0xF4200  }
0x42: {  	s0 =	simm.s32 $0x2500;
	s15 =	spop (v2sf);
	s5 =	sadd.s32 s1, s5  }
0x43: {  	[tilespmem:s0], [sflag:$0x1] =	stream.strided.gather [hbm4b:s5+s13], $0x1000, s14, s13, $0x38;
	[tilespmem:$0x1C500] =	vst v63  }
0x44: {  	s5 =	sand.u32 $0xFFFFFF80, s15  }
0x45: {  	p0 =	slt.s32 s5, $0x18680  }
0x46: {  	s5 =	simm.s32 @!p0 $0x18680  }
0x47: {  	s17 =	simm.s32 $0xE500;
	s5 =	sadd.s32 s3, s5  }
0x48: {  	[tilespmem:s17], [sflag:$0x4] =	stream.strided.gather [hbm4b:s5+s13], $0x1000, s16, s13, $0x38;
	[tilespmem:$0x1C500] =	vst v63  }
0x49: {  	s18 =	spop (v2sf)  }
0x4a: {  	s5 =	sand.u32 $0xFFFFFF80, s18  }
0x4b: {  	p0 =	slt.s32 s5, $0xF4200  }
0x4c: {  	s5 =	simm.s32 @!p0 $0xF4200  }
0x4d: {  	s19 =	simm.s32 $0x3500;
	s20 =	spop (v2sf);
	s5 =	sadd.s32 s1, s5  }
0x4e: {  	[tilespmem:s19], [sflag:$0x1] =	stream.strided.gather [hbm4b:s5+s13], $0x1000, s14, s13, $0x38;
	[tilespmem:$0x1C500] =	vst v63  }
0x4f: {  	s5 =	sand.u32 $0xFFFFFF80, s20  }
0x50: {  	p0 =	slt.s32 s5, $0x18680  }
0x51: {  	s5 =	simm.s32 @!p0 $0x18680  }
0x52: {  	s21 =	simm.s32 $0xF500;
	s5 =	sadd.s32 s3, s5  }
0x53: {  	[tilespmem:s21], [sflag:$0x4] =	stream.strided.gather [hbm4b:s5+s13], $0x1000, s16, s13, $0x38;
	[tilespmem:$0x1C500] =	vst v63  }
0x54: {  	v6 =	vld [tilespmem:$0x4];
	_ =	sdelay $0x3  }
0x55: {  	v7 =	vld [tilespmem:$0x284]  }
0x56: {  	(v2sf) =	vpush v6, $0x0;
	_ =	sdelay $0x3  }
0x57: {  	(v2sf) =	vpush v7, $0x0;
	_ =	sdelay $0x6  }
0x58: {  	(v2sf) =	vpush v6, $0x1;
	_ =	sdelay $0x3  }
0x59: {  	s22 =	spop (v2sf)  }
0x5a: {  	s5 =	sand.u32 $0xFFFFFF80, s22  }
0x5b: {  	(v2sf) =	vpush v7, $0x1;
	p0 =	slt.s32 s5, $0xF4200  }
0x5c: {  	s5 =	simm.s32 @!p0 $0xF4200  }
0x5d: {  	s23 =	spop (v2sf);
	s5 =	sadd.s32 s1, s5  }
0x5e: {  	[tilespmem:s9], [sflag:$0x2] =	stream.strided.gather [hbm4b:s5+s13], $0x1000, s14, s13, $0x38;
	[tilespmem:$0x1C500] =	vst v63  }
0x5f: {  	s5 =	sand.u32 $0xFFFFFF80, s23  }
0x60: {  	p0 =	slt.s32 s5, $0x18680  }
0x61: {  	(v2sf) =	vpush v6, $0x2;
	s5 =	simm.s32 @!p0 $0x18680  }
0x62: {  	s5 =	sadd.s32 s3, s5  }
0x63: {  	[tilespmem:s24], [sflag:$0x5] =	stream.strided.gather [hbm4b:s5+s13], $0x1000, s16, s13, $0x38;
	[tilespmem:$0x1C500] =	vst v63  }
0x64: {  	s24 =	spop (v2sf)  }
0x65: {  	s5 =	sand.u32 $0xFFFFFF80, s24  }
0x66: {  	p0 =	slt.s32 s5, $0xF4200  }
0x67: {  	(v2sf) =	vpush v7, $0x2;
	s5 =	simm.s32 @!p0 $0xF4200  }
0x68: {  	s5 =	sadd.s32 s1, s5  }
0x69: {  	[tilespmem:s25], [sflag:$0x2] =	stream.strided.gather [hbm4b:s5+s13], $0x1000, s14, s13, $0x38;
	[tilespmem:$0x1C500] =	vst v63  }
0x6a: {  	s25 =	spop (v2sf)  }
0x6b: {  	s5 =	sand.u32 $0xFFFFFF80, s25  }
0x6c: {  	p0 =	slt.s32 s5, $0x18680  }
0x6d: {  	(v2sf) =	vpush v6, $0x3;
	s5 =	simm.s32 @!p0 $0x18680  }
0x6e: {  	s5 =	sadd.s32 s3, s5  }
0x6f: {  	[tilespmem:s26], [sflag:$0x5] =	stream.strided.gather [hbm4b:s5+s13], $0x1000, s16, s13, $0x38;
	[tilespmem:$0x1C500] =	vst v63  }
0x70: {  	s26 =	spop (v2sf)  }
0x71: {  	s5 =	sand.u32 $0xFFFFFF80, s26  }
0x72: {  	p0 =	slt.s32 s5, $0xF4200  }
0x73: {  	(v2sf) =	vpush v7, $0x3;
	s5 =	simm.s32 @!p0 $0xF4200  }
0x74: {  	s5 =	sadd.s32 s1, s5  }
0x75: {  	[tilespmem:s28], [sflag:$0x2] =	stream.strided.gather [hbm4b:s5+s13], $0x1000, s14, s13, $0x38;
	[tilespmem:$0x1C500] =	vst v63  }
0x76: {  	s28 =	spop (v2sf)  }
0x77: {  	s5 =	sand.u32 $0xFFFFFF80, s28  }
0x78: {  	p0 =	slt.s32 s5, $0x18680  }
0x79: {  	s5 =	simm.s32 @!p0 $0x18680  }
0x7a: {  	s5 =	sadd.s32 s3, s5  }
0x7b: {  	[tilespmem:s29], [sflag:$0x5] =	stream.strided.gather [hbm4b:s5+s13], $0x1000, s16, s13, $0x38;
	[tilespmem:$0x1C500] =	vst v63  }
0x7c: {  	s0 =	spop (v2sf)  }
0x7d: {  	s5 =	sand.u32 $0xFFFFFF80, s0  }
0x7e: {  	p0 =	slt.s32 s5, $0xF4200  }
0x7f: {  	s5 =	simm.s32 @!p0 $0xF4200  }
0x80: {  	s5 =	sadd.s32 s1, s5  }
0x81: {  	[tilespmem:s30], [sflag:$0x2] =	stream.strided.gather [hbm4b:s5+s13], $0x1000, s14, s13, $0x38;
	[tilespmem:$0x1C500] =	vst v63  }
0x82: {  	s9 =	spop (v2sf)  }
0x83: {  	s5 =	sand.u32 $0xFFFFFF80, s9  }
0x84: {  	p0 =	slt.s32 s5, $0x18680  }
0x85: {  	s5 =	simm.s32 @!p0 $0x18680  }
0x86: {  	s5 =	sadd.s32 s3, s5  }
0x87: {  	[tilespmem:s31], [sflag:$0x5] =	stream.strided.gather [hbm4b:s5+s13], $0x1000, s16, s13, $0x38;
	[tilespmem:$0x1C500] =	vst v63  }
0x88: {  	v6 =	vld [tilespmem:$0x8];
	_ =	sdelay $0x3  }
0x89: {  	v7 =	vld [tilespmem:$0x288]  }
0x8a: {  	(v2sf) =	vpush v6, $0x0;
	_ =	sdelay $0x3  }
0x8b: {  	(v2sf) =	vpush v7, $0x0;
	_ =	sdelay $0x4  }
0x8c: {  	(v2sf) =	vpush v6, $0x1;
	_ =	sdelay $0x5  }
0x8d: {  	s11 =	spop (v2sf)  }
0x8e: {  	(v2sf) =	vpush v7, $0x1;
	s5 =	sand.u32 $0xFFFFFF80, s11  }
0x8f: {  	p0 =	slt.s32 s5, $0xF4200  }
0x90: {  	s5 =	simm.s32 @!p0 $0xF4200  }
0x91: {  	s15 =	simm.s32 $0x8500;
	s17 =	spop (v2sf);
	s5 =	sadd.s32 s1, s5  }
0x92: {  	(v2sf) =	vpush v6, $0x2;
	[tilespmem:s15], [sflag:$0x3] =	stream.strided.gather [hbm4b:s5+s13], $0x1000, s14, s13, $0x38;
	[tilespmem:$0x1C500] =	vst v63  }
0x93: {  	s5 =	sand.u32 $0xFFFFFF80, s17  }
0x94: {  	p0 =	slt.s32 s5, $0x18680  }
0x95: {  	s5 =	simm.s32 @!p0 $0x18680  }
0x96: {  	s18 =	simm.s32 $0x14500;
	s19 =	spop (v2sf);
	s5 =	sadd.s32 s3, s5  }
0x97: {  	(v2sf) =	vpush v7, $0x2;
	[tilespmem:s18], [sflag:$0x6] =	stream.strided.gather [hbm4b:s5+s13], $0x1000, s16, s13, $0x38;
	[tilespmem:$0x1C500] =	vst v63  }
0x98: {  	s5 =	sand.u32 $0xFFFFFF80, s19  }
0x99: {  	p0 =	slt.s32 s5, $0xF4200  }
0x9a: {  	s5 =	simm.s32 @!p0 $0xF4200  }
0x9b: {  	s20 =	simm.s32 $0x9500;
	s5 =	sadd.s32 s1, s5  }
0x9c: {  	[tilespmem:s20], [sflag:$0x3] =	stream.strided.gather [hbm4b:s5+s13], $0x1000, s14, s13, $0x38;
	[tilespmem:$0x1C500] =	vst v63  }
0x9d: {  	s21 =	spop (v2sf)  }
0x9e: {  	(v2sf) =	vpush v6, $0x3;
	s5 =	sand.u32 $0xFFFFFF80, s21  }
0x9f: {  	p0 =	slt.s32 s5, $0x18680  }
0xa0: {  	s5 =	simm.s32 @!p0 $0x18680  }
0xa1: {  	s22 =	simm.s32 $0x15500;
	s23 =	spop (v2sf);
	s5 =	sadd.s32 s3, s5  }
0xa2: {  	(v2sf) =	vpush v7, $0x3;
	[tilespmem:s22], [sflag:$0x6] =	stream.strided.gather [hbm4b:s5+s13], $0x1000, s16, s13, $0x38;
	[tilespmem:$0x1C500] =	vst v63  }
0xa3: {  	s5 =	sand.u32 $0xFFFFFF80, s23  }
0xa4: {  	p0 =	slt.s32 s5, $0xF4200  }
0xa5: {  	s5 =	simm.s32 @!p0 $0xF4200  }
0xa6: {  	s25 =	simm.s32 $0xA500;
	s24 =	spop (v2sf);
	s5 =	sadd.s32 s1, s5  }
0xa7: {  	[tilespmem:s25], [sflag:$0x3] =	stream.strided.gather [hbm4b:s5+s13], $0x1000, s14, s13, $0x38;
	[tilespmem:$0x1C500] =	vst v63  }
0xa8: {  	s5 =	sand.u32 $0xFFFFFF80, s24  }
0xa9: {  	p0 =	slt.s32 s5, $0x18680  }
0xaa: {  	s5 =	simm.s32 @!p0 $0x18680  }
0xab: {  	s28 =	simm.s32 $0x16500;
	s5 =	sadd.s32 s3, s5  }
0xac: {  	[tilespmem:s28], [sflag:$0x6] =	stream.strided.gather [hbm4b:s5+s13], $0x1000, s16, s13, $0x38;
	[tilespmem:$0x1C500] =	vst v63  }
0xad: {  	s26 =	spop (v2sf)  }
0xae: {  	s5 =	sand.u32 $0xFFFFFF80, s26  }
0xaf: {  	p0 =	slt.s32 s5, $0xF4200  }
0xb0: {  	s5 =	simm.s32 @!p0 $0xF4200  }
0xb1: {  	s29 =	simm.s32 $0xB500;
	s30 =	spop (v2sf);
	s5 =	sadd.s32 s1, s5  }
0xb2: {  	[tilespmem:s29], [sflag:$0x3] =	stream.strided.gather [hbm4b:s5+s13], $0x1000, s14, s13, $0x38;
	[tilespmem:$0x1C500] =	vst v63  }
0xb3: {  	s5 =	sand.u32 $0xFFFFFF80, s30  }
.Ltmp2:
0xb4: {  	p0 =	slt.s32 s5, $0x18680;
	(pc) =	sbr.rel .LBB2_2-.Ltmp2, $4  }
0xb5: {  	s31 =	simm.s32 $0x17500;
	s11 =	simm.s32 $0x80;
	s5 =	simm.s32 @!p0 $0x18680  }
0xb6: {  	s15 =	simm.s32 $0x28C;
	s17 =	simm.s32 $0x0;
	s5 =	sadd.s32 s3, s5  }
0xb7: {  	[tilespmem:s31], [sflag:$0x6] =	stream.strided.gather [hbm4b:s5+s13], $0x1000, s16, s13, $0x38;
	[tilespmem:$0x1C500] =	vst v63  }
0xb8: {  	s18 =	simm.s32 $0x0;
	s19 =	simm.s32 $0x0;
	s5 =	simm.s32 $0xC  }
.LBB2_7:
0xb9: {  	s18 =	sadd.s32 $0xC, s18  }
0xba: {  	p0 =	sne.s32 s18, $0x204  }
.Ltmp3:
0xbb: {  	_ = 	snop;
	(pc) =	sbr.rel @!p0 .LBB2_8-.Ltmp3, $3  }
0xbc: {  	_ =	sdelay $0x1  }
0xbd: {  	s19 =	sadd.s32 $0x1, s19;
	s17 =	sadd.s32 $0x3, s17  }
0xbe: {  	s11 =	sadd.s32 $0xC0, s11;
	s5 =	sadd.s32 $0xC, s5;
	s15 =	sadd.s32 $0xC, s15  }
.LBB2_2:
0xbf: {  	_ =	swait.ge [sflag:s8], $0x1000  }
0xc0: {  	[sflag:s8] =	ssyncset.done $0x0  }
0xc1: {  	[sflag:s8] =	ssyncadd.s32 $0xFFFFF000  }
0xc2: {  	_ =	swait.ge [sflag:s2], $0x1000  }
0xc3: {  	[sflag:s2] =	ssyncset.done $0x0  }
0xc4: {  	[sflag:s2] =	ssyncadd.s32 $0xFFFFF000  }
0xc5: {  	_ =	swait.ge [sflag:s8], $0x1000  }
0xc6: {  	[sflag:s8] =	ssyncset.done $0x0  }
0xc7: {  	[sflag:s8] =	ssyncadd.s32 $0xFFFFF000  }
0xc8: {  	_ =	swait.ge [sflag:s2], $0x1000  }
0xc9: {  	[sflag:s2] =	ssyncset.done $0x0  }
0xca: {  	[sflag:s2] =	ssyncadd.s32 $0xFFFFF000  }
0xcb: {  	_ =	swait.ge [sflag:s8], $0x1000  }
0xcc: {  	[sflag:s8] =	ssyncset.done $0x0  }
0xcd: {  	[sflag:s8] =	ssyncadd.s32 $0xFFFFF000  }
0xce: {  	_ =	swait.ge [sflag:s2], $0x1000  }
0xcf: {  	[sflag:s2] =	ssyncset.done $0x0  }
0xd0: {  	[sflag:s2] =	ssyncadd.s32 $0xFFFFF000  }
0xd1: {  	_ =	swait.ge [sflag:s8], $0x1000  }
0xd2: {  	[sflag:s8] =	ssyncset.done $0x0  }
0xd3: {  	[sflag:s8] =	ssyncadd.s32 $0xFFFFF000  }
0xd4: {  	_ =	swait.ge [sflag:s2], $0x1000  }
0xd5: {  	[sflag:s2] =	ssyncset.done $0x0  }
0xd6: {  	[sflag:s2] =	ssyncadd.s32 $0xFFFFF000  }
0xd7: {  	v6 =	vld [tilespmem:s5+$0xFFFFFFF4];
	_ =	sdelay $0x4  }
0xd8: {  	(v2sf) =	vpush v6, $0x0;
	_ =	sdelay $0x1  }
0xd9: {  	v7 =	vld [tilespmem:s15+$0xFFFFFFF4];
	_ =	sdelay $0x4  }
0xda: {  	(v2sf) =	vpush v7, $0x0;
	_ =	sdelay $0x6  }
0xdb: {  	(v2sf) =	vpush v6, $0x1  }
0xdc: {  	s20 =	spop (v2sf)  }
0xdd: {  	s21 =	sand.u32 $0xFFFFFF80, s20  }
0xde: {  	p0 =	slt.s32 s21, $0xF4200  }
0xdf: {  	s21 =	simm.s32 @!p0 $0xF4200  }
0xe0: {  	s20 =	ssub.s32 s20, s21  }
0xe1: {  	v8 =	vadd.s32 s20, v1  }
0xe2: {  	(v2sf) =	vpush v7, $0x1;
	v9 =	vadd.s32 s20, v2  }
0xe3: {  	s26 =	spop (v2sf)  }
0xe4: {  	s28 =	sshll.u32 s18, $0x7;
	s22 =	sand.u32 $0xFFFFFF80, s26  }
0xe5: {  	s23 =	simm.s32 $0x500;
	p0 =	slt.s32 s22, $0x18680;
	s20 =	sand.u32 $0x3E00, s28  }
0xe6: {  	s22 =	simm.s32 @!p0 $0x18680;
	v10 =	vor.u32 s20, v0;
	v8 =	vld.idx.msk [tilespmem:v8+s23+$0x0], $0xffff  }
0xe7: {  	s21 =	ssub.s32 s26, s22;
	v11 =	vor.u32 s20, v3;
	v9 =	vld.idx.msk [tilespmem:v9+s23+$0x0], $0xffff  }
0xe8: {  	v12 =	vadd.s32 s21, v1  }
0xe9: {  	(v2sf) =	vpush v6, $0x2;
	v13 =	vadd.s32 s21, v2  }
0xea: {  	s29 =	spop (v2sf)  }
0xeb: {  	s22 =	sand.u32 $0xFFFFFF80, s29;
	[tilespmem:v10+s12+$0x0] =	vst.idx.msk $0xffff, v8  }
0xec: {  	s30 =	simm.s32 $0xC500;
	p0 =	slt.s32 s22, $0xF4200;
	[tilespmem:v11+s12+$0x0] =	vst.idx.msk $0xffff, v9  }
0xed: {  	v43 =	vor.u32 s20, v4;
	s22 =	simm.s32 @!p0 $0xF4200;
	v8 =	vld.idx.msk [tilespmem:v12+s30+$0x0], $0xffff  }
0xee: {  	v44 =	vor.u32 s20, v5;
	s21 =	ssub.s32 s29, s22;
	v10 =	vld.idx.msk [tilespmem:v13+s30+$0x0], $0xffff  }
0xef: {  	v45 =	vadd.s32 s21, v1  }
0xf0: {  	(v2sf) =	vpush v7, $0x2;
	v46 =	vadd.s32 s21, v2  }
0xf1: {  	s31 =	spop (v2sf)  }
0xf2: {  	s22 =	sand.u32 $0xFFFFFF80, s31;
	[tilespmem:v43+s12+$0x0] =	vst.idx.msk $0xffff, v8  }
0xf3: {  	s28 =	simm.s32 $0x1500;
	s0 =	sor.u32 $0x80, s20;
	p0 =	slt.s32 s22, $0x18680;
	[tilespmem:v44+s12+$0x0] =	vst.idx.msk $0xffff, v10  }
0xf4: {  	v47 =	vor.u32 s0, v0;
	s22 =	simm.s32 @!p0 $0x18680;
	v8 =	vld.idx.msk [tilespmem:v45+s28+$0x0], $0xffff  }
0xf5: {  	v48 =	vor.u32 s0, v3;
	s21 =	ssub.s32 s31, s22;
	v10 =	vld.idx.msk [tilespmem:v46+s28+$0x0], $0xffff  }
0xf6: {  	v49 =	vadd.s32 s21, v1  }
0xf7: {  	(v2sf) =	vpush v6, $0x3;
	v6 =	vadd.s32 s21, v2  }
0xf8: {  	s9 =	spop (v2sf)  }
0xf9: {  	s22 =	sand.u32 $0xFFFFFF80, s9;
	[tilespmem:v47+s12+$0x0] =	vst.idx.msk $0xffff, v8  }
0xfa: {  	s29 =	simm.s32 $0xD500;
	p0 =	slt.s32 s22, $0xF4200;
	[tilespmem:v48+s12+$0x0] =	vst.idx.msk $0xffff, v10  }
0xfb: {  	v50 =	vor.u32 s0, v4;
	s22 =	simm.s32 @!p0 $0xF4200;
	v8 =	vld.idx.msk [tilespmem:v49+s29+$0x0], $0xffff  }
0xfc: {  	v51 =	vor.u32 s0, v5;
	s21 =	ssub.s32 s9, s22;
	v6 =	vld.idx.msk [tilespmem:v6+s29+$0x0], $0xffff  }
0xfd: {  	v52 =	vadd.s32 s21, v1  }
0xfe: {  	(v2sf) =	vpush v7, $0x3;
	v7 =	vadd.s32 s21, v2  }
0xff: {  	s24 =	spop (v2sf)  }
0x100: {  	s22 =	sand.u32 $0xFFFFFF80, s24;
	[tilespmem:v50+s12+$0x0] =	vst.idx.msk $0xffff, v8  }
0x101: {  	s25 =	sor.u32 $0x100, s20;
	s30 =	simm.s32 $0x2500;
	p0 =	slt.s32 s22, $0x18680;
	[tilespmem:v51+s12+$0x0] =	vst.idx.msk $0xffff, v6  }
0x102: {  	v53 =	vor.u32 s25, v0;
	s22 =	simm.s32 @!p0 $0x18680;
	v6 =	vld.idx.msk [tilespmem:v52+s30+$0x0], $0xffff  }
0x103: {  	v54 =	vor.u32 s25, v3;
	s21 =	ssub.s32 s24, s22;
	v7 =	vld.idx.msk [tilespmem:v7+s30+$0x0], $0xffff  }
0x104: {  	v55 =	vadd.s32 s21, v1  }
0x105: {  	v56 =	vadd.s32 s21, v2  }
0x106: {  	s26 =	spop (v2sf)  }
0x107: {  	s22 =	sand.u32 $0xFFFFFF80, s26;
	[tilespmem:v53+s12+$0x0] =	vst.idx.msk $0xffff, v6  }
0x108: {  	s31 =	simm.s32 $0xE500;
	p0 =	slt.s32 s22, $0xF4200;
	[tilespmem:v54+s12+$0x0] =	vst.idx.msk $0xffff, v7  }
0x109: {  	s22 =	simm.s32 @!p0 $0xF4200;
	v7 =	vor.u32 s25, v4;
	v6 =	vld.idx.msk [tilespmem:v55+s31+$0x0], $0xffff  }
0x10a: {  	v57 =	vor.u32 s25, v5;
	s21 =	ssub.s32 s26, s22;
	v8 =	vld.idx.msk [tilespmem:v56+s31+$0x0], $0xffff  }
0x10b: {  	v58 =	vadd.s32 s21, v1  }
0x10c: {  	v59 =	vadd.s32 s21, v2  }
0x10d: {  	s28 =	spop (v2sf)  }
0x10e: {  	s22 =	sand.u32 $0xFFFFFF80, s28;
	[tilespmem:v7+s12+$0x0] =	vst.idx.msk $0xffff, v6  }
0x10f: {  	s20 =	sor.u32 $0x180, s20;
	s29 =	simm.s32 $0x3500;
	p0 =	slt.s32 s22, $0x18680;
	[tilespmem:v57+s12+$0x0] =	vst.idx.msk $0xffff, v8  }
0x110: {  	s22 =	simm.s32 @!p0 $0x18680;
	v7 =	vor.u32 s20, v0;
	v6 =	vld.idx.msk [tilespmem:v58+s29+$0x0], $0xffff  }
0x111: {  	v60 =	vor.u32 s20, v3;
	s21 =	ssub.s32 s28, s22;
	v8 =	vld.idx.msk [tilespmem:v59+s29+$0x0], $0xffff  }
0x112: {  	v61 =	vadd.s32 s21, v1  }
0x113: {  	v62 =	vadd.s32 s21, v2  }
0x114: {  	s30 =	sand.u32 $0x1F, s17  }
0x115: {  	p1 =	sne.s32 s30, $0x1F;
	[tilespmem:v7+s12+$0x0] =	vst.idx.msk $0xffff, v6  }
0x116: {  	p0 =	seq.s32 @!p1 s18, $0x0;
	s31 =	simm.s32 $0xF500;
	[tilespmem:v60+s12+$0x0] =	vst.idx.msk $0xffff, v8  }
0x117: {  	s21 =	simm.s32 @!p1 $0x1;
	p0 =	por !p0, p1;
	v7 =	vor.u32 s20, v4;
	v6 =	vld.idx.msk [tilespmem:v61+s31+$0x0], $0xffff  }
0x118: {  	v63 =	vor.u32 s20, v5;
	s21 =	simm.s32 @p0 $0x0;
	s20 =	sshrl.u32 @!p1 s17, $0x5;
	v8 =	vld.idx.msk [tilespmem:v62+s31+$0x0], $0xffff  }
0x119: {  	s20 =	ssub.s32 @!p1 s20, s21  }
0x11a: {  	s21 =	rddreg [dreg:$0x9];
	s20 =	sshll.u32 @!p1 s20, $0xE  }
0x11b: {  	s20 =	sadd.s32 @!p1 s21, s20  }
0x11c: {  	s22 =	simm.s32 @!p1 $0x18500;
	s21 =	rddreg [dreg:$0x6];
	s20 =	sshrl.u32 @!p1 s20, $0x3;
	[tilespmem:v7+s12+$0x0] =	vst.idx.msk $0xffff, v6  }
0x11d: {  	p0 =	seq.s32 s18, $0x1F8;
	s20 =	sadd.s32 @!p1 s21, s20;
	s21 =	simm.s32 @!p1 $0x0;
	[tilespmem:v63+s12+$0x0] =	vst.idx.msk $0xffff, v8  }
0x11e: {  	[hbm4b:s20+s21] =	stream.linear.scatter @!p1 [tilespmem:s22], [sflag:$0x7], $0x4000, $0x38;
	[tilespmem:$0x1C500] =	vst v63  }
.Ltmp4:
0x11f: {  	_ = 	snop;
	(pc) =	sbr.rel @p0 .LBB2_4-.Ltmp4, $4  }
0x120: {  	s20 =	simm.s32 @!p1 $0x7  }
0x121: {  	_ =	swait.ge @!p1 [sflag:s20], $0x4000  }
0x122: {  	[sflag:s20] =	ssyncset.done @!p1 $0x0  }
0x123: {  	[sflag:s20] =	ssyncadd.s32 @!p1 $0xFFFFC000  }
0x124: {  	v6 =	vld [tilespmem:s5+$0x0];
	_ =	sdelay $0x3  }
0x125: {  	v7 =	vld [tilespmem:s15+$0x0]  }
0x126: {  	(v2sf) =	vpush v6, $0x0;
	_ =	sdelay $0x3  }
0x127: {  	(v2sf) =	vpush v7, $0x0;
	_ =	sdelay $0x4  }
0x128: {  	(v2sf) =	vpush v6, $0x1;
	_ =	sdelay $0x5  }
0x129: {  	s20 =	spop (v2sf)  }
0x12a: {  	(v2sf) =	vpush v7, $0x1;
	s20 =	sand.u32 $0xFFFFFF80, s20  }
0x12b: {  	p1 =	slt.s32 s20, $0xF4200  }
0x12c: {  	s20 =	simm.s32 @!p1 $0xF4200  }
0x12d: {  	s9 =	simm.s32 $0x500;
	s31 =	spop (v2sf);
	s20 =	sadd.s32 s1, s20  }
0x12e: {  	(v2sf) =	vpush v6, $0x2;
	[tilespmem:s9], [sflag:$0x1] =	stream.strided.gather [hbm4b:s20+s13], $0x1000, s14, s13, $0x38;
	[tilespmem:$0x1C500] =	vst v63  }
0x12f: {  	s20 =	sand.u32 $0xFFFFFF80, s31  }
0x130: {  	p1 =	slt.s32 s20, $0x18680  }
0x131: {  	s20 =	simm.s32 @!p1 $0x18680  }
0x132: {  	s0 =	simm.s32 $0xC500;
	s9 =	spop (v2sf);
	s20 =	sadd.s32 s3, s20  }
0x133: {  	(v2sf) =	vpush v7, $0x2;
	[tilespmem:s0], [sflag:$0x4] =	stream.strided.gather [hbm4b:s20+s13], $0x1000, s16, s13, $0x38;
	[tilespmem:$0x1C500] =	vst v63  }
0x134: {  	s20 =	sand.u32 $0xFFFFFF80, s9  }
0x135: {  	p1 =	slt.s32 s20, $0xF4200  }
0x136: {  	s20 =	simm.s32 @!p1 $0xF4200  }
0x137: {  	s21 =	simm.s32 $0x1500;
	s20 =	sadd.s32 s1, s20  }
0x138: {  	[tilespmem:s21], [sflag:$0x1] =	stream.strided.gather [hbm4b:s20+s13], $0x1000, s14, s13, $0x38;
	[tilespmem:$0x1C500] =	vst v63  }
0x139: {  	s22 =	spop (v2sf)  }
0x13a: {  	(v2sf) =	vpush v6, $0x3;
	s20 =	sand.u32 $0xFFFFFF80, s22  }
0x13b: {  	p1 =	slt.s32 s20, $0x18680  }
0x13c: {  	s20 =	simm.s32 @!p1 $0x18680  }
0x13d: {  	s23 =	simm.s32 $0xD500;
	s24 =	spop (v2sf);
	s20 =	sadd.s32 s3, s20  }
0x13e: {  	(v2sf) =	vpush v7, $0x3;
	[tilespmem:s23], [sflag:$0x4] =	stream.strided.gather [hbm4b:s20+s13], $0x1000, s16, s13, $0x38;
	[tilespmem:$0x1C500] =	vst v63  }
0x13f: {  	s20 =	sand.u32 $0xFFFFFF80, s24  }
0x140: {  	p1 =	slt.s32 s20, $0xF4200  }
0x141: {  	s20 =	simm.s32 @!p1 $0xF4200  }
0x142: {  	s25 =	simm.s32 $0x2500;
	s26 =	spop (v2sf);
	s20 =	sadd.s32 s1, s20  }
0x143: {  	[tilespmem:s25], [sflag:$0x1] =	stream.strided.gather [hbm4b:s20+s13], $0x1000, s14, s13, $0x38;
	[tilespmem:$0x1C500] =	vst v63  }
0x144: {  	s20 =	sand.u32 $0xFFFFFF80, s26  }
0x145: {  	p1 =	slt.s32 s20, $0x18680  }
0x146: {  	s20 =	simm.s32 @!p1 $0x18680  }
0x147: {  	s28 =	simm.s32 $0xE500;
	s20 =	sadd.s32 s3, s20  }
0x148: {  	[tilespmem:s28], [sflag:$0x4] =	stream.strided.gather [hbm4b:s20+s13], $0x1000, s16, s13, $0x38;
	[tilespmem:$0x1C500] =	vst v63  }
0x149: {  	s29 =	spop (v2sf)  }
0x14a: {  	s20 =	sand.u32 $0xFFFFFF80, s29  }
0x14b: {  	p1 =	slt.s32 s20, $0xF4200  }
0x14c: {  	s20 =	simm.s32 @!p1 $0xF4200  }
0x14d: {  	s30 =	simm.s32 $0x3500;
	s31 =	spop (v2sf);
	s20 =	sadd.s32 s1, s20  }
0x14e: {  	[tilespmem:s30], [sflag:$0x1] =	stream.strided.gather [hbm4b:s20+s13], $0x1000, s14, s13, $0x38;
	[tilespmem:$0x1C500] =	vst v63  }
0x14f: {  	s20 =	sand.u32 $0xFFFFFF80, s31  }
0x150: {  	p1 =	slt.s32 s20, $0x18680  }
0x151: {  	s20 =	simm.s32 @!p1 $0x18680  }
0x152: {  	s0 =	simm.s32 $0xF500;
	s20 =	sadd.s32 s3, s20  }
0x153: {  	[tilespmem:s0], [sflag:$0x4] =	stream.strided.gather [hbm4b:s20+s13], $0x1000, s16, s13, $0x38;
	[tilespmem:$0x1C500] =	vst v63  }
.LBB2_4:
0x154: {  	_ =	swait.ge [sflag:s4], $0x1000  }
0x155: {  	[sflag:s4] =	ssyncset.done $0x0  }
0x156: {  	[sflag:s4] =	ssyncadd.s32 $0xFFFFF000  }
0x157: {  	_ =	swait.ge [sflag:s6], $0x1000  }
0x158: {  	[sflag:s6] =	ssyncset.done $0x0  }
0x159: {  	[sflag:s6] =	ssyncadd.s32 $0xFFFFF000  }
0x15a: {  	_ =	swait.ge [sflag:s4], $0x1000  }
0x15b: {  	[sflag:s4] =	ssyncset.done $0x0  }
0x15c: {  	[sflag:s4] =	ssyncadd.s32 $0xFFFFF000  }
0x15d: {  	_ =	swait.ge [sflag:s6], $0x1000  }
0x15e: {  	[sflag:s6] =	ssyncset.done $0x0  }
0x15f: {  	[sflag:s6] =	ssyncadd.s32 $0xFFFFF000  }
0x160: {  	_ =	swait.ge [sflag:s4], $0x1000  }
0x161: {  	[sflag:s4] =	ssyncset.done $0x0  }
0x162: {  	[sflag:s4] =	ssyncadd.s32 $0xFFFFF000  }
0x163: {  	_ =	swait.ge [sflag:s6], $0x1000  }
0x164: {  	[sflag:s6] =	ssyncset.done $0x0  }
0x165: {  	[sflag:s6] =	ssyncadd.s32 $0xFFFFF000  }
0x166: {  	_ =	swait.ge [sflag:s4], $0x1000  }
0x167: {  	[sflag:s4] =	ssyncset.done $0x0  }
0x168: {  	[sflag:s4] =	ssyncadd.s32 $0xFFFFF000  }
0x169: {  	_ =	swait.ge [sflag:s6], $0x1000  }
0x16a: {  	[sflag:s6] =	ssyncset.done $0x0  }
0x16b: {  	[sflag:s6] =	ssyncadd.s32 $0xFFFFF000  }
0x16c: {  	v6 =	vld [tilespmem:s5+$0xFFFFFFF8];
	_ =	sdelay $0x4  }
0x16d: {  	(v2sf) =	vpush v6, $0x0;
	_ =	sdelay $0x1  }
0x16e: {  	v7 =	vld [tilespmem:s15+$0xFFFFFFF8];
	_ =	sdelay $0x4  }
0x16f: {  	(v2sf) =	vpush v7, $0x0;
	_ =	sdelay $0x6  }
0x170: {  	(v2sf) =	vpush v6, $0x1  }
0x171: {  	s20 =	spop (v2sf)  }
0x172: {  	s21 =	sand.u32 $0xFFFFFF80, s20  }
0x173: {  	p1 =	slt.s32 s21, $0xF4200  }
0x174: {  	s21 =	simm.s32 @!p1 $0xF4200  }
0x175: {  	s20 =	ssub.s32 s20, s21  }
0x176: {  	v8 =	vadd.s32 s20, v1  }
0x177: {  	(v2sf) =	vpush v7, $0x1;
	v9 =	vadd.s32 s20, v2  }
0x178: {  	s23 =	sadd.s32 $0x4, s18;
	s24 =	spop (v2sf)  }
0x179: {  	s22 =	sand.u32 $0xFFFFFF80, s24;
	s20 =	sand.u32 $0x7C, s23  }
0x17a: {  	p1 =	slt.s32 s22, $0x18680;
	s23 =	simm.s32 $0x4500;
	s20 =	sshll.u32 s20, $0x7  }
0x17b: {  	s22 =	simm.s32 @!p1 $0x18680;
	v10 =	vor.u32 s20, v0;
	v8 =	vld.idx.msk [tilespmem:v8+s23+$0x0], $0xffff  }
0x17c: {  	s21 =	ssub.s32 s24, s22;
	v11 =	vor.u32 s20, v3;
	v9 =	vld.idx.msk [tilespmem:v9+s23+$0x0], $0xffff  }
0x17d: {  	v12 =	vadd.s32 s21, v1  }
0x17e: {  	(v2sf) =	vpush v6, $0x2;
	v13 =	vadd.s32 s21, v2  }
0x17f: {  	s25 =	spop (v2sf)  }
0x180: {  	s22 =	sand.u32 $0xFFFFFF80, s25;
	[tilespmem:v10+s12+$0x0] =	vst.idx.msk $0xffff, v8  }
0x181: {  	s26 =	simm.s32 $0x10500;
	p1 =	slt.s32 s22, $0xF4200;
	[tilespmem:v11+s12+$0x0] =	vst.idx.msk $0xffff, v9  }
0x182: {  	v43 =	vor.u32 s20, v4;
	s22 =	simm.s32 @!p1 $0xF4200;
	v8 =	vld.idx.msk [tilespmem:v12+s26+$0x0], $0xffff  }
0x183: {  	v44 =	vor.u32 s20, v5;
	s21 =	ssub.s32 s25, s22;
	v10 =	vld.idx.msk [tilespmem:v13+s26+$0x0], $0xffff  }
0x184: {  	v45 =	vadd.s32 s21, v1  }
0x185: {  	(v2sf) =	vpush v7, $0x2;
	v46 =	vadd.s32 s21, v2  }
0x186: {  	s0 =	spop (v2sf)  }
0x187: {  	s22 =	sand.u32 $0xFFFFFF80, s0;
	[tilespmem:v43+s12+$0x0] =	vst.idx.msk $0xffff, v8  }
0x188: {  	s23 =	sor.u32 $0x80, s20;
	p1 =	slt.s32 s22, $0x18680;
	s26 =	simm.s32 $0x5500;
	[tilespmem:v44+s12+$0x0] =	vst.idx.msk $0xffff, v10  }
0x189: {  	v47 =	vor.u32 s23, v0;
	s22 =	simm.s32 @!p1 $0x18680;
	v8 =	vld.idx.msk [tilespmem:v45+s26+$0x0], $0xffff  }
0x18a: {  	v48 =	vor.u32 s23, v3;
	s21 =	ssub.s32 s0, s22;
	v10 =	vld.idx.msk [tilespmem:v46+s26+$0x0], $0xffff  }
0x18b: {  	v49 =	vadd.s32 s21, v1  }
0x18c: {  	(v2sf) =	vpush v6, $0x3;
	v6 =	vadd.s32 s21, v2  }
0x18d: {  	s0 =	spop (v2sf)  }
0x18e: {  	s22 =	sand.u32 $0xFFFFFF80, s0;
	[tilespmem:v47+s12+$0x0] =	vst.idx.msk $0xffff, v8  }
0x18f: {  	p1 =	slt.s32 s22, $0xF4200;
	s26 =	simm.s32 $0x11500;
	[tilespmem:v48+s12+$0x0] =	vst.idx.msk $0xffff, v10  }
0x190: {  	v50 =	vor.u32 s23, v4;
	s22 =	simm.s32 @!p1 $0xF4200;
	v8 =	vld.idx.msk [tilespmem:v49+s26+$0x0], $0xffff  }
0x191: {  	v51 =	vor.u32 s23, v5;
	s21 =	ssub.s32 s0, s22;
	v6 =	vld.idx.msk [tilespmem:v6+s26+$0x0], $0xffff  }
0x192: {  	v52 =	vadd.s32 s21, v1  }
0x193: {  	(v2sf) =	vpush v7, $0x3;
	v7 =	vadd.s32 s21, v2  }
0x194: {  	s0 =	spop (v2sf)  }
0x195: {  	s22 =	sand.u32 $0xFFFFFF80, s0;
	[tilespmem:v50+s12+$0x0] =	vst.idx.msk $0xffff, v8  }
0x196: {  	s29 =	simm.s32 $0x6500;
	s23 =	sor.u32 $0x100, s20;
	p1 =	slt.s32 s22, $0x18680;
	[tilespmem:v51+s12+$0x0] =	vst.idx.msk $0xffff, v6  }
0x197: {  	v53 =	vor.u32 s23, v0;
	s22 =	simm.s32 @!p1 $0x18680;
	v6 =	vld.idx.msk [tilespmem:v52+s29+$0x0], $0xffff  }
0x198: {  	v54 =	vor.u32 s23, v3;
	s21 =	ssub.s32 s0, s22;
	v7 =	vld.idx.msk [tilespmem:v7+s29+$0x0], $0xffff  }
0x199: {  	v55 =	vadd.s32 s21, v1  }
0x19a: {  	v56 =	vadd.s32 s21, v2  }
0x19b: {  	s0 =	spop (v2sf)  }
0x19c: {  	s22 =	sand.u32 $0xFFFFFF80, s0;
	[tilespmem:v53+s12+$0x0] =	vst.idx.msk $0xffff, v6  }
0x19d: {  	p1 =	slt.s32 s22, $0xF4200;
	s29 =	simm.s32 $0x12500;
	[tilespmem:v54+s12+$0x0] =	vst.idx.msk $0xffff, v7  }
0x19e: {  	s22 =	simm.s32 @!p1 $0xF4200;
	v7 =	vor.u32 s23, v4;
	v6 =	vld.idx.msk [tilespmem:v55+s29+$0x0], $0xffff  }
0x19f: {  	v57 =	vor.u32 s23, v5;
	s21 =	ssub.s32 s0, s22;
	v8 =	vld.idx.msk [tilespmem:v56+s29+$0x0], $0xffff  }
0x1a0: {  	v58 =	vadd.s32 s21, v1  }
0x1a1: {  	v59 =	vadd.s32 s21, v2  }
0x1a2: {  	s21 =	spop (v2sf)  }
0x1a3: {  	s22 =	sand.u32 $0xFFFFFF80, s21;
	[tilespmem:v7+s12+$0x0] =	vst.idx.msk $0xffff, v6  }
0x1a4: {  	s20 =	sor.u32 $0x180, s20;
	s0 =	simm.s32 $0x7500;
	p1 =	slt.s32 s22, $0x18680;
	[tilespmem:v57+s12+$0x0] =	vst.idx.msk $0xffff, v8  }
0x1a5: {  	s22 =	simm.s32 @!p1 $0x18680;
	v7 =	vor.u32 s20, v0;
	v6 =	vld.idx.msk [tilespmem:v58+s0+$0x0], $0xffff  }
0x1a6: {  	v60 =	vor.u32 s20, v3;
	s21 =	ssub.s32 s21, s22;
	v8 =	vld.idx.msk [tilespmem:v59+s0+$0x0], $0xffff  }
0x1a7: {  	v61 =	vadd.s32 s21, v1  }
0x1a8: {  	v62 =	vadd.s32 s21, v2;
	_ =	sdelay $0x1  }
0x1a9: {  	[tilespmem:v7+s12+$0x0] =	vst.idx.msk $0xffff, v6  }
0x1aa: {  	s23 =	simm.s32 $0x13500;
	[tilespmem:v60+s12+$0x0] =	vst.idx.msk $0xffff, v8  }
0x1ab: {  	v7 =	vor.u32 s20, v4;
	v6 =	vld.idx.msk [tilespmem:v61+s23+$0x0], $0xffff  }
0x1ac: {  	v63 =	vor.u32 s20, v5;
	s0 =	sadd.s32 $0x1, s17;
	v8 =	vld.idx.msk [tilespmem:v62+s23+$0x0], $0xffff  }
0x1ad: {  	s23 =	sand.u32 $0x1F, s0  }
0x1ae: {  	p1 =	sne.s32 s23, $0x1F  }
0x1af: {  	s20 =	sadd.s32 @!p1 $0xFFFFFFC0, s11  }
0x1b0: {  	s21 =	rddreg [dreg:$0xb];
	s20 =	sand.u32 @!p1 $0x7800, s20;
	[tilespmem:v7+s12+$0x0] =	vst.idx.msk $0xffff, v6  }
0x1b1: {  	s22 =	simm.s32 @!p1 $0x18500;
	s20 =	sadd.s32 @!p1 s20, s21;
	s21 =	simm.s32 @!p1 $0x0;
	[tilespmem:v63+s12+$0x0] =	vst.idx.msk $0xffff, v8  }
0x1b2: {  	[hbm4b:s20+s21] =	stream.linear.scatter @!p1 [tilespmem:s22], [sflag:$0x7], $0x4000, $0x38;
	[tilespmem:$0x1C500] =	vst v63  }
.Ltmp5:
0x1b3: {  	_ = 	snop;
	(pc) =	sbr.rel @p0 .LBB2_8-.Ltmp5, $4  }
0x1b4: {  	s20 =	simm.s32 @!p1 $0x7  }
0x1b5: {  	s9 =	simm.s32 $0x4500;
	s28 =	simm.s32 $0x6500;
	_ =	swait.ge @!p1 [sflag:s20], $0x4000  }
0x1b6: {  	s30 =	simm.s32 $0x7500;
	s31 =	simm.s32 $0x13500;
	[sflag:s20] =	ssyncset.done @!p1 $0x0  }
0x1b7: {  	s24 =	simm.s32 $0x10500;
	s25 =	simm.s32 $0x5500;
	[sflag:s20] =	ssyncadd.s32 @!p1 $0xFFFFC000  }
0x1b8: {  	v6 =	vld [tilespmem:s5+$0x4];
	_ =	sdelay $0x3  }
0x1b9: {  	v7 =	vld [tilespmem:s15+$0x4]  }
0x1ba: {  	(v2sf) =	vpush v6, $0x0;
	_ =	sdelay $0x3  }
0x1bb: {  	(v2sf) =	vpush v7, $0x0;
	_ =	sdelay $0x4  }
0x1bc: {  	(v2sf) =	vpush v6, $0x1;
	_ =	sdelay $0x5  }
0x1bd: {  	s20 =	spop (v2sf)  }
0x1be: {  	(v2sf) =	vpush v7, $0x1;
	s20 =	sand.u32 $0xFFFFFF80, s20  }
0x1bf: {  	p0 =	slt.s32 s20, $0xF4200  }
0x1c0: {  	s20 =	simm.s32 @!p0 $0xF4200  }
0x1c1: {  	s23 =	spop (v2sf);
	s20 =	sadd.s32 s1, s20  }
0x1c2: {  	(v2sf) =	vpush v6, $0x2;
	[tilespmem:s9], [sflag:$0x2] =	stream.strided.gather [hbm4b:s20+s13], $0x1000, s14, s13, $0x38;
	[tilespmem:$0x1C500] =	vst v63  }
0x1c3: {  	s20 =	sand.u32 $0xFFFFFF80, s23  }
0x1c4: {  	p0 =	slt.s32 s20, $0x18680  }
0x1c5: {  	s20 =	simm.s32 @!p0 $0x18680  }
0x1c6: {  	s0 =	spop (v2sf);
	s20 =	sadd.s32 s3, s20  }
0x1c7: {  	(v2sf) =	vpush v7, $0x2;
	[tilespmem:s24], [sflag:$0x5] =	stream.strided.gather [hbm4b:s20+s13], $0x1000, s16, s13, $0x38;
	[tilespmem:$0x1C500] =	vst v63  }
0x1c8: {  	s20 =	sand.u32 $0xFFFFFF80, s0  }
0x1c9: {  	p0 =	slt.s32 s20, $0xF4200  }
0x1ca: {  	s20 =	simm.s32 @!p0 $0xF4200  }
0x1cb: {  	s20 =	sadd.s32 s1, s20  }
0x1cc: {  	[tilespmem:s25], [sflag:$0x2] =	stream.strided.gather [hbm4b:s20+s13], $0x1000, s14, s13, $0x38;
	[tilespmem:$0x1C500] =	vst v63  }
0x1cd: {  	s21 =	spop (v2sf)  }
0x1ce: {  	(v2sf) =	vpush v6, $0x3;
	s20 =	sand.u32 $0xFFFFFF80, s21  }
0x1cf: {  	p0 =	slt.s32 s20, $0x18680  }
0x1d0: {  	s20 =	simm.s32 @!p0 $0x18680  }
0x1d1: {  	s22 =	spop (v2sf);
	s20 =	sadd.s32 s3, s20  }
0x1d2: {  	(v2sf) =	vpush v7, $0x3;
	[tilespmem:s26], [sflag:$0x5] =	stream.strided.gather [hbm4b:s20+s13], $0x1000, s16, s13, $0x38;
	[tilespmem:$0x1C500] =	vst v63  }
0x1d3: {  	s20 =	sand.u32 $0xFFFFFF80, s22  }
0x1d4: {  	p0 =	slt.s32 s20, $0xF4200  }
0x1d5: {  	s20 =	simm.s32 @!p0 $0xF4200  }
0x1d6: {  	s23 =	spop (v2sf);
	s20 =	sadd.s32 s1, s20  }
0x1d7: {  	[tilespmem:s28], [sflag:$0x2] =	stream.strided.gather [hbm4b:s20+s13], $0x1000, s14, s13, $0x38;
	[tilespmem:$0x1C500] =	vst v63  }
0x1d8: {  	s20 =	sand.u32 $0xFFFFFF80, s23  }
0x1d9: {  	p0 =	slt.s32 s20, $0x18680  }
0x1da: {  	s20 =	simm.s32 @!p0 $0x18680  }
0x1db: {  	s20 =	sadd.s32 s3, s20  }
0x1dc: {  	[tilespmem:s29], [sflag:$0x5] =	stream.strided.gather [hbm4b:s20+s13], $0x1000, s16, s13, $0x38;
	[tilespmem:$0x1C500] =	vst v63  }
0x1dd: {  	s0 =	spop (v2sf)  }
0x1de: {  	s20 =	sand.u32 $0xFFFFFF80, s0  }
0x1df: {  	p0 =	slt.s32 s20, $0xF4200  }
0x1e0: {  	s20 =	simm.s32 @!p0 $0xF4200  }
0x1e1: {  	s21 =	spop (v2sf);
	s20 =	sadd.s32 s1, s20  }
0x1e2: {  	[tilespmem:s30], [sflag:$0x2] =	stream.strided.gather [hbm4b:s20+s13], $0x1000, s14, s13, $0x38;
	[tilespmem:$0x1C500] =	vst v63  }
0x1e3: {  	s20 =	sand.u32 $0xFFFFFF80, s21  }
0x1e4: {  	p0 =	slt.s32 s20, $0x18680  }
0x1e5: {  	s20 =	simm.s32 @!p0 $0x18680  }
0x1e6: {  	s20 =	sadd.s32 s3, s20  }
0x1e7: {  	[tilespmem:s31], [sflag:$0x5] =	stream.strided.gather [hbm4b:s20+s13], $0x1000, s16, s13, $0x38;
	[tilespmem:$0x1C500] =	vst v63  }
0x1e8: {  	_ =	swait.ge [sflag:s7], $0x1000  }
0x1e9: {  	[sflag:s7] =	ssyncset.done $0x0  }
0x1ea: {  	[sflag:s7] =	ssyncadd.s32 $0xFFFFF000  }
0x1eb: {  	_ =	swait.ge [sflag:s10], $0x1000  }
0x1ec: {  	[sflag:s10] =	ssyncset.done $0x0  }
0x1ed: {  	[sflag:s10] =	ssyncadd.s32 $0xFFFFF000  }
0x1ee: {  	_ =	swait.ge [sflag:s7], $0x1000  }
0x1ef: {  	[sflag:s7] =	ssyncset.done $0x0  }
0x1f0: {  	[sflag:s7] =	ssyncadd.s32 $0xFFFFF000  }
0x1f1: {  	_ =	swait.ge [sflag:s10], $0x1000  }
0x1f2: {  	[sflag:s10] =	ssyncset.done $0x0  }
0x1f3: {  	[sflag:s10] =	ssyncadd.s32 $0xFFFFF000  }
0x1f4: {  	_ =	swait.ge [sflag:s7], $0x1000  }
0x1f5: {  	[sflag:s7] =	ssyncset.done $0x0  }
0x1f6: {  	[sflag:s7] =	ssyncadd.s32 $0xFFFFF000  }
0x1f7: {  	_ =	swait.ge [sflag:s10], $0x1000  }
0x1f8: {  	[sflag:s10] =	ssyncset.done $0x0  }
0x1f9: {  	[sflag:s10] =	ssyncadd.s32 $0xFFFFF000  }
0x1fa: {  	_ =	swait.ge [sflag:s7], $0x1000  }
0x1fb: {  	[sflag:s7] =	ssyncset.done $0x0  }
0x1fc: {  	[sflag:s7] =	ssyncadd.s32 $0xFFFFF000  }
0x1fd: {  	_ =	swait.ge [sflag:s10], $0x1000  }
0x1fe: {  	[sflag:s10] =	ssyncset.done $0x0  }
0x1ff: {  	[sflag:s10] =	ssyncadd.s32 $0xFFFFF000  }
0x200: {  	v6 =	vld [tilespmem:s5+$0xFFFFFFFC];
	_ =	sdelay $0x4  }
0x201: {  	(v2sf) =	vpush v6, $0x0;
	_ =	sdelay $0x1  }
0x202: {  	v7 =	vld [tilespmem:s15+$0xFFFFFFFC];
	_ =	sdelay $0x4  }
0x203: {  	(v2sf) =	vpush v7, $0x0;
	_ =	sdelay $0x6  }
0x204: {  	(v2sf) =	vpush v6, $0x1  }
0x205: {  	s22 =	spop (v2sf)  }
0x206: {  	s21 =	sand.u32 $0xFFFFFF80, s22  }
0x207: {  	p0 =	slt.s32 s21, $0xF4200  }
0x208: {  	s21 =	simm.s32 @!p0 $0xF4200  }
0x209: {  	s20 =	ssub.s32 s22, s21  }
0x20a: {  	v8 =	vadd.s32 s20, v1  }
0x20b: {  	(v2sf) =	vpush v7, $0x1;
	v9 =	vadd.s32 s20, v2  }
0x20c: {  	s23 =	sadd.s32 $0x8, s18;
	s0 =	spop (v2sf)  }
0x20d: {  	s22 =	sand.u32 $0xFFFFFF80, s0;
	s20 =	sand.u32 $0x7C, s23  }
0x20e: {  	p0 =	slt.s32 s22, $0x18680;
	s23 =	simm.s32 $0x8500;
	s20 =	sshll.u32 s20, $0x7  }
0x20f: {  	s22 =	simm.s32 @!p0 $0x18680;
	v10 =	vor.u32 s20, v0;
	v8 =	vld.idx.msk [tilespmem:v8+s23+$0x0], $0xffff  }
0x210: {  	v11 =	vor.u32 s20, v3;
	s21 =	ssub.s32 s0, s22;
	v9 =	vld.idx.msk [tilespmem:v9+s23+$0x0], $0xffff  }
0x211: {  	v12 =	vadd.s32 s21, v1  }
0x212: {  	(v2sf) =	vpush v6, $0x2;
	v13 =	vadd.s32 s21, v2  }
0x213: {  	s21 =	spop (v2sf)  }
0x214: {  	s22 =	sand.u32 $0xFFFFFF80, s21;
	[tilespmem:v10+s12+$0x0] =	vst.idx.msk $0xffff, v8  }
0x215: {  	s0 =	simm.s32 $0x14500;
	p0 =	slt.s32 s22, $0xF4200;
	[tilespmem:v11+s12+$0x0] =	vst.idx.msk $0xffff, v9  }
0x216: {  	v43 =	vor.u32 s20, v4;
	s22 =	simm.s32 @!p0 $0xF4200;
	v8 =	vld.idx.msk [tilespmem:v12+s0+$0x0], $0xffff  }
0x217: {  	v44 =	vor.u32 s20, v5;
	s21 =	ssub.s32 s21, s22;
	v10 =	vld.idx.msk [tilespmem:v13+s0+$0x0], $0xffff  }
0x218: {  	v45 =	vadd.s32 s21, v1  }
0x219: {  	(v2sf) =	vpush v7, $0x2;
	v46 =	vadd.s32 s21, v2  }
0x21a: {  	s21 =	spop (v2sf)  }
0x21b: {  	s22 =	sand.u32 $0xFFFFFF80, s21;
	[tilespmem:v43+s12+$0x0] =	vst.idx.msk $0xffff, v8  }
0x21c: {  	s23 =	sor.u32 $0x80, s20;
	p0 =	slt.s32 s22, $0x18680;
	s0 =	simm.s32 $0x9500;
	[tilespmem:v44+s12+$0x0] =	vst.idx.msk $0xffff, v10  }
0x21d: {  	v47 =	vor.u32 s23, v0;
	s22 =	simm.s32 @!p0 $0x18680;
	v8 =	vld.idx.msk [tilespmem:v45+s0+$0x0], $0xffff  }
0x21e: {  	v48 =	vor.u32 s23, v3;
	s21 =	ssub.s32 s21, s22;
	v10 =	vld.idx.msk [tilespmem:v46+s0+$0x0], $0xffff  }
0x21f: {  	v49 =	vadd.s32 s21, v1  }
0x220: {  	(v2sf) =	vpush v6, $0x3;
	v6 =	vadd.s32 s21, v2  }
0x221: {  	s21 =	spop (v2sf)  }
0x222: {  	s22 =	sand.u32 $0xFFFFFF80, s21;
	[tilespmem:v47+s12+$0x0] =	vst.idx.msk $0xffff, v8  }
0x223: {  	p0 =	slt.s32 s22, $0xF4200;
	s0 =	simm.s32 $0x15500;
	[tilespmem:v48+s12+$0x0] =	vst.idx.msk $0xffff, v10  }
0x224: {  	v50 =	vor.u32 s23, v4;
	s22 =	simm.s32 @!p0 $0xF4200;
	v8 =	vld.idx.msk [tilespmem:v49+s0+$0x0], $0xffff  }
0x225: {  	v51 =	vor.u32 s23, v5;
	s21 =	ssub.s32 s21, s22;
	v6 =	vld.idx.msk [tilespmem:v6+s0+$0x0], $0xffff  }
0x226: {  	v52 =	vadd.s32 s21, v1  }
0x227: {  	(v2sf) =	vpush v7, $0x3;
	v7 =	vadd.s32 s21, v2  }
0x228: {  	s21 =	spop (v2sf)  }
0x229: {  	s22 =	sand.u32 $0xFFFFFF80, s21;
	[tilespmem:v50+s12+$0x0] =	vst.idx.msk $0xffff, v8  }
0x22a: {  	s23 =	sor.u32 $0x100, s20;
	p0 =	slt.s32 s22, $0x18680;
	s0 =	simm.s32 $0xA500;
	[tilespmem:v51+s12+$0x0] =	vst.idx.msk $0xffff, v6  }
0x22b: {  	v53 =	vor.u32 s23, v0;
	s22 =	simm.s32 @!p0 $0x18680;
	v6 =	vld.idx.msk [tilespmem:v52+s0+$0x0], $0xffff  }
0x22c: {  	v54 =	vor.u32 s23, v3;
	s21 =	ssub.s32 s21, s22;
	v7 =	vld.idx.msk [tilespmem:v7+s0+$0x0], $0xffff  }
0x22d: {  	v55 =	vadd.s32 s21, v1  }
0x22e: {  	v56 =	vadd.s32 s21, v2  }
0x22f: {  	s21 =	spop (v2sf)  }
0x230: {  	s22 =	sand.u32 $0xFFFFFF80, s21;
	[tilespmem:v53+s12+$0x0] =	vst.idx.msk $0xffff, v6  }
0x231: {  	p0 =	slt.s32 s22, $0xF4200;
	s0 =	simm.s32 $0x16500;
	[tilespmem:v54+s12+$0x0] =	vst.idx.msk $0xffff, v7  }
0x232: {  	s22 =	simm.s32 @!p0 $0xF4200;
	v7 =	vor.u32 s23, v4;
	v6 =	vld.idx.msk [tilespmem:v55+s0+$0x0], $0xffff  }
0x233: {  	v57 =	vor.u32 s23, v5;
	s21 =	ssub.s32 s21, s22;
	v9 =	vld.idx.msk [tilespmem:v56+s0+$0x0], $0xffff  }
0x234: {  	v58 =	vadd.s32 s21, v1  }
0x235: {  	v59 =	vadd.s32 s21, v2  }
0x236: {  	s21 =	spop (v2sf)  }
0x237: {  	s22 =	sand.u32 $0xFFFFFF80, s21;
	[tilespmem:v7+s12+$0x0] =	vst.idx.msk $0xffff, v6  }
0x238: {  	s20 =	sor.u32 $0x180, s20;
	p0 =	slt.s32 s22, $0x18680;
	s23 =	simm.s32 $0xB500;
	[tilespmem:v57+s12+$0x0] =	vst.idx.msk $0xffff, v9  }
0x239: {  	s22 =	simm.s32 @!p0 $0x18680;
	v7 =	vor.u32 s20, v0;
	v6 =	vld.idx.msk [tilespmem:v58+s23+$0x0], $0xffff  }
0x23a: {  	v60 =	vor.u32 s20, v3;
	s21 =	ssub.s32 s21, s22;
	v8 =	vld.idx.msk [tilespmem:v59+s23+$0x0], $0xffff  }
0x23b: {  	v61 =	vadd.s32 s21, v1  }
0x23c: {  	v62 =	vadd.s32 s21, v2;
	_ =	sdelay $0x1  }
0x23d: {  	[tilespmem:v7+s12+$0x0] =	vst.idx.msk $0xffff, v6  }
0x23e: {  	s22 =	simm.s32 $0x17500;
	[tilespmem:v60+s12+$0x0] =	vst.idx.msk $0xffff, v8  }
0x23f: {  	v7 =	vor.u32 s20, v4;
	v6 =	vld.idx.msk [tilespmem:v61+s22+$0x0], $0xffff  }
0x240: {  	v63 =	vor.u32 s20, v5;
	v8 =	vld.idx.msk [tilespmem:v62+s22+$0x0], $0xffff  }
0x241: {  	s23 =	sadd.s32 $0x2, s17  }
0x242: {  	s20 =	sand.u32 $0x1F, s23  }
0x243: {  	p0 =	sne.s32 s20, $0x1F  }
0x244: {  	p1 =	sgt.u32 s19, $0x28;
	s21 =	rddreg [dreg:$0xb];
	s20 =	sand.u32 @!p0 $0x7800, s11;
	[tilespmem:v7+s12+$0x0] =	vst.idx.msk $0xffff, v6  }
0x245: {  	s22 =	simm.s32 @!p0 $0x18500;
	s20 =	sadd.s32 @!p0 s20, s21;
	s21 =	simm.s32 @!p0 $0x0;
	[tilespmem:v63+s12+$0x0] =	vst.idx.msk $0xffff, v8  }
0x246: {  	[hbm4b:s20+s21] =	stream.linear.scatter @!p0 [tilespmem:s22], [sflag:$0x7], $0x4000, $0x38;
	[tilespmem:$0x1C500] =	vst v63  }
.Ltmp6:
0x247: {  	_ = 	snop;
	(pc) =	sbr.rel @p1 .LBB2_7-.Ltmp6, $4  }
0x248: {  	s20 =	simm.s32 @!p0 $0x7  }
0x249: {  	_ =	swait.ge @!p0 [sflag:s20], $0x4000  }
0x24a: {  	[sflag:s20] =	ssyncset.done @!p0 $0x0  }
0x24b: {  	[sflag:s20] =	ssyncadd.s32 @!p0 $0xFFFFC000  }
0x24c: {  	v6 =	vld [tilespmem:s5+$0x8];
	_ =	sdelay $0x3  }
0x24d: {  	v7 =	vld [tilespmem:s15+$0x8]  }
0x24e: {  	(v2sf) =	vpush v6, $0x0;
	_ =	sdelay $0x3  }
0x24f: {  	(v2sf) =	vpush v7, $0x0;
	_ =	sdelay $0x4  }
0x250: {  	(v2sf) =	vpush v6, $0x1;
	_ =	sdelay $0x5  }
0x251: {  	s20 =	spop (v2sf)  }
0x252: {  	(v2sf) =	vpush v7, $0x1;
	s20 =	sand.u32 $0xFFFFFF80, s20  }
0x253: {  	p0 =	slt.s32 s20, $0xF4200  }
0x254: {  	s20 =	simm.s32 @!p0 $0xF4200  }
0x255: {  	s21 =	simm.s32 $0x8500;
	s23 =	spop (v2sf);
	s20 =	sadd.s32 s1, s20  }
0x256: {  	[tilespmem:s21], [sflag:$0x3] =	stream.strided.gather [hbm4b:s20+s13], $0x1000, s14, s13, $0x38;
	[tilespmem:$0x1C500] =	vst v63  }
0x257: {  	s20 =	sand.u32 $0xFFFFFF80, s23  }
0x258: {  	(v2sf) =	vpush v6, $0x2;
	p0 =	slt.s32 s20, $0x18680  }
0x259: {  	s20 =	simm.s32 @!p0 $0x18680  }
0x25a: {  	s0 =	simm.s32 $0x14500;
	s21 =	spop (v2sf);
	s20 =	sadd.s32 s3, s20  }
0x25b: {  	[tilespmem:s0], [sflag:$0x6] =	stream.strided.gather [hbm4b:s20+s13], $0x1000, s16, s13, $0x38;
	[tilespmem:$0x1C500] =	vst v63  }
0x25c: {  	(v2sf) =	vpush v7, $0x2;
	s20 =	sand.u32 $0xFFFFFF80, s21  }
0x25d: {  	p0 =	slt.s32 s20, $0xF4200  }
0x25e: {  	s20 =	simm.s32 @!p0 $0xF4200  }
0x25f: {  	s22 =	simm.s32 $0x9500;
	s20 =	sadd.s32 s1, s20  }
0x260: {  	[tilespmem:s22], [sflag:$0x3] =	stream.strided.gather [hbm4b:s20+s13], $0x1000, s14, s13, $0x38;
	[tilespmem:$0x1C500] =	vst v63  }
0x261: {  	s23 =	spop (v2sf)  }
0x262: {  	s20 =	sand.u32 $0xFFFFFF80, s23  }
0x263: {  	(v2sf) =	vpush v6, $0x3;
	p0 =	slt.s32 s20, $0x18680  }
0x264: {  	s20 =	simm.s32 @!p0 $0x18680  }
0x265: {  	s0 =	simm.s32 $0x15500;
	s20 =	sadd.s32 s3, s20  }
0x266: {  	[tilespmem:s0], [sflag:$0x6] =	stream.strided.gather [hbm4b:s20+s13], $0x1000, s16, s13, $0x38;
	[tilespmem:$0x1C500] =	vst v63  }
0x267: {  	s0 =	spop (v2sf)  }
0x268: {  	s20 =	sand.u32 $0xFFFFFF80, s0  }
0x269: {  	(v2sf) =	vpush v7, $0x3;
	p0 =	slt.s32 s20, $0xF4200  }
0x26a: {  	s20 =	simm.s32 @!p0 $0xF4200  }
0x26b: {  	s21 =	simm.s32 $0xA500;
	s22 =	spop (v2sf);
	s20 =	sadd.s32 s1, s20  }
0x26c: {  	[tilespmem:s21], [sflag:$0x3] =	stream.strided.gather [hbm4b:s20+s13], $0x1000, s14, s13, $0x38;
	[tilespmem:$0x1C500] =	vst v63  }
0x26d: {  	s20 =	sand.u32 $0xFFFFFF80, s22  }
0x26e: {  	p0 =	slt.s32 s20, $0x18680  }
0x26f: {  	s20 =	simm.s32 @!p0 $0x18680  }
0x270: {  	s23 =	simm.s32 $0x16500;
	s20 =	sadd.s32 s3, s20  }
0x271: {  	[tilespmem:s23], [sflag:$0x6] =	stream.strided.gather [hbm4b:s20+s13], $0x1000, s16, s13, $0x38;
	[tilespmem:$0x1C500] =	vst v63  }
0x272: {  	s0 =	spop (v2sf)  }
0x273: {  	s20 =	sand.u32 $0xFFFFFF80, s0  }
0x274: {  	p0 =	slt.s32 s20, $0xF4200  }
0x275: {  	s20 =	simm.s32 @!p0 $0xF4200  }
0x276: {  	s21 =	simm.s32 $0xB500;
	s20 =	sadd.s32 s1, s20  }
0x277: {  	[tilespmem:s21], [sflag:$0x3] =	stream.strided.gather [hbm4b:s20+s13], $0x1000, s14, s13, $0x38;
	[tilespmem:$0x1C500] =	vst v63  }
0x278: {  	s22 =	spop (v2sf)  }
.Ltmp7:
0x279: {  	s20 =	sand.u32 $0xFFFFFF80, s22;
	(pc) =	sbr.rel .LBB2_7-.Ltmp7, $4  }
0x27a: {  	p0 =	slt.s32 s20, $0x18680  }
0x27b: {  	s20 =	simm.s32 @!p0 $0x18680  }
0x27c: {  	s23 =	simm.s32 $0x17500;
	s20 =	sadd.s32 s3, s20  }
0x27d: {  	[tilespmem:s23], [sflag:$0x6] =	stream.strided.gather [hbm4b:s20+s13], $0x1000, s16, s13, $0x38;
	[tilespmem:$0x1C500] =	vst v63  }
.LBB2_9:
0x27e: {  	_ =	sfence.sel $0x180000  }
0x27f: {  	[bflag:$0x0] =	sbarrier.arrive $0xFFFF  }
0x280: {  	_ =	strace $0x90000047  }
0x281: {  	s0 =	stileid.u32;
	[bflag:$0x2] =	sbarrier.arrive $0xFFFF  }
0x282: {  	p0 =	sne.s32 s0, $0x0;
	s0 =	rddreg [dreg:$0x5]  }
0x283: {  	s0 =	sadd.s32 @!p0 $0x100000, s0  }
0x284: {  	[sflag:s0] =	ssyncadd.tile.s32 @!p0 $0x1;
	_ =	shalt  }
.Lfunc_end2:
_tile_overlayer_lowered:
.L_overlay_start_2:
0x285: {  	(tag) =	ssettag $0x2  }
0x286: {  	s0 =	rddreg [dreg:$0x0];
	s2 =	stileid.u32  }
0x287: {  	s1 =	rddreg [dreg:$0x1];
	p0 =	sne.s32 s2, $0x0  }
0x288: {  	s3 =	rddreg [dreg:$0x2];
	[bflag:$0x3] =	sbarrier.arrive $0xFFFF;
	s2 =	simm.s32 @!p0 $0x1C07  }
0x289: {  	[timem:s3], [sflag:s2] =	dma.local @!p0 [hbm:s0], s1  }
0x28a: {  	s0 =	simm.s32 @!p0 $0x7  }
0x28b: {  	_ =	swait.ge @!p0 [sflag:s0], s1  }
0x28c: {  	s1 =	ssub.s32 @!p0 $0x0, s1;
	[sflag:s0] =	ssyncset.done @!p0 $0x0  }
0x28d: {  	[sflag:s0] =	ssyncadd.s32 @!p0 s1  }
0x28e: {  	[bflag:$0x3] =	sbarrier.arrive $0xFFFF  }
0x28f: {  	_ =	shalt  }

</sc_bundles>
